<compile_context>
chip_gen: v7x
topology: tpu7x:2x2x1
jax: 0.10.2.dev20260603
libtpu: 0.0.44.dev20260713+nightly
codegen_flags: <defaults>
</compile_context>

<pallas_src>
import functools

import jax
import jax.numpy as jnp
from jax import lax
from jax.experimental import pallas as pl
from jax.experimental.pallas import tpu as pltpu
from jax.experimental.pallas import tpu_sc as plsc

BATCH = 16384
EMB_DIM = 64
LANES = 128
NC = 2
NS = 16
NW = NC * NS
B_PER_W = BATCH // NW
NBUF = 8
CHUNK = 16
HALF = B_PER_W // 2
HALF_L = LANES // 2

SLOPE = 0.01
OUT_PAD = 128


def _fetch(tableT_hbm, idx_scalar, buf, sem):
    col0 = pl.multiple_of((idx_scalar >> 7) * LANES, LANES)
    pltpu.async_copy(tableT_hbm.at[:, pl.ds(col0, LANES)], buf, sem)


def _extract(buf, idx_scalar, rows_v, j):
    lane = jnp.broadcast_to(idx_scalar & (LANES - 1), (16,))
    for k in range(EMB_DIM // 16):
        c = lax.iota(jnp.int32, 16) + (16 * k)
        v = plsc.load_gather(buf, [c, lane])
        rows_v[j, pl.ds(16 * k, 16)] = v


def _sc_gather(user, tableT):
    n = user.shape[0]
    b_per_w = n // NW
    half = b_per_w // 2

    def body(idx_hbm, tableT_hbm, out_hbm, idx_v, bufs, rows_v, *sems):
        wid = lax.axis_index("s") * NC + lax.axis_index("c")
        base = wid * b_per_w
        pltpu.sync_copy(idx_hbm.at[wid], idx_v)

        v0 = idx_v[pl.ds(0, CHUNK)]
        for i in range(NBUF):
            _fetch(tableT_hbm, v0[i], bufs.at[i], sems[i])

        def chunk(c, carry):
            s0 = c * CHUNK
            v = idx_v[pl.ds(s0, CHUNK)]
            vn = idx_v[pl.ds(jnp.minimum(s0 + CHUNK, b_per_w - CHUNK),
                             CHUNK)]
            for i in range(CHUNK):
                s = s0 + i
                b = i % NBUF
                pltpu.make_async_copy(
                    tableT_hbm.at[:, pl.ds(0, LANES)], bufs.at[b],
                    sems[b]).wait()
                _extract(bufs.at[b], v[i], rows_v, s & (half - 1))
                nxt = v[i + NBUF] if i + NBUF < CHUNK else vn[i + NBUF - CHUNK]

                @pl.when(s + NBUF < b_per_w)
                def _():
                    _fetch(tableT_hbm, nxt, bufs.at[b], sems[b])

            @pl.when(c == (half // CHUNK) - 1)
            def _():
                pltpu.sync_copy(rows_v, out_hbm.at[pl.ds(base, half)])

            @pl.when(c == (b_per_w // CHUNK) - 1)
            def _():
                pltpu.sync_copy(rows_v, out_hbm.at[pl.ds(base + half, half)])

            return carry

        lax.fori_loop(0, b_per_w // CHUNK, chunk, 0, unroll=False)

    mesh = plsc.VectorSubcoreMesh(core_axis_name="c", subcore_axis_name="s")
    k = functools.partial(
        pl.kernel,
        mesh=mesh,
        out_type=jax.ShapeDtypeStruct((n, EMB_DIM), jnp.float32),
        scratch_types=[
            pltpu.VMEM((b_per_w,), jnp.int32),
            pltpu.VMEM((NBUF, EMB_DIM, LANES), jnp.float32),
            pltpu.VMEM((half, EMB_DIM), jnp.float32),
        ] + [pltpu.SemaphoreType.DMA] * NBUF,
        compiler_params=pltpu.CompilerParams(needs_layout_passes=False),
    )(body)
    return k(user.reshape(NW, b_per_w), tableT)


def _dot_t(a, w):
    return lax.dot_general(a, w, (((0,), (1,)), ((), ())),
                           preferred_element_type=jnp.float32)


def _dot_nt(a, w):
    return lax.dot_general(a, w, (((1,), (1,)), ((), ())),
                           preferred_element_type=jnp.float32)


def _mlp_body(g_ref, st_ref, w1_ref, b1_ref, w2_ref, b2_ref,
              w3_ref, b3_ref, w4_ref, b4_ref, o_ref):
    h = _dot_nt(g_ref[...], w1_ref[:, :EMB_DIM])
    h = h + _dot_t(st_ref[...], w1_ref[:, EMB_DIM:])
    h = h + b1_ref[...]
    h = jnp.where(h >= 0, h, SLOPE * h)
    h = _dot_nt(h, w2_ref[...]) + b2_ref[...]
    h = jnp.where(h >= 0, h, SLOPE * h)
    h = _dot_nt(h, w3_ref[...]) + b3_ref[...]
    h = jnp.where(h >= 0, h, SLOPE * h)
    o_ref[...] = _dot_nt(h, w4_ref[...]) + b4_ref[...]


MLP_BLK = 4096


def _mlp(g, st, w1, b1, w2, b2, w3, b3, w4p, b4p, col_off=0):
    n = g.shape[0]
    grid = (n // MLP_BLK,)
    const = lambda i: (0, 0)
    return pl.pallas_call(
        _mlp_body,
        grid=grid,
        in_specs=[
            pl.BlockSpec((MLP_BLK, EMB_DIM), lambda i: (i, 0)),
            pl.BlockSpec((EMB_DIM, MLP_BLK), lambda i: (0, i + col_off)),
            pl.BlockSpec(w1.shape, const),
            pl.BlockSpec(b1.shape, const),
            pl.BlockSpec(w2.shape, const),
            pl.BlockSpec(b2.shape, const),
            pl.BlockSpec(w3.shape, const),
            pl.BlockSpec(b3.shape, const),
            pl.BlockSpec(w4p.shape, const),
            pl.BlockSpec(b4p.shape, const),
        ],
        out_specs=pl.BlockSpec((MLP_BLK, OUT_PAD), lambda i: (i, 0)),
        out_shape=jax.ShapeDtypeStruct((n, OUT_PAD), jnp.float32),
        compiler_params=pltpu.CompilerParams(
            dimension_semantics=("arbitrary",),
        ),
    )(g, st, w1, b1, w2, b2, w3, b3, w4p, b4p)


NSPLIT = 2


def kernel(user, score, emb, W1, b1, W2, b2, W3, b3, W4, b4):
    embT = emb.T
    scoreT = score.T
    w4p = jnp.pad(W4, ((0, OUT_PAD - 5), (0, 0)))
    b4p = jnp.pad(b4, (0, OUT_PAD - 5))
    ph = BATCH // NSPLIT
    gs = [_sc_gather(user[k * ph:(k + 1) * ph], embT)
          for k in range(NSPLIT)]
    outs = [_mlp(gs[k], scoreT,
                 W1, b1.reshape(1, -1),
                 W2, b2.reshape(1, -1),
                 W3, b3.reshape(1, -1),
                 w4p, b4p.reshape(1, -1),
                 col_off=k * (ph // MLP_BLK))[:, :5]
            for k in range(NSPLIT)]
    return jnp.concatenate(outs, axis=0)

# --- scband reference (transcript-rebuilt; emitter-appended) ---
"""Pipeline reference for scband-model-13718125543898 (READ-ONLY COPY).

The authoritative reference and input builder live on the scoring server;
editing this copy changes nothing except your own understanding.
"""

import jax, jax.numpy as jnp
import numpy as np

NUM_USERS = 1000000
EMB_DIM = 64
SCORE_DIM = 64
BATCH = 16384


def setup_inputs(seed: int = 0) -> dict:
    key = jax.random.key(seed)
    ks = jax.random.split(key, 12)
    user = jax.random.randint(ks[0], (BATCH,), 0, NUM_USERS, dtype=jnp.int64 if jax.config.jax_enable_x64 else jnp.int32).astype(jnp.int32)
    score = jax.random.normal(ks[1], (BATCH, SCORE_DIM), dtype=jnp.float32)
    emb = jax.random.normal(ks[2], (NUM_USERS, EMB_DIM), dtype=jnp.float32) * 0.02
    W1 = jax.random.normal(ks[3], (1024, EMB_DIM + SCORE_DIM), dtype=jnp.float32) * 0.02
    b1 = jnp.zeros((1024,), dtype=jnp.float32)
    W2 = jax.random.normal(ks[4], (512, 1024), dtype=jnp.float32) * 0.02
    b2 = jnp.zeros((512,), dtype=jnp.float32)
    W3 = jax.random.normal(ks[5], (64, 512), dtype=jnp.float32) * 0.02
    b3 = jnp.zeros((64,), dtype=jnp.float32)
    W4 = jax.random.normal(ks[6], (5, 64), dtype=jnp.float32) * 0.02
    b4 = jnp.zeros((5,), dtype=jnp.float32)
    return {"user": user, "score": score, "emb": emb, "W1": W1, "b1": b1, "W2": W2, "b2": b2, "W3": W3, "b3": b3, "W4": W4, "b4": b4}


def _leaky_relu(x, slope=0.01):
    return jnp.where(x >= 0, x, slope * x)


def reference(user, score, emb, W1, b1, W2, b2, W3, b3, W4, b4):
    user_embedding = jnp.take(emb, user, axis=0)
    x = jnp.concatenate([user_embedding, score], axis=-1)
    x = x @ W1.T + b1
    x = _leaky_relu(x)
    x = x @ W2.T + b2
    x = _leaky_relu(x)
    x = x @ W3.T + b3
    x = _leaky_relu(x)
    x = x @ W4.T + b4
    return x

if __name__ == "__main__":
    import jax
    _d = setup_inputs()
    print(jax.jit(kernel)(*tuple(_d.values())))

</pallas_src>

<mosaic_0001>
#map = affine_map<(d0, d1) -> (0, 0)>
module attributes {stable_mosaic.version = 14 : i64} {
  func.func @body(%arg0: i32, %arg1: i32, %arg2: memref<32x256xi32, #tpu.memory_space<hbm>>, %arg3: memref<64x1000000xf32, #tpu.memory_space<hbm>>, %arg4: memref<8192x64xf32, #tpu.memory_space<hbm>>, %arg5: memref<256xi32, #tpu.memory_space<vmem>>, %arg6: memref<8x64x128xf32, #tpu.memory_space<vmem>>, %arg7: memref<128x64xf32, #tpu.memory_space<vmem>>, %arg8: memref<!tpu.dma_semaphore, #tpu.memory_space<semaphore_mem>>, %arg9: memref<!tpu.dma_semaphore, #tpu.memory_space<semaphore_mem>>, %arg10: memref<!tpu.dma_semaphore, #tpu.memory_space<semaphore_mem>>, %arg11: memref<!tpu.dma_semaphore, #tpu.memory_space<semaphore_mem>>, %arg12: memref<!tpu.dma_semaphore, #tpu.memory_space<semaphore_mem>>, %arg13: memref<!tpu.dma_semaphore, #tpu.memory_space<semaphore_mem>>, %arg14: memref<!tpu.dma_semaphore, #tpu.memory_space<semaphore_mem>>, %arg15: memref<!tpu.dma_semaphore, #tpu.memory_space<semaphore_mem>>) attributes {dimension_semantics = [#tpu.dimension_semantics<core_parallel>, #tpu.dimension_semantics<subcore_parallel>], iteration_bounds = array<i64: 2, 16>, scalar_prefetch = 0 : i64, scratch_operands = 11 : i64, tpu.core_type = #tpu.core_type<sc_vector_subcore>, window_params = [{transform_indices = #map}, {transform_indices = #map}, {transform_indices = #map}]} {
    %mul3A = arith.constant 2 : i32
    %mul3A_0 = arith.muli %arg1, %mul3A : i32
    %add3A = arith.addi %mul3A_0, %arg0 : i32
    %mul3A_1 = arith.constant 256 : i32
    %mul3A_2 = arith.muli %add3A, %mul3A_1 : i32
    "tpu.region"() ({
      %run_scoped3A = tpu.sem_alloc : memref<!tpu.dma_semaphore, #tpu.memory_space<semaphore_mem>>
      %dma_start3A_164 = arith.constant 0 : i32
      %dma_start3A_165 = tpu.memref_slice %arg2[%add3A, %dma_start3A_164] : memref<32x256xi32, #tpu.memory_space<hbm>> -> memref<1x256xi32, #tpu.memory_space<hbm>>
      %dma_start3A_166 = tpu.memref_squeeze %dma_start3A_165 : memref<1x256xi32, #tpu.memory_space<hbm>> -> memref<256xi32, #tpu.memory_space<hbm>>
      %dma_start3A_167 = arith.constant 0 : i32
      %dma_start3A_168 = tpu.memref_slice %arg2[%add3A, %dma_start3A_167] : memref<32x256xi32, #tpu.memory_space<hbm>> -> memref<1x256xi32, #tpu.memory_space<hbm>>
      %dma_start3A_169 = tpu.memref_squeeze %dma_start3A_168 : memref<1x256xi32, #tpu.memory_space<hbm>> -> memref<256xi32, #tpu.memory_space<hbm>>
      tpu.enqueue_dma source(%dma_start3A_169 : memref<256xi32, #tpu.memory_space<hbm>>) target(%arg5 : memref<256xi32, #tpu.memory_space<vmem>>) target_semaphore(%run_scoped3A : memref<!tpu.dma_semaphore, #tpu.memory_space<semaphore_mem>>)
      %dma_wait3A = arith.constant 0 : i32
      %dma_wait3A_170 = tpu.memref_slice %arg2[%add3A, %dma_wait3A] : memref<32x256xi32, #tpu.memory_space<hbm>> -> memref<1x256xi32, #tpu.memory_space<hbm>>
      %dma_wait3A_171 = tpu.memref_squeeze %dma_wait3A_170 : memref<1x256xi32, #tpu.memory_space<hbm>> -> memref<256xi32, #tpu.memory_space<hbm>>
      %dma_wait3A_172 = arith.constant 0 : i32
      %dma_wait3A_173 = tpu.memref_slice %arg2[%add3A, %dma_wait3A_172] : memref<32x256xi32, #tpu.memory_space<hbm>> -> memref<1x256xi32, #tpu.memory_space<hbm>>
      %dma_wait3A_174 = tpu.memref_squeeze %dma_wait3A_173 : memref<1x256xi32, #tpu.memory_space<hbm>> -> memref<256xi32, #tpu.memory_space<hbm>>
      tpu.wait_dma2 semaphore(%run_scoped3A : memref<!tpu.dma_semaphore, #tpu.memory_space<semaphore_mem>>) src(%dma_wait3A_174 : memref<256xi32, #tpu.memory_space<hbm>>) dst(%arg5 : memref<256xi32, #tpu.memory_space<vmem>>)
      tpu.yield
    }) : () -> ()
    %get3A = arith.constant 0 : index
    %get3A_3 = tpu.vector_load %arg5[%get3A] {strides = array<i32>} : memref<256xi32, #tpu.memory_space<vmem>>, vector<16xi32>,
    %slice3A = vector.extract_strided_slice %get3A_3 {offsets = [0], sizes = [1], strides = [1]} : vector<16xi32> to vector<1xi32>
    %squeeze3A = vector.extract %slice3A[0] : i32 from vector<1xi32>
    %shift_right_arithmetic3A = arith.constant 7 : i32
    %shift_right_arithmetic3A_4 = arith.shrsi %squeeze3A, %shift_right_arithmetic3A : i32
    %mul3A_5 = arith.constant 128 : i32
    %mul3A_6 = arith.muli %shift_right_arithmetic3A_4, %mul3A_5 : i32
    %multiple_of3A = tpu.assume_multiple %mul3A_6, 128 : i32
    %dma_start3A = arith.constant 0 : i32
    %dma_start3A_7 = arith.constant 0 : i32
    %dma_start3A_8 = arith.constant 0 : i32
    %dma_start3A_9 = tpu.memref_slice %arg6[%dma_start3A, %dma_start3A_7, %dma_start3A_8] : memref<8x64x128xf32, #tpu.memory_space<vmem>> -> memref<1x64x128xf32, #tpu.memory_space<vmem>>
    %dma_start3A_10 = tpu.memref_squeeze %dma_start3A_9 : memref<1x64x128xf32, #tpu.memory_space<vmem>> -> memref<64x128xf32, #tpu.memory_space<vmem>>
    %dma_start3A_11 = arith.constant 0 : i32
    %dma_start3A_12 = tpu.memref_slice %arg3[%dma_start3A_11, %multiple_of3A] : memref<64x1000000xf32, #tpu.memory_space<hbm>> -> memref<64x128xf32, #tpu.memory_space<hbm>>
    %dma_start3A_13 = arith.constant 0 : i32
    %dma_start3A_14 = arith.constant 0 : i32
    %dma_start3A_15 = tpu.memref_slice %arg6[%dma_start3A, %dma_start3A_13, %dma_start3A_14] : memref<8x64x128xf32, #tpu.memory_space<vmem>> -> memref<1x64x128xf32, #tpu.memory_space<vmem>>
    %dma_start3A_16 = tpu.memref_squeeze %dma_start3A_15 : memref<1x64x128xf32, #tpu.memory_space<vmem>> -> memref<64x128xf32, #tpu.memory_space<vmem>>
    %dma_start3A_17 = arith.constant 0 : i32
    %dma_start3A_18 = tpu.memref_slice %arg3[%dma_start3A_17, %multiple_of3A] : memref<64x1000000xf32, #tpu.memory_space<hbm>> -> memref<64x128xf32, #tpu.memory_space<hbm>>
    tpu.enqueue_dma source(%dma_start3A_18 : memref<64x128xf32, #tpu.memory_space<hbm>>) target(%dma_start3A_16 : memref<64x128xf32, #tpu.memory_space<vmem>>) target_semaphore(%arg8 : memref<!tpu.dma_semaphore, #tpu.memory_space<semaphore_mem>>)
    %slice3A_19 = vector.extract_strided_slice %get3A_3 {offsets = [1], sizes = [1], strides = [1]} : vector<16xi32> to vector<1xi32>
    %squeeze3A_20 = vector.extract %slice3A_19[0] : i32 from vector<1xi32>
    %shift_right_arithmetic3A_21 = arith.constant 7 : i32
    %shift_right_arithmetic3A_22 = arith.shrsi %squeeze3A_20, %shift_right_arithmetic3A_21 : i32
    %mul3A_23 = arith.constant 128 : i32
    %mul3A_24 = arith.muli %shift_right_arithmetic3A_22, %mul3A_23 : i32
    %multiple_of3A_25 = tpu.assume_multiple %mul3A_24, 128 : i32
    %dma_start3A_26 = arith.constant 1 : i32
    %dma_start3A_27 = arith.constant 0 : i32
    %dma_start3A_28 = arith.constant 0 : i32
    %dma_start3A_29 = tpu.memref_slice %arg6[%dma_start3A_26, %dma_start3A_27, %dma_start3A_28] : memref<8x64x128xf32, #tpu.memory_space<vmem>> -> memref<1x64x128xf32, #tpu.memory_space<vmem>>
    %dma_start3A_30 = tpu.memref_squeeze %dma_start3A_29 : memref<1x64x128xf32, #tpu.memory_space<vmem>> -> memref<64x128xf32, #tpu.memory_space<vmem>>
    %dma_start3A_31 = arith.constant 0 : i32
    %dma_start3A_32 = tpu.memref_slice %arg3[%dma_start3A_31, %multiple_of3A_25] : memref<64x1000000xf32, #tpu.memory_space<hbm>> -> memref<64x128xf32, #tpu.memory_space<hbm>>
    %dma_start3A_33 = arith.constant 0 : i32
    %dma_start3A_34 = arith.constant 0 : i32
    %dma_start3A_35 = tpu.memref_slice %arg6[%dma_start3A_26, %dma_start3A_33, %dma_start3A_34] : memref<8x64x128xf32, #tpu.memory_space<vmem>> -> memref<1x64x128xf32, #tpu.memory_space<vmem>>
    %dma_start3A_36 = tpu.memref_squeeze %dma_start3A_35 : memref<1x64x128xf32, #tpu.memory_space<vmem>> -> memref<64x128xf32, #tpu.memory_space<vmem>>
    %dma_start3A_37 = arith.constant 0 : i32
    %dma_start3A_38 = tpu.memref_slice %arg3[%dma_start3A_37, %multiple_of3A_25] : memref<64x1000000xf32, #tpu.memory_space<hbm>> -> memref<64x128xf32, #tpu.memory_space<hbm>>
    tpu.enqueue_dma source(%dma_start3A_38 : memref<64x128xf32, #tpu.memory_space<hbm>>) target(%dma_start3A_36 : memref<64x128xf32, #tpu.memory_space<vmem>>) target_semaphore(%arg9 : memref<!tpu.dma_semaphore, #tpu.memory_space<semaphore_mem>>)
    %slice3A_39 = vector.extract_strided_slice %get3A_3 {offsets = [2], sizes = [1], strides = [1]} : vector<16xi32> to vector<1xi32>
    %squeeze3A_40 = vector.extract %slice3A_39[0] : i32 from vector<1xi32>
    %shift_right_arithmetic3A_41 = arith.constant 7 : i32
    %shift_right_arithmetic3A_42 = arith.shrsi %squeeze3A_40, %shift_right_arithmetic3A_41 : i32
    %mul3A_43 = arith.constant 128 : i32
    %mul3A_44 = arith.muli %shift_right_arithmetic3A_42, %mul3A_43 : i32
    %multiple_of3A_45 = tpu.assume_multiple %mul3A_44, 128 : i32
    %dma_start3A_46 = arith.constant 2 : i32
    %dma_start3A_47 = arith.constant 0 : i32
    %dma_start3A_48 = arith.constant 0 : i32
    %dma_start3A_49 = tpu.memref_slice %arg6[%dma_start3A_46, %dma_start3A_47, %dma_start3A_48] : memref<8x64x128xf32, #tpu.memory_space<vmem>> -> memref<1x64x128xf32, #tpu.memory_space<vmem>>
    %dma_start3A_50 = tpu.memref_squeeze %dma_start3A_49 : memref<1x64x128xf32, #tpu.memory_space<vmem>> -> memref<64x128xf32, #tpu.memory_space<vmem>>
    %dma_start3A_51 = arith.constant 0 : i32
    %dma_start3A_52 = tpu.memref_slice %arg3[%dma_start3A_51, %multiple_of3A_45] : memref<64x1000000xf32, #tpu.memory_space<hbm>> -> memref<64x128xf32, #tpu.memory_space<hbm>>
    %dma_start3A_53 = arith.constant 0 : i32
    %dma_start3A_54 = arith.constant 0 : i32
    %dma_start3A_55 = tpu.memref_slice %arg6[%dma_start3A_46, %dma_start3A_53, %dma_start3A_54] : memref<8x64x128xf32, #tpu.memory_space<vmem>> -> memref<1x64x128xf32, #tpu.memory_space<vmem>>
    %dma_start3A_56 = tpu.memref_squeeze %dma_start3A_55 : memref<1x64x128xf32, #tpu.memory_space<vmem>> -> memref<64x128xf32, #tpu.memory_space<vmem>>
    %dma_start3A_57 = arith.constant 0 : i32
    %dma_start3A_58 = tpu.memref_slice %arg3[%dma_start3A_57, %multiple_of3A_45] : memref<64x1000000xf32, #tpu.memory_space<hbm>> -> memref<64x128xf32, #tpu.memory_space<hbm>>
    tpu.enqueue_dma source(%dma_start3A_58 : memref<64x128xf32, #tpu.memory_space<hbm>>) target(%dma_start3A_56 : memref<64x128xf32, #tpu.memory_space<vmem>>) target_semaphore(%arg10 : memref<!tpu.dma_semaphore, #tpu.memory_space<semaphore_mem>>)
    %slice3A_59 = vector.extract_strided_slice %get3A_3 {offsets = [3], sizes = [1], strides = [1]} : vector<16xi32> to vector<1xi32>
    %squeeze3A_60 = vector.extract %slice3A_59[0] : i32 from vector<1xi32>
    %shift_right_arithmetic3A_61 = arith.constant 7 : i32
    %shift_right_arithmetic3A_62 = arith.shrsi %squeeze3A_60, %shift_right_arithmetic3A_61 : i32
    %mul3A_63 = arith.constant 128 : i32
    %mul3A_64 = arith.muli %shift_right_arithmetic3A_62, %mul3A_63 : i32
    %multiple_of3A_65 = tpu.assume_multiple %mul3A_64, 128 : i32
    %dma_start3A_66 = arith.constant 3 : i32
    %dma_start3A_67 = arith.constant 0 : i32
    %dma_start3A_68 = arith.constant 0 : i32
    %dma_start3A_69 = tpu.memref_slice %arg6[%dma_start3A_66, %dma_start3A_67, %dma_start3A_68] : memref<8x64x128xf32, #tpu.memory_space<vmem>> -> memref<1x64x128xf32, #tpu.memory_space<vmem>>
    %dma_start3A_70 = tpu.memref_squeeze %dma_start3A_69 : memref<1x64x128xf32, #tpu.memory_space<vmem>> -> memref<64x128xf32, #tpu.memory_space<vmem>>
    %dma_start3A_71 = arith.constant 0 : i32
    %dma_start3A_72 = tpu.memref_slice %arg3[%dma_start3A_71, %multiple_of3A_65] : memref<64x1000000xf32, #tpu.memory_space<hbm>> -> memref<64x128xf32, #tpu.memory_space<hbm>>
    %dma_start3A_73 = arith.constant 0 : i32
    %dma_start3A_74 = arith.constant 0 : i32
    %dma_start3A_75 = tpu.memref_slice %arg6[%dma_start3A_66, %dma_start3A_73, %dma_start3A_74] : memref<8x64x128xf32, #tpu.memory_space<vmem>> -> memref<1x64x128xf32, #tpu.memory_space<vmem>>
    %dma_start3A_76 = tpu.memref_squeeze %dma_start3A_75 : memref<1x64x128xf32, #tpu.memory_space<vmem>> -> memref<64x128xf32, #tpu.memory_space<vmem>>
    %dma_start3A_77 = arith.constant 0 : i32
    %dma_start3A_78 = tpu.memref_slice %arg3[%dma_start3A_77, %multiple_of3A_65] : memref<64x1000000xf32, #tpu.memory_space<hbm>> -> memref<64x128xf32, #tpu.memory_space<hbm>>
    tpu.enqueue_dma source(%dma_start3A_78 : memref<64x128xf32, #tpu.memory_space<hbm>>) target(%dma_start3A_76 : memref<64x128xf32, #tpu.memory_space<vmem>>) target_semaphore(%arg11 : memref<!tpu.dma_semaphore, #tpu.memory_space<semaphore_mem>>)
    %slice3A_79 = vector.extract_strided_slice %get3A_3 {offsets = [4], sizes = [1], strides = [1]} : vector<16xi32> to vector<1xi32>
    %squeeze3A_80 = vector.extract %slice3A_79[0] : i32 from vector<1xi32>
    %shift_right_arithmetic3A_81 = arith.constant 7 : i32
    %shift_right_arithmetic3A_82 = arith.shrsi %squeeze3A_80, %shift_right_arithmetic3A_81 : i32
    %mul3A_83 = arith.constant 128 : i32
    %mul3A_84 = arith.muli %shift_right_arithmetic3A_82, %mul3A_83 : i32
    %multiple_of3A_85 = tpu.assume_multiple %mul3A_84, 128 : i32
    %dma_start3A_86 = arith.constant 4 : i32
    %dma_start3A_87 = arith.constant 0 : i32
    %dma_start3A_88 = arith.constant 0 : i32
    %dma_start3A_89 = tpu.memref_slice %arg6[%dma_start3A_86, %dma_start3A_87, %dma_start3A_88] : memref<8x64x128xf32, #tpu.memory_space<vmem>> -> memref<1x64x128xf32, #tpu.memory_space<vmem>>
    %dma_start3A_90 = tpu.memref_squeeze %dma_start3A_89 : memref<1x64x128xf32, #tpu.memory_space<vmem>> -> memref<64x128xf32, #tpu.memory_space<vmem>>
    %dma_start3A_91 = arith.constant 0 : i32
    %dma_start3A_92 = tpu.memref_slice %arg3[%dma_start3A_91, %multiple_of3A_85] : memref<64x1000000xf32, #tpu.memory_space<hbm>> -> memref<64x128xf32, #tpu.memory_space<hbm>>
    %dma_start3A_93 = arith.constant 0 : i32
    %dma_start3A_94 = arith.constant 0 : i32
    %dma_start3A_95 = tpu.memref_slice %arg6[%dma_start3A_86, %dma_start3A_93, %dma_start3A_94] : memref<8x64x128xf32, #tpu.memory_space<vmem>> -> memref<1x64x128xf32, #tpu.memory_space<vmem>>
    %dma_start3A_96 = tpu.memref_squeeze %dma_start3A_95 : memref<1x64x128xf32, #tpu.memory_space<vmem>> -> memref<64x128xf32, #tpu.memory_space<vmem>>
    %dma_start3A_97 = arith.constant 0 : i32
    %dma_start3A_98 = tpu.memref_slice %arg3[%dma_start3A_97, %multiple_of3A_85] : memref<64x1000000xf32, #tpu.memory_space<hbm>> -> memref<64x128xf32, #tpu.memory_space<hbm>>
    tpu.enqueue_dma source(%dma_start3A_98 : memref<64x128xf32, #tpu.memory_space<hbm>>) target(%dma_start3A_96 : memref<64x128xf32, #tpu.memory_space<vmem>>) target_semaphore(%arg12 : memref<!tpu.dma_semaphore, #tpu.memory_space<semaphore_mem>>)
    %slice3A_99 = vector.extract_strided_slice %get3A_3 {offsets = [5], sizes = [1], strides = [1]} : vector<16xi32> to vector<1xi32>
    %squeeze3A_100 = vector.extract %slice3A_99[0] : i32 from vector<1xi32>
    %shift_right_arithmetic3A_101 = arith.constant 7 : i32
    %shift_right_arithmetic3A_102 = arith.shrsi %squeeze3A_100, %shift_right_arithmetic3A_101 : i32
    %mul3A_103 = arith.constant 128 : i32
    %mul3A_104 = arith.muli %shift_right_arithmetic3A_102, %mul3A_103 : i32
    %multiple_of3A_105 = tpu.assume_multiple %mul3A_104, 128 : i32
    %dma_start3A_106 = arith.constant 5 : i32
    %dma_start3A_107 = arith.constant 0 : i32
    %dma_start3A_108 = arith.constant 0 : i32
    %dma_start3A_109 = tpu.memref_slice %arg6[%dma_start3A_106, %dma_start3A_107, %dma_start3A_108] : memref<8x64x128xf32, #tpu.memory_space<vmem>> -> memref<1x64x128xf32, #tpu.memory_space<vmem>>
    %dma_start3A_110 = tpu.memref_squeeze %dma_start3A_109 : memref<1x64x128xf32, #tpu.memory_space<vmem>> -> memref<64x128xf32, #tpu.memory_space<vmem>>
    %dma_start3A_111 = arith.constant 0 : i32
    %dma_start3A_112 = tpu.memref_slice %arg3[%dma_start3A_111, %multiple_of3A_105] : memref<64x1000000xf32, #tpu.memory_space<hbm>> -> memref<64x128xf32, #tpu.memory_space<hbm>>
    %dma_start3A_113 = arith.constant 0 : i32
    %dma_start3A_114 = arith.constant 0 : i32
    %dma_start3A_115 = tpu.memref_slice %arg6[%dma_start3A_106, %dma_start3A_113, %dma_start3A_114] : memref<8x64x128xf32, #tpu.memory_space<vmem>> -> memref<1x64x128xf32, #tpu.memory_space<vmem>>
    %dma_start3A_116 = tpu.memref_squeeze %dma_start3A_115 : memref<1x64x128xf32, #tpu.memory_space<vmem>> -> memref<64x128xf32, #tpu.memory_space<vmem>>
    %dma_start3A_117 = arith.constant 0 : i32
    %dma_start3A_118 = tpu.memref_slice %arg3[%dma_start3A_117, %multiple_of3A_105] : memref<64x1000000xf32, #tpu.memory_space<hbm>> -> memref<64x128xf32, #tpu.memory_space<hbm>>
    tpu.enqueue_dma source(%dma_start3A_118 : memref<64x128xf32, #tpu.memory_space<hbm>>) target(%dma_start3A_116 : memref<64x128xf32, #tpu.memory_space<vmem>>) target_semaphore(%arg13 : memref<!tpu.dma_semaphore, #tpu.memory_space<semaphore_mem>>)
    %slice3A_119 = vector.extract_strided_slice %get3A_3 {offsets = [6], sizes = [1], strides = [1]} : vector<16xi32> to vector<1xi32>
    %squeeze3A_120 = vector.extract %slice3A_119[0] : i32 from vector<1xi32>
    %shift_right_arithmetic3A_121 = arith.constant 7 : i32
    %shift_right_arithmetic3A_122 = arith.shrsi %squeeze3A_120, %shift_right_arithmetic3A_121 : i32
    %mul3A_123 = arith.constant 128 : i32
    %mul3A_124 = arith.muli %shift_right_arithmetic3A_122, %mul3A_123 : i32
    %multiple_of3A_125 = tpu.assume_multiple %mul3A_124, 128 : i32
    %dma_start3A_126 = arith.constant 6 : i32
    %dma_start3A_127 = arith.constant 0 : i32
    %dma_start3A_128 = arith.constant 0 : i32
    %dma_start3A_129 = tpu.memref_slice %arg6[%dma_start3A_126, %dma_start3A_127, %dma_start3A_128] : memref<8x64x128xf32, #tpu.memory_space<vmem>> -> memref<1x64x128xf32, #tpu.memory_space<vmem>>
    %dma_start3A_130 = tpu.memref_squeeze %dma_start3A_129 : memref<1x64x128xf32, #tpu.memory_space<vmem>> -> memref<64x128xf32, #tpu.memory_space<vmem>>
    %dma_start3A_131 = arith.constant 0 : i32
    %dma_start3A_132 = tpu.memref_slice %arg3[%dma_start3A_131, %multiple_of3A_125] : memref<64x1000000xf32, #tpu.memory_space<hbm>> -> memref<64x128xf32, #tpu.memory_space<hbm>>
    %dma_start3A_133 = arith.constant 0 : i32
    %dma_start3A_134 = arith.constant 0 : i32
    %dma_start3A_135 = tpu.memref_slice %arg6[%dma_start3A_126, %dma_start3A_133, %dma_start3A_134] : memref<8x64x128xf32, #tpu.memory_space<vmem>> -> memref<1x64x128xf32, #tpu.memory_space<vmem>>
    %dma_start3A_136 = tpu.memref_squeeze %dma_start3A_135 : memref<1x64x128xf32, #tpu.memory_space<vmem>> -> memref<64x128xf32, #tpu.memory_space<vmem>>
    %dma_start3A_137 = arith.constant 0 : i32
    %dma_start3A_138 = tpu.memref_slice %arg3[%dma_start3A_137, %multiple_of3A_125] : memref<64x1000000xf32, #tpu.memory_space<hbm>> -> memref<64x128xf32, #tpu.memory_space<hbm>>
    tpu.enqueue_dma source(%dma_start3A_138 : memref<64x128xf32, #tpu.memory_space<hbm>>) target(%dma_start3A_136 : memref<64x128xf32, #tpu.memory_space<vmem>>) target_semaphore(%arg14 : memref<!tpu.dma_semaphore, #tpu.memory_space<semaphore_mem>>)
    %slice3A_139 = vector.extract_strided_slice %get3A_3 {offsets = [7], sizes = [1], strides = [1]} : vector<16xi32> to vector<1xi32>
    %squeeze3A_140 = vector.extract %slice3A_139[0] : i32 from vector<1xi32>
    %shift_right_arithmetic3A_141 = arith.constant 7 : i32
    %shift_right_arithmetic3A_142 = arith.shrsi %squeeze3A_140, %shift_right_arithmetic3A_141 : i32
    %mul3A_143 = arith.constant 128 : i32
    %mul3A_144 = arith.muli %shift_right_arithmetic3A_142, %mul3A_143 : i32
    %multiple_of3A_145 = tpu.assume_multiple %mul3A_144, 128 : i32
    %dma_start3A_146 = arith.constant 7 : i32
    %dma_start3A_147 = arith.constant 0 : i32
    %dma_start3A_148 = arith.constant 0 : i32
    %dma_start3A_149 = tpu.memref_slice %arg6[%dma_start3A_146, %dma_start3A_147, %dma_start3A_148] : memref<8x64x128xf32, #tpu.memory_space<vmem>> -> memref<1x64x128xf32, #tpu.memory_space<vmem>>
    %dma_start3A_150 = tpu.memref_squeeze %dma_start3A_149 : memref<1x64x128xf32, #tpu.memory_space<vmem>> -> memref<64x128xf32, #tpu.memory_space<vmem>>
    %dma_start3A_151 = arith.constant 0 : i32
    %dma_start3A_152 = tpu.memref_slice %arg3[%dma_start3A_151, %multiple_of3A_145] : memref<64x1000000xf32, #tpu.memory_space<hbm>> -> memref<64x128xf32, #tpu.memory_space<hbm>>
    %dma_start3A_153 = arith.constant 0 : i32
    %dma_start3A_154 = arith.constant 0 : i32
    %dma_start3A_155 = tpu.memref_slice %arg6[%dma_start3A_146, %dma_start3A_153, %dma_start3A_154] : memref<8x64x128xf32, #tpu.memory_space<vmem>> -> memref<1x64x128xf32, #tpu.memory_space<vmem>>
    %dma_start3A_156 = tpu.memref_squeeze %dma_start3A_155 : memref<1x64x128xf32, #tpu.memory_space<vmem>> -> memref<64x128xf32, #tpu.memory_space<vmem>>
    %dma_start3A_157 = arith.constant 0 : i32
    %dma_start3A_158 = tpu.memref_slice %arg3[%dma_start3A_157, %multiple_of3A_145] : memref<64x1000000xf32, #tpu.memory_space<hbm>> -> memref<64x128xf32, #tpu.memory_space<hbm>>
    tpu.enqueue_dma source(%dma_start3A_158 : memref<64x128xf32, #tpu.memory_space<hbm>>) target(%dma_start3A_156 : memref<64x128xf32, #tpu.memory_space<vmem>>) target_semaphore(%arg15 : memref<!tpu.dma_semaphore, #tpu.memory_space<semaphore_mem>>)
    %scan3A = arith.constant 0 : i32
    %scan3A_159 = arith.constant 0 : i32
    %scan3A_160 = arith.constant 16 : i32
    %scan3A_161 = arith.addi %scan3A_159, %scan3A_160 : i32
    %scan3A_162 = arith.constant 1 : i32
    scf.for %scan3A_164 = %scan3A_159 to %scan3A_161 step %scan3A_162  : i32 {
      %mul3A_165 = arith.constant 16 : i32
      %mul3A_166 = arith.muli %scan3A_164, %mul3A_165 : i32
      %get3A_167 = arith.index_cast %mul3A_166 : i32 to index
      %get3A_168 = tpu.vector_load %arg5[%get3A_167] {strides = array<i32>} : memref<256xi32, #tpu.memory_space<vmem>>, vector<16xi32>,
      %add3A_169 = arith.constant 16 : i32
      %add3A_170 = arith.addi %mul3A_166, %add3A_169 : i32
      %min3A = arith.constant 240 : i32
      %min3A_171 = arith.minsi %add3A_170, %min3A : i32
      %get3A_172 = arith.index_cast %min3A_171 : i32 to index
      %get3A_173 = tpu.vector_load %arg5[%get3A_172] {strides = array<i32>} : memref<256xi32, #tpu.memory_space<vmem>>, vector<16xi32>,
      %add3A_174 = arith.constant 0 : i32
      %add3A_175 = arith.addi %mul3A_166, %add3A_174 : i32
      %dma_wait3A = arith.constant 0 : i32
      %dma_wait3A_176 = arith.constant 0 : i32
      %dma_wait3A_177 = arith.constant 0 : i32
      %dma_wait3A_178 = tpu.memref_slice %arg6[%dma_wait3A, %dma_wait3A_176, %dma_wait3A_177] : memref<8x64x128xf32, #tpu.memory_space<vmem>> -> memref<1x64x128xf32, #tpu.memory_space<vmem>>
      %dma_wait3A_179 = tpu.memref_squeeze %dma_wait3A_178 : memref<1x64x128xf32, #tpu.memory_space<vmem>> -> memref<64x128xf32, #tpu.memory_space<vmem>>
      %dma_wait3A_180 = arith.constant 0 : i32
      %dma_wait3A_181 = arith.constant 0 : i32
      %dma_wait3A_182 = tpu.memref_slice %arg3[%dma_wait3A_180, %dma_wait3A_181] : memref<64x1000000xf32, #tpu.memory_space<hbm>> -> memref<64x128xf32, #tpu.memory_space<hbm>>
      %dma_wait3A_183 = arith.constant 0 : i32
      %dma_wait3A_184 = arith.constant 0 : i32
      %dma_wait3A_185 = tpu.memref_slice %arg6[%dma_wait3A, %dma_wait3A_183, %dma_wait3A_184] : memref<8x64x128xf32, #tpu.memory_space<vmem>> -> memref<1x64x128xf32, #tpu.memory_space<vmem>>
      %dma_wait3A_186 = tpu.memref_squeeze %dma_wait3A_185 : memref<1x64x128xf32, #tpu.memory_space<vmem>> -> memref<64x128xf32, #tpu.memory_space<vmem>>
      %dma_wait3A_187 = arith.constant 0 : i32
      %dma_wait3A_188 = arith.constant 0 : i32
      %dma_wait3A_189 = tpu.memref_slice %arg3[%dma_wait3A_187, %dma_wait3A_188] : memref<64x1000000xf32, #tpu.memory_space<hbm>> -> memref<64x128xf32, #tpu.memory_space<hbm>>
      tpu.wait_dma2 semaphore(%arg8 : memref<!tpu.dma_semaphore, #tpu.memory_space<semaphore_mem>>) src(%dma_wait3A_189 : memref<64x128xf32, #tpu.memory_space<hbm>>) dst(%dma_wait3A_186 : memref<64x128xf32, #tpu.memory_space<vmem>>)
      %slice3A_190 = vector.extract_strided_slice %get3A_168 {offsets = [0], sizes = [1], strides = [1]} : vector<16xi32> to vector<1xi32>
      %squeeze3A_191 = vector.extract %slice3A_190[0] : i32 from vector<1xi32>
      %and3A = arith.constant 127 : i32
      %and3A_192 = arith.andi %add3A_175, %and3A : i32
      %and3A_193 = arith.constant 127 : i32
      %and3A_194 = arith.andi %squeeze3A_191, %and3A_193 : i32
      %broadcast_in_dim3A = vector.broadcast %and3A_194 : i32 to vector<16xi32>
      %iota3A = tpu.iota {dimensions = array<i32: 0>} : vector<16xi32>
      %add3A_195 = arith.constant 0 : i32
      %add3A_196 = vector.broadcast %add3A_195 : i32 to vector<16xi32>
      %add3A_197 = arith.addi %iota3A, %add3A_196 : vector<16xi32>
      %gather3A = arith.constant 0 : i32
      %gather3A_198 = arith.constant 0 : i32
      %gather3A_199 = arith.constant 0 : i32
      %gather3A_200 = tpu.memref_slice %arg6[%gather3A, %gather3A_198, %gather3A_199] : memref<8x64x128xf32, #tpu.memory_space<vmem>> -> memref<1x64x128xf32, #tpu.memory_space<vmem>>
      %gather3A_201 = tpu.memref_squeeze %gather3A_200 : memref<1x64x128xf32, #tpu.memory_space<vmem>> -> memref<64x128xf32, #tpu.memory_space<vmem>>
      %gather3A_202 = tpu.vector_load_idx %gather3A_201[%add3A_197, %broadcast_in_dim3A] : memref<64x128xf32, #tpu.memory_space<vmem>>[vector<16xi32>, vector<16xi32>], vector<16xf32>,
      %swap3A = arith.index_cast %and3A_192 : i32 to index
      %swap3A_203 = arith.constant 0 : index
      %swap3A_204 = tpu.vector_load %arg7[%swap3A, %swap3A_203] {strides = array<i32>} : memref<128x64xf32, #tpu.memory_space<vmem>>, vector<16xf32>,
      tpu.vector_store %arg7[%swap3A, %swap3A_203], %gather3A_202 {strides = array<i32>} : memref<128x64xf32, #tpu.memory_space<vmem>>, vector<16xf32>,
      %iota3A_205 = tpu.iota {dimensions = array<i32: 0>} : vector<16xi32>
      %add3A_206 = arith.constant 16 : i32
      %add3A_207 = vector.broadcast %add3A_206 : i32 to vector<16xi32>
      %add3A_208 = arith.addi %iota3A_205, %add3A_207 : vector<16xi32>
      %gather3A_209 = arith.constant 0 : i32
      %gather3A_210 = arith.constant 0 : i32
      %gather3A_211 = arith.constant 0 : i32
      %gather3A_212 = tpu.memref_slice %arg6[%gather3A_209, %gather3A_210, %gather3A_211] : memref<8x64x128xf32, #tpu.memory_space<vmem>> -> memref<1x64x128xf32, #tpu.memory_space<vmem>>
      %gather3A_213 = tpu.memref_squeeze %gather3A_212 : memref<1x64x128xf32, #tpu.memory_space<vmem>> -> memref<64x128xf32, #tpu.memory_space<vmem>>
      %gather3A_214 = tpu.vector_load_idx %gather3A_213[%add3A_208, %broadcast_in_dim3A] : memref<64x128xf32, #tpu.memory_space<vmem>>[vector<16xi32>, vector<16xi32>], vector<16xf32>,
      %swap3A_215 = arith.index_cast %and3A_192 : i32 to index
      %swap3A_216 = arith.constant 16 : index
      %swap3A_217 = tpu.vector_load %arg7[%swap3A_215, %swap3A_216] {strides = array<i32>} : memref<128x64xf32, #tpu.memory_space<vmem>>, vector<16xf32>,
      tpu.vector_store %arg7[%swap3A_215, %swap3A_216], %gather3A_214 {strides = array<i32>} : memref<128x64xf32, #tpu.memory_space<vmem>>, vector<16xf32>,
      %iota3A_218 = tpu.iota {dimensions = array<i32: 0>} : vector<16xi32>
      %add3A_219 = arith.constant 32 : i32
      %add3A_220 = vector.broadcast %add3A_219 : i32 to vector<16xi32>
      %add3A_221 = arith.addi %iota3A_218, %add3A_220 : vector<16xi32>
      %gather3A_222 = arith.constant 0 : i32
      %gather3A_223 = arith.constant 0 : i32
      %gather3A_224 = arith.constant 0 : i32
      %gather3A_225 = tpu.memref_slice %arg6[%gather3A_222, %gather3A_223, %gather3A_224] : memref<8x64x128xf32, #tpu.memory_space<vmem>> -> memref<1x64x128xf32, #tpu.memory_space<vmem>>
      %gather3A_226 = tpu.memref_squeeze %gather3A_225 : memref<1x64x128xf32, #tpu.memory_space<vmem>> -> memref<64x128xf32, #tpu.memory_space<vmem>>
      %gather3A_227 = tpu.vector_load_idx %gather3A_226[%add3A_221, %broadcast_in_dim3A] : memref<64x128xf32, #tpu.memory_space<vmem>>[vector<16xi32>, vector<16xi32>], vector<16xf32>,
      %swap3A_228 = arith.index_cast %and3A_192 : i32 to index
      %swap3A_229 = arith.constant 32 : index
      %swap3A_230 = tpu.vector_load %arg7[%swap3A_228, %swap3A_229] {strides = array<i32>} : memref<128x64xf32, #tpu.memory_space<vmem>>, vector<16xf32>,
      tpu.vector_store %arg7[%swap3A_228, %swap3A_229], %gather3A_227 {strides = array<i32>} : memref<128x64xf32, #tpu.memory_space<vmem>>, vector<16xf32>,
      %iota3A_231 = tpu.iota {dimensions = array<i32: 0>} : vector<16xi32>
      %add3A_232 = arith.constant 48 : i32
      %add3A_233 = vector.broadcast %add3A_232 : i32 to vector<16xi32>
      %add3A_234 = arith.addi %iota3A_231, %add3A_233 : vector<16xi32>
      %gather3A_235 = arith.constant 0 : i32
      %gather3A_236 = arith.constant 0 : i32
      %gather3A_237 = arith.constant 0 : i32
      %gather3A_238 = tpu.memref_slice %arg6[%gather3A_235, %gather3A_236, %gather3A_237] : memref<8x64x128xf32, #tpu.memory_space<vmem>> -> memref<1x64x128xf32, #tpu.memory_space<vmem>>
      %gather3A_239 = tpu.memref_squeeze %gather3A_238 : memref<1x64x128xf32, #tpu.memory_space<vmem>> -> memref<64x128xf32, #tpu.memory_space<vmem>>
      %gather3A_240 = tpu.vector_load_idx %gather3A_239[%add3A_234, %broadcast_in_dim3A] : memref<64x128xf32, #tpu.memory_space<vmem>>[vector<16xi32>, vector<16xi32>], vector<16xf32>,
      %swap3A_241 = arith.index_cast %and3A_192 : i32 to index
      %swap3A_242 = arith.constant 48 : index
      %swap3A_243 = tpu.vector_load %arg7[%swap3A_241, %swap3A_242] {strides = array<i32>} : memref<128x64xf32, #tpu.memory_space<vmem>>, vector<16xf32>,
      tpu.vector_store %arg7[%swap3A_241, %swap3A_242], %gather3A_240 {strides = array<i32>} : memref<128x64xf32, #tpu.memory_space<vmem>>, vector<16xf32>,
      %slice3A_244 = vector.extract_strided_slice %get3A_168 {offsets = [8], sizes = [1], strides = [1]} : vector<16xi32> to vector<1xi32>
      %squeeze3A_245 = vector.extract %slice3A_244[0] : i32 from vector<1xi32>
      %add3A_246 = arith.constant 8 : i32
      %add3A_247 = arith.addi %add3A_175, %add3A_246 : i32
      %lt3A = arith.constant 256 : i32
      %lt3A_248 = arith.cmpi slt, %add3A_247, %lt3A : i32
      %convert_element_type3A = arith.extui %lt3A_248 : i1 to i32
      %cond3A = arith.constant 0 : i32
      %cond3A_249 = arith.cmpi ne, %convert_element_type3A, %cond3A : i32
      scf.if %cond3A_249 {
        %shift_right_arithmetic3A_1534 = arith.constant 7 : i32
        %shift_right_arithmetic3A_1535 = arith.shrsi %squeeze3A_245, %shift_right_arithmetic3A_1534 : i32
        %mul3A_1536 = arith.constant 128 : i32
        %mul3A_1537 = arith.muli %shift_right_arithmetic3A_1535, %mul3A_1536 : i32
        %multiple_of3A_1538 = tpu.assume_multiple %mul3A_1537, 128 : i32
        %dma_start3A_1539 = arith.constant 0 : i32
        %dma_start3A_1540 = arith.constant 0 : i32
        %dma_start3A_1541 = arith.constant 0 : i32
        %dma_start3A_1542 = tpu.memref_slice %arg6[%dma_start3A_1539, %dma_start3A_1540, %dma_start3A_1541] : memref<8x64x128xf32, #tpu.memory_space<vmem>> -> memref<1x64x128xf32, #tpu.memory_space<vmem>>
        %dma_start3A_1543 = tpu.memref_squeeze %dma_start3A_1542 : memref<1x64x128xf32, #tpu.memory_space<vmem>> -> memref<64x128xf32, #tpu.memory_space<vmem>>
        %dma_start3A_1544 = arith.constant 0 : i32
        %dma_start3A_1545 = tpu.memref_slice %arg3[%dma_start3A_1544, %multiple_of3A_1538] : memref<64x1000000xf32, #tpu.memory_space<hbm>> -> memref<64x128xf32, #tpu.memory_space<hbm>>
        %dma_start3A_1546 = arith.constant 0 : i32
        %dma_start3A_1547 = arith.constant 0 : i32
        %dma_start3A_1548 = tpu.memref_slice %arg6[%dma_start3A_1539, %dma_start3A_1546, %dma_start3A_1547] : memref<8x64x128xf32, #tpu.memory_space<vmem>> -> memref<1x64x128xf32, #tpu.memory_space<vmem>>
        %dma_start3A_1549 = tpu.memref_squeeze %dma_start3A_1548 : memref<1x64x128xf32, #tpu.memory_space<vmem>> -> memref<64x128xf32, #tpu.memory_space<vmem>>
        %dma_start3A_1550 = arith.constant 0 : i32
        %dma_start3A_1551 = tpu.memref_slice %arg3[%dma_start3A_1550, %multiple_of3A_1538] : memref<64x1000000xf32, #tpu.memory_space<hbm>> -> memref<64x128xf32, #tpu.memory_space<hbm>>
        tpu.enqueue_dma source(%dma_start3A_1551 : memref<64x128xf32, #tpu.memory_space<hbm>>) target(%dma_start3A_1549 : memref<64x128xf32, #tpu.memory_space<vmem>>) target_semaphore(%arg8 : memref<!tpu.dma_semaphore, #tpu.memory_space<semaphore_mem>>)
      } else {
      }
      %add3A_250 = arith.constant 1 : i32
      %add3A_251 = arith.addi %mul3A_166, %add3A_250 : i32
      %dma_wait3A_252 = arith.constant 1 : i32
      %dma_wait3A_253 = arith.constant 0 : i32
      %dma_wait3A_254 = arith.constant 0 : i32
      %dma_wait3A_255 = tpu.memref_slice %arg6[%dma_wait3A_252, %dma_wait3A_253, %dma_wait3A_254] : memref<8x64x128xf32, #tpu.memory_space<vmem>> -> memref<1x64x128xf32, #tpu.memory_space<vmem>>
      %dma_wait3A_256 = tpu.memref_squeeze %dma_wait3A_255 : memref<1x64x128xf32, #tpu.memory_space<vmem>> -> memref<64x128xf32, #tpu.memory_space<vmem>>
      %dma_wait3A_257 = arith.constant 0 : i32
      %dma_wait3A_258 = arith.constant 0 : i32
      %dma_wait3A_259 = tpu.memref_slice %arg3[%dma_wait3A_257, %dma_wait3A_258] : memref<64x1000000xf32, #tpu.memory_space<hbm>> -> memref<64x128xf32, #tpu.memory_space<hbm>>
      %dma_wait3A_260 = arith.constant 0 : i32
      %dma_wait3A_261 = arith.constant 0 : i32
      %dma_wait3A_262 = tpu.memref_slice %arg6[%dma_wait3A_252, %dma_wait3A_260, %dma_wait3A_261] : memref<8x64x128xf32, #tpu.memory_space<vmem>> -> memref<1x64x128xf32, #tpu.memory_space<vmem>>
      %dma_wait3A_263 = tpu.memref_squeeze %dma_wait3A_262 : memref<1x64x128xf32, #tpu.memory_space<vmem>> -> memref<64x128xf32, #tpu.memory_space<vmem>>
      %dma_wait3A_264 = arith.constant 0 : i32
      %dma_wait3A_265 = arith.constant 0 : i32
      %dma_wait3A_266 = tpu.memref_slice %arg3[%dma_wait3A_264, %dma_wait3A_265] : memref<64x1000000xf32, #tpu.memory_space<hbm>> -> memref<64x128xf32, #tpu.memory_space<hbm>>
      tpu.wait_dma2 semaphore(%arg9 : memref<!tpu.dma_semaphore, #tpu.memory_space<semaphore_mem>>) src(%dma_wait3A_266 : memref<64x128xf32, #tpu.memory_space<hbm>>) dst(%dma_wait3A_263 : memref<64x128xf32, #tpu.memory_space<vmem>>)
      %slice3A_267 = vector.extract_strided_slice %get3A_168 {offsets = [1], sizes = [1], strides = [1]} : vector<16xi32> to vector<1xi32>
      %squeeze3A_268 = vector.extract %slice3A_267[0] : i32 from vector<1xi32>
      %and3A_269 = arith.constant 127 : i32
      %and3A_270 = arith.andi %add3A_251, %and3A_269 : i32
      %and3A_271 = arith.constant 127 : i32
      %and3A_272 = arith.andi %squeeze3A_268, %and3A_271 : i32
      %broadcast_in_dim3A_273 = vector.broadcast %and3A_272 : i32 to vector<16xi32>
      %iota3A_274 = tpu.iota {dimensions = array<i32: 0>} : vector<16xi32>
      %add3A_275 = arith.constant 0 : i32
      %add3A_276 = vector.broadcast %add3A_275 : i32 to vector<16xi32>
      %add3A_277 = arith.addi %iota3A_274, %add3A_276 : vector<16xi32>
      %gather3A_278 = arith.constant 1 : i32
      %gather3A_279 = arith.constant 0 : i32
      %gather3A_280 = arith.constant 0 : i32
      %gather3A_281 = tpu.memref_slice %arg6[%gather3A_278, %gather3A_279, %gather3A_280] : memref<8x64x128xf32, #tpu.memory_space<vmem>> -> memref<1x64x128xf32, #tpu.memory_space<vmem>>
      %gather3A_282 = tpu.memref_squeeze %gather3A_281 : memref<1x64x128xf32, #tpu.memory_space<vmem>> -> memref<64x128xf32, #tpu.memory_space<vmem>>
      %gather3A_283 = tpu.vector_load_idx %gather3A_282[%add3A_277, %broadcast_in_dim3A_273] : memref<64x128xf32, #tpu.memory_space<vmem>>[vector<16xi32>, vector<16xi32>], vector<16xf32>,
      %swap3A_284 = arith.index_cast %and3A_270 : i32 to index
      %swap3A_285 = arith.constant 0 : index
      %swap3A_286 = tpu.vector_load %arg7[%swap3A_284, %swap3A_285] {strides = array<i32>} : memref<128x64xf32, #tpu.memory_space<vmem>>, vector<16xf32>,
      tpu.vector_store %arg7[%swap3A_284, %swap3A_285], %gather3A_283 {strides = array<i32>} : memref<128x64xf32, #tpu.memory_space<vmem>>, vector<16xf32>,
      %iota3A_287 = tpu.iota {dimensions = array<i32: 0>} : vector<16xi32>
      %add3A_288 = arith.constant 16 : i32
      %add3A_289 = vector.broadcast %add3A_288 : i32 to vector<16xi32>
      %add3A_290 = arith.addi %iota3A_287, %add3A_289 : vector<16xi32>
      %gather3A_291 = arith.constant 1 : i32
      %gather3A_292 = arith.constant 0 : i32
      %gather3A_293 = arith.constant 0 : i32
      %gather3A_294 = tpu.memref_slice %arg6[%gather3A_291, %gather3A_292, %gather3A_293] : memref<8x64x128xf32, #tpu.memory_space<vmem>> -> memref<1x64x128xf32, #tpu.memory_space<vmem>>
      %gather3A_295 = tpu.memref_squeeze %gather3A_294 : memref<1x64x128xf32, #tpu.memory_space<vmem>> -> memref<64x128xf32, #tpu.memory_space<vmem>>
      %gather3A_296 = tpu.vector_load_idx %gather3A_295[%add3A_290, %broadcast_in_dim3A_273] : memref<64x128xf32, #tpu.memory_space<vmem>>[vector<16xi32>, vector<16xi32>], vector<16xf32>,
      %swap3A_297 = arith.index_cast %and3A_270 : i32 to index
      %swap3A_298 = arith.constant 16 : index
      %swap3A_299 = tpu.vector_load %arg7[%swap3A_297, %swap3A_298] {strides = array<i32>} : memref<128x64xf32, #tpu.memory_space<vmem>>, vector<16xf32>,
      tpu.vector_store %arg7[%swap3A_297, %swap3A_298], %gather3A_296 {strides = array<i32>} : memref<128x64xf32, #tpu.memory_space<vmem>>, vector<16xf32>,
      %iota3A_300 = tpu.iota {dimensions = array<i32: 0>} : vector<16xi32>
      %add3A_301 = arith.constant 32 : i32
      %add3A_302 = vector.broadcast %add3A_301 : i32 to vector<16xi32>
      %add3A_303 = arith.addi %iota3A_300, %add3A_302 : vector<16xi32>
      %gather3A_304 = arith.constant 1 : i32
      %gather3A_305 = arith.constant 0 : i32
      %gather3A_306 = arith.constant 0 : i32
      %gather3A_307 = tpu.memref_slice %arg6[%gather3A_304, %gather3A_305, %gather3A_306] : memref<8x64x128xf32, #tpu.memory_space<vmem>> -> memref<1x64x128xf32, #tpu.memory_space<vmem>>
      %gather3A_308 = tpu.memref_squeeze %gather3A_307 : memref<1x64x128xf32, #tpu.memory_space<vmem>> -> memref<64x128xf32, #tpu.memory_space<vmem>>
      %gather3A_309 = tpu.vector_load_idx %gather3A_308[%add3A_303, %broadcast_in_dim3A_273] : memref<64x128xf32, #tpu.memory_space<vmem>>[vector<16xi32>, vector<16xi32>], vector<16xf32>,
      %swap3A_310 = arith.index_cast %and3A_270 : i32 to index
      %swap3A_311 = arith.constant 32 : index
      %swap3A_312 = tpu.vector_load %arg7[%swap3A_310, %swap3A_311] {strides = array<i32>} : memref<128x64xf32, #tpu.memory_space<vmem>>, vector<16xf32>,
      tpu.vector_store %arg7[%swap3A_310, %swap3A_311], %gather3A_309 {strides = array<i32>} : memref<128x64xf32, #tpu.memory_space<vmem>>, vector<16xf32>,
      %iota3A_313 = tpu.iota {dimensions = array<i32: 0>} : vector<16xi32>
      %add3A_314 = arith.constant 48 : i32
      %add3A_315 = vector.broadcast %add3A_314 : i32 to vector<16xi32>
      %add3A_316 = arith.addi %iota3A_313, %add3A_315 : vector<16xi32>
      %gather3A_317 = arith.constant 1 : i32
      %gather3A_318 = arith.constant 0 : i32
      %gather3A_319 = arith.constant 0 : i32
      %gather3A_320 = tpu.memref_slice %arg6[%gather3A_317, %gather3A_318, %gather3A_319] : memref<8x64x128xf32, #tpu.memory_space<vmem>> -> memref<1x64x128xf32, #tpu.memory_space<vmem>>
      %gather3A_321 = tpu.memref_squeeze %gather3A_320 : memref<1x64x128xf32, #tpu.memory_space<vmem>> -> memref<64x128xf32, #tpu.memory_space<vmem>>
      %gather3A_322 = tpu.vector_load_idx %gather3A_321[%add3A_316, %broadcast_in_dim3A_273] : memref<64x128xf32, #tpu.memory_space<vmem>>[vector<16xi32>, vector<16xi32>], vector<16xf32>,
      %swap3A_323 = arith.index_cast %and3A_270 : i32 to index
      %swap3A_324 = arith.constant 48 : index
      %swap3A_325 = tpu.vector_load %arg7[%swap3A_323, %swap3A_324] {strides = array<i32>} : memref<128x64xf32, #tpu.memory_space<vmem>>, vector<16xf32>,
      tpu.vector_store %arg7[%swap3A_323, %swap3A_324], %gather3A_322 {strides = array<i32>} : memref<128x64xf32, #tpu.memory_space<vmem>>, vector<16xf32>,
      %slice3A_326 = vector.extract_strided_slice %get3A_168 {offsets = [9], sizes = [1], strides = [1]} : vector<16xi32> to vector<1xi32>
      %squeeze3A_327 = vector.extract %slice3A_326[0] : i32 from vector<1xi32>
      %add3A_328 = arith.constant 8 : i32
      %add3A_329 = arith.addi %add3A_251, %add3A_328 : i32
      %lt3A_330 = arith.constant 256 : i32
      %lt3A_331 = arith.cmpi slt, %add3A_329, %lt3A_330 : i32
      %convert_element_type3A_332 = arith.extui %lt3A_331 : i1 to i32
      %cond3A_333 = arith.constant 0 : i32
      %cond3A_334 = arith.cmpi ne, %convert_element_type3A_332, %cond3A_333 : i32
      scf.if %cond3A_334 {
        %shift_right_arithmetic3A_1534 = arith.constant 7 : i32
        %shift_right_arithmetic3A_1535 = arith.shrsi %squeeze3A_327, %shift_right_arithmetic3A_1534 : i32
        %mul3A_1536 = arith.constant 128 : i32
        %mul3A_1537 = arith.muli %shift_right_arithmetic3A_1535, %mul3A_1536 : i32
        %multiple_of3A_1538 = tpu.assume_multiple %mul3A_1537, 128 : i32
        %dma_start3A_1539 = arith.constant 1 : i32
        %dma_start3A_1540 = arith.constant 0 : i32
        %dma_start3A_1541 = arith.constant 0 : i32
        %dma_start3A_1542 = tpu.memref_slice %arg6[%dma_start3A_1539, %dma_start3A_1540, %dma_start3A_1541] : memref<8x64x128xf32, #tpu.memory_space<vmem>> -> memref<1x64x128xf32, #tpu.memory_space<vmem>>
        %dma_start3A_1543 = tpu.memref_squeeze %dma_start3A_1542 : memref<1x64x128xf32, #tpu.memory_space<vmem>> -> memref<64x128xf32, #tpu.memory_space<vmem>>
        %dma_start3A_1544 = arith.constant 0 : i32
        %dma_start3A_1545 = tpu.memref_slice %arg3[%dma_start3A_1544, %multiple_of3A_1538] : memref<64x1000000xf32, #tpu.memory_space<hbm>> -> memref<64x128xf32, #tpu.memory_space<hbm>>
        %dma_start3A_1546 = arith.constant 0 : i32
        %dma_start3A_1547 = arith.constant 0 : i32
        %dma_start3A_1548 = tpu.memref_slice %arg6[%dma_start3A_1539, %dma_start3A_1546, %dma_start3A_1547] : memref<8x64x128xf32, #tpu.memory_space<vmem>> -> memref<1x64x128xf32, #tpu.memory_space<vmem>>
        %dma_start3A_1549 = tpu.memref_squeeze %dma_start3A_1548 : memref<1x64x128xf32, #tpu.memory_space<vmem>> -> memref<64x128xf32, #tpu.memory_space<vmem>>
        %dma_start3A_1550 = arith.constant 0 : i32
        %dma_start3A_1551 = tpu.memref_slice %arg3[%dma_start3A_1550, %multiple_of3A_1538] : memref<64x1000000xf32, #tpu.memory_space<hbm>> -> memref<64x128xf32, #tpu.memory_space<hbm>>
        tpu.enqueue_dma source(%dma_start3A_1551 : memref<64x128xf32, #tpu.memory_space<hbm>>) target(%dma_start3A_1549 : memref<64x128xf32, #tpu.memory_space<vmem>>) target_semaphore(%arg9 : memref<!tpu.dma_semaphore, #tpu.memory_space<semaphore_mem>>)
      } else {
      }
      %add3A_335 = arith.constant 2 : i32
      %add3A_336 = arith.addi %mul3A_166, %add3A_335 : i32
      %dma_wait3A_337 = arith.constant 2 : i32
      %dma_wait3A_338 = arith.constant 0 : i32
      %dma_wait3A_339 = arith.constant 0 : i32
      %dma_wait3A_340 = tpu.memref_slice %arg6[%dma_wait3A_337, %dma_wait3A_338, %dma_wait3A_339] : memref<8x64x128xf32, #tpu.memory_space<vmem>> -> memref<1x64x128xf32, #tpu.memory_space<vmem>>
      %dma_wait3A_341 = tpu.memref_squeeze %dma_wait3A_340 : memref<1x64x128xf32, #tpu.memory_space<vmem>> -> memref<64x128xf32, #tpu.memory_space<vmem>>
      %dma_wait3A_342 = arith.constant 0 : i32
      %dma_wait3A_343 = arith.constant 0 : i32
      %dma_wait3A_344 = tpu.memref_slice %arg3[%dma_wait3A_342, %dma_wait3A_343] : memref<64x1000000xf32, #tpu.memory_space<hbm>> -> memref<64x128xf32, #tpu.memory_space<hbm>>
      %dma_wait3A_345 = arith.constant 0 : i32
      %dma_wait3A_346 = arith.constant 0 : i32
      %dma_wait3A_347 = tpu.memref_slice %arg6[%dma_wait3A_337, %dma_wait3A_345, %dma_wait3A_346] : memref<8x64x128xf32, #tpu.memory_space<vmem>> -> memref<1x64x128xf32, #tpu.memory_space<vmem>>
      %dma_wait3A_348 = tpu.memref_squeeze %dma_wait3A_347 : memref<1x64x128xf32, #tpu.memory_space<vmem>> -> memref<64x128xf32, #tpu.memory_space<vmem>>
      %dma_wait3A_349 = arith.constant 0 : i32
      %dma_wait3A_350 = arith.constant 0 : i32
      %dma_wait3A_351 = tpu.memref_slice %arg3[%dma_wait3A_349, %dma_wait3A_350] : memref<64x1000000xf32, #tpu.memory_space<hbm>> -> memref<64x128xf32, #tpu.memory_space<hbm>>
      tpu.wait_dma2 semaphore(%arg10 : memref<!tpu.dma_semaphore, #tpu.memory_space<semaphore_mem>>) src(%dma_wait3A_351 : memref<64x128xf32, #tpu.memory_space<hbm>>) dst(%dma_wait3A_348 : memref<64x128xf32, #tpu.memory_space<vmem>>)
      %slice3A_352 = vector.extract_strided_slice %get3A_168 {offsets = [2], sizes = [1], strides = [1]} : vector<16xi32> to vector<1xi32>
      %squeeze3A_353 = vector.extract %slice3A_352[0] : i32 from vector<1xi32>
      %and3A_354 = arith.constant 127 : i32
      %and3A_355 = arith.andi %add3A_336, %and3A_354 : i32
      %and3A_356 = arith.constant 127 : i32
      %and3A_357 = arith.andi %squeeze3A_353, %and3A_356 : i32
      %broadcast_in_dim3A_358 = vector.broadcast %and3A_357 : i32 to vector<16xi32>
      %iota3A_359 = tpu.iota {dimensions = array<i32: 0>} : vector<16xi32>
      %add3A_360 = arith.constant 0 : i32
      %add3A_361 = vector.broadcast %add3A_360 : i32 to vector<16xi32>
      %add3A_362 = arith.addi %iota3A_359, %add3A_361 : vector<16xi32>
      %gather3A_363 = arith.constant 2 : i32
      %gather3A_364 = arith.constant 0 : i32
      %gather3A_365 = arith.constant 0 : i32
      %gather3A_366 = tpu.memref_slice %arg6[%gather3A_363, %gather3A_364, %gather3A_365] : memref<8x64x128xf32, #tpu.memory_space<vmem>> -> memref<1x64x128xf32, #tpu.memory_space<vmem>>
      %gather3A_367 = tpu.memref_squeeze %gather3A_366 : memref<1x64x128xf32, #tpu.memory_space<vmem>> -> memref<64x128xf32, #tpu.memory_space<vmem>>
      %gather3A_368 = tpu.vector_load_idx %gather3A_367[%add3A_362, %broadcast_in_dim3A_358] : memref<64x128xf32, #tpu.memory_space<vmem>>[vector<16xi32>, vector<16xi32>], vector<16xf32>,
      %swap3A_369 = arith.index_cast %and3A_355 : i32 to index
      %swap3A_370 = arith.constant 0 : index
      %swap3A_371 = tpu.vector_load %arg7[%swap3A_369, %swap3A_370] {strides = array<i32>} : memref<128x64xf32, #tpu.memory_space<vmem>>, vector<16xf32>,
      tpu.vector_store %arg7[%swap3A_369, %swap3A_370], %gather3A_368 {strides = array<i32>} : memref<128x64xf32, #tpu.memory_space<vmem>>, vector<16xf32>,
      %iota3A_372 = tpu.iota {dimensions = array<i32: 0>} : vector<16xi32>
      %add3A_373 = arith.constant 16 : i32
      %add3A_374 = vector.broadcast %add3A_373 : i32 to vector<16xi32>
      %add3A_375 = arith.addi %iota3A_372, %add3A_374 : vector<16xi32>
      %gather3A_376 = arith.constant 2 : i32
      %gather3A_377 = arith.constant 0 : i32
      %gather3A_378 = arith.constant 0 : i32
      %gather3A_379 = tpu.memref_slice %arg6[%gather3A_376, %gather3A_377, %gather3A_378] : memref<8x64x128xf32, #tpu.memory_space<vmem>> -> memref<1x64x128xf32, #tpu.memory_space<vmem>>
      %gather3A_380 = tpu.memref_squeeze %gather3A_379 : memref<1x64x128xf32, #tpu.memory_space<vmem>> -> memref<64x128xf32, #tpu.memory_space<vmem>>
      %gather3A_381 = tpu.vector_load_idx %gather3A_380[%add3A_375, %broadcast_in_dim3A_358] : memref<64x128xf32, #tpu.memory_space<vmem>>[vector<16xi32>, vector<16xi32>], vector<16xf32>,
      %swap3A_382 = arith.index_cast %and3A_355 : i32 to index
      %swap3A_383 = arith.constant 16 : index
      %swap3A_384 = tpu.vector_load %arg7[%swap3A_382, %swap3A_383] {strides = array<i32>} : memref<128x64xf32, #tpu.memory_space<vmem>>, vector<16xf32>,
      tpu.vector_store %arg7[%swap3A_382, %swap3A_383], %gather3A_381 {strides = array<i32>} : memref<128x64xf32, #tpu.memory_space<vmem>>, vector<16xf32>,
      %iota3A_385 = tpu.iota {dimensions = array<i32: 0>} : vector<16xi32>
      %add3A_386 = arith.constant 32 : i32
      %add3A_387 = vector.broadcast %add3A_386 : i32 to vector<16xi32>
      %add3A_388 = arith.addi %iota3A_385, %add3A_387 : vector<16xi32>
      %gather3A_389 = arith.constant 2 : i32
      %gather3A_390 = arith.constant 0 : i32
      %gather3A_391 = arith.constant 0 : i32
      %gather3A_392 = tpu.memref_slice %arg6[%gather3A_389, %gather3A_390, %gather3A_391] : memref<8x64x128xf32, #tpu.memory_space<vmem>> -> memref<1x64x128xf32, #tpu.memory_space<vmem>>
      %gather3A_393 = tpu.memref_squeeze %gather3A_392 : memref<1x64x128xf32, #tpu.memory_space<vmem>> -> memref<64x128xf32, #tpu.memory_space<vmem>>
      %gather3A_394 = tpu.vector_load_idx %gather3A_393[%add3A_388, %broadcast_in_dim3A_358] : memref<64x128xf32, #tpu.memory_space<vmem>>[vector<16xi32>, vector<16xi32>], vector<16xf32>,
      %swap3A_395 = arith.index_cast %and3A_355 : i32 to index
      %swap3A_396 = arith.constant 32 : index
      %swap3A_397 = tpu.vector_load %arg7[%swap3A_395, %swap3A_396] {strides = array<i32>} : memref<128x64xf32, #tpu.memory_space<vmem>>, vector<16xf32>,
      tpu.vector_store %arg7[%swap3A_395, %swap3A_396], %gather3A_394 {strides = array<i32>} : memref<128x64xf32, #tpu.memory_space<vmem>>, vector<16xf32>,
      %iota3A_398 = tpu.iota {dimensions = array<i32: 0>} : vector<16xi32>
      %add3A_399 = arith.constant 48 : i32
      %add3A_400 = vector.broadcast %add3A_399 : i32 to vector<16xi32>
      %add3A_401 = arith.addi %iota3A_398, %add3A_400 : vector<16xi32>
      %gather3A_402 = arith.constant 2 : i32
      %gather3A_403 = arith.constant 0 : i32
      %gather3A_404 = arith.constant 0 : i32
      %gather3A_405 = tpu.memref_slice %arg6[%gather3A_402, %gather3A_403, %gather3A_404] : memref<8x64x128xf32, #tpu.memory_space<vmem>> -> memref<1x64x128xf32, #tpu.memory_space<vmem>>
      %gather3A_406 = tpu.memref_squeeze %gather3A_405 : memref<1x64x128xf32, #tpu.memory_space<vmem>> -> memref<64x128xf32, #tpu.memory_space<vmem>>
      %gather3A_407 = tpu.vector_load_idx %gather3A_406[%add3A_401, %broadcast_in_dim3A_358] : memref<64x128xf32, #tpu.memory_space<vmem>>[vector<16xi32>, vector<16xi32>], vector<16xf32>,
      %swap3A_408 = arith.index_cast %and3A_355 : i32 to index
      %swap3A_409 = arith.constant 48 : index
      %swap3A_410 = tpu.vector_load %arg7[%swap3A_408, %swap3A_409] {strides = array<i32>} : memref<128x64xf32, #tpu.memory_space<vmem>>, vector<16xf32>,
      tpu.vector_store %arg7[%swap3A_408, %swap3A_409], %gather3A_407 {strides = array<i32>} : memref<128x64xf32, #tpu.memory_space<vmem>>, vector<16xf32>,
      %slice3A_411 = vector.extract_strided_slice %get3A_168 {offsets = [10], sizes = [1], strides = [1]} : vector<16xi32> to vector<1xi32>
      %squeeze3A_412 = vector.extract %slice3A_411[0] : i32 from vector<1xi32>
      %add3A_413 = arith.constant 8 : i32
      %add3A_414 = arith.addi %add3A_336, %add3A_413 : i32
      %lt3A_415 = arith.constant 256 : i32
      %lt3A_416 = arith.cmpi slt, %add3A_414, %lt3A_415 : i32
      %convert_element_type3A_417 = arith.extui %lt3A_416 : i1 to i32
      %cond3A_418 = arith.constant 0 : i32
      %cond3A_419 = arith.cmpi ne, %convert_element_type3A_417, %cond3A_418 : i32
      scf.if %cond3A_419 {
        %shift_right_arithmetic3A_1534 = arith.constant 7 : i32
        %shift_right_arithmetic3A_1535 = arith.shrsi %squeeze3A_412, %shift_right_arithmetic3A_1534 : i32
        %mul3A_1536 = arith.constant 128 : i32
        %mul3A_1537 = arith.muli %shift_right_arithmetic3A_1535, %mul3A_1536 : i32
        %multiple_of3A_1538 = tpu.assume_multiple %mul3A_1537, 128 : i32
        %dma_start3A_1539 = arith.constant 2 : i32
        %dma_start3A_1540 = arith.constant 0 : i32
        %dma_start3A_1541 = arith.constant 0 : i32
        %dma_start3A_1542 = tpu.memref_slice %arg6[%dma_start3A_1539, %dma_start3A_1540, %dma_start3A_1541] : memref<8x64x128xf32, #tpu.memory_space<vmem>> -> memref<1x64x128xf32, #tpu.memory_space<vmem>>
        %dma_start3A_1543 = tpu.memref_squeeze %dma_start3A_1542 : memref<1x64x128xf32, #tpu.memory_space<vmem>> -> memref<64x128xf32, #tpu.memory_space<vmem>>
        %dma_start3A_1544 = arith.constant 0 : i32
        %dma_start3A_1545 = tpu.memref_slice %arg3[%dma_start3A_1544, %multiple_of3A_1538] : memref<64x1000000xf32, #tpu.memory_space<hbm>> -> memref<64x128xf32, #tpu.memory_space<hbm>>
        %dma_start3A_1546 = arith.constant 0 : i32
        %dma_start3A_1547 = arith.constant 0 : i32
        %dma_start3A_1548 = tpu.memref_slice %arg6[%dma_start3A_1539, %dma_start3A_1546, %dma_start3A_1547] : memref<8x64x128xf32, #tpu.memory_space<vmem>> -> memref<1x64x128xf32, #tpu.memory_space<vmem>>
        %dma_start3A_1549 = tpu.memref_squeeze %dma_start3A_1548 : memref<1x64x128xf32, #tpu.memory_space<vmem>> -> memref<64x128xf32, #tpu.memory_space<vmem>>
        %dma_start3A_1550 = arith.constant 0 : i32
        %dma_start3A_1551 = tpu.memref_slice %arg3[%dma_start3A_1550, %multiple_of3A_1538] : memref<64x1000000xf32, #tpu.memory_space<hbm>> -> memref<64x128xf32, #tpu.memory_space<hbm>>
        tpu.enqueue_dma source(%dma_start3A_1551 : memref<64x128xf32, #tpu.memory_space<hbm>>) target(%dma_start3A_1549 : memref<64x128xf32, #tpu.memory_space<vmem>>) target_semaphore(%arg10 : memref<!tpu.dma_semaphore, #tpu.memory_space<semaphore_mem>>)
      } else {
      }
      %add3A_420 = arith.constant 3 : i32
      %add3A_421 = arith.addi %mul3A_166, %add3A_420 : i32
      %dma_wait3A_422 = arith.constant 3 : i32
      %dma_wait3A_423 = arith.constant 0 : i32
      %dma_wait3A_424 = arith.constant 0 : i32
      %dma_wait3A_425 = tpu.memref_slice %arg6[%dma_wait3A_422, %dma_wait3A_423, %dma_wait3A_424] : memref<8x64x128xf32, #tpu.memory_space<vmem>> -> memref<1x64x128xf32, #tpu.memory_space<vmem>>
      %dma_wait3A_426 = tpu.memref_squeeze %dma_wait3A_425 : memref<1x64x128xf32, #tpu.memory_space<vmem>> -> memref<64x128xf32, #tpu.memory_space<vmem>>
      %dma_wait3A_427 = arith.constant 0 : i32
      %dma_wait3A_428 = arith.constant 0 : i32
      %dma_wait3A_429 = tpu.memref_slice %arg3[%dma_wait3A_427, %dma_wait3A_428] : memref<64x1000000xf32, #tpu.memory_space<hbm>> -> memref<64x128xf32, #tpu.memory_space<hbm>>
      %dma_wait3A_430 = arith.constant 0 : i32
      %dma_wait3A_431 = arith.constant 0 : i32
      %dma_wait3A_432 = tpu.memref_slice %arg6[%dma_wait3A_422, %dma_wait3A_430, %dma_wait3A_431] : memref<8x64x128xf32, #tpu.memory_space<vmem>> -> memref<1x64x128xf32, #tpu.memory_space<vmem>>
      %dma_wait3A_433 = tpu.memref_squeeze %dma_wait3A_432 : memref<1x64x128xf32, #tpu.memory_space<vmem>> -> memref<64x128xf32, #tpu.memory_space<vmem>>
      %dma_wait3A_434 = arith.constant 0 : i32
      %dma_wait3A_435 = arith.constant 0 : i32
      %dma_wait3A_436 = tpu.memref_slice %arg3[%dma_wait3A_434, %dma_wait3A_435] : memref<64x1000000xf32, #tpu.memory_space<hbm>> -> memref<64x128xf32, #tpu.memory_space<hbm>>
      tpu.wait_dma2 semaphore(%arg11 : memref<!tpu.dma_semaphore, #tpu.memory_space<semaphore_mem>>) src(%dma_wait3A_436 : memref<64x128xf32, #tpu.memory_space<hbm>>) dst(%dma_wait3A_433 : memref<64x128xf32, #tpu.memory_space<vmem>>)
      %slice3A_437 = vector.extract_strided_slice %get3A_168 {offsets = [3], sizes = [1], strides = [1]} : vector<16xi32> to vector<1xi32>
      %squeeze3A_438 = vector.extract %slice3A_437[0] : i32 from vector<1xi32>
      %and3A_439 = arith.constant 127 : i32
      %and3A_440 = arith.andi %add3A_421, %and3A_439 : i32
      %and3A_441 = arith.constant 127 : i32
      %and3A_442 = arith.andi %squeeze3A_438, %and3A_441 : i32
      %broadcast_in_dim3A_443 = vector.broadcast %and3A_442 : i32 to vector<16xi32>
      %iota3A_444 = tpu.iota {dimensions = array<i32: 0>} : vector<16xi32>
      %add3A_445 = arith.constant 0 : i32
      %add3A_446 = vector.broadcast %add3A_445 : i32 to vector<16xi32>
      %add3A_447 = arith.addi %iota3A_444, %add3A_446 : vector<16xi32>
      %gather3A_448 = arith.constant 3 : i32
      %gather3A_449 = arith.constant 0 : i32
      %gather3A_450 = arith.constant 0 : i32
      %gather3A_451 = tpu.memref_slice %arg6[%gather3A_448, %gather3A_449, %gather3A_450] : memref<8x64x128xf32, #tpu.memory_space<vmem>> -> memref<1x64x128xf32, #tpu.memory_space<vmem>>
      %gather3A_452 = tpu.memref_squeeze %gather3A_451 : memref<1x64x128xf32, #tpu.memory_space<vmem>> -> memref<64x128xf32, #tpu.memory_space<vmem>>
      %gather3A_453 = tpu.vector_load_idx %gather3A_452[%add3A_447, %broadcast_in_dim3A_443] : memref<64x128xf32, #tpu.memory_space<vmem>>[vector<16xi32>, vector<16xi32>], vector<16xf32>,
      %swap3A_454 = arith.index_cast %and3A_440 : i32 to index
      %swap3A_455 = arith.constant 0 : index
      %swap3A_456 = tpu.vector_load %arg7[%swap3A_454, %swap3A_455] {strides = array<i32>} : memref<128x64xf32, #tpu.memory_space<vmem>>, vector<16xf32>,
      tpu.vector_store %arg7[%swap3A_454, %swap3A_455], %gather3A_453 {strides = array<i32>} : memref<128x64xf32, #tpu.memory_space<vmem>>, vector<16xf32>,
      %iota3A_457 = tpu.iota {dimensions = array<i32: 0>} : vector<16xi32>
      %add3A_458 = arith.constant 16 : i32
      %add3A_459 = vector.broadcast %add3A_458 : i32 to vector<16xi32>
      %add3A_460 = arith.addi %iota3A_457, %add3A_459 : vector<16xi32>
      %gather3A_461 = arith.constant 3 : i32
      %gather3A_462 = arith.constant 0 : i32
      %gather3A_463 = arith.constant 0 : i32
      %gather3A_464 = tpu.memref_slice %arg6[%gather3A_461, %gather3A_462, %gather3A_463] : memref<8x64x128xf32, #tpu.memory_space<vmem>> -> memref<1x64x128xf32, #tpu.memory_space<vmem>>
      %gather3A_465 = tpu.memref_squeeze %gather3A_464 : memref<1x64x128xf32, #tpu.memory_space<vmem>> -> memref<64x128xf32, #tpu.memory_space<vmem>>
      %gather3A_466 = tpu.vector_load_idx %gather3A_465[%add3A_460, %broadcast_in_dim3A_443] : memref<64x128xf32, #tpu.memory_space<vmem>>[vector<16xi32>, vector<16xi32>], vector<16xf32>,
      %swap3A_467 = arith.index_cast %and3A_440 : i32 to index
      %swap3A_468 = arith.constant 16 : index
      %swap3A_469 = tpu.vector_load %arg7[%swap3A_467, %swap3A_468] {strides = array<i32>} : memref<128x64xf32, #tpu.memory_space<vmem>>, vector<16xf32>,
      tpu.vector_store %arg7[%swap3A_467, %swap3A_468], %gather3A_466 {strides = array<i32>} : memref<128x64xf32, #tpu.memory_space<vmem>>, vector<16xf32>,
      %iota3A_470 = tpu.iota {dimensions = array<i32: 0>} : vector<16xi32>
      %add3A_471 = arith.constant 32 : i32
      %add3A_472 = vector.broadcast %add3A_471 : i32 to vector<16xi32>
      %add3A_473 = arith.addi %iota3A_470, %add3A_472 : vector<16xi32>
      %gather3A_474 = arith.constant 3 : i32
      %gather3A_475 = arith.constant 0 : i32
      %gather3A_476 = arith.constant 0 : i32
      %gather3A_477 = tpu.memref_slice %arg6[%gather3A_474, %gather3A_475, %gather3A_476] : memref<8x64x128xf32, #tpu.memory_space<vmem>> -> memref<1x64x128xf32, #tpu.memory_space<vmem>>
      %gather3A_478 = tpu.memref_squeeze %gather3A_477 : memref<1x64x128xf32, #tpu.memory_space<vmem>> -> memref<64x128xf32, #tpu.memory_space<vmem>>
      %gather3A_479 = tpu.vector_load_idx %gather3A_478[%add3A_473, %broadcast_in_dim3A_443] : memref<64x128xf32, #tpu.memory_space<vmem>>[vector<16xi32>, vector<16xi32>], vector<16xf32>,
      %swap3A_480 = arith.index_cast %and3A_440 : i32 to index
      %swap3A_481 = arith.constant 32 : index
      %swap3A_482 = tpu.vector_load %arg7[%swap3A_480, %swap3A_481] {strides = array<i32>} : memref<128x64xf32, #tpu.memory_space<vmem>>, vector<16xf32>,
      tpu.vector_store %arg7[%swap3A_480, %swap3A_481], %gather3A_479 {strides = array<i32>} : memref<128x64xf32, #tpu.memory_space<vmem>>, vector<16xf32>,
      %iota3A_483 = tpu.iota {dimensions = array<i32: 0>} : vector<16xi32>
      %add3A_484 = arith.constant 48 : i32
      %add3A_485 = vector.broadcast %add3A_484 : i32 to vector<16xi32>
      %add3A_486 = arith.addi %iota3A_483, %add3A_485 : vector<16xi32>
      %gather3A_487 = arith.constant 3 : i32
      %gather3A_488 = arith.constant 0 : i32
      %gather3A_489 = arith.constant 0 : i32
      %gather3A_490 = tpu.memref_slice %arg6[%gather3A_487, %gather3A_488, %gather3A_489] : memref<8x64x128xf32, #tpu.memory_space<vmem>> -> memref<1x64x128xf32, #tpu.memory_space<vmem>>
      %gather3A_491 = tpu.memref_squeeze %gather3A_490 : memref<1x64x128xf32, #tpu.memory_space<vmem>> -> memref<64x128xf32, #tpu.memory_space<vmem>>
      %gather3A_492 = tpu.vector_load_idx %gather3A_491[%add3A_486, %broadcast_in_dim3A_443] : memref<64x128xf32, #tpu.memory_space<vmem>>[vector<16xi32>, vector<16xi32>], vector<16xf32>,
      %swap3A_493 = arith.index_cast %and3A_440 : i32 to index
      %swap3A_494 = arith.constant 48 : index
      %swap3A_495 = tpu.vector_load %arg7[%swap3A_493, %swap3A_494] {strides = array<i32>} : memref<128x64xf32, #tpu.memory_space<vmem>>, vector<16xf32>,
      tpu.vector_store %arg7[%swap3A_493, %swap3A_494], %gather3A_492 {strides = array<i32>} : memref<128x64xf32, #tpu.memory_space<vmem>>, vector<16xf32>,
      %slice3A_496 = vector.extract_strided_slice %get3A_168 {offsets = [11], sizes = [1], strides = [1]} : vector<16xi32> to vector<1xi32>
      %squeeze3A_497 = vector.extract %slice3A_496[0] : i32 from vector<1xi32>
      %add3A_498 = arith.constant 8 : i32
      %add3A_499 = arith.addi %add3A_421, %add3A_498 : i32
      %lt3A_500 = arith.constant 256 : i32
      %lt3A_501 = arith.cmpi slt, %add3A_499, %lt3A_500 : i32
      %convert_element_type3A_502 = arith.extui %lt3A_501 : i1 to i32
      %cond3A_503 = arith.constant 0 : i32
      %cond3A_504 = arith.cmpi ne, %convert_element_type3A_502, %cond3A_503 : i32
      scf.if %cond3A_504 {
        %shift_right_arithmetic3A_1534 = arith.constant 7 : i32
        %shift_right_arithmetic3A_1535 = arith.shrsi %squeeze3A_497, %shift_right_arithmetic3A_1534 : i32
        %mul3A_1536 = arith.constant 128 : i32
        %mul3A_1537 = arith.muli %shift_right_arithmetic3A_1535, %mul3A_1536 : i32
        %multiple_of3A_1538 = tpu.assume_multiple %mul3A_1537, 128 : i32
        %dma_start3A_1539 = arith.constant 3 : i32
        %dma_start3A_1540 = arith.constant 0 : i32
        %dma_start3A_1541 = arith.constant 0 : i32
        %dma_start3A_1542 = tpu.memref_slice %arg6[%dma_start3A_1539, %dma_start3A_1540, %dma_start3A_1541] : memref<8x64x128xf32, #tpu.memory_space<vmem>> -> memref<1x64x128xf32, #tpu.memory_space<vmem>>
        %dma_start3A_1543 = tpu.memref_squeeze %dma_start3A_1542 : memref<1x64x128xf32, #tpu.memory_space<vmem>> -> memref<64x128xf32, #tpu.memory_space<vmem>>
        %dma_start3A_1544 = arith.constant 0 : i32
        %dma_start3A_1545 = tpu.memref_slice %arg3[%dma_start3A_1544, %multiple_of3A_1538] : memref<64x1000000xf32, #tpu.memory_space<hbm>> -> memref<64x128xf32, #tpu.memory_space<hbm>>
        %dma_start3A_1546 = arith.constant 0 : i32
        %dma_start3A_1547 = arith.constant 0 : i32
        %dma_start3A_1548 = tpu.memref_slice %arg6[%dma_start3A_1539, %dma_start3A_1546, %dma_start3A_1547] : memref<8x64x128xf32, #tpu.memory_space<vmem>> -> memref<1x64x128xf32, #tpu.memory_space<vmem>>
        %dma_start3A_1549 = tpu.memref_squeeze %dma_start3A_1548 : memref<1x64x128xf32, #tpu.memory_space<vmem>> -> memref<64x128xf32, #tpu.memory_space<vmem>>
        %dma_start3A_1550 = arith.constant 0 : i32
        %dma_start3A_1551 = tpu.memref_slice %arg3[%dma_start3A_1550, %multiple_of3A_1538] : memref<64x1000000xf32, #tpu.memory_space<hbm>> -> memref<64x128xf32, #tpu.memory_space<hbm>>
        tpu.enqueue_dma source(%dma_start3A_1551 : memref<64x128xf32, #tpu.memory_space<hbm>>) target(%dma_start3A_1549 : memref<64x128xf32, #tpu.memory_space<vmem>>) target_semaphore(%arg11 : memref<!tpu.dma_semaphore, #tpu.memory_space<semaphore_mem>>)
      } else {
      }
      %add3A_505 = arith.constant 4 : i32
      %add3A_506 = arith.addi %mul3A_166, %add3A_505 : i32
      %dma_wait3A_507 = arith.constant 4 : i32
      %dma_wait3A_508 = arith.constant 0 : i32
      %dma_wait3A_509 = arith.constant 0 : i32
      %dma_wait3A_510 = tpu.memref_slice %arg6[%dma_wait3A_507, %dma_wait3A_508, %dma_wait3A_509] : memref<8x64x128xf32, #tpu.memory_space<vmem>> -> memref<1x64x128xf32, #tpu.memory_space<vmem>>
      %dma_wait3A_511 = tpu.memref_squeeze %dma_wait3A_510 : memref<1x64x128xf32, #tpu.memory_space<vmem>> -> memref<64x128xf32, #tpu.memory_space<vmem>>
      %dma_wait3A_512 = arith.constant 0 : i32
      %dma_wait3A_513 = arith.constant 0 : i32
      %dma_wait3A_514 = tpu.memref_slice %arg3[%dma_wait3A_512, %dma_wait3A_513] : memref<64x1000000xf32, #tpu.memory_space<hbm>> -> memref<64x128xf32, #tpu.memory_space<hbm>>
      %dma_wait3A_515 = arith.constant 0 : i32
      %dma_wait3A_516 = arith.constant 0 : i32
      %dma_wait3A_517 = tpu.memref_slice %arg6[%dma_wait3A_507, %dma_wait3A_515, %dma_wait3A_516] : memref<8x64x128xf32, #tpu.memory_space<vmem>> -> memref<1x64x128xf32, #tpu.memory_space<vmem>>
      %dma_wait3A_518 = tpu.memref_squeeze %dma_wait3A_517 : memref<1x64x128xf32, #tpu.memory_space<vmem>> -> memref<64x128xf32, #tpu.memory_space<vmem>>
      %dma_wait3A_519 = arith.constant 0 : i32
      %dma_wait3A_520 = arith.constant 0 : i32
      %dma_wait3A_521 = tpu.memref_slice %arg3[%dma_wait3A_519, %dma_wait3A_520] : memref<64x1000000xf32, #tpu.memory_space<hbm>> -> memref<64x128xf32, #tpu.memory_space<hbm>>
      tpu.wait_dma2 semaphore(%arg12 : memref<!tpu.dma_semaphore, #tpu.memory_space<semaphore_mem>>) src(%dma_wait3A_521 : memref<64x128xf32, #tpu.memory_space<hbm>>) dst(%dma_wait3A_518 : memref<64x128xf32, #tpu.memory_space<vmem>>)
      %slice3A_522 = vector.extract_strided_slice %get3A_168 {offsets = [4], sizes = [1], strides = [1]} : vector<16xi32> to vector<1xi32>
      %squeeze3A_523 = vector.extract %slice3A_522[0] : i32 from vector<1xi32>
      %and3A_524 = arith.constant 127 : i32
      %and3A_525 = arith.andi %add3A_506, %and3A_524 : i32
      %and3A_526 = arith.constant 127 : i32
      %and3A_527 = arith.andi %squeeze3A_523, %and3A_526 : i32
      %broadcast_in_dim3A_528 = vector.broadcast %and3A_527 : i32 to vector<16xi32>
      %iota3A_529 = tpu.iota {dimensions = array<i32: 0>} : vector<16xi32>
      %add3A_530 = arith.constant 0 : i32
      %add3A_531 = vector.broadcast %add3A_530 : i32 to vector<16xi32>
      %add3A_532 = arith.addi %iota3A_529, %add3A_531 : vector<16xi32>
      %gather3A_533 = arith.constant 4 : i32
      %gather3A_534 = arith.constant 0 : i32
      %gather3A_535 = arith.constant 0 : i32
      %gather3A_536 = tpu.memref_slice %arg6[%gather3A_533, %gather3A_534, %gather3A_535] : memref<8x64x128xf32, #tpu.memory_space<vmem>> -> memref<1x64x128xf32, #tpu.memory_space<vmem>>
      %gather3A_537 = tpu.memref_squeeze %gather3A_536 : memref<1x64x128xf32, #tpu.memory_space<vmem>> -> memref<64x128xf32, #tpu.memory_space<vmem>>
      %gather3A_538 = tpu.vector_load_idx %gather3A_537[%add3A_532, %broadcast_in_dim3A_528] : memref<64x128xf32, #tpu.memory_space<vmem>>[vector<16xi32>, vector<16xi32>], vector<16xf32>,
      %swap3A_539 = arith.index_cast %and3A_525 : i32 to index
      %swap3A_540 = arith.constant 0 : index
      %swap3A_541 = tpu.vector_load %arg7[%swap3A_539, %swap3A_540] {strides = array<i32>} : memref<128x64xf32, #tpu.memory_space<vmem>>, vector<16xf32>,
      tpu.vector_store %arg7[%swap3A_539, %swap3A_540], %gather3A_538 {strides = array<i32>} : memref<128x64xf32, #tpu.memory_space<vmem>>, vector<16xf32>,
      %iota3A_542 = tpu.iota {dimensions = array<i32: 0>} : vector<16xi32>
      %add3A_543 = arith.constant 16 : i32
      %add3A_544 = vector.broadcast %add3A_543 : i32 to vector<16xi32>
      %add3A_545 = arith.addi %iota3A_542, %add3A_544 : vector<16xi32>
      %gather3A_546 = arith.constant 4 : i32
      %gather3A_547 = arith.constant 0 : i32
      %gather3A_548 = arith.constant 0 : i32
      %gather3A_549 = tpu.memref_slice %arg6[%gather3A_546, %gather3A_547, %gather3A_548] : memref<8x64x128xf32, #tpu.memory_space<vmem>> -> memref<1x64x128xf32, #tpu.memory_space<vmem>>
      %gather3A_550 = tpu.memref_squeeze %gather3A_549 : memref<1x64x128xf32, #tpu.memory_space<vmem>> -> memref<64x128xf32, #tpu.memory_space<vmem>>
      %gather3A_551 = tpu.vector_load_idx %gather3A_550[%add3A_545, %broadcast_in_dim3A_528] : memref<64x128xf32, #tpu.memory_space<vmem>>[vector<16xi32>, vector<16xi32>], vector<16xf32>,
      %swap3A_552 = arith.index_cast %and3A_525 : i32 to index
      %swap3A_553 = arith.constant 16 : index
      %swap3A_554 = tpu.vector_load %arg7[%swap3A_552, %swap3A_553] {strides = array<i32>} : memref<128x64xf32, #tpu.memory_space<vmem>>, vector<16xf32>,
      tpu.vector_store %arg7[%swap3A_552, %swap3A_553], %gather3A_551 {strides = array<i32>} : memref<128x64xf32, #tpu.memory_space<vmem>>, vector<16xf32>,
      %iota3A_555 = tpu.iota {dimensions = array<i32: 0>} : vector<16xi32>
      %add3A_556 = arith.constant 32 : i32
      %add3A_557 = vector.broadcast %add3A_556 : i32 to vector<16xi32>
      %add3A_558 = arith.addi %iota3A_555, %add3A_557 : vector<16xi32>
      %gather3A_559 = arith.constant 4 : i32
      %gather3A_560 = arith.constant 0 : i32
      %gather3A_561 = arith.constant 0 : i32
      %gather3A_562 = tpu.memref_slice %arg6[%gather3A_559, %gather3A_560, %gather3A_561] : memref<8x64x128xf32, #tpu.memory_space<vmem>> -> memref<1x64x128xf32, #tpu.memory_space<vmem>>
      %gather3A_563 = tpu.memref_squeeze %gather3A_562 : memref<1x64x128xf32, #tpu.memory_space<vmem>> -> memref<64x128xf32, #tpu.memory_space<vmem>>
      %gather3A_564 = tpu.vector_load_idx %gather3A_563[%add3A_558, %broadcast_in_dim3A_528] : memref<64x128xf32, #tpu.memory_space<vmem>>[vector<16xi32>, vector<16xi32>], vector<16xf32>,
      %swap3A_565 = arith.index_cast %and3A_525 : i32 to index
      %swap3A_566 = arith.constant 32 : index
      %swap3A_567 = tpu.vector_load %arg7[%swap3A_565, %swap3A_566] {strides = array<i32>} : memref<128x64xf32, #tpu.memory_space<vmem>>, vector<16xf32>,
      tpu.vector_store %arg7[%swap3A_565, %swap3A_566], %gather3A_564 {strides = array<i32>} : memref<128x64xf32, #tpu.memory_space<vmem>>, vector<16xf32>,
      %iota3A_568 = tpu.iota {dimensions = array<i32: 0>} : vector<16xi32>
      %add3A_569 = arith.constant 48 : i32
      %add3A_570 = vector.broadcast %add3A_569 : i32 to vector<16xi32>
      %add3A_571 = arith.addi %iota3A_568, %add3A_570 : vector<16xi32>
      %gather3A_572 = arith.constant 4 : i32
      %gather3A_573 = arith.constant 0 : i32
      %gather3A_574 = arith.constant 0 : i32
      %gather3A_575 = tpu.memref_slice %arg6[%gather3A_572, %gather3A_573, %gather3A_574] : memref<8x64x128xf32, #tpu.memory_space<vmem>> -> memref<1x64x128xf32, #tpu.memory_space<vmem>>
      %gather3A_576 = tpu.memref_squeeze %gather3A_575 : memref<1x64x128xf32, #tpu.memory_space<vmem>> -> memref<64x128xf32, #tpu.memory_space<vmem>>
      %gather3A_577 = tpu.vector_load_idx %gather3A_576[%add3A_571, %broadcast_in_dim3A_528] : memref<64x128xf32, #tpu.memory_space<vmem>>[vector<16xi32>, vector<16xi32>], vector<16xf32>,
      %swap3A_578 = arith.index_cast %and3A_525 : i32 to index
      %swap3A_579 = arith.constant 48 : index
      %swap3A_580 = tpu.vector_load %arg7[%swap3A_578, %swap3A_579] {strides = array<i32>} : memref<128x64xf32, #tpu.memory_space<vmem>>, vector<16xf32>,
      tpu.vector_store %arg7[%swap3A_578, %swap3A_579], %gather3A_577 {strides = array<i32>} : memref<128x64xf32, #tpu.memory_space<vmem>>, vector<16xf32>,
      %slice3A_581 = vector.extract_strided_slice %get3A_168 {offsets = [12], sizes = [1], strides = [1]} : vector<16xi32> to vector<1xi32>
      %squeeze3A_582 = vector.extract %slice3A_581[0] : i32 from vector<1xi32>
      %add3A_583 = arith.constant 8 : i32
      %add3A_584 = arith.addi %add3A_506, %add3A_583 : i32
      %lt3A_585 = arith.constant 256 : i32
      %lt3A_586 = arith.cmpi slt, %add3A_584, %lt3A_585 : i32
      %convert_element_type3A_587 = arith.extui %lt3A_586 : i1 to i32
      %cond3A_588 = arith.constant 0 : i32
      %cond3A_589 = arith.cmpi ne, %convert_element_type3A_587, %cond3A_588 : i32
      scf.if %cond3A_589 {
        %shift_right_arithmetic3A_1534 = arith.constant 7 : i32
        %shift_right_arithmetic3A_1535 = arith.shrsi %squeeze3A_582, %shift_right_arithmetic3A_1534 : i32
        %mul3A_1536 = arith.constant 128 : i32
        %mul3A_1537 = arith.muli %shift_right_arithmetic3A_1535, %mul3A_1536 : i32
        %multiple_of3A_1538 = tpu.assume_multiple %mul3A_1537, 128 : i32
        %dma_start3A_1539 = arith.constant 4 : i32
        %dma_start3A_1540 = arith.constant 0 : i32
        %dma_start3A_1541 = arith.constant 0 : i32
        %dma_start3A_1542 = tpu.memref_slice %arg6[%dma_start3A_1539, %dma_start3A_1540, %dma_start3A_1541] : memref<8x64x128xf32, #tpu.memory_space<vmem>> -> memref<1x64x128xf32, #tpu.memory_space<vmem>>
        %dma_start3A_1543 = tpu.memref_squeeze %dma_start3A_1542 : memref<1x64x128xf32, #tpu.memory_space<vmem>> -> memref<64x128xf32, #tpu.memory_space<vmem>>
        %dma_start3A_1544 = arith.constant 0 : i32
        %dma_start3A_1545 = tpu.memref_slice %arg3[%dma_start3A_1544, %multiple_of3A_1538] : memref<64x1000000xf32, #tpu.memory_space<hbm>> -> memref<64x128xf32, #tpu.memory_space<hbm>>
        %dma_start3A_1546 = arith.constant 0 : i32
        %dma_start3A_1547 = arith.constant 0 : i32
        %dma_start3A_1548 = tpu.memref_slice %arg6[%dma_start3A_1539, %dma_start3A_1546, %dma_start3A_1547] : memref<8x64x128xf32, #tpu.memory_space<vmem>> -> memref<1x64x128xf32, #tpu.memory_space<vmem>>
        %dma_start3A_1549 = tpu.memref_squeeze %dma_start3A_1548 : memref<1x64x128xf32, #tpu.memory_space<vmem>> -> memref<64x128xf32, #tpu.memory_space<vmem>>
        %dma_start3A_1550 = arith.constant 0 : i32
        %dma_start3A_1551 = tpu.memref_slice %arg3[%dma_start3A_1550, %multiple_of3A_1538] : memref<64x1000000xf32, #tpu.memory_space<hbm>> -> memref<64x128xf32, #tpu.memory_space<hbm>>
        tpu.enqueue_dma source(%dma_start3A_1551 : memref<64x128xf32, #tpu.memory_space<hbm>>) target(%dma_start3A_1549 : memref<64x128xf32, #tpu.memory_space<vmem>>) target_semaphore(%arg12 : memref<!tpu.dma_semaphore, #tpu.memory_space<semaphore_mem>>)
      } else {
      }
      %add3A_590 = arith.constant 5 : i32
      %add3A_591 = arith.addi %mul3A_166, %add3A_590 : i32
      %dma_wait3A_592 = arith.constant 5 : i32
      %dma_wait3A_593 = arith.constant 0 : i32
      %dma_wait3A_594 = arith.constant 0 : i32
      %dma_wait3A_595 = tpu.memref_slice %arg6[%dma_wait3A_592, %dma_wait3A_593, %dma_wait3A_594] : memref<8x64x128xf32, #tpu.memory_space<vmem>> -> memref<1x64x128xf32, #tpu.memory_space<vmem>>
      %dma_wait3A_596 = tpu.memref_squeeze %dma_wait3A_595 : memref<1x64x128xf32, #tpu.memory_space<vmem>> -> memref<64x128xf32, #tpu.memory_space<vmem>>
      %dma_wait3A_597 = arith.constant 0 : i32
      %dma_wait3A_598 = arith.constant 0 : i32
      %dma_wait3A_599 = tpu.memref_slice %arg3[%dma_wait3A_597, %dma_wait3A_598] : memref<64x1000000xf32, #tpu.memory_space<hbm>> -> memref<64x128xf32, #tpu.memory_space<hbm>>
      %dma_wait3A_600 = arith.constant 0 : i32
      %dma_wait3A_601 = arith.constant 0 : i32
      %dma_wait3A_602 = tpu.memref_slice %arg6[%dma_wait3A_592, %dma_wait3A_600, %dma_wait3A_601] : memref<8x64x128xf32, #tpu.memory_space<vmem>> -> memref<1x64x128xf32, #tpu.memory_space<vmem>>
      %dma_wait3A_603 = tpu.memref_squeeze %dma_wait3A_602 : memref<1x64x128xf32, #tpu.memory_space<vmem>> -> memref<64x128xf32, #tpu.memory_space<vmem>>
      %dma_wait3A_604 = arith.constant 0 : i32
      %dma_wait3A_605 = arith.constant 0 : i32
      %dma_wait3A_606 = tpu.memref_slice %arg3[%dma_wait3A_604, %dma_wait3A_605] : memref<64x1000000xf32, #tpu.memory_space<hbm>> -> memref<64x128xf32, #tpu.memory_space<hbm>>
      tpu.wait_dma2 semaphore(%arg13 : memref<!tpu.dma_semaphore, #tpu.memory_space<semaphore_mem>>) src(%dma_wait3A_606 : memref<64x128xf32, #tpu.memory_space<hbm>>) dst(%dma_wait3A_603 : memref<64x128xf32, #tpu.memory_space<vmem>>)
      %slice3A_607 = vector.extract_strided_slice %get3A_168 {offsets = [5], sizes = [1], strides = [1]} : vector<16xi32> to vector<1xi32>
      %squeeze3A_608 = vector.extract %slice3A_607[0] : i32 from vector<1xi32>
      %and3A_609 = arith.constant 127 : i32
      %and3A_610 = arith.andi %add3A_591, %and3A_609 : i32
      %and3A_611 = arith.constant 127 : i32
      %and3A_612 = arith.andi %squeeze3A_608, %and3A_611 : i32
      %broadcast_in_dim3A_613 = vector.broadcast %and3A_612 : i32 to vector<16xi32>
      %iota3A_614 = tpu.iota {dimensions = array<i32: 0>} : vector<16xi32>
      %add3A_615 = arith.constant 0 : i32
      %add3A_616 = vector.broadcast %add3A_615 : i32 to vector<16xi32>
      %add3A_617 = arith.addi %iota3A_614, %add3A_616 : vector<16xi32>
      %gather3A_618 = arith.constant 5 : i32
      %gather3A_619 = arith.constant 0 : i32
      %gather3A_620 = arith.constant 0 : i32
      %gather3A_621 = tpu.memref_slice %arg6[%gather3A_618, %gather3A_619, %gather3A_620] : memref<8x64x128xf32, #tpu.memory_space<vmem>> -> memref<1x64x128xf32, #tpu.memory_space<vmem>>
      %gather3A_622 = tpu.memref_squeeze %gather3A_621 : memref<1x64x128xf32, #tpu.memory_space<vmem>> -> memref<64x128xf32, #tpu.memory_space<vmem>>
      %gather3A_623 = tpu.vector_load_idx %gather3A_622[%add3A_617, %broadcast_in_dim3A_613] : memref<64x128xf32, #tpu.memory_space<vmem>>[vector<16xi32>, vector<16xi32>], vector<16xf32>,
      %swap3A_624 = arith.index_cast %and3A_610 : i32 to index
      %swap3A_625 = arith.constant 0 : index
      %swap3A_626 = tpu.vector_load %arg7[%swap3A_624, %swap3A_625] {strides = array<i32>} : memref<128x64xf32, #tpu.memory_space<vmem>>, vector<16xf32>,
      tpu.vector_store %arg7[%swap3A_624, %swap3A_625], %gather3A_623 {strides = array<i32>} : memref<128x64xf32, #tpu.memory_space<vmem>>, vector<16xf32>,
      %iota3A_627 = tpu.iota {dimensions = array<i32: 0>} : vector<16xi32>
      %add3A_628 = arith.constant 16 : i32
      %add3A_629 = vector.broadcast %add3A_628 : i32 to vector<16xi32>
      %add3A_630 = arith.addi %iota3A_627, %add3A_629 : vector<16xi32>
      %gather3A_631 = arith.constant 5 : i32
      %gather3A_632 = arith.constant 0 : i32
      %gather3A_633 = arith.constant 0 : i32
      %gather3A_634 = tpu.memref_slice %arg6[%gather3A_631, %gather3A_632, %gather3A_633] : memref<8x64x128xf32, #tpu.memory_space<vmem>> -> memref<1x64x128xf32, #tpu.memory_space<vmem>>
      %gather3A_635 = tpu.memref_squeeze %gather3A_634 : memref<1x64x128xf32, #tpu.memory_space<vmem>> -> memref<64x128xf32, #tpu.memory_space<vmem>>
      %gather3A_636 = tpu.vector_load_idx %gather3A_635[%add3A_630, %broadcast_in_dim3A_613] : memref<64x128xf32, #tpu.memory_space<vmem>>[vector<16xi32>, vector<16xi32>], vector<16xf32>,
      %swap3A_637 = arith.index_cast %and3A_610 : i32 to index
      %swap3A_638 = arith.constant 16 : index
      %swap3A_639 = tpu.vector_load %arg7[%swap3A_637, %swap3A_638] {strides = array<i32>} : memref<128x64xf32, #tpu.memory_space<vmem>>, vector<16xf32>,
      tpu.vector_store %arg7[%swap3A_637, %swap3A_638], %gather3A_636 {strides = array<i32>} : memref<128x64xf32, #tpu.memory_space<vmem>>, vector<16xf32>,
      %iota3A_640 = tpu.iota {dimensions = array<i32: 0>} : vector<16xi32>
      %add3A_641 = arith.constant 32 : i32
      %add3A_642 = vector.broadcast %add3A_641 : i32 to vector<16xi32>
      %add3A_643 = arith.addi %iota3A_640, %add3A_642 : vector<16xi32>
      %gather3A_644 = arith.constant 5 : i32
      %gather3A_645 = arith.constant 0 : i32
      %gather3A_646 = arith.constant 0 : i32
      %gather3A_647 = tpu.memref_slice %arg6[%gather3A_644, %gather3A_645, %gather3A_646] : memref<8x64x128xf32, #tpu.memory_space<vmem>> -> memref<1x64x128xf32, #tpu.memory_space<vmem>>
      %gather3A_648 = tpu.memref_squeeze %gather3A_647 : memref<1x64x128xf32, #tpu.memory_space<vmem>> -> memref<64x128xf32, #tpu.memory_space<vmem>>
      %gather3A_649 = tpu.vector_load_idx %gather3A_648[%add3A_643, %broadcast_in_dim3A_613] : memref<64x128xf32, #tpu.memory_space<vmem>>[vector<16xi32>, vector<16xi32>], vector<16xf32>,
      %swap3A_650 = arith.index_cast %and3A_610 : i32 to index
      %swap3A_651 = arith.constant 32 : index
      %swap3A_652 = tpu.vector_load %arg7[%swap3A_650, %swap3A_651] {strides = array<i32>} : memref<128x64xf32, #tpu.memory_space<vmem>>, vector<16xf32>,
      tpu.vector_store %arg7[%swap3A_650, %swap3A_651], %gather3A_649 {strides = array<i32>} : memref<128x64xf32, #tpu.memory_space<vmem>>, vector<16xf32>,
      %iota3A_653 = tpu.iota {dimensions = array<i32: 0>} : vector<16xi32>
      %add3A_654 = arith.constant 48 : i32
      %add3A_655 = vector.broadcast %add3A_654 : i32 to vector<16xi32>
      %add3A_656 = arith.addi %iota3A_653, %add3A_655 : vector<16xi32>
      %gather3A_657 = arith.constant 5 : i32
      %gather3A_658 = arith.constant 0 : i32
      %gather3A_659 = arith.constant 0 : i32
      %gather3A_660 = tpu.memref_slice %arg6[%gather3A_657, %gather3A_658, %gather3A_659] : memref<8x64x128xf32, #tpu.memory_space<vmem>> -> memref<1x64x128xf32, #tpu.memory_space<vmem>>
      %gather3A_661 = tpu.memref_squeeze %gather3A_660 : memref<1x64x128xf32, #tpu.memory_space<vmem>> -> memref<64x128xf32, #tpu.memory_space<vmem>>
      %gather3A_662 = tpu.vector_load_idx %gather3A_661[%add3A_656, %broadcast_in_dim3A_613] : memref<64x128xf32, #tpu.memory_space<vmem>>[vector<16xi32>, vector<16xi32>], vector<16xf32>,
      %swap3A_663 = arith.index_cast %and3A_610 : i32 to index
      %swap3A_664 = arith.constant 48 : index
      %swap3A_665 = tpu.vector_load %arg7[%swap3A_663, %swap3A_664] {strides = array<i32>} : memref<128x64xf32, #tpu.memory_space<vmem>>, vector<16xf32>,
      tpu.vector_store %arg7[%swap3A_663, %swap3A_664], %gather3A_662 {strides = array<i32>} : memref<128x64xf32, #tpu.memory_space<vmem>>, vector<16xf32>,
      %slice3A_666 = vector.extract_strided_slice %get3A_168 {offsets = [13], sizes = [1], strides = [1]} : vector<16xi32> to vector<1xi32>
      %squeeze3A_667 = vector.extract %slice3A_666[0] : i32 from vector<1xi32>
      %add3A_668 = arith.constant 8 : i32
      %add3A_669 = arith.addi %add3A_591, %add3A_668 : i32
      %lt3A_670 = arith.constant 256 : i32
      %lt3A_671 = arith.cmpi slt, %add3A_669, %lt3A_670 : i32
      %convert_element_type3A_672 = arith.extui %lt3A_671 : i1 to i32
      %cond3A_673 = arith.constant 0 : i32
      %cond3A_674 = arith.cmpi ne, %convert_element_type3A_672, %cond3A_673 : i32
      scf.if %cond3A_674 {
        %shift_right_arithmetic3A_1534 = arith.constant 7 : i32
        %shift_right_arithmetic3A_1535 = arith.shrsi %squeeze3A_667, %shift_right_arithmetic3A_1534 : i32
        %mul3A_1536 = arith.constant 128 : i32
        %mul3A_1537 = arith.muli %shift_right_arithmetic3A_1535, %mul3A_1536 : i32
        %multiple_of3A_1538 = tpu.assume_multiple %mul3A_1537, 128 : i32
        %dma_start3A_1539 = arith.constant 5 : i32
        %dma_start3A_1540 = arith.constant 0 : i32
        %dma_start3A_1541 = arith.constant 0 : i32
        %dma_start3A_1542 = tpu.memref_slice %arg6[%dma_start3A_1539, %dma_start3A_1540, %dma_start3A_1541] : memref<8x64x128xf32, #tpu.memory_space<vmem>> -> memref<1x64x128xf32, #tpu.memory_space<vmem>>
        %dma_start3A_1543 = tpu.memref_squeeze %dma_start3A_1542 : memref<1x64x128xf32, #tpu.memory_space<vmem>> -> memref<64x128xf32, #tpu.memory_space<vmem>>
        %dma_start3A_1544 = arith.constant 0 : i32
        %dma_start3A_1545 = tpu.memref_slice %arg3[%dma_start3A_1544, %multiple_of3A_1538] : memref<64x1000000xf32, #tpu.memory_space<hbm>> -> memref<64x128xf32, #tpu.memory_space<hbm>>
        %dma_start3A_1546 = arith.constant 0 : i32
        %dma_start3A_1547 = arith.constant 0 : i32
        %dma_start3A_1548 = tpu.memref_slice %arg6[%dma_start3A_1539, %dma_start3A_1546, %dma_start3A_1547] : memref<8x64x128xf32, #tpu.memory_space<vmem>> -> memref<1x64x128xf32, #tpu.memory_space<vmem>>
        %dma_start3A_1549 = tpu.memref_squeeze %dma_start3A_1548 : memref<1x64x128xf32, #tpu.memory_space<vmem>> -> memref<64x128xf32, #tpu.memory_space<vmem>>
        %dma_start3A_1550 = arith.constant 0 : i32
        %dma_start3A_1551 = tpu.memref_slice %arg3[%dma_start3A_1550, %multiple_of3A_1538] : memref<64x1000000xf32, #tpu.memory_space<hbm>> -> memref<64x128xf32, #tpu.memory_space<hbm>>
        tpu.enqueue_dma source(%dma_start3A_1551 : memref<64x128xf32, #tpu.memory_space<hbm>>) target(%dma_start3A_1549 : memref<64x128xf32, #tpu.memory_space<vmem>>) target_semaphore(%arg13 : memref<!tpu.dma_semaphore, #tpu.memory_space<semaphore_mem>>)
      } else {
      }
      %add3A_675 = arith.constant 6 : i32
      %add3A_676 = arith.addi %mul3A_166, %add3A_675 : i32
      %dma_wait3A_677 = arith.constant 6 : i32
      %dma_wait3A_678 = arith.constant 0 : i32
      %dma_wait3A_679 = arith.constant 0 : i32
      %dma_wait3A_680 = tpu.memref_slice %arg6[%dma_wait3A_677, %dma_wait3A_678, %dma_wait3A_679] : memref<8x64x128xf32, #tpu.memory_space<vmem>> -> memref<1x64x128xf32, #tpu.memory_space<vmem>>
      %dma_wait3A_681 = tpu.memref_squeeze %dma_wait3A_680 : memref<1x64x128xf32, #tpu.memory_space<vmem>> -> memref<64x128xf32, #tpu.memory_space<vmem>>
      %dma_wait3A_682 = arith.constant 0 : i32
      %dma_wait3A_683 = arith.constant 0 : i32
      %dma_wait3A_684 = tpu.memref_slice %arg3[%dma_wait3A_682, %dma_wait3A_683] : memref<64x1000000xf32, #tpu.memory_space<hbm>> -> memref<64x128xf32, #tpu.memory_space<hbm>>
      %dma_wait3A_685 = arith.constant 0 : i32
      %dma_wait3A_686 = arith.constant 0 : i32
      %dma_wait3A_687 = tpu.memref_slice %arg6[%dma_wait3A_677, %dma_wait3A_685, %dma_wait3A_686] : memref<8x64x128xf32, #tpu.memory_space<vmem>> -> memref<1x64x128xf32, #tpu.memory_space<vmem>>
      %dma_wait3A_688 = tpu.memref_squeeze %dma_wait3A_687 : memref<1x64x128xf32, #tpu.memory_space<vmem>> -> memref<64x128xf32, #tpu.memory_space<vmem>>
      %dma_wait3A_689 = arith.constant 0 : i32
      %dma_wait3A_690 = arith.constant 0 : i32
      %dma_wait3A_691 = tpu.memref_slice %arg3[%dma_wait3A_689, %dma_wait3A_690] : memref<64x1000000xf32, #tpu.memory_space<hbm>> -> memref<64x128xf32, #tpu.memory_space<hbm>>
      tpu.wait_dma2 semaphore(%arg14 : memref<!tpu.dma_semaphore, #tpu.memory_space<semaphore_mem>>) src(%dma_wait3A_691 : memref<64x128xf32, #tpu.memory_space<hbm>>) dst(%dma_wait3A_688 : memref<64x128xf32, #tpu.memory_space<vmem>>)
      %slice3A_692 = vector.extract_strided_slice %get3A_168 {offsets = [6], sizes = [1], strides = [1]} : vector<16xi32> to vector<1xi32>
      %squeeze3A_693 = vector.extract %slice3A_692[0] : i32 from vector<1xi32>
      %and3A_694 = arith.constant 127 : i32
      %and3A_695 = arith.andi %add3A_676, %and3A_694 : i32
      %and3A_696 = arith.constant 127 : i32
      %and3A_697 = arith.andi %squeeze3A_693, %and3A_696 : i32
      %broadcast_in_dim3A_698 = vector.broadcast %and3A_697 : i32 to vector<16xi32>
      %iota3A_699 = tpu.iota {dimensions = array<i32: 0>} : vector<16xi32>
      %add3A_700 = arith.constant 0 : i32
      %add3A_701 = vector.broadcast %add3A_700 : i32 to vector<16xi32>
      %add3A_702 = arith.addi %iota3A_699, %add3A_701 : vector<16xi32>
      %gather3A_703 = arith.constant 6 : i32
      %gather3A_704 = arith.constant 0 : i32
      %gather3A_705 = arith.constant 0 : i32
      %gather3A_706 = tpu.memref_slice %arg6[%gather3A_703, %gather3A_704, %gather3A_705] : memref<8x64x128xf32, #tpu.memory_space<vmem>> -> memref<1x64x128xf32, #tpu.memory_space<vmem>>
      %gather3A_707 = tpu.memref_squeeze %gather3A_706 : memref<1x64x128xf32, #tpu.memory_space<vmem>> -> memref<64x128xf32, #tpu.memory_space<vmem>>
      %gather3A_708 = tpu.vector_load_idx %gather3A_707[%add3A_702, %broadcast_in_dim3A_698] : memref<64x128xf32, #tpu.memory_space<vmem>>[vector<16xi32>, vector<16xi32>], vector<16xf32>,
      %swap3A_709 = arith.index_cast %and3A_695 : i32 to index
      %swap3A_710 = arith.constant 0 : index
      %swap3A_711 = tpu.vector_load %arg7[%swap3A_709, %swap3A_710] {strides = array<i32>} : memref<128x64xf32, #tpu.memory_space<vmem>>, vector<16xf32>,
      tpu.vector_store %arg7[%swap3A_709, %swap3A_710], %gather3A_708 {strides = array<i32>} : memref<128x64xf32, #tpu.memory_space<vmem>>, vector<16xf32>,
      %iota3A_712 = tpu.iota {dimensions = array<i32: 0>} : vector<16xi32>
      %add3A_713 = arith.constant 16 : i32
      %add3A_714 = vector.broadcast %add3A_713 : i32 to vector<16xi32>
      %add3A_715 = arith.addi %iota3A_712, %add3A_714 : vector<16xi32>
      %gather3A_716 = arith.constant 6 : i32
      %gather3A_717 = arith.constant 0 : i32
      %gather3A_718 = arith.constant 0 : i32
      %gather3A_719 = tpu.memref_slice %arg6[%gather3A_716, %gather3A_717, %gather3A_718] : memref<8x64x128xf32, #tpu.memory_space<vmem>> -> memref<1x64x128xf32, #tpu.memory_space<vmem>>
      %gather3A_720 = tpu.memref_squeeze %gather3A_719 : memref<1x64x128xf32, #tpu.memory_space<vmem>> -> memref<64x128xf32, #tpu.memory_space<vmem>>
      %gather3A_721 = tpu.vector_load_idx %gather3A_720[%add3A_715, %broadcast_in_dim3A_698] : memref<64x128xf32, #tpu.memory_space<vmem>>[vector<16xi32>, vector<16xi32>], vector<16xf32>,
      %swap3A_722 = arith.index_cast %and3A_695 : i32 to index
      %swap3A_723 = arith.constant 16 : index
      %swap3A_724 = tpu.vector_load %arg7[%swap3A_722, %swap3A_723] {strides = array<i32>} : memref<128x64xf32, #tpu.memory_space<vmem>>, vector<16xf32>,
      tpu.vector_store %arg7[%swap3A_722, %swap3A_723], %gather3A_721 {strides = array<i32>} : memref<128x64xf32, #tpu.memory_space<vmem>>, vector<16xf32>,
      %iota3A_725 = tpu.iota {dimensions = array<i32: 0>} : vector<16xi32>
      %add3A_726 = arith.constant 32 : i32
      %add3A_727 = vector.broadcast %add3A_726 : i32 to vector<16xi32>
      %add3A_728 = arith.addi %iota3A_725, %add3A_727 : vector<16xi32>
      %gather3A_729 = arith.constant 6 : i32
      %gather3A_730 = arith.constant 0 : i32
      %gather3A_731 = arith.constant 0 : i32
      %gather3A_732 = tpu.memref_slice %arg6[%gather3A_729, %gather3A_730, %gather3A_731] : memref<8x64x128xf32, #tpu.memory_space<vmem>> -> memref<1x64x128xf32, #tpu.memory_space<vmem>>
      %gather3A_733 = tpu.memref_squeeze %gather3A_732 : memref<1x64x128xf32, #tpu.memory_space<vmem>> -> memref<64x128xf32, #tpu.memory_space<vmem>>
      %gather3A_734 = tpu.vector_load_idx %gather3A_733[%add3A_728, %broadcast_in_dim3A_698] : memref<64x128xf32, #tpu.memory_space<vmem>>[vector<16xi32>, vector<16xi32>], vector<16xf32>,
      %swap3A_735 = arith.index_cast %and3A_695 : i32 to index
      %swap3A_736 = arith.constant 32 : index
      %swap3A_737 = tpu.vector_load %arg7[%swap3A_735, %swap3A_736] {strides = array<i32>} : memref<128x64xf32, #tpu.memory_space<vmem>>, vector<16xf32>,
      tpu.vector_store %arg7[%swap3A_735, %swap3A_736], %gather3A_734 {strides = array<i32>} : memref<128x64xf32, #tpu.memory_space<vmem>>, vector<16xf32>,
      %iota3A_738 = tpu.iota {dimensions = array<i32: 0>} : vector<16xi32>
      %add3A_739 = arith.constant 48 : i32
      %add3A_740 = vector.broadcast %add3A_739 : i32 to vector<16xi32>
      %add3A_741 = arith.addi %iota3A_738, %add3A_740 : vector<16xi32>
      %gather3A_742 = arith.constant 6 : i32
      %gather3A_743 = arith.constant 0 : i32
      %gather3A_744 = arith.constant 0 : i32
      %gather3A_745 = tpu.memref_slice %arg6[%gather3A_742, %gather3A_743, %gather3A_744] : memref<8x64x128xf32, #tpu.memory_space<vmem>> -> memref<1x64x128xf32, #tpu.memory_space<vmem>>
      %gather3A_746 = tpu.memref_squeeze %gather3A_745 : memref<1x64x128xf32, #tpu.memory_space<vmem>> -> memref<64x128xf32, #tpu.memory_space<vmem>>
      %gather3A_747 = tpu.vector_load_idx %gather3A_746[%add3A_741, %broadcast_in_dim3A_698] : memref<64x128xf32, #tpu.memory_space<vmem>>[vector<16xi32>, vector<16xi32>], vector<16xf32>,
      %swap3A_748 = arith.index_cast %and3A_695 : i32 to index
      %swap3A_749 = arith.constant 48 : index
      %swap3A_750 = tpu.vector_load %arg7[%swap3A_748, %swap3A_749] {strides = array<i32>} : memref<128x64xf32, #tpu.memory_space<vmem>>, vector<16xf32>,
      tpu.vector_store %arg7[%swap3A_748, %swap3A_749], %gather3A_747 {strides = array<i32>} : memref<128x64xf32, #tpu.memory_space<vmem>>, vector<16xf32>,
      %slice3A_751 = vector.extract_strided_slice %get3A_168 {offsets = [14], sizes = [1], strides = [1]} : vector<16xi32> to vector<1xi32>
      %squeeze3A_752 = vector.extract %slice3A_751[0] : i32 from vector<1xi32>
      %add3A_753 = arith.constant 8 : i32
      %add3A_754 = arith.addi %add3A_676, %add3A_753 : i32
      %lt3A_755 = arith.constant 256 : i32
      %lt3A_756 = arith.cmpi slt, %add3A_754, %lt3A_755 : i32
      %convert_element_type3A_757 = arith.extui %lt3A_756 : i1 to i32
      %cond3A_758 = arith.constant 0 : i32
      %cond3A_759 = arith.cmpi ne, %convert_element_type3A_757, %cond3A_758 : i32
      scf.if %cond3A_759 {
        %shift_right_arithmetic3A_1534 = arith.constant 7 : i32
        %shift_right_arithmetic3A_1535 = arith.shrsi %squeeze3A_752, %shift_right_arithmetic3A_1534 : i32
        %mul3A_1536 = arith.constant 128 : i32
        %mul3A_1537 = arith.muli %shift_right_arithmetic3A_1535, %mul3A_1536 : i32
        %multiple_of3A_1538 = tpu.assume_multiple %mul3A_1537, 128 : i32
        %dma_start3A_1539 = arith.constant 6 : i32
        %dma_start3A_1540 = arith.constant 0 : i32
        %dma_start3A_1541 = arith.constant 0 : i32
        %dma_start3A_1542 = tpu.memref_slice %arg6[%dma_start3A_1539, %dma_start3A_1540, %dma_start3A_1541] : memref<8x64x128xf32, #tpu.memory_space<vmem>> -> memref<1x64x128xf32, #tpu.memory_space<vmem>>
        %dma_start3A_1543 = tpu.memref_squeeze %dma_start3A_1542 : memref<1x64x128xf32, #tpu.memory_space<vmem>> -> memref<64x128xf32, #tpu.memory_space<vmem>>
        %dma_start3A_1544 = arith.constant 0 : i32
        %dma_start3A_1545 = tpu.memref_slice %arg3[%dma_start3A_1544, %multiple_of3A_1538] : memref<64x1000000xf32, #tpu.memory_space<hbm>> -> memref<64x128xf32, #tpu.memory_space<hbm>>
        %dma_start3A_1546 = arith.constant 0 : i32
        %dma_start3A_1547 = arith.constant 0 : i32
        %dma_start3A_1548 = tpu.memref_slice %arg6[%dma_start3A_1539, %dma_start3A_1546, %dma_start3A_1547] : memref<8x64x128xf32, #tpu.memory_space<vmem>> -> memref<1x64x128xf32, #tpu.memory_space<vmem>>
        %dma_start3A_1549 = tpu.memref_squeeze %dma_start3A_1548 : memref<1x64x128xf32, #tpu.memory_space<vmem>> -> memref<64x128xf32, #tpu.memory_space<vmem>>
        %dma_start3A_1550 = arith.constant 0 : i32
        %dma_start3A_1551 = tpu.memref_slice %arg3[%dma_start3A_1550, %multiple_of3A_1538] : memref<64x1000000xf32, #tpu.memory_space<hbm>> -> memref<64x128xf32, #tpu.memory_space<hbm>>
        tpu.enqueue_dma source(%dma_start3A_1551 : memref<64x128xf32, #tpu.memory_space<hbm>>) target(%dma_start3A_1549 : memref<64x128xf32, #tpu.memory_space<vmem>>) target_semaphore(%arg14 : memref<!tpu.dma_semaphore, #tpu.memory_space<semaphore_mem>>)
      } else {
      }
      %add3A_760 = arith.constant 7 : i32
      %add3A_761 = arith.addi %mul3A_166, %add3A_760 : i32
      %dma_wait3A_762 = arith.constant 7 : i32
      %dma_wait3A_763 = arith.constant 0 : i32
      %dma_wait3A_764 = arith.constant 0 : i32
      %dma_wait3A_765 = tpu.memref_slice %arg6[%dma_wait3A_762, %dma_wait3A_763, %dma_wait3A_764] : memref<8x64x128xf32, #tpu.memory_space<vmem>> -> memref<1x64x128xf32, #tpu.memory_space<vmem>>
      %dma_wait3A_766 = tpu.memref_squeeze %dma_wait3A_765 : memref<1x64x128xf32, #tpu.memory_space<vmem>> -> memref<64x128xf32, #tpu.memory_space<vmem>>
      %dma_wait3A_767 = arith.constant 0 : i32
      %dma_wait3A_768 = arith.constant 0 : i32
      %dma_wait3A_769 = tpu.memref_slice %arg3[%dma_wait3A_767, %dma_wait3A_768] : memref<64x1000000xf32, #tpu.memory_space<hbm>> -> memref<64x128xf32, #tpu.memory_space<hbm>>
      %dma_wait3A_770 = arith.constant 0 : i32
      %dma_wait3A_771 = arith.constant 0 : i32
      %dma_wait3A_772 = tpu.memref_slice %arg6[%dma_wait3A_762, %dma_wait3A_770, %dma_wait3A_771] : memref<8x64x128xf32, #tpu.memory_space<vmem>> -> memref<1x64x128xf32, #tpu.memory_space<vmem>>
      %dma_wait3A_773 = tpu.memref_squeeze %dma_wait3A_772 : memref<1x64x128xf32, #tpu.memory_space<vmem>> -> memref<64x128xf32, #tpu.memory_space<vmem>>
      %dma_wait3A_774 = arith.constant 0 : i32
      %dma_wait3A_775 = arith.constant 0 : i32
      %dma_wait3A_776 = tpu.memref_slice %arg3[%dma_wait3A_774, %dma_wait3A_775] : memref<64x1000000xf32, #tpu.memory_space<hbm>> -> memref<64x128xf32, #tpu.memory_space<hbm>>
      tpu.wait_dma2 semaphore(%arg15 : memref<!tpu.dma_semaphore, #tpu.memory_space<semaphore_mem>>) src(%dma_wait3A_776 : memref<64x128xf32, #tpu.memory_space<hbm>>) dst(%dma_wait3A_773 : memref<64x128xf32, #tpu.memory_space<vmem>>)
      %slice3A_777 = vector.extract_strided_slice %get3A_168 {offsets = [7], sizes = [1], strides = [1]} : vector<16xi32> to vector<1xi32>
      %squeeze3A_778 = vector.extract %slice3A_777[0] : i32 from vector<1xi32>
      %and3A_779 = arith.constant 127 : i32
      %and3A_780 = arith.andi %add3A_761, %and3A_779 : i32
      %and3A_781 = arith.constant 127 : i32
      %and3A_782 = arith.andi %squeeze3A_778, %and3A_781 : i32
      %broadcast_in_dim3A_783 = vector.broadcast %and3A_782 : i32 to vector<16xi32>
      %iota3A_784 = tpu.iota {dimensions = array<i32: 0>} : vector<16xi32>
      %add3A_785 = arith.constant 0 : i32
      %add3A_786 = vector.broadcast %add3A_785 : i32 to vector<16xi32>
      %add3A_787 = arith.addi %iota3A_784, %add3A_786 : vector<16xi32>
      %gather3A_788 = arith.constant 7 : i32
      %gather3A_789 = arith.constant 0 : i32
      %gather3A_790 = arith.constant 0 : i32
      %gather3A_791 = tpu.memref_slice %arg6[%gather3A_788, %gather3A_789, %gather3A_790] : memref<8x64x128xf32, #tpu.memory_space<vmem>> -> memref<1x64x128xf32, #tpu.memory_space<vmem>>
      %gather3A_792 = tpu.memref_squeeze %gather3A_791 : memref<1x64x128xf32, #tpu.memory_space<vmem>> -> memref<64x128xf32, #tpu.memory_space<vmem>>
      %gather3A_793 = tpu.vector_load_idx %gather3A_792[%add3A_787, %broadcast_in_dim3A_783] : memref<64x128xf32, #tpu.memory_space<vmem>>[vector<16xi32>, vector<16xi32>], vector<16xf32>,
      %swap3A_794 = arith.index_cast %and3A_780 : i32 to index
      %swap3A_795 = arith.constant 0 : index
      %swap3A_796 = tpu.vector_load %arg7[%swap3A_794, %swap3A_795] {strides = array<i32>} : memref<128x64xf32, #tpu.memory_space<vmem>>, vector<16xf32>,
      tpu.vector_store %arg7[%swap3A_794, %swap3A_795], %gather3A_793 {strides = array<i32>} : memref<128x64xf32, #tpu.memory_space<vmem>>, vector<16xf32>,
      %iota3A_797 = tpu.iota {dimensions = array<i32: 0>} : vector<16xi32>
      %add3A_798 = arith.constant 16 : i32
      %add3A_799 = vector.broadcast %add3A_798 : i32 to vector<16xi32>
      %add3A_800 = arith.addi %iota3A_797, %add3A_799 : vector<16xi32>
      %gather3A_801 = arith.constant 7 : i32
      %gather3A_802 = arith.constant 0 : i32
      %gather3A_803 = arith.constant 0 : i32
      %gather3A_804 = tpu.memref_slice %arg6[%gather3A_801, %gather3A_802, %gather3A_803] : memref<8x64x128xf32, #tpu.memory_space<vmem>> -> memref<1x64x128xf32, #tpu.memory_space<vmem>>
      %gather3A_805 = tpu.memref_squeeze %gather3A_804 : memref<1x64x128xf32, #tpu.memory_space<vmem>> -> memref<64x128xf32, #tpu.memory_space<vmem>>
      %gather3A_806 = tpu.vector_load_idx %gather3A_805[%add3A_800, %broadcast_in_dim3A_783] : memref<64x128xf32, #tpu.memory_space<vmem>>[vector<16xi32>, vector<16xi32>], vector<16xf32>,
      %swap3A_807 = arith.index_cast %and3A_780 : i32 to index
      %swap3A_808 = arith.constant 16 : index
      %swap3A_809 = tpu.vector_load %arg7[%swap3A_807, %swap3A_808] {strides = array<i32>} : memref<128x64xf32, #tpu.memory_space<vmem>>, vector<16xf32>,
      tpu.vector_store %arg7[%swap3A_807, %swap3A_808], %gather3A_806 {strides = array<i32>} : memref<128x64xf32, #tpu.memory_space<vmem>>, vector<16xf32>,
      %iota3A_810 = tpu.iota {dimensions = array<i32: 0>} : vector<16xi32>
      %add3A_811 = arith.constant 32 : i32
      %add3A_812 = vector.broadcast %add3A_811 : i32 to vector<16xi32>
      %add3A_813 = arith.addi %iota3A_810, %add3A_812 : vector<16xi32>
      %gather3A_814 = arith.constant 7 : i32
      %gather3A_815 = arith.constant 0 : i32
      %gather3A_816 = arith.constant 0 : i32
      %gather3A_817 = tpu.memref_slice %arg6[%gather3A_814, %gather3A_815, %gather3A_816] : memref<8x64x128xf32, #tpu.memory_space<vmem>> -> memref<1x64x128xf32, #tpu.memory_space<vmem>>
      %gather3A_818 = tpu.memref_squeeze %gather3A_817 : memref<1x64x128xf32, #tpu.memory_space<vmem>> -> memref<64x128xf32, #tpu.memory_space<vmem>>
      %gather3A_819 = tpu.vector_load_idx %gather3A_818[%add3A_813, %broadcast_in_dim3A_783] : memref<64x128xf32, #tpu.memory_space<vmem>>[vector<16xi32>, vector<16xi32>], vector<16xf32>,
      %swap3A_820 = arith.index_cast %and3A_780 : i32 to index
      %swap3A_821 = arith.constant 32 : index
      %swap3A_822 = tpu.vector_load %arg7[%swap3A_820, %swap3A_821] {strides = array<i32>} : memref<128x64xf32, #tpu.memory_space<vmem>>, vector<16xf32>,
      tpu.vector_store %arg7[%swap3A_820, %swap3A_821], %gather3A_819 {strides = array<i32>} : memref<128x64xf32, #tpu.memory_space<vmem>>, vector<16xf32>,
      %iota3A_823 = tpu.iota {dimensions = array<i32: 0>} : vector<16xi32>
      %add3A_824 = arith.constant 48 : i32
      %add3A_825 = vector.broadcast %add3A_824 : i32 to vector<16xi32>
      %add3A_826 = arith.addi %iota3A_823, %add3A_825 : vector<16xi32>
      %gather3A_827 = arith.constant 7 : i32
      %gather3A_828 = arith.constant 0 : i32
      %gather3A_829 = arith.constant 0 : i32
      %gather3A_830 = tpu.memref_slice %arg6[%gather3A_827, %gather3A_828, %gather3A_829] : memref<8x64x128xf32, #tpu.memory_space<vmem>> -> memref<1x64x128xf32, #tpu.memory_space<vmem>>
      %gather3A_831 = tpu.memref_squeeze %gather3A_830 : memref<1x64x128xf32, #tpu.memory_space<vmem>> -> memref<64x128xf32, #tpu.memory_space<vmem>>
      %gather3A_832 = tpu.vector_load_idx %gather3A_831[%add3A_826, %broadcast_in_dim3A_783] : memref<64x128xf32, #tpu.memory_space<vmem>>[vector<16xi32>, vector<16xi32>], vector<16xf32>,
      %swap3A_833 = arith.index_cast %and3A_780 : i32 to index
      %swap3A_834 = arith.constant 48 : index
      %swap3A_835 = tpu.vector_load %arg7[%swap3A_833, %swap3A_834] {strides = array<i32>} : memref<128x64xf32, #tpu.memory_space<vmem>>, vector<16xf32>,
      tpu.vector_store %arg7[%swap3A_833, %swap3A_834], %gather3A_832 {strides = array<i32>} : memref<128x64xf32, #tpu.memory_space<vmem>>, vector<16xf32>,
      %slice3A_836 = vector.extract_strided_slice %get3A_168 {offsets = [15], sizes = [1], strides = [1]} : vector<16xi32> to vector<1xi32>
      %squeeze3A_837 = vector.extract %slice3A_836[0] : i32 from vector<1xi32>
      %add3A_838 = arith.constant 8 : i32
      %add3A_839 = arith.addi %add3A_761, %add3A_838 : i32
      %lt3A_840 = arith.constant 256 : i32
      %lt3A_841 = arith.cmpi slt, %add3A_839, %lt3A_840 : i32
      %convert_element_type3A_842 = arith.extui %lt3A_841 : i1 to i32
      %cond3A_843 = arith.constant 0 : i32
      %cond3A_844 = arith.cmpi ne, %convert_element_type3A_842, %cond3A_843 : i32
      scf.if %cond3A_844 {
        %shift_right_arithmetic3A_1534 = arith.constant 7 : i32
        %shift_right_arithmetic3A_1535 = arith.shrsi %squeeze3A_837, %shift_right_arithmetic3A_1534 : i32
        %mul3A_1536 = arith.constant 128 : i32
        %mul3A_1537 = arith.muli %shift_right_arithmetic3A_1535, %mul3A_1536 : i32
        %multiple_of3A_1538 = tpu.assume_multiple %mul3A_1537, 128 : i32
        %dma_start3A_1539 = arith.constant 7 : i32
        %dma_start3A_1540 = arith.constant 0 : i32
        %dma_start3A_1541 = arith.constant 0 : i32
        %dma_start3A_1542 = tpu.memref_slice %arg6[%dma_start3A_1539, %dma_start3A_1540, %dma_start3A_1541] : memref<8x64x128xf32, #tpu.memory_space<vmem>> -> memref<1x64x128xf32, #tpu.memory_space<vmem>>
        %dma_start3A_1543 = tpu.memref_squeeze %dma_start3A_1542 : memref<1x64x128xf32, #tpu.memory_space<vmem>> -> memref<64x128xf32, #tpu.memory_space<vmem>>
        %dma_start3A_1544 = arith.constant 0 : i32
        %dma_start3A_1545 = tpu.memref_slice %arg3[%dma_start3A_1544, %multiple_of3A_1538] : memref<64x1000000xf32, #tpu.memory_space<hbm>> -> memref<64x128xf32, #tpu.memory_space<hbm>>
        %dma_start3A_1546 = arith.constant 0 : i32
        %dma_start3A_1547 = arith.constant 0 : i32
        %dma_start3A_1548 = tpu.memref_slice %arg6[%dma_start3A_1539, %dma_start3A_1546, %dma_start3A_1547] : memref<8x64x128xf32, #tpu.memory_space<vmem>> -> memref<1x64x128xf32, #tpu.memory_space<vmem>>
        %dma_start3A_1549 = tpu.memref_squeeze %dma_start3A_1548 : memref<1x64x128xf32, #tpu.memory_space<vmem>> -> memref<64x128xf32, #tpu.memory_space<vmem>>
        %dma_start3A_1550 = arith.constant 0 : i32
        %dma_start3A_1551 = tpu.memref_slice %arg3[%dma_start3A_1550, %multiple_of3A_1538] : memref<64x1000000xf32, #tpu.memory_space<hbm>> -> memref<64x128xf32, #tpu.memory_space<hbm>>
        tpu.enqueue_dma source(%dma_start3A_1551 : memref<64x128xf32, #tpu.memory_space<hbm>>) target(%dma_start3A_1549 : memref<64x128xf32, #tpu.memory_space<vmem>>) target_semaphore(%arg15 : memref<!tpu.dma_semaphore, #tpu.memory_space<semaphore_mem>>)
      } else {
      }
      %add3A_845 = arith.constant 8 : i32
      %add3A_846 = arith.addi %mul3A_166, %add3A_845 : i32
      %dma_wait3A_847 = arith.constant 0 : i32
      %dma_wait3A_848 = arith.constant 0 : i32
      %dma_wait3A_849 = arith.constant 0 : i32
      %dma_wait3A_850 = tpu.memref_slice %arg6[%dma_wait3A_847, %dma_wait3A_848, %dma_wait3A_849] : memref<8x64x128xf32, #tpu.memory_space<vmem>> -> memref<1x64x128xf32, #tpu.memory_space<vmem>>
      %dma_wait3A_851 = tpu.memref_squeeze %dma_wait3A_850 : memref<1x64x128xf32, #tpu.memory_space<vmem>> -> memref<64x128xf32, #tpu.memory_space<vmem>>
      %dma_wait3A_852 = arith.constant 0 : i32
      %dma_wait3A_853 = arith.constant 0 : i32
      %dma_wait3A_854 = tpu.memref_slice %arg3[%dma_wait3A_852, %dma_wait3A_853] : memref<64x1000000xf32, #tpu.memory_space<hbm>> -> memref<64x128xf32, #tpu.memory_space<hbm>>
      %dma_wait3A_855 = arith.constant 0 : i32
      %dma_wait3A_856 = arith.constant 0 : i32
      %dma_wait3A_857 = tpu.memref_slice %arg6[%dma_wait3A_847, %dma_wait3A_855, %dma_wait3A_856] : memref<8x64x128xf32, #tpu.memory_space<vmem>> -> memref<1x64x128xf32, #tpu.memory_space<vmem>>
      %dma_wait3A_858 = tpu.memref_squeeze %dma_wait3A_857 : memref<1x64x128xf32, #tpu.memory_space<vmem>> -> memref<64x128xf32, #tpu.memory_space<vmem>>
      %dma_wait3A_859 = arith.constant 0 : i32
      %dma_wait3A_860 = arith.constant 0 : i32
      %dma_wait3A_861 = tpu.memref_slice %arg3[%dma_wait3A_859, %dma_wait3A_860] : memref<64x1000000xf32, #tpu.memory_space<hbm>> -> memref<64x128xf32, #tpu.memory_space<hbm>>
      tpu.wait_dma2 semaphore(%arg8 : memref<!tpu.dma_semaphore, #tpu.memory_space<semaphore_mem>>) src(%dma_wait3A_861 : memref<64x128xf32, #tpu.memory_space<hbm>>) dst(%dma_wait3A_858 : memref<64x128xf32, #tpu.memory_space<vmem>>)
      %slice3A_862 = vector.extract_strided_slice %get3A_168 {offsets = [8], sizes = [1], strides = [1]} : vector<16xi32> to vector<1xi32>
      %squeeze3A_863 = vector.extract %slice3A_862[0] : i32 from vector<1xi32>
      %and3A_864 = arith.constant 127 : i32
      %and3A_865 = arith.andi %add3A_846, %and3A_864 : i32
      %and3A_866 = arith.constant 127 : i32
      %and3A_867 = arith.andi %squeeze3A_863, %and3A_866 : i32
      %broadcast_in_dim3A_868 = vector.broadcast %and3A_867 : i32 to vector<16xi32>
      %iota3A_869 = tpu.iota {dimensions = array<i32: 0>} : vector<16xi32>
      %add3A_870 = arith.constant 0 : i32
      %add3A_871 = vector.broadcast %add3A_870 : i32 to vector<16xi32>
      %add3A_872 = arith.addi %iota3A_869, %add3A_871 : vector<16xi32>
      %gather3A_873 = arith.constant 0 : i32
      %gather3A_874 = arith.constant 0 : i32
      %gather3A_875 = arith.constant 0 : i32
      %gather3A_876 = tpu.memref_slice %arg6[%gather3A_873, %gather3A_874, %gather3A_875] : memref<8x64x128xf32, #tpu.memory_space<vmem>> -> memref<1x64x128xf32, #tpu.memory_space<vmem>>
      %gather3A_877 = tpu.memref_squeeze %gather3A_876 : memref<1x64x128xf32, #tpu.memory_space<vmem>> -> memref<64x128xf32, #tpu.memory_space<vmem>>
      %gather3A_878 = tpu.vector_load_idx %gather3A_877[%add3A_872, %broadcast_in_dim3A_868] : memref<64x128xf32, #tpu.memory_space<vmem>>[vector<16xi32>, vector<16xi32>], vector<16xf32>,
      %swap3A_879 = arith.index_cast %and3A_865 : i32 to index
      %swap3A_880 = arith.constant 0 : index
      %swap3A_881 = tpu.vector_load %arg7[%swap3A_879, %swap3A_880] {strides = array<i32>} : memref<128x64xf32, #tpu.memory_space<vmem>>, vector<16xf32>,
      tpu.vector_store %arg7[%swap3A_879, %swap3A_880], %gather3A_878 {strides = array<i32>} : memref<128x64xf32, #tpu.memory_space<vmem>>, vector<16xf32>,
      %iota3A_882 = tpu.iota {dimensions = array<i32: 0>} : vector<16xi32>
      %add3A_883 = arith.constant 16 : i32
      %add3A_884 = vector.broadcast %add3A_883 : i32 to vector<16xi32>
      %add3A_885 = arith.addi %iota3A_882, %add3A_884 : vector<16xi32>
      %gather3A_886 = arith.constant 0 : i32
      %gather3A_887 = arith.constant 0 : i32
      %gather3A_888 = arith.constant 0 : i32
      %gather3A_889 = tpu.memref_slice %arg6[%gather3A_886, %gather3A_887, %gather3A_888] : memref<8x64x128xf32, #tpu.memory_space<vmem>> -> memref<1x64x128xf32, #tpu.memory_space<vmem>>
      %gather3A_890 = tpu.memref_squeeze %gather3A_889 : memref<1x64x128xf32, #tpu.memory_space<vmem>> -> memref<64x128xf32, #tpu.memory_space<vmem>>
      %gather3A_891 = tpu.vector_load_idx %gather3A_890[%add3A_885, %broadcast_in_dim3A_868] : memref<64x128xf32, #tpu.memory_space<vmem>>[vector<16xi32>, vector<16xi32>], vector<16xf32>,
      %swap3A_892 = arith.index_cast %and3A_865 : i32 to index
      %swap3A_893 = arith.constant 16 : index
      %swap3A_894 = tpu.vector_load %arg7[%swap3A_892, %swap3A_893] {strides = array<i32>} : memref<128x64xf32, #tpu.memory_space<vmem>>, vector<16xf32>,
      tpu.vector_store %arg7[%swap3A_892, %swap3A_893], %gather3A_891 {strides = array<i32>} : memref<128x64xf32, #tpu.memory_space<vmem>>, vector<16xf32>,
      %iota3A_895 = tpu.iota {dimensions = array<i32: 0>} : vector<16xi32>
      %add3A_896 = arith.constant 32 : i32
      %add3A_897 = vector.broadcast %add3A_896 : i32 to vector<16xi32>
      %add3A_898 = arith.addi %iota3A_895, %add3A_897 : vector<16xi32>
      %gather3A_899 = arith.constant 0 : i32
      %gather3A_900 = arith.constant 0 : i32
      %gather3A_901 = arith.constant 0 : i32
      %gather3A_902 = tpu.memref_slice %arg6[%gather3A_899, %gather3A_900, %gather3A_901] : memref<8x64x128xf32, #tpu.memory_space<vmem>> -> memref<1x64x128xf32, #tpu.memory_space<vmem>>
      %gather3A_903 = tpu.memref_squeeze %gather3A_902 : memref<1x64x128xf32, #tpu.memory_space<vmem>> -> memref<64x128xf32, #tpu.memory_space<vmem>>
      %gather3A_904 = tpu.vector_load_idx %gather3A_903[%add3A_898, %broadcast_in_dim3A_868] : memref<64x128xf32, #tpu.memory_space<vmem>>[vector<16xi32>, vector<16xi32>], vector<16xf32>,
      %swap3A_905 = arith.index_cast %and3A_865 : i32 to index
      %swap3A_906 = arith.constant 32 : index
      %swap3A_907 = tpu.vector_load %arg7[%swap3A_905, %swap3A_906] {strides = array<i32>} : memref<128x64xf32, #tpu.memory_space<vmem>>, vector<16xf32>,
      tpu.vector_store %arg7[%swap3A_905, %swap3A_906], %gather3A_904 {strides = array<i32>} : memref<128x64xf32, #tpu.memory_space<vmem>>, vector<16xf32>,
      %iota3A_908 = tpu.iota {dimensions = array<i32: 0>} : vector<16xi32>
      %add3A_909 = arith.constant 48 : i32
      %add3A_910 = vector.broadcast %add3A_909 : i32 to vector<16xi32>
      %add3A_911 = arith.addi %iota3A_908, %add3A_910 : vector<16xi32>
      %gather3A_912 = arith.constant 0 : i32
      %gather3A_913 = arith.constant 0 : i32
      %gather3A_914 = arith.constant 0 : i32
      %gather3A_915 = tpu.memref_slice %arg6[%gather3A_912, %gather3A_913, %gather3A_914] : memref<8x64x128xf32, #tpu.memory_space<vmem>> -> memref<1x64x128xf32, #tpu.memory_space<vmem>>
      %gather3A_916 = tpu.memref_squeeze %gather3A_915 : memref<1x64x128xf32, #tpu.memory_space<vmem>> -> memref<64x128xf32, #tpu.memory_space<vmem>>
      %gather3A_917 = tpu.vector_load_idx %gather3A_916[%add3A_911, %broadcast_in_dim3A_868] : memref<64x128xf32, #tpu.memory_space<vmem>>[vector<16xi32>, vector<16xi32>], vector<16xf32>,
      %swap3A_918 = arith.index_cast %and3A_865 : i32 to index
      %swap3A_919 = arith.constant 48 : index
      %swap3A_920 = tpu.vector_load %arg7[%swap3A_918, %swap3A_919] {strides = array<i32>} : memref<128x64xf32, #tpu.memory_space<vmem>>, vector<16xf32>,
      tpu.vector_store %arg7[%swap3A_918, %swap3A_919], %gather3A_917 {strides = array<i32>} : memref<128x64xf32, #tpu.memory_space<vmem>>, vector<16xf32>,
      %slice3A_921 = vector.extract_strided_slice %get3A_173 {offsets = [0], sizes = [1], strides = [1]} : vector<16xi32> to vector<1xi32>
      %squeeze3A_922 = vector.extract %slice3A_921[0] : i32 from vector<1xi32>
      %add3A_923 = arith.constant 8 : i32
      %add3A_924 = arith.addi %add3A_846, %add3A_923 : i32
      %lt3A_925 = arith.constant 256 : i32
      %lt3A_926 = arith.cmpi slt, %add3A_924, %lt3A_925 : i32
      %convert_element_type3A_927 = arith.extui %lt3A_926 : i1 to i32
      %cond3A_928 = arith.constant 0 : i32
      %cond3A_929 = arith.cmpi ne, %convert_element_type3A_927, %cond3A_928 : i32
      scf.if %cond3A_929 {
        %shift_right_arithmetic3A_1534 = arith.constant 7 : i32
        %shift_right_arithmetic3A_1535 = arith.shrsi %squeeze3A_922, %shift_right_arithmetic3A_1534 : i32
        %mul3A_1536 = arith.constant 128 : i32
        %mul3A_1537 = arith.muli %shift_right_arithmetic3A_1535, %mul3A_1536 : i32
        %multiple_of3A_1538 = tpu.assume_multiple %mul3A_1537, 128 : i32
        %dma_start3A_1539 = arith.constant 0 : i32
        %dma_start3A_1540 = arith.constant 0 : i32
        %dma_start3A_1541 = arith.constant 0 : i32
        %dma_start3A_1542 = tpu.memref_slice %arg6[%dma_start3A_1539, %dma_start3A_1540, %dma_start3A_1541] : memref<8x64x128xf32, #tpu.memory_space<vmem>> -> memref<1x64x128xf32, #tpu.memory_space<vmem>>
        %dma_start3A_1543 = tpu.memref_squeeze %dma_start3A_1542 : memref<1x64x128xf32, #tpu.memory_space<vmem>> -> memref<64x128xf32, #tpu.memory_space<vmem>>
        %dma_start3A_1544 = arith.constant 0 : i32
        %dma_start3A_1545 = tpu.memref_slice %arg3[%dma_start3A_1544, %multiple_of3A_1538] : memref<64x1000000xf32, #tpu.memory_space<hbm>> -> memref<64x128xf32, #tpu.memory_space<hbm>>
        %dma_start3A_1546 = arith.constant 0 : i32
        %dma_start3A_1547 = arith.constant 0 : i32
        %dma_start3A_1548 = tpu.memref_slice %arg6[%dma_start3A_1539, %dma_start3A_1546, %dma_start3A_1547] : memref<8x64x128xf32, #tpu.memory_space<vmem>> -> memref<1x64x128xf32, #tpu.memory_space<vmem>>
        %dma_start3A_1549 = tpu.memref_squeeze %dma_start3A_1548 : memref<1x64x128xf32, #tpu.memory_space<vmem>> -> memref<64x128xf32, #tpu.memory_space<vmem>>
        %dma_start3A_1550 = arith.constant 0 : i32
        %dma_start3A_1551 = tpu.memref_slice %arg3[%dma_start3A_1550, %multiple_of3A_1538] : memref<64x1000000xf32, #tpu.memory_space<hbm>> -> memref<64x128xf32, #tpu.memory_space<hbm>>
        tpu.enqueue_dma source(%dma_start3A_1551 : memref<64x128xf32, #tpu.memory_space<hbm>>) target(%dma_start3A_1549 : memref<64x128xf32, #tpu.memory_space<vmem>>) target_semaphore(%arg8 : memref<!tpu.dma_semaphore, #tpu.memory_space<semaphore_mem>>)
      } else {
      }
      %add3A_930 = arith.constant 9 : i32
      %add3A_931 = arith.addi %mul3A_166, %add3A_930 : i32
      %dma_wait3A_932 = arith.constant 1 : i32
      %dma_wait3A_933 = arith.constant 0 : i32
      %dma_wait3A_934 = arith.constant 0 : i32
      %dma_wait3A_935 = tpu.memref_slice %arg6[%dma_wait3A_932, %dma_wait3A_933, %dma_wait3A_934] : memref<8x64x128xf32, #tpu.memory_space<vmem>> -> memref<1x64x128xf32, #tpu.memory_space<vmem>>
      %dma_wait3A_936 = tpu.memref_squeeze %dma_wait3A_935 : memref<1x64x128xf32, #tpu.memory_space<vmem>> -> memref<64x128xf32, #tpu.memory_space<vmem>>
      %dma_wait3A_937 = arith.constant 0 : i32
      %dma_wait3A_938 = arith.constant 0 : i32
      %dma_wait3A_939 = tpu.memref_slice %arg3[%dma_wait3A_937, %dma_wait3A_938] : memref<64x1000000xf32, #tpu.memory_space<hbm>> -> memref<64x128xf32, #tpu.memory_space<hbm>>
      %dma_wait3A_940 = arith.constant 0 : i32
      %dma_wait3A_941 = arith.constant 0 : i32
      %dma_wait3A_942 = tpu.memref_slice %arg6[%dma_wait3A_932, %dma_wait3A_940, %dma_wait3A_941] : memref<8x64x128xf32, #tpu.memory_space<vmem>> -> memref<1x64x128xf32, #tpu.memory_space<vmem>>
      %dma_wait3A_943 = tpu.memref_squeeze %dma_wait3A_942 : memref<1x64x128xf32, #tpu.memory_space<vmem>> -> memref<64x128xf32, #tpu.memory_space<vmem>>
      %dma_wait3A_944 = arith.constant 0 : i32
      %dma_wait3A_945 = arith.constant 0 : i32
      %dma_wait3A_946 = tpu.memref_slice %arg3[%dma_wait3A_944, %dma_wait3A_945] : memref<64x1000000xf32, #tpu.memory_space<hbm>> -> memref<64x128xf32, #tpu.memory_space<hbm>>
      tpu.wait_dma2 semaphore(%arg9 : memref<!tpu.dma_semaphore, #tpu.memory_space<semaphore_mem>>) src(%dma_wait3A_946 : memref<64x128xf32, #tpu.memory_space<hbm>>) dst(%dma_wait3A_943 : memref<64x128xf32, #tpu.memory_space<vmem>>)
      %slice3A_947 = vector.extract_strided_slice %get3A_168 {offsets = [9], sizes = [1], strides = [1]} : vector<16xi32> to vector<1xi32>
      %squeeze3A_948 = vector.extract %slice3A_947[0] : i32 from vector<1xi32>
      %and3A_949 = arith.constant 127 : i32
      %and3A_950 = arith.andi %add3A_931, %and3A_949 : i32
      %and3A_951 = arith.constant 127 : i32
      %and3A_952 = arith.andi %squeeze3A_948, %and3A_951 : i32
      %broadcast_in_dim3A_953 = vector.broadcast %and3A_952 : i32 to vector<16xi32>
      %iota3A_954 = tpu.iota {dimensions = array<i32: 0>} : vector<16xi32>
      %add3A_955 = arith.constant 0 : i32
      %add3A_956 = vector.broadcast %add3A_955 : i32 to vector<16xi32>
      %add3A_957 = arith.addi %iota3A_954, %add3A_956 : vector<16xi32>
      %gather3A_958 = arith.constant 1 : i32
      %gather3A_959 = arith.constant 0 : i32
      %gather3A_960 = arith.constant 0 : i32
      %gather3A_961 = tpu.memref_slice %arg6[%gather3A_958, %gather3A_959, %gather3A_960] : memref<8x64x128xf32, #tpu.memory_space<vmem>> -> memref<1x64x128xf32, #tpu.memory_space<vmem>>
      %gather3A_962 = tpu.memref_squeeze %gather3A_961 : memref<1x64x128xf32, #tpu.memory_space<vmem>> -> memref<64x128xf32, #tpu.memory_space<vmem>>
      %gather3A_963 = tpu.vector_load_idx %gather3A_962[%add3A_957, %broadcast_in_dim3A_953] : memref<64x128xf32, #tpu.memory_space<vmem>>[vector<16xi32>, vector<16xi32>], vector<16xf32>,
      %swap3A_964 = arith.index_cast %and3A_950 : i32 to index
      %swap3A_965 = arith.constant 0 : index
      %swap3A_966 = tpu.vector_load %arg7[%swap3A_964, %swap3A_965] {strides = array<i32>} : memref<128x64xf32, #tpu.memory_space<vmem>>, vector<16xf32>,
      tpu.vector_store %arg7[%swap3A_964, %swap3A_965], %gather3A_963 {strides = array<i32>} : memref<128x64xf32, #tpu.memory_space<vmem>>, vector<16xf32>,
      %iota3A_967 = tpu.iota {dimensions = array<i32: 0>} : vector<16xi32>
      %add3A_968 = arith.constant 16 : i32
      %add3A_969 = vector.broadcast %add3A_968 : i32 to vector<16xi32>
      %add3A_970 = arith.addi %iota3A_967, %add3A_969 : vector<16xi32>
      %gather3A_971 = arith.constant 1 : i32
      %gather3A_972 = arith.constant 0 : i32
      %gather3A_973 = arith.constant 0 : i32
      %gather3A_974 = tpu.memref_slice %arg6[%gather3A_971, %gather3A_972, %gather3A_973] : memref<8x64x128xf32, #tpu.memory_space<vmem>> -> memref<1x64x128xf32, #tpu.memory_space<vmem>>
      %gather3A_975 = tpu.memref_squeeze %gather3A_974 : memref<1x64x128xf32, #tpu.memory_space<vmem>> -> memref<64x128xf32, #tpu.memory_space<vmem>>
      %gather3A_976 = tpu.vector_load_idx %gather3A_975[%add3A_970, %broadcast_in_dim3A_953] : memref<64x128xf32, #tpu.memory_space<vmem>>[vector<16xi32>, vector<16xi32>], vector<16xf32>,
      %swap3A_977 = arith.index_cast %and3A_950 : i32 to index
      %swap3A_978 = arith.constant 16 : index
      %swap3A_979 = tpu.vector_load %arg7[%swap3A_977, %swap3A_978] {strides = array<i32>} : memref<128x64xf32, #tpu.memory_space<vmem>>, vector<16xf32>,
      tpu.vector_store %arg7[%swap3A_977, %swap3A_978], %gather3A_976 {strides = array<i32>} : memref<128x64xf32, #tpu.memory_space<vmem>>, vector<16xf32>,
      %iota3A_980 = tpu.iota {dimensions = array<i32: 0>} : vector<16xi32>
      %add3A_981 = arith.constant 32 : i32
      %add3A_982 = vector.broadcast %add3A_981 : i32 to vector<16xi32>
      %add3A_983 = arith.addi %iota3A_980, %add3A_982 : vector<16xi32>
      %gather3A_984 = arith.constant 1 : i32
      %gather3A_985 = arith.constant 0 : i32
      %gather3A_986 = arith.constant 0 : i32
      %gather3A_987 = tpu.memref_slice %arg6[%gather3A_984, %gather3A_985, %gather3A_986] : memref<8x64x128xf32, #tpu.memory_space<vmem>> -> memref<1x64x128xf32, #tpu.memory_space<vmem>>
      %gather3A_988 = tpu.memref_squeeze %gather3A_987 : memref<1x64x128xf32, #tpu.memory_space<vmem>> -> memref<64x128xf32, #tpu.memory_space<vmem>>
      %gather3A_989 = tpu.vector_load_idx %gather3A_988[%add3A_983, %broadcast_in_dim3A_953] : memref<64x128xf32, #tpu.memory_space<vmem>>[vector<16xi32>, vector<16xi32>], vector<16xf32>,
      %swap3A_990 = arith.index_cast %and3A_950 : i32 to index
      %swap3A_991 = arith.constant 32 : index
      %swap3A_992 = tpu.vector_load %arg7[%swap3A_990, %swap3A_991] {strides = array<i32>} : memref<128x64xf32, #tpu.memory_space<vmem>>, vector<16xf32>,
      tpu.vector_store %arg7[%swap3A_990, %swap3A_991], %gather3A_989 {strides = array<i32>} : memref<128x64xf32, #tpu.memory_space<vmem>>, vector<16xf32>,
      %iota3A_993 = tpu.iota {dimensions = array<i32: 0>} : vector<16xi32>
      %add3A_994 = arith.constant 48 : i32
      %add3A_995 = vector.broadcast %add3A_994 : i32 to vector<16xi32>
      %add3A_996 = arith.addi %iota3A_993, %add3A_995 : vector<16xi32>
      %gather3A_997 = arith.constant 1 : i32
      %gather3A_998 = arith.constant 0 : i32
      %gather3A_999 = arith.constant 0 : i32
      %gather3A_1000 = tpu.memref_slice %arg6[%gather3A_997, %gather3A_998, %gather3A_999] : memref<8x64x128xf32, #tpu.memory_space<vmem>> -> memref<1x64x128xf32, #tpu.memory_space<vmem>>
      %gather3A_1001 = tpu.memref_squeeze %gather3A_1000 : memref<1x64x128xf32, #tpu.memory_space<vmem>> -> memref<64x128xf32, #tpu.memory_space<vmem>>
      %gather3A_1002 = tpu.vector_load_idx %gather3A_1001[%add3A_996, %broadcast_in_dim3A_953] : memref<64x128xf32, #tpu.memory_space<vmem>>[vector<16xi32>, vector<16xi32>], vector<16xf32>,
      %swap3A_1003 = arith.index_cast %and3A_950 : i32 to index
      %swap3A_1004 = arith.constant 48 : index
      %swap3A_1005 = tpu.vector_load %arg7[%swap3A_1003, %swap3A_1004] {strides = array<i32>} : memref<128x64xf32, #tpu.memory_space<vmem>>, vector<16xf32>,
      tpu.vector_store %arg7[%swap3A_1003, %swap3A_1004], %gather3A_1002 {strides = array<i32>} : memref<128x64xf32, #tpu.memory_space<vmem>>, vector<16xf32>,
      %slice3A_1006 = vector.extract_strided_slice %get3A_173 {offsets = [1], sizes = [1], strides = [1]} : vector<16xi32> to vector<1xi32>
      %squeeze3A_1007 = vector.extract %slice3A_1006[0] : i32 from vector<1xi32>
      %add3A_1008 = arith.constant 8 : i32
      %add3A_1009 = arith.addi %add3A_931, %add3A_1008 : i32
      %lt3A_1010 = arith.constant 256 : i32
      %lt3A_1011 = arith.cmpi slt, %add3A_1009, %lt3A_1010 : i32
      %convert_element_type3A_1012 = arith.extui %lt3A_1011 : i1 to i32
      %cond3A_1013 = arith.constant 0 : i32
      %cond3A_1014 = arith.cmpi ne, %convert_element_type3A_1012, %cond3A_1013 : i32
      scf.if %cond3A_1014 {
        %shift_right_arithmetic3A_1534 = arith.constant 7 : i32
        %shift_right_arithmetic3A_1535 = arith.shrsi %squeeze3A_1007, %shift_right_arithmetic3A_1534 : i32
        %mul3A_1536 = arith.constant 128 : i32
        %mul3A_1537 = arith.muli %shift_right_arithmetic3A_1535, %mul3A_1536 : i32
        %multiple_of3A_1538 = tpu.assume_multiple %mul3A_1537, 128 : i32
        %dma_start3A_1539 = arith.constant 1 : i32
        %dma_start3A_1540 = arith.constant 0 : i32
        %dma_start3A_1541 = arith.constant 0 : i32
        %dma_start3A_1542 = tpu.memref_slice %arg6[%dma_start3A_1539, %dma_start3A_1540, %dma_start3A_1541] : memref<8x64x128xf32, #tpu.memory_space<vmem>> -> memref<1x64x128xf32, #tpu.memory_space<vmem>>
        %dma_start3A_1543 = tpu.memref_squeeze %dma_start3A_1542 : memref<1x64x128xf32, #tpu.memory_space<vmem>> -> memref<64x128xf32, #tpu.memory_space<vmem>>
        %dma_start3A_1544 = arith.constant 0 : i32
        %dma_start3A_1545 = tpu.memref_slice %arg3[%dma_start3A_1544, %multiple_of3A_1538] : memref<64x1000000xf32, #tpu.memory_space<hbm>> -> memref<64x128xf32, #tpu.memory_space<hbm>>
        %dma_start3A_1546 = arith.constant 0 : i32
        %dma_start3A_1547 = arith.constant 0 : i32
        %dma_start3A_1548 = tpu.memref_slice %arg6[%dma_start3A_1539, %dma_start3A_1546, %dma_start3A_1547] : memref<8x64x128xf32, #tpu.memory_space<vmem>> -> memref<1x64x128xf32, #tpu.memory_space<vmem>>
        %dma_start3A_1549 = tpu.memref_squeeze %dma_start3A_1548 : memref<1x64x128xf32, #tpu.memory_space<vmem>> -> memref<64x128xf32, #tpu.memory_space<vmem>>
        %dma_start3A_1550 = arith.constant 0 : i32
        %dma_start3A_1551 = tpu.memref_slice %arg3[%dma_start3A_1550, %multiple_of3A_1538] : memref<64x1000000xf32, #tpu.memory_space<hbm>> -> memref<64x128xf32, #tpu.memory_space<hbm>>
        tpu.enqueue_dma source(%dma_start3A_1551 : memref<64x128xf32, #tpu.memory_space<hbm>>) target(%dma_start3A_1549 : memref<64x128xf32, #tpu.memory_space<vmem>>) target_semaphore(%arg9 : memref<!tpu.dma_semaphore, #tpu.memory_space<semaphore_mem>>)
      } else {
      }
      %add3A_1015 = arith.constant 10 : i32
      %add3A_1016 = arith.addi %mul3A_166, %add3A_1015 : i32
      %dma_wait3A_1017 = arith.constant 2 : i32
      %dma_wait3A_1018 = arith.constant 0 : i32
      %dma_wait3A_1019 = arith.constant 0 : i32
      %dma_wait3A_1020 = tpu.memref_slice %arg6[%dma_wait3A_1017, %dma_wait3A_1018, %dma_wait3A_1019] : memref<8x64x128xf32, #tpu.memory_space<vmem>> -> memref<1x64x128xf32, #tpu.memory_space<vmem>>
      %dma_wait3A_1021 = tpu.memref_squeeze %dma_wait3A_1020 : memref<1x64x128xf32, #tpu.memory_space<vmem>> -> memref<64x128xf32, #tpu.memory_space<vmem>>
      %dma_wait3A_1022 = arith.constant 0 : i32
      %dma_wait3A_1023 = arith.constant 0 : i32
      %dma_wait3A_1024 = tpu.memref_slice %arg3[%dma_wait3A_1022, %dma_wait3A_1023] : memref<64x1000000xf32, #tpu.memory_space<hbm>> -> memref<64x128xf32, #tpu.memory_space<hbm>>
      %dma_wait3A_1025 = arith.constant 0 : i32
      %dma_wait3A_1026 = arith.constant 0 : i32
      %dma_wait3A_1027 = tpu.memref_slice %arg6[%dma_wait3A_1017, %dma_wait3A_1025, %dma_wait3A_1026] : memref<8x64x128xf32, #tpu.memory_space<vmem>> -> memref<1x64x128xf32, #tpu.memory_space<vmem>>
      %dma_wait3A_1028 = tpu.memref_squeeze %dma_wait3A_1027 : memref<1x64x128xf32, #tpu.memory_space<vmem>> -> memref<64x128xf32, #tpu.memory_space<vmem>>
      %dma_wait3A_1029 = arith.constant 0 : i32
      %dma_wait3A_1030 = arith.constant 0 : i32
      %dma_wait3A_1031 = tpu.memref_slice %arg3[%dma_wait3A_1029, %dma_wait3A_1030] : memref<64x1000000xf32, #tpu.memory_space<hbm>> -> memref<64x128xf32, #tpu.memory_space<hbm>>
      tpu.wait_dma2 semaphore(%arg10 : memref<!tpu.dma_semaphore, #tpu.memory_space<semaphore_mem>>) src(%dma_wait3A_1031 : memref<64x128xf32, #tpu.memory_space<hbm>>) dst(%dma_wait3A_1028 : memref<64x128xf32, #tpu.memory_space<vmem>>)
      %slice3A_1032 = vector.extract_strided_slice %get3A_168 {offsets = [10], sizes = [1], strides = [1]} : vector<16xi32> to vector<1xi32>
      %squeeze3A_1033 = vector.extract %slice3A_1032[0] : i32 from vector<1xi32>
      %and3A_1034 = arith.constant 127 : i32
      %and3A_1035 = arith.andi %add3A_1016, %and3A_1034 : i32
      %and3A_1036 = arith.constant 127 : i32
      %and3A_1037 = arith.andi %squeeze3A_1033, %and3A_1036 : i32
      %broadcast_in_dim3A_1038 = vector.broadcast %and3A_1037 : i32 to vector<16xi32>
      %iota3A_1039 = tpu.iota {dimensions = array<i32: 0>} : vector<16xi32>
      %add3A_1040 = arith.constant 0 : i32
      %add3A_1041 = vector.broadcast %add3A_1040 : i32 to vector<16xi32>
      %add3A_1042 = arith.addi %iota3A_1039, %add3A_1041 : vector<16xi32>
      %gather3A_1043 = arith.constant 2 : i32
      %gather3A_1044 = arith.constant 0 : i32
      %gather3A_1045 = arith.constant 0 : i32
      %gather3A_1046 = tpu.memref_slice %arg6[%gather3A_1043, %gather3A_1044, %gather3A_1045] : memref<8x64x128xf32, #tpu.memory_space<vmem>> -> memref<1x64x128xf32, #tpu.memory_space<vmem>>
      %gather3A_1047 = tpu.memref_squeeze %gather3A_1046 : memref<1x64x128xf32, #tpu.memory_space<vmem>> -> memref<64x128xf32, #tpu.memory_space<vmem>>
      %gather3A_1048 = tpu.vector_load_idx %gather3A_1047[%add3A_1042, %broadcast_in_dim3A_1038] : memref<64x128xf32, #tpu.memory_space<vmem>>[vector<16xi32>, vector<16xi32>], vector<16xf32>,
      %swap3A_1049 = arith.index_cast %and3A_1035 : i32 to index
      %swap3A_1050 = arith.constant 0 : index
      %swap3A_1051 = tpu.vector_load %arg7[%swap3A_1049, %swap3A_1050] {strides = array<i32>} : memref<128x64xf32, #tpu.memory_space<vmem>>, vector<16xf32>,
      tpu.vector_store %arg7[%swap3A_1049, %swap3A_1050], %gather3A_1048 {strides = array<i32>} : memref<128x64xf32, #tpu.memory_space<vmem>>, vector<16xf32>,
      %iota3A_1052 = tpu.iota {dimensions = array<i32: 0>} : vector<16xi32>
      %add3A_1053 = arith.constant 16 : i32
      %add3A_1054 = vector.broadcast %add3A_1053 : i32 to vector<16xi32>
      %add3A_1055 = arith.addi %iota3A_1052, %add3A_1054 : vector<16xi32>
      %gather3A_1056 = arith.constant 2 : i32
      %gather3A_1057 = arith.constant 0 : i32
      %gather3A_1058 = arith.constant 0 : i32
      %gather3A_1059 = tpu.memref_slice %arg6[%gather3A_1056, %gather3A_1057, %gather3A_1058] : memref<8x64x128xf32, #tpu.memory_space<vmem>> -> memref<1x64x128xf32, #tpu.memory_space<vmem>>
      %gather3A_1060 = tpu.memref_squeeze %gather3A_1059 : memref<1x64x128xf32, #tpu.memory_space<vmem>> -> memref<64x128xf32, #tpu.memory_space<vmem>>
      %gather3A_1061 = tpu.vector_load_idx %gather3A_1060[%add3A_1055, %broadcast_in_dim3A_1038] : memref<64x128xf32, #tpu.memory_space<vmem>>[vector<16xi32>, vector<16xi32>], vector<16xf32>,
      %swap3A_1062 = arith.index_cast %and3A_1035 : i32 to index
      %swap3A_1063 = arith.constant 16 : index
      %swap3A_1064 = tpu.vector_load %arg7[%swap3A_1062, %swap3A_1063] {strides = array<i32>} : memref<128x64xf32, #tpu.memory_space<vmem>>, vector<16xf32>,
      tpu.vector_store %arg7[%swap3A_1062, %swap3A_1063], %gather3A_1061 {strides = array<i32>} : memref<128x64xf32, #tpu.memory_space<vmem>>, vector<16xf32>,
      %iota3A_1065 = tpu.iota {dimensions = array<i32: 0>} : vector<16xi32>
      %add3A_1066 = arith.constant 32 : i32
      %add3A_1067 = vector.broadcast %add3A_1066 : i32 to vector<16xi32>
      %add3A_1068 = arith.addi %iota3A_1065, %add3A_1067 : vector<16xi32>
      %gather3A_1069 = arith.constant 2 : i32
      %gather3A_1070 = arith.constant 0 : i32
      %gather3A_1071 = arith.constant 0 : i32
      %gather3A_1072 = tpu.memref_slice %arg6[%gather3A_1069, %gather3A_1070, %gather3A_1071] : memref<8x64x128xf32, #tpu.memory_space<vmem>> -> memref<1x64x128xf32, #tpu.memory_space<vmem>>
      %gather3A_1073 = tpu.memref_squeeze %gather3A_1072 : memref<1x64x128xf32, #tpu.memory_space<vmem>> -> memref<64x128xf32, #tpu.memory_space<vmem>>
      %gather3A_1074 = tpu.vector_load_idx %gather3A_1073[%add3A_1068, %broadcast_in_dim3A_1038] : memref<64x128xf32, #tpu.memory_space<vmem>>[vector<16xi32>, vector<16xi32>], vector<16xf32>,
      %swap3A_1075 = arith.index_cast %and3A_1035 : i32 to index
      %swap3A_1076 = arith.constant 32 : index
      %swap3A_1077 = tpu.vector_load %arg7[%swap3A_1075, %swap3A_1076] {strides = array<i32>} : memref<128x64xf32, #tpu.memory_space<vmem>>, vector<16xf32>,
      tpu.vector_store %arg7[%swap3A_1075, %swap3A_1076], %gather3A_1074 {strides = array<i32>} : memref<128x64xf32, #tpu.memory_space<vmem>>, vector<16xf32>,
      %iota3A_1078 = tpu.iota {dimensions = array<i32: 0>} : vector<16xi32>
      %add3A_1079 = arith.constant 48 : i32
      %add3A_1080 = vector.broadcast %add3A_1079 : i32 to vector<16xi32>
      %add3A_1081 = arith.addi %iota3A_1078, %add3A_1080 : vector<16xi32>
      %gather3A_1082 = arith.constant 2 : i32
      %gather3A_1083 = arith.constant 0 : i32
      %gather3A_1084 = arith.constant 0 : i32
      %gather3A_1085 = tpu.memref_slice %arg6[%gather3A_1082, %gather3A_1083, %gather3A_1084] : memref<8x64x128xf32, #tpu.memory_space<vmem>> -> memref<1x64x128xf32, #tpu.memory_space<vmem>>
      %gather3A_1086 = tpu.memref_squeeze %gather3A_1085 : memref<1x64x128xf32, #tpu.memory_space<vmem>> -> memref<64x128xf32, #tpu.memory_space<vmem>>
      %gather3A_1087 = tpu.vector_load_idx %gather3A_1086[%add3A_1081, %broadcast_in_dim3A_1038] : memref<64x128xf32, #tpu.memory_space<vmem>>[vector<16xi32>, vector<16xi32>], vector<16xf32>,
      %swap3A_1088 = arith.index_cast %and3A_1035 : i32 to index
      %swap3A_1089 = arith.constant 48 : index
      %swap3A_1090 = tpu.vector_load %arg7[%swap3A_1088, %swap3A_1089] {strides = array<i32>} : memref<128x64xf32, #tpu.memory_space<vmem>>, vector<16xf32>,
      tpu.vector_store %arg7[%swap3A_1088, %swap3A_1089], %gather3A_1087 {strides = array<i32>} : memref<128x64xf32, #tpu.memory_space<vmem>>, vector<16xf32>,
      %slice3A_1091 = vector.extract_strided_slice %get3A_173 {offsets = [2], sizes = [1], strides = [1]} : vector<16xi32> to vector<1xi32>
      %squeeze3A_1092 = vector.extract %slice3A_1091[0] : i32 from vector<1xi32>
      %add3A_1093 = arith.constant 8 : i32
      %add3A_1094 = arith.addi %add3A_1016, %add3A_1093 : i32
      %lt3A_1095 = arith.constant 256 : i32
      %lt3A_1096 = arith.cmpi slt, %add3A_1094, %lt3A_1095 : i32
      %convert_element_type3A_1097 = arith.extui %lt3A_1096 : i1 to i32
      %cond3A_1098 = arith.constant 0 : i32
      %cond3A_1099 = arith.cmpi ne, %convert_element_type3A_1097, %cond3A_1098 : i32
      scf.if %cond3A_1099 {
        %shift_right_arithmetic3A_1534 = arith.constant 7 : i32
        %shift_right_arithmetic3A_1535 = arith.shrsi %squeeze3A_1092, %shift_right_arithmetic3A_1534 : i32
        %mul3A_1536 = arith.constant 128 : i32
        %mul3A_1537 = arith.muli %shift_right_arithmetic3A_1535, %mul3A_1536 : i32
        %multiple_of3A_1538 = tpu.assume_multiple %mul3A_1537, 128 : i32
        %dma_start3A_1539 = arith.constant 2 : i32
        %dma_start3A_1540 = arith.constant 0 : i32
        %dma_start3A_1541 = arith.constant 0 : i32
        %dma_start3A_1542 = tpu.memref_slice %arg6[%dma_start3A_1539, %dma_start3A_1540, %dma_start3A_1541] : memref<8x64x128xf32, #tpu.memory_space<vmem>> -> memref<1x64x128xf32, #tpu.memory_space<vmem>>
        %dma_start3A_1543 = tpu.memref_squeeze %dma_start3A_1542 : memref<1x64x128xf32, #tpu.memory_space<vmem>> -> memref<64x128xf32, #tpu.memory_space<vmem>>
        %dma_start3A_1544 = arith.constant 0 : i32
        %dma_start3A_1545 = tpu.memref_slice %arg3[%dma_start3A_1544, %multiple_of3A_1538] : memref<64x1000000xf32, #tpu.memory_space<hbm>> -> memref<64x128xf32, #tpu.memory_space<hbm>>
        %dma_start3A_1546 = arith.constant 0 : i32
        %dma_start3A_1547 = arith.constant 0 : i32
        %dma_start3A_1548 = tpu.memref_slice %arg6[%dma_start3A_1539, %dma_start3A_1546, %dma_start3A_1547] : memref<8x64x128xf32, #tpu.memory_space<vmem>> -> memref<1x64x128xf32, #tpu.memory_space<vmem>>
        %dma_start3A_1549 = tpu.memref_squeeze %dma_start3A_1548 : memref<1x64x128xf32, #tpu.memory_space<vmem>> -> memref<64x128xf32, #tpu.memory_space<vmem>>
        %dma_start3A_1550 = arith.constant 0 : i32
        %dma_start3A_1551 = tpu.memref_slice %arg3[%dma_start3A_1550, %multiple_of3A_1538] : memref<64x1000000xf32, #tpu.memory_space<hbm>> -> memref<64x128xf32, #tpu.memory_space<hbm>>
        tpu.enqueue_dma source(%dma_start3A_1551 : memref<64x128xf32, #tpu.memory_space<hbm>>) target(%dma_start3A_1549 : memref<64x128xf32, #tpu.memory_space<vmem>>) target_semaphore(%arg10 : memref<!tpu.dma_semaphore, #tpu.memory_space<semaphore_mem>>)
      } else {
      }
      %add3A_1100 = arith.constant 11 : i32
      %add3A_1101 = arith.addi %mul3A_166, %add3A_1100 : i32
      %dma_wait3A_1102 = arith.constant 3 : i32
      %dma_wait3A_1103 = arith.constant 0 : i32
      %dma_wait3A_1104 = arith.constant 0 : i32
      %dma_wait3A_1105 = tpu.memref_slice %arg6[%dma_wait3A_1102, %dma_wait3A_1103, %dma_wait3A_1104] : memref<8x64x128xf32, #tpu.memory_space<vmem>> -> memref<1x64x128xf32, #tpu.memory_space<vmem>>
      %dma_wait3A_1106 = tpu.memref_squeeze %dma_wait3A_1105 : memref<1x64x128xf32, #tpu.memory_space<vmem>> -> memref<64x128xf32, #tpu.memory_space<vmem>>
      %dma_wait3A_1107 = arith.constant 0 : i32
      %dma_wait3A_1108 = arith.constant 0 : i32
      %dma_wait3A_1109 = tpu.memref_slice %arg3[%dma_wait3A_1107, %dma_wait3A_1108] : memref<64x1000000xf32, #tpu.memory_space<hbm>> -> memref<64x128xf32, #tpu.memory_space<hbm>>
      %dma_wait3A_1110 = arith.constant 0 : i32
      %dma_wait3A_1111 = arith.constant 0 : i32
      %dma_wait3A_1112 = tpu.memref_slice %arg6[%dma_wait3A_1102, %dma_wait3A_1110, %dma_wait3A_1111] : memref<8x64x128xf32, #tpu.memory_space<vmem>> -> memref<1x64x128xf32, #tpu.memory_space<vmem>>
      %dma_wait3A_1113 = tpu.memref_squeeze %dma_wait3A_1112 : memref<1x64x128xf32, #tpu.memory_space<vmem>> -> memref<64x128xf32, #tpu.memory_space<vmem>>
      %dma_wait3A_1114 = arith.constant 0 : i32
      %dma_wait3A_1115 = arith.constant 0 : i32
      %dma_wait3A_1116 = tpu.memref_slice %arg3[%dma_wait3A_1114, %dma_wait3A_1115] : memref<64x1000000xf32, #tpu.memory_space<hbm>> -> memref<64x128xf32, #tpu.memory_space<hbm>>
      tpu.wait_dma2 semaphore(%arg11 : memref<!tpu.dma_semaphore, #tpu.memory_space<semaphore_mem>>) src(%dma_wait3A_1116 : memref<64x128xf32, #tpu.memory_space<hbm>>) dst(%dma_wait3A_1113 : memref<64x128xf32, #tpu.memory_space<vmem>>)
      %slice3A_1117 = vector.extract_strided_slice %get3A_168 {offsets = [11], sizes = [1], strides = [1]} : vector<16xi32> to vector<1xi32>
      %squeeze3A_1118 = vector.extract %slice3A_1117[0] : i32 from vector<1xi32>
      %and3A_1119 = arith.constant 127 : i32
      %and3A_1120 = arith.andi %add3A_1101, %and3A_1119 : i32
      %and3A_1121 = arith.constant 127 : i32
      %and3A_1122 = arith.andi %squeeze3A_1118, %and3A_1121 : i32
      %broadcast_in_dim3A_1123 = vector.broadcast %and3A_1122 : i32 to vector<16xi32>
      %iota3A_1124 = tpu.iota {dimensions = array<i32: 0>} : vector<16xi32>
      %add3A_1125 = arith.constant 0 : i32
      %add3A_1126 = vector.broadcast %add3A_1125 : i32 to vector<16xi32>
      %add3A_1127 = arith.addi %iota3A_1124, %add3A_1126 : vector<16xi32>
      %gather3A_1128 = arith.constant 3 : i32
      %gather3A_1129 = arith.constant 0 : i32
      %gather3A_1130 = arith.constant 0 : i32
      %gather3A_1131 = tpu.memref_slice %arg6[%gather3A_1128, %gather3A_1129, %gather3A_1130] : memref<8x64x128xf32, #tpu.memory_space<vmem>> -> memref<1x64x128xf32, #tpu.memory_space<vmem>>
      %gather3A_1132 = tpu.memref_squeeze %gather3A_1131 : memref<1x64x128xf32, #tpu.memory_space<vmem>> -> memref<64x128xf32, #tpu.memory_space<vmem>>
      %gather3A_1133 = tpu.vector_load_idx %gather3A_1132[%add3A_1127, %broadcast_in_dim3A_1123] : memref<64x128xf32, #tpu.memory_space<vmem>>[vector<16xi32>, vector<16xi32>], vector<16xf32>,
      %swap3A_1134 = arith.index_cast %and3A_1120 : i32 to index
      %swap3A_1135 = arith.constant 0 : index
      %swap3A_1136 = tpu.vector_load %arg7[%swap3A_1134, %swap3A_1135] {strides = array<i32>} : memref<128x64xf32, #tpu.memory_space<vmem>>, vector<16xf32>,
      tpu.vector_store %arg7[%swap3A_1134, %swap3A_1135], %gather3A_1133 {strides = array<i32>} : memref<128x64xf32, #tpu.memory_space<vmem>>, vector<16xf32>,
      %iota3A_1137 = tpu.iota {dimensions = array<i32: 0>} : vector<16xi32>
      %add3A_1138 = arith.constant 16 : i32
      %add3A_1139 = vector.broadcast %add3A_1138 : i32 to vector<16xi32>
      %add3A_1140 = arith.addi %iota3A_1137, %add3A_1139 : vector<16xi32>
      %gather3A_1141 = arith.constant 3 : i32
      %gather3A_1142 = arith.constant 0 : i32
      %gather3A_1143 = arith.constant 0 : i32
      %gather3A_1144 = tpu.memref_slice %arg6[%gather3A_1141, %gather3A_1142, %gather3A_1143] : memref<8x64x128xf32, #tpu.memory_space<vmem>> -> memref<1x64x128xf32, #tpu.memory_space<vmem>>
      %gather3A_1145 = tpu.memref_squeeze %gather3A_1144 : memref<1x64x128xf32, #tpu.memory_space<vmem>> -> memref<64x128xf32, #tpu.memory_space<vmem>>
      %gather3A_1146 = tpu.vector_load_idx %gather3A_1145[%add3A_1140, %broadcast_in_dim3A_1123] : memref<64x128xf32, #tpu.memory_space<vmem>>[vector<16xi32>, vector<16xi32>], vector<16xf32>,
      %swap3A_1147 = arith.index_cast %and3A_1120 : i32 to index
      %swap3A_1148 = arith.constant 16 : index
      %swap3A_1149 = tpu.vector_load %arg7[%swap3A_1147, %swap3A_1148] {strides = array<i32>} : memref<128x64xf32, #tpu.memory_space<vmem>>, vector<16xf32>,
      tpu.vector_store %arg7[%swap3A_1147, %swap3A_1148], %gather3A_1146 {strides = array<i32>} : memref<128x64xf32, #tpu.memory_space<vmem>>, vector<16xf32>,
      %iota3A_1150 = tpu.iota {dimensions = array<i32: 0>} : vector<16xi32>
      %add3A_1151 = arith.constant 32 : i32
      %add3A_1152 = vector.broadcast %add3A_1151 : i32 to vector<16xi32>
      %add3A_1153 = arith.addi %iota3A_1150, %add3A_1152 : vector<16xi32>
      %gather3A_1154 = arith.constant 3 : i32
      %gather3A_1155 = arith.constant 0 : i32
      %gather3A_1156 = arith.constant 0 : i32
      %gather3A_1157 = tpu.memref_slice %arg6[%gather3A_1154, %gather3A_1155, %gather3A_1156] : memref<8x64x128xf32, #tpu.memory_space<vmem>> -> memref<1x64x128xf32, #tpu.memory_space<vmem>>
      %gather3A_1158 = tpu.memref_squeeze %gather3A_1157 : memref<1x64x128xf32, #tpu.memory_space<vmem>> -> memref<64x128xf32, #tpu.memory_space<vmem>>
      %gather3A_1159 = tpu.vector_load_idx %gather3A_1158[%add3A_1153, %broadcast_in_dim3A_1123] : memref<64x128xf32, #tpu.memory_space<vmem>>[vector<16xi32>, vector<16xi32>], vector<16xf32>,
      %swap3A_1160 = arith.index_cast %and3A_1120 : i32 to index
      %swap3A_1161 = arith.constant 32 : index
      %swap3A_1162 = tpu.vector_load %arg7[%swap3A_1160, %swap3A_1161] {strides = array<i32>} : memref<128x64xf32, #tpu.memory_space<vmem>>, vector<16xf32>,
      tpu.vector_store %arg7[%swap3A_1160, %swap3A_1161], %gather3A_1159 {strides = array<i32>} : memref<128x64xf32, #tpu.memory_space<vmem>>, vector<16xf32>,
      %iota3A_1163 = tpu.iota {dimensions = array<i32: 0>} : vector<16xi32>
      %add3A_1164 = arith.constant 48 : i32
      %add3A_1165 = vector.broadcast %add3A_1164 : i32 to vector<16xi32>
      %add3A_1166 = arith.addi %iota3A_1163, %add3A_1165 : vector<16xi32>
      %gather3A_1167 = arith.constant 3 : i32
      %gather3A_1168 = arith.constant 0 : i32
      %gather3A_1169 = arith.constant 0 : i32
      %gather3A_1170 = tpu.memref_slice %arg6[%gather3A_1167, %gather3A_1168, %gather3A_1169] : memref<8x64x128xf32, #tpu.memory_space<vmem>> -> memref<1x64x128xf32, #tpu.memory_space<vmem>>
      %gather3A_1171 = tpu.memref_squeeze %gather3A_1170 : memref<1x64x128xf32, #tpu.memory_space<vmem>> -> memref<64x128xf32, #tpu.memory_space<vmem>>
      %gather3A_1172 = tpu.vector_load_idx %gather3A_1171[%add3A_1166, %broadcast_in_dim3A_1123] : memref<64x128xf32, #tpu.memory_space<vmem>>[vector<16xi32>, vector<16xi32>], vector<16xf32>,
      %swap3A_1173 = arith.index_cast %and3A_1120 : i32 to index
      %swap3A_1174 = arith.constant 48 : index
      %swap3A_1175 = tpu.vector_load %arg7[%swap3A_1173, %swap3A_1174] {strides = array<i32>} : memref<128x64xf32, #tpu.memory_space<vmem>>, vector<16xf32>,
      tpu.vector_store %arg7[%swap3A_1173, %swap3A_1174], %gather3A_1172 {strides = array<i32>} : memref<128x64xf32, #tpu.memory_space<vmem>>, vector<16xf32>,
      %slice3A_1176 = vector.extract_strided_slice %get3A_173 {offsets = [3], sizes = [1], strides = [1]} : vector<16xi32> to vector<1xi32>
      %squeeze3A_1177 = vector.extract %slice3A_1176[0] : i32 from vector<1xi32>
      %add3A_1178 = arith.constant 8 : i32
      %add3A_1179 = arith.addi %add3A_1101, %add3A_1178 : i32
      %lt3A_1180 = arith.constant 256 : i32
      %lt3A_1181 = arith.cmpi slt, %add3A_1179, %lt3A_1180 : i32
      %convert_element_type3A_1182 = arith.extui %lt3A_1181 : i1 to i32
      %cond3A_1183 = arith.constant 0 : i32
      %cond3A_1184 = arith.cmpi ne, %convert_element_type3A_1182, %cond3A_1183 : i32
      scf.if %cond3A_1184 {
        %shift_right_arithmetic3A_1534 = arith.constant 7 : i32
        %shift_right_arithmetic3A_1535 = arith.shrsi %squeeze3A_1177, %shift_right_arithmetic3A_1534 : i32
        %mul3A_1536 = arith.constant 128 : i32
        %mul3A_1537 = arith.muli %shift_right_arithmetic3A_1535, %mul3A_1536 : i32
        %multiple_of3A_1538 = tpu.assume_multiple %mul3A_1537, 128 : i32
        %dma_start3A_1539 = arith.constant 3 : i32
        %dma_start3A_1540 = arith.constant 0 : i32
        %dma_start3A_1541 = arith.constant 0 : i32
        %dma_start3A_1542 = tpu.memref_slice %arg6[%dma_start3A_1539, %dma_start3A_1540, %dma_start3A_1541] : memref<8x64x128xf32, #tpu.memory_space<vmem>> -> memref<1x64x128xf32, #tpu.memory_space<vmem>>
        %dma_start3A_1543 = tpu.memref_squeeze %dma_start3A_1542 : memref<1x64x128xf32, #tpu.memory_space<vmem>> -> memref<64x128xf32, #tpu.memory_space<vmem>>
        %dma_start3A_1544 = arith.constant 0 : i32
        %dma_start3A_1545 = tpu.memref_slice %arg3[%dma_start3A_1544, %multiple_of3A_1538] : memref<64x1000000xf32, #tpu.memory_space<hbm>> -> memref<64x128xf32, #tpu.memory_space<hbm>>
        %dma_start3A_1546 = arith.constant 0 : i32
        %dma_start3A_1547 = arith.constant 0 : i32
        %dma_start3A_1548 = tpu.memref_slice %arg6[%dma_start3A_1539, %dma_start3A_1546, %dma_start3A_1547] : memref<8x64x128xf32, #tpu.memory_space<vmem>> -> memref<1x64x128xf32, #tpu.memory_space<vmem>>
        %dma_start3A_1549 = tpu.memref_squeeze %dma_start3A_1548 : memref<1x64x128xf32, #tpu.memory_space<vmem>> -> memref<64x128xf32, #tpu.memory_space<vmem>>
        %dma_start3A_1550 = arith.constant 0 : i32
        %dma_start3A_1551 = tpu.memref_slice %arg3[%dma_start3A_1550, %multiple_of3A_1538] : memref<64x1000000xf32, #tpu.memory_space<hbm>> -> memref<64x128xf32, #tpu.memory_space<hbm>>
        tpu.enqueue_dma source(%dma_start3A_1551 : memref<64x128xf32, #tpu.memory_space<hbm>>) target(%dma_start3A_1549 : memref<64x128xf32, #tpu.memory_space<vmem>>) target_semaphore(%arg11 : memref<!tpu.dma_semaphore, #tpu.memory_space<semaphore_mem>>)
      } else {
      }
      %add3A_1185 = arith.constant 12 : i32
      %add3A_1186 = arith.addi %mul3A_166, %add3A_1185 : i32
      %dma_wait3A_1187 = arith.constant 4 : i32
      %dma_wait3A_1188 = arith.constant 0 : i32
      %dma_wait3A_1189 = arith.constant 0 : i32
      %dma_wait3A_1190 = tpu.memref_slice %arg6[%dma_wait3A_1187, %dma_wait3A_1188, %dma_wait3A_1189] : memref<8x64x128xf32, #tpu.memory_space<vmem>> -> memref<1x64x128xf32, #tpu.memory_space<vmem>>
      %dma_wait3A_1191 = tpu.memref_squeeze %dma_wait3A_1190 : memref<1x64x128xf32, #tpu.memory_space<vmem>> -> memref<64x128xf32, #tpu.memory_space<vmem>>
      %dma_wait3A_1192 = arith.constant 0 : i32
      %dma_wait3A_1193 = arith.constant 0 : i32
      %dma_wait3A_1194 = tpu.memref_slice %arg3[%dma_wait3A_1192, %dma_wait3A_1193] : memref<64x1000000xf32, #tpu.memory_space<hbm>> -> memref<64x128xf32, #tpu.memory_space<hbm>>
      %dma_wait3A_1195 = arith.constant 0 : i32
      %dma_wait3A_1196 = arith.constant 0 : i32
      %dma_wait3A_1197 = tpu.memref_slice %arg6[%dma_wait3A_1187, %dma_wait3A_1195, %dma_wait3A_1196] : memref<8x64x128xf32, #tpu.memory_space<vmem>> -> memref<1x64x128xf32, #tpu.memory_space<vmem>>
      %dma_wait3A_1198 = tpu.memref_squeeze %dma_wait3A_1197 : memref<1x64x128xf32, #tpu.memory_space<vmem>> -> memref<64x128xf32, #tpu.memory_space<vmem>>
      %dma_wait3A_1199 = arith.constant 0 : i32
      %dma_wait3A_1200 = arith.constant 0 : i32
      %dma_wait3A_1201 = tpu.memref_slice %arg3[%dma_wait3A_1199, %dma_wait3A_1200] : memref<64x1000000xf32, #tpu.memory_space<hbm>> -> memref<64x128xf32, #tpu.memory_space<hbm>>
      tpu.wait_dma2 semaphore(%arg12 : memref<!tpu.dma_semaphore, #tpu.memory_space<semaphore_mem>>) src(%dma_wait3A_1201 : memref<64x128xf32, #tpu.memory_space<hbm>>) dst(%dma_wait3A_1198 : memref<64x128xf32, #tpu.memory_space<vmem>>)
      %slice3A_1202 = vector.extract_strided_slice %get3A_168 {offsets = [12], sizes = [1], strides = [1]} : vector<16xi32> to vector<1xi32>
      %squeeze3A_1203 = vector.extract %slice3A_1202[0] : i32 from vector<1xi32>
      %and3A_1204 = arith.constant 127 : i32
      %and3A_1205 = arith.andi %add3A_1186, %and3A_1204 : i32
      %and3A_1206 = arith.constant 127 : i32
      %and3A_1207 = arith.andi %squeeze3A_1203, %and3A_1206 : i32
      %broadcast_in_dim3A_1208 = vector.broadcast %and3A_1207 : i32 to vector<16xi32>
      %iota3A_1209 = tpu.iota {dimensions = array<i32: 0>} : vector<16xi32>
      %add3A_1210 = arith.constant 0 : i32
      %add3A_1211 = vector.broadcast %add3A_1210 : i32 to vector<16xi32>
      %add3A_1212 = arith.addi %iota3A_1209, %add3A_1211 : vector<16xi32>
      %gather3A_1213 = arith.constant 4 : i32
      %gather3A_1214 = arith.constant 0 : i32
      %gather3A_1215 = arith.constant 0 : i32
      %gather3A_1216 = tpu.memref_slice %arg6[%gather3A_1213, %gather3A_1214, %gather3A_1215] : memref<8x64x128xf32, #tpu.memory_space<vmem>> -> memref<1x64x128xf32, #tpu.memory_space<vmem>>
      %gather3A_1217 = tpu.memref_squeeze %gather3A_1216 : memref<1x64x128xf32, #tpu.memory_space<vmem>> -> memref<64x128xf32, #tpu.memory_space<vmem>>
      %gather3A_1218 = tpu.vector_load_idx %gather3A_1217[%add3A_1212, %broadcast_in_dim3A_1208] : memref<64x128xf32, #tpu.memory_space<vmem>>[vector<16xi32>, vector<16xi32>], vector<16xf32>,
      %swap3A_1219 = arith.index_cast %and3A_1205 : i32 to index
      %swap3A_1220 = arith.constant 0 : index
      %swap3A_1221 = tpu.vector_load %arg7[%swap3A_1219, %swap3A_1220] {strides = array<i32>} : memref<128x64xf32, #tpu.memory_space<vmem>>, vector<16xf32>,
      tpu.vector_store %arg7[%swap3A_1219, %swap3A_1220], %gather3A_1218 {strides = array<i32>} : memref<128x64xf32, #tpu.memory_space<vmem>>, vector<16xf32>,
      %iota3A_1222 = tpu.iota {dimensions = array<i32: 0>} : vector<16xi32>
      %add3A_1223 = arith.constant 16 : i32
      %add3A_1224 = vector.broadcast %add3A_1223 : i32 to vector<16xi32>
      %add3A_1225 = arith.addi %iota3A_1222, %add3A_1224 : vector<16xi32>
      %gather3A_1226 = arith.constant 4 : i32
      %gather3A_1227 = arith.constant 0 : i32
      %gather3A_1228 = arith.constant 0 : i32
      %gather3A_1229 = tpu.memref_slice %arg6[%gather3A_1226, %gather3A_1227, %gather3A_1228] : memref<8x64x128xf32, #tpu.memory_space<vmem>> -> memref<1x64x128xf32, #tpu.memory_space<vmem>>
      %gather3A_1230 = tpu.memref_squeeze %gather3A_1229 : memref<1x64x128xf32, #tpu.memory_space<vmem>> -> memref<64x128xf32, #tpu.memory_space<vmem>>
      %gather3A_1231 = tpu.vector_load_idx %gather3A_1230[%add3A_1225, %broadcast_in_dim3A_1208] : memref<64x128xf32, #tpu.memory_space<vmem>>[vector<16xi32>, vector<16xi32>], vector<16xf32>,
      %swap3A_1232 = arith.index_cast %and3A_1205 : i32 to index
      %swap3A_1233 = arith.constant 16 : index
      %swap3A_1234 = tpu.vector_load %arg7[%swap3A_1232, %swap3A_1233] {strides = array<i32>} : memref<128x64xf32, #tpu.memory_space<vmem>>, vector<16xf32>,
      tpu.vector_store %arg7[%swap3A_1232, %swap3A_1233], %gather3A_1231 {strides = array<i32>} : memref<128x64xf32, #tpu.memory_space<vmem>>, vector<16xf32>,
      %iota3A_1235 = tpu.iota {dimensions = array<i32: 0>} : vector<16xi32>
      %add3A_1236 = arith.constant 32 : i32
      %add3A_1237 = vector.broadcast %add3A_1236 : i32 to vector<16xi32>
      %add3A_1238 = arith.addi %iota3A_1235, %add3A_1237 : vector<16xi32>
      %gather3A_1239 = arith.constant 4 : i32
      %gather3A_1240 = arith.constant 0 : i32
      %gather3A_1241 = arith.constant 0 : i32
      %gather3A_1242 = tpu.memref_slice %arg6[%gather3A_1239, %gather3A_1240, %gather3A_1241] : memref<8x64x128xf32, #tpu.memory_space<vmem>> -> memref<1x64x128xf32, #tpu.memory_space<vmem>>
      %gather3A_1243 = tpu.memref_squeeze %gather3A_1242 : memref<1x64x128xf32, #tpu.memory_space<vmem>> -> memref<64x128xf32, #tpu.memory_space<vmem>>
      %gather3A_1244 = tpu.vector_load_idx %gather3A_1243[%add3A_1238, %broadcast_in_dim3A_1208] : memref<64x128xf32, #tpu.memory_space<vmem>>[vector<16xi32>, vector<16xi32>], vector<16xf32>,
      %swap3A_1245 = arith.index_cast %and3A_1205 : i32 to index
      %swap3A_1246 = arith.constant 32 : index
      %swap3A_1247 = tpu.vector_load %arg7[%swap3A_1245, %swap3A_1246] {strides = array<i32>} : memref<128x64xf32, #tpu.memory_space<vmem>>, vector<16xf32>,
      tpu.vector_store %arg7[%swap3A_1245, %swap3A_1246], %gather3A_1244 {strides = array<i32>} : memref<128x64xf32, #tpu.memory_space<vmem>>, vector<16xf32>,
      %iota3A_1248 = tpu.iota {dimensions = array<i32: 0>} : vector<16xi32>
      %add3A_1249 = arith.constant 48 : i32
      %add3A_1250 = vector.broadcast %add3A_1249 : i32 to vector<16xi32>
      %add3A_1251 = arith.addi %iota3A_1248, %add3A_1250 : vector<16xi32>
      %gather3A_1252 = arith.constant 4 : i32
      %gather3A_1253 = arith.constant 0 : i32
      %gather3A_1254 = arith.constant 0 : i32
      %gather3A_1255 = tpu.memref_slice %arg6[%gather3A_1252, %gather3A_1253, %gather3A_1254] : memref<8x64x128xf32, #tpu.memory_space<vmem>> -> memref<1x64x128xf32, #tpu.memory_space<vmem>>
      %gather3A_1256 = tpu.memref_squeeze %gather3A_1255 : memref<1x64x128xf32, #tpu.memory_space<vmem>> -> memref<64x128xf32, #tpu.memory_space<vmem>>
      %gather3A_1257 = tpu.vector_load_idx %gather3A_1256[%add3A_1251, %broadcast_in_dim3A_1208] : memref<64x128xf32, #tpu.memory_space<vmem>>[vector<16xi32>, vector<16xi32>], vector<16xf32>,
      %swap3A_1258 = arith.index_cast %and3A_1205 : i32 to index
      %swap3A_1259 = arith.constant 48 : index
      %swap3A_1260 = tpu.vector_load %arg7[%swap3A_1258, %swap3A_1259] {strides = array<i32>} : memref<128x64xf32, #tpu.memory_space<vmem>>, vector<16xf32>,
      tpu.vector_store %arg7[%swap3A_1258, %swap3A_1259], %gather3A_1257 {strides = array<i32>} : memref<128x64xf32, #tpu.memory_space<vmem>>, vector<16xf32>,
      %slice3A_1261 = vector.extract_strided_slice %get3A_173 {offsets = [4], sizes = [1], strides = [1]} : vector<16xi32> to vector<1xi32>
      %squeeze3A_1262 = vector.extract %slice3A_1261[0] : i32 from vector<1xi32>
      %add3A_1263 = arith.constant 8 : i32
      %add3A_1264 = arith.addi %add3A_1186, %add3A_1263 : i32
      %lt3A_1265 = arith.constant 256 : i32
      %lt3A_1266 = arith.cmpi slt, %add3A_1264, %lt3A_1265 : i32
      %convert_element_type3A_1267 = arith.extui %lt3A_1266 : i1 to i32
      %cond3A_1268 = arith.constant 0 : i32
      %cond3A_1269 = arith.cmpi ne, %convert_element_type3A_1267, %cond3A_1268 : i32
      scf.if %cond3A_1269 {
        %shift_right_arithmetic3A_1534 = arith.constant 7 : i32
        %shift_right_arithmetic3A_1535 = arith.shrsi %squeeze3A_1262, %shift_right_arithmetic3A_1534 : i32
        %mul3A_1536 = arith.constant 128 : i32
        %mul3A_1537 = arith.muli %shift_right_arithmetic3A_1535, %mul3A_1536 : i32
        %multiple_of3A_1538 = tpu.assume_multiple %mul3A_1537, 128 : i32
        %dma_start3A_1539 = arith.constant 4 : i32
        %dma_start3A_1540 = arith.constant 0 : i32
        %dma_start3A_1541 = arith.constant 0 : i32
        %dma_start3A_1542 = tpu.memref_slice %arg6[%dma_start3A_1539, %dma_start3A_1540, %dma_start3A_1541] : memref<8x64x128xf32, #tpu.memory_space<vmem>> -> memref<1x64x128xf32, #tpu.memory_space<vmem>>
        %dma_start3A_1543 = tpu.memref_squeeze %dma_start3A_1542 : memref<1x64x128xf32, #tpu.memory_space<vmem>> -> memref<64x128xf32, #tpu.memory_space<vmem>>
        %dma_start3A_1544 = arith.constant 0 : i32
        %dma_start3A_1545 = tpu.memref_slice %arg3[%dma_start3A_1544, %multiple_of3A_1538] : memref<64x1000000xf32, #tpu.memory_space<hbm>> -> memref<64x128xf32, #tpu.memory_space<hbm>>
        %dma_start3A_1546 = arith.constant 0 : i32
        %dma_start3A_1547 = arith.constant 0 : i32
        %dma_start3A_1548 = tpu.memref_slice %arg6[%dma_start3A_1539, %dma_start3A_1546, %dma_start3A_1547] : memref<8x64x128xf32, #tpu.memory_space<vmem>> -> memref<1x64x128xf32, #tpu.memory_space<vmem>>
        %dma_start3A_1549 = tpu.memref_squeeze %dma_start3A_1548 : memref<1x64x128xf32, #tpu.memory_space<vmem>> -> memref<64x128xf32, #tpu.memory_space<vmem>>
        %dma_start3A_1550 = arith.constant 0 : i32
        %dma_start3A_1551 = tpu.memref_slice %arg3[%dma_start3A_1550, %multiple_of3A_1538] : memref<64x1000000xf32, #tpu.memory_space<hbm>> -> memref<64x128xf32, #tpu.memory_space<hbm>>
        tpu.enqueue_dma source(%dma_start3A_1551 : memref<64x128xf32, #tpu.memory_space<hbm>>) target(%dma_start3A_1549 : memref<64x128xf32, #tpu.memory_space<vmem>>) target_semaphore(%arg12 : memref<!tpu.dma_semaphore, #tpu.memory_space<semaphore_mem>>)
      } else {
      }
      %add3A_1270 = arith.constant 13 : i32
      %add3A_1271 = arith.addi %mul3A_166, %add3A_1270 : i32
      %dma_wait3A_1272 = arith.constant 5 : i32
      %dma_wait3A_1273 = arith.constant 0 : i32
      %dma_wait3A_1274 = arith.constant 0 : i32
      %dma_wait3A_1275 = tpu.memref_slice %arg6[%dma_wait3A_1272, %dma_wait3A_1273, %dma_wait3A_1274] : memref<8x64x128xf32, #tpu.memory_space<vmem>> -> memref<1x64x128xf32, #tpu.memory_space<vmem>>
      %dma_wait3A_1276 = tpu.memref_squeeze %dma_wait3A_1275 : memref<1x64x128xf32, #tpu.memory_space<vmem>> -> memref<64x128xf32, #tpu.memory_space<vmem>>
      %dma_wait3A_1277 = arith.constant 0 : i32
      %dma_wait3A_1278 = arith.constant 0 : i32
      %dma_wait3A_1279 = tpu.memref_slice %arg3[%dma_wait3A_1277, %dma_wait3A_1278] : memref<64x1000000xf32, #tpu.memory_space<hbm>> -> memref<64x128xf32, #tpu.memory_space<hbm>>
      %dma_wait3A_1280 = arith.constant 0 : i32
      %dma_wait3A_1281 = arith.constant 0 : i32
      %dma_wait3A_1282 = tpu.memref_slice %arg6[%dma_wait3A_1272, %dma_wait3A_1280, %dma_wait3A_1281] : memref<8x64x128xf32, #tpu.memory_space<vmem>> -> memref<1x64x128xf32, #tpu.memory_space<vmem>>
      %dma_wait3A_1283 = tpu.memref_squeeze %dma_wait3A_1282 : memref<1x64x128xf32, #tpu.memory_space<vmem>> -> memref<64x128xf32, #tpu.memory_space<vmem>>
      %dma_wait3A_1284 = arith.constant 0 : i32
      %dma_wait3A_1285 = arith.constant 0 : i32
      %dma_wait3A_1286 = tpu.memref_slice %arg3[%dma_wait3A_1284, %dma_wait3A_1285] : memref<64x1000000xf32, #tpu.memory_space<hbm>> -> memref<64x128xf32, #tpu.memory_space<hbm>>
      tpu.wait_dma2 semaphore(%arg13 : memref<!tpu.dma_semaphore, #tpu.memory_space<semaphore_mem>>) src(%dma_wait3A_1286 : memref<64x128xf32, #tpu.memory_space<hbm>>) dst(%dma_wait3A_1283 : memref<64x128xf32, #tpu.memory_space<vmem>>)
      %slice3A_1287 = vector.extract_strided_slice %get3A_168 {offsets = [13], sizes = [1], strides = [1]} : vector<16xi32> to vector<1xi32>
      %squeeze3A_1288 = vector.extract %slice3A_1287[0] : i32 from vector<1xi32>
      %and3A_1289 = arith.constant 127 : i32
      %and3A_1290 = arith.andi %add3A_1271, %and3A_1289 : i32
      %and3A_1291 = arith.constant 127 : i32
      %and3A_1292 = arith.andi %squeeze3A_1288, %and3A_1291 : i32
      %broadcast_in_dim3A_1293 = vector.broadcast %and3A_1292 : i32 to vector<16xi32>
      %iota3A_1294 = tpu.iota {dimensions = array<i32: 0>} : vector<16xi32>
      %add3A_1295 = arith.constant 0 : i32
      %add3A_1296 = vector.broadcast %add3A_1295 : i32 to vector<16xi32>
      %add3A_1297 = arith.addi %iota3A_1294, %add3A_1296 : vector<16xi32>
      %gather3A_1298 = arith.constant 5 : i32
      %gather3A_1299 = arith.constant 0 : i32
      %gather3A_1300 = arith.constant 0 : i32
      %gather3A_1301 = tpu.memref_slice %arg6[%gather3A_1298, %gather3A_1299, %gather3A_1300] : memref<8x64x128xf32, #tpu.memory_space<vmem>> -> memref<1x64x128xf32, #tpu.memory_space<vmem>>
      %gather3A_1302 = tpu.memref_squeeze %gather3A_1301 : memref<1x64x128xf32, #tpu.memory_space<vmem>> -> memref<64x128xf32, #tpu.memory_space<vmem>>
      %gather3A_1303 = tpu.vector_load_idx %gather3A_1302[%add3A_1297, %broadcast_in_dim3A_1293] : memref<64x128xf32, #tpu.memory_space<vmem>>[vector<16xi32>, vector<16xi32>], vector<16xf32>,
      %swap3A_1304 = arith.index_cast %and3A_1290 : i32 to index
      %swap3A_1305 = arith.constant 0 : index
      %swap3A_1306 = tpu.vector_load %arg7[%swap3A_1304, %swap3A_1305] {strides = array<i32>} : memref<128x64xf32, #tpu.memory_space<vmem>>, vector<16xf32>,
      tpu.vector_store %arg7[%swap3A_1304, %swap3A_1305], %gather3A_1303 {strides = array<i32>} : memref<128x64xf32, #tpu.memory_space<vmem>>, vector<16xf32>,
      %iota3A_1307 = tpu.iota {dimensions = array<i32: 0>} : vector<16xi32>
      %add3A_1308 = arith.constant 16 : i32
      %add3A_1309 = vector.broadcast %add3A_1308 : i32 to vector<16xi32>
      %add3A_1310 = arith.addi %iota3A_1307, %add3A_1309 : vector<16xi32>
      %gather3A_1311 = arith.constant 5 : i32
      %gather3A_1312 = arith.constant 0 : i32
      %gather3A_1313 = arith.constant 0 : i32
      %gather3A_1314 = tpu.memref_slice %arg6[%gather3A_1311, %gather3A_1312, %gather3A_1313] : memref<8x64x128xf32, #tpu.memory_space<vmem>> -> memref<1x64x128xf32, #tpu.memory_space<vmem>>
      %gather3A_1315 = tpu.memref_squeeze %gather3A_1314 : memref<1x64x128xf32, #tpu.memory_space<vmem>> -> memref<64x128xf32, #tpu.memory_space<vmem>>
      %gather3A_1316 = tpu.vector_load_idx %gather3A_1315[%add3A_1310, %broadcast_in_dim3A_1293] : memref<64x128xf32, #tpu.memory_space<vmem>>[vector<16xi32>, vector<16xi32>], vector<16xf32>,
      %swap3A_1317 = arith.index_cast %and3A_1290 : i32 to index
      %swap3A_1318 = arith.constant 16 : index
      %swap3A_1319 = tpu.vector_load %arg7[%swap3A_1317, %swap3A_1318] {strides = array<i32>} : memref<128x64xf32, #tpu.memory_space<vmem>>, vector<16xf32>,
      tpu.vector_store %arg7[%swap3A_1317, %swap3A_1318], %gather3A_1316 {strides = array<i32>} : memref<128x64xf32, #tpu.memory_space<vmem>>, vector<16xf32>,
      %iota3A_1320 = tpu.iota {dimensions = array<i32: 0>} : vector<16xi32>
      %add3A_1321 = arith.constant 32 : i32
      %add3A_1322 = vector.broadcast %add3A_1321 : i32 to vector<16xi32>
      %add3A_1323 = arith.addi %iota3A_1320, %add3A_1322 : vector<16xi32>
      %gather3A_1324 = arith.constant 5 : i32
      %gather3A_1325 = arith.constant 0 : i32
      %gather3A_1326 = arith.constant 0 : i32
      %gather3A_1327 = tpu.memref_slice %arg6[%gather3A_1324, %gather3A_1325, %gather3A_1326] : memref<8x64x128xf32, #tpu.memory_space<vmem>> -> memref<1x64x128xf32, #tpu.memory_space<vmem>>
      %gather3A_1328 = tpu.memref_squeeze %gather3A_1327 : memref<1x64x128xf32, #tpu.memory_space<vmem>> -> memref<64x128xf32, #tpu.memory_space<vmem>>
      %gather3A_1329 = tpu.vector_load_idx %gather3A_1328[%add3A_1323, %broadcast_in_dim3A_1293] : memref<64x128xf32, #tpu.memory_space<vmem>>[vector<16xi32>, vector<16xi32>], vector<16xf32>,
      %swap3A_1330 = arith.index_cast %and3A_1290 : i32 to index
      %swap3A_1331 = arith.constant 32 : index
      %swap3A_1332 = tpu.vector_load %arg7[%swap3A_1330, %swap3A_1331] {strides = array<i32>} : memref<128x64xf32, #tpu.memory_space<vmem>>, vector<16xf32>,
      tpu.vector_store %arg7[%swap3A_1330, %swap3A_1331], %gather3A_1329 {strides = array<i32>} : memref<128x64xf32, #tpu.memory_space<vmem>>, vector<16xf32>,
      %iota3A_1333 = tpu.iota {dimensions = array<i32: 0>} : vector<16xi32>
      %add3A_1334 = arith.constant 48 : i32
      %add3A_1335 = vector.broadcast %add3A_1334 : i32 to vector<16xi32>
      %add3A_1336 = arith.addi %iota3A_1333, %add3A_1335 : vector<16xi32>
      %gather3A_1337 = arith.constant 5 : i32
      %gather3A_1338 = arith.constant 0 : i32
      %gather3A_1339 = arith.constant 0 : i32
      %gather3A_1340 = tpu.memref_slice %arg6[%gather3A_1337, %gather3A_1338, %gather3A_1339] : memref<8x64x128xf32, #tpu.memory_space<vmem>> -> memref<1x64x128xf32, #tpu.memory_space<vmem>>
      %gather3A_1341 = tpu.memref_squeeze %gather3A_1340 : memref<1x64x128xf32, #tpu.memory_space<vmem>> -> memref<64x128xf32, #tpu.memory_space<vmem>>
      %gather3A_1342 = tpu.vector_load_idx %gather3A_1341[%add3A_1336, %broadcast_in_dim3A_1293] : memref<64x128xf32, #tpu.memory_space<vmem>>[vector<16xi32>, vector<16xi32>], vector<16xf32>,
      %swap3A_1343 = arith.index_cast %and3A_1290 : i32 to index
      %swap3A_1344 = arith.constant 48 : index
      %swap3A_1345 = tpu.vector_load %arg7[%swap3A_1343, %swap3A_1344] {strides = array<i32>} : memref<128x64xf32, #tpu.memory_space<vmem>>, vector<16xf32>,
      tpu.vector_store %arg7[%swap3A_1343, %swap3A_1344], %gather3A_1342 {strides = array<i32>} : memref<128x64xf32, #tpu.memory_space<vmem>>, vector<16xf32>,
      %slice3A_1346 = vector.extract_strided_slice %get3A_173 {offsets = [5], sizes = [1], strides = [1]} : vector<16xi32> to vector<1xi32>
      %squeeze3A_1347 = vector.extract %slice3A_1346[0] : i32 from vector<1xi32>
      %add3A_1348 = arith.constant 8 : i32
      %add3A_1349 = arith.addi %add3A_1271, %add3A_1348 : i32
      %lt3A_1350 = arith.constant 256 : i32
      %lt3A_1351 = arith.cmpi slt, %add3A_1349, %lt3A_1350 : i32
      %convert_element_type3A_1352 = arith.extui %lt3A_1351 : i1 to i32
      %cond3A_1353 = arith.constant 0 : i32
      %cond3A_1354 = arith.cmpi ne, %convert_element_type3A_1352, %cond3A_1353 : i32
      scf.if %cond3A_1354 {
        %shift_right_arithmetic3A_1534 = arith.constant 7 : i32
        %shift_right_arithmetic3A_1535 = arith.shrsi %squeeze3A_1347, %shift_right_arithmetic3A_1534 : i32
        %mul3A_1536 = arith.constant 128 : i32
        %mul3A_1537 = arith.muli %shift_right_arithmetic3A_1535, %mul3A_1536 : i32
        %multiple_of3A_1538 = tpu.assume_multiple %mul3A_1537, 128 : i32
        %dma_start3A_1539 = arith.constant 5 : i32
        %dma_start3A_1540 = arith.constant 0 : i32
        %dma_start3A_1541 = arith.constant 0 : i32
        %dma_start3A_1542 = tpu.memref_slice %arg6[%dma_start3A_1539, %dma_start3A_1540, %dma_start3A_1541] : memref<8x64x128xf32, #tpu.memory_space<vmem>> -> memref<1x64x128xf32, #tpu.memory_space<vmem>>
        %dma_start3A_1543 = tpu.memref_squeeze %dma_start3A_1542 : memref<1x64x128xf32, #tpu.memory_space<vmem>> -> memref<64x128xf32, #tpu.memory_space<vmem>>
        %dma_start3A_1544 = arith.constant 0 : i32
        %dma_start3A_1545 = tpu.memref_slice %arg3[%dma_start3A_1544, %multiple_of3A_1538] : memref<64x1000000xf32, #tpu.memory_space<hbm>> -> memref<64x128xf32, #tpu.memory_space<hbm>>
        %dma_start3A_1546 = arith.constant 0 : i32
        %dma_start3A_1547 = arith.constant 0 : i32
        %dma_start3A_1548 = tpu.memref_slice %arg6[%dma_start3A_1539, %dma_start3A_1546, %dma_start3A_1547] : memref<8x64x128xf32, #tpu.memory_space<vmem>> -> memref<1x64x128xf32, #tpu.memory_space<vmem>>
        %dma_start3A_1549 = tpu.memref_squeeze %dma_start3A_1548 : memref<1x64x128xf32, #tpu.memory_space<vmem>> -> memref<64x128xf32, #tpu.memory_space<vmem>>
        %dma_start3A_1550 = arith.constant 0 : i32
        %dma_start3A_1551 = tpu.memref_slice %arg3[%dma_start3A_1550, %multiple_of3A_1538] : memref<64x1000000xf32, #tpu.memory_space<hbm>> -> memref<64x128xf32, #tpu.memory_space<hbm>>
        tpu.enqueue_dma source(%dma_start3A_1551 : memref<64x128xf32, #tpu.memory_space<hbm>>) target(%dma_start3A_1549 : memref<64x128xf32, #tpu.memory_space<vmem>>) target_semaphore(%arg13 : memref<!tpu.dma_semaphore, #tpu.memory_space<semaphore_mem>>)
      } else {
      }
      %add3A_1355 = arith.constant 14 : i32
      %add3A_1356 = arith.addi %mul3A_166, %add3A_1355 : i32
      %dma_wait3A_1357 = arith.constant 6 : i32
      %dma_wait3A_1358 = arith.constant 0 : i32
      %dma_wait3A_1359 = arith.constant 0 : i32
      %dma_wait3A_1360 = tpu.memref_slice %arg6[%dma_wait3A_1357, %dma_wait3A_1358, %dma_wait3A_1359] : memref<8x64x128xf32, #tpu.memory_space<vmem>> -> memref<1x64x128xf32, #tpu.memory_space<vmem>>
      %dma_wait3A_1361 = tpu.memref_squeeze %dma_wait3A_1360 : memref<1x64x128xf32, #tpu.memory_space<vmem>> -> memref<64x128xf32, #tpu.memory_space<vmem>>
      %dma_wait3A_1362 = arith.constant 0 : i32
      %dma_wait3A_1363 = arith.constant 0 : i32
      %dma_wait3A_1364 = tpu.memref_slice %arg3[%dma_wait3A_1362, %dma_wait3A_1363] : memref<64x1000000xf32, #tpu.memory_space<hbm>> -> memref<64x128xf32, #tpu.memory_space<hbm>>
      %dma_wait3A_1365 = arith.constant 0 : i32
      %dma_wait3A_1366 = arith.constant 0 : i32
      %dma_wait3A_1367 = tpu.memref_slice %arg6[%dma_wait3A_1357, %dma_wait3A_1365, %dma_wait3A_1366] : memref<8x64x128xf32, #tpu.memory_space<vmem>> -> memref<1x64x128xf32, #tpu.memory_space<vmem>>
      %dma_wait3A_1368 = tpu.memref_squeeze %dma_wait3A_1367 : memref<1x64x128xf32, #tpu.memory_space<vmem>> -> memref<64x128xf32, #tpu.memory_space<vmem>>
      %dma_wait3A_1369 = arith.constant 0 : i32
      %dma_wait3A_1370 = arith.constant 0 : i32
      %dma_wait3A_1371 = tpu.memref_slice %arg3[%dma_wait3A_1369, %dma_wait3A_1370] : memref<64x1000000xf32, #tpu.memory_space<hbm>> -> memref<64x128xf32, #tpu.memory_space<hbm>>
      tpu.wait_dma2 semaphore(%arg14 : memref<!tpu.dma_semaphore, #tpu.memory_space<semaphore_mem>>) src(%dma_wait3A_1371 : memref<64x128xf32, #tpu.memory_space<hbm>>) dst(%dma_wait3A_1368 : memref<64x128xf32, #tpu.memory_space<vmem>>)
      %slice3A_1372 = vector.extract_strided_slice %get3A_168 {offsets = [14], sizes = [1], strides = [1]} : vector<16xi32> to vector<1xi32>
      %squeeze3A_1373 = vector.extract %slice3A_1372[0] : i32 from vector<1xi32>
      %and3A_1374 = arith.constant 127 : i32
      %and3A_1375 = arith.andi %add3A_1356, %and3A_1374 : i32
      %and3A_1376 = arith.constant 127 : i32
      %and3A_1377 = arith.andi %squeeze3A_1373, %and3A_1376 : i32
      %broadcast_in_dim3A_1378 = vector.broadcast %and3A_1377 : i32 to vector<16xi32>
      %iota3A_1379 = tpu.iota {dimensions = array<i32: 0>} : vector<16xi32>
      %add3A_1380 = arith.constant 0 : i32
      %add3A_1381 = vector.broadcast %add3A_1380 : i32 to vector<16xi32>
      %add3A_1382 = arith.addi %iota3A_1379, %add3A_1381 : vector<16xi32>
      %gather3A_1383 = arith.constant 6 : i32
      %gather3A_1384 = arith.constant 0 : i32
      %gather3A_1385 = arith.constant 0 : i32
      %gather3A_1386 = tpu.memref_slice %arg6[%gather3A_1383, %gather3A_1384, %gather3A_1385] : memref<8x64x128xf32, #tpu.memory_space<vmem>> -> memref<1x64x128xf32, #tpu.memory_space<vmem>>
      %gather3A_1387 = tpu.memref_squeeze %gather3A_1386 : memref<1x64x128xf32, #tpu.memory_space<vmem>> -> memref<64x128xf32, #tpu.memory_space<vmem>>
      %gather3A_1388 = tpu.vector_load_idx %gather3A_1387[%add3A_1382, %broadcast_in_dim3A_1378] : memref<64x128xf32, #tpu.memory_space<vmem>>[vector<16xi32>, vector<16xi32>], vector<16xf32>,
      %swap3A_1389 = arith.index_cast %and3A_1375 : i32 to index
      %swap3A_1390 = arith.constant 0 : index
      %swap3A_1391 = tpu.vector_load %arg7[%swap3A_1389, %swap3A_1390] {strides = array<i32>} : memref<128x64xf32, #tpu.memory_space<vmem>>, vector<16xf32>,
      tpu.vector_store %arg7[%swap3A_1389, %swap3A_1390], %gather3A_1388 {strides = array<i32>} : memref<128x64xf32, #tpu.memory_space<vmem>>, vector<16xf32>,
      %iota3A_1392 = tpu.iota {dimensions = array<i32: 0>} : vector<16xi32>
      %add3A_1393 = arith.constant 16 : i32
      %add3A_1394 = vector.broadcast %add3A_1393 : i32 to vector<16xi32>
      %add3A_1395 = arith.addi %iota3A_1392, %add3A_1394 : vector<16xi32>
      %gather3A_1396 = arith.constant 6 : i32
      %gather3A_1397 = arith.constant 0 : i32
      %gather3A_1398 = arith.constant 0 : i32
      %gather3A_1399 = tpu.memref_slice %arg6[%gather3A_1396, %gather3A_1397, %gather3A_1398] : memref<8x64x128xf32, #tpu.memory_space<vmem>> -> memref<1x64x128xf32, #tpu.memory_space<vmem>>
      %gather3A_1400 = tpu.memref_squeeze %gather3A_1399 : memref<1x64x128xf32, #tpu.memory_space<vmem>> -> memref<64x128xf32, #tpu.memory_space<vmem>>
      %gather3A_1401 = tpu.vector_load_idx %gather3A_1400[%add3A_1395, %broadcast_in_dim3A_1378] : memref<64x128xf32, #tpu.memory_space<vmem>>[vector<16xi32>, vector<16xi32>], vector<16xf32>,
      %swap3A_1402 = arith.index_cast %and3A_1375 : i32 to index
      %swap3A_1403 = arith.constant 16 : index
      %swap3A_1404 = tpu.vector_load %arg7[%swap3A_1402, %swap3A_1403] {strides = array<i32>} : memref<128x64xf32, #tpu.memory_space<vmem>>, vector<16xf32>,
      tpu.vector_store %arg7[%swap3A_1402, %swap3A_1403], %gather3A_1401 {strides = array<i32>} : memref<128x64xf32, #tpu.memory_space<vmem>>, vector<16xf32>,
      %iota3A_1405 = tpu.iota {dimensions = array<i32: 0>} : vector<16xi32>
      %add3A_1406 = arith.constant 32 : i32
      %add3A_1407 = vector.broadcast %add3A_1406 : i32 to vector<16xi32>
      %add3A_1408 = arith.addi %iota3A_1405, %add3A_1407 : vector<16xi32>
      %gather3A_1409 = arith.constant 6 : i32
      %gather3A_1410 = arith.constant 0 : i32
      %gather3A_1411 = arith.constant 0 : i32
      %gather3A_1412 = tpu.memref_slice %arg6[%gather3A_1409, %gather3A_1410, %gather3A_1411] : memref<8x64x128xf32, #tpu.memory_space<vmem>> -> memref<1x64x128xf32, #tpu.memory_space<vmem>>
      %gather3A_1413 = tpu.memref_squeeze %gather3A_1412 : memref<1x64x128xf32, #tpu.memory_space<vmem>> -> memref<64x128xf32, #tpu.memory_space<vmem>>
      %gather3A_1414 = tpu.vector_load_idx %gather3A_1413[%add3A_1408, %broadcast_in_dim3A_1378] : memref<64x128xf32, #tpu.memory_space<vmem>>[vector<16xi32>, vector<16xi32>], vector<16xf32>,
      %swap3A_1415 = arith.index_cast %and3A_1375 : i32 to index
      %swap3A_1416 = arith.constant 32 : index
      %swap3A_1417 = tpu.vector_load %arg7[%swap3A_1415, %swap3A_1416] {strides = array<i32>} : memref<128x64xf32, #tpu.memory_space<vmem>>, vector<16xf32>,
      tpu.vector_store %arg7[%swap3A_1415, %swap3A_1416], %gather3A_1414 {strides = array<i32>} : memref<128x64xf32, #tpu.memory_space<vmem>>, vector<16xf32>,
      %iota3A_1418 = tpu.iota {dimensions = array<i32: 0>} : vector<16xi32>
      %add3A_1419 = arith.constant 48 : i32
      %add3A_1420 = vector.broadcast %add3A_1419 : i32 to vector<16xi32>
      %add3A_1421 = arith.addi %iota3A_1418, %add3A_1420 : vector<16xi32>
      %gather3A_1422 = arith.constant 6 : i32
      %gather3A_1423 = arith.constant 0 : i32
      %gather3A_1424 = arith.constant 0 : i32
      %gather3A_1425 = tpu.memref_slice %arg6[%gather3A_1422, %gather3A_1423, %gather3A_1424] : memref<8x64x128xf32, #tpu.memory_space<vmem>> -> memref<1x64x128xf32, #tpu.memory_space<vmem>>
      %gather3A_1426 = tpu.memref_squeeze %gather3A_1425 : memref<1x64x128xf32, #tpu.memory_space<vmem>> -> memref<64x128xf32, #tpu.memory_space<vmem>>
      %gather3A_1427 = tpu.vector_load_idx %gather3A_1426[%add3A_1421, %broadcast_in_dim3A_1378] : memref<64x128xf32, #tpu.memory_space<vmem>>[vector<16xi32>, vector<16xi32>], vector<16xf32>,
      %swap3A_1428 = arith.index_cast %and3A_1375 : i32 to index
      %swap3A_1429 = arith.constant 48 : index
      %swap3A_1430 = tpu.vector_load %arg7[%swap3A_1428, %swap3A_1429] {strides = array<i32>} : memref<128x64xf32, #tpu.memory_space<vmem>>, vector<16xf32>,
      tpu.vector_store %arg7[%swap3A_1428, %swap3A_1429], %gather3A_1427 {strides = array<i32>} : memref<128x64xf32, #tpu.memory_space<vmem>>, vector<16xf32>,
      %slice3A_1431 = vector.extract_strided_slice %get3A_173 {offsets = [6], sizes = [1], strides = [1]} : vector<16xi32> to vector<1xi32>
      %squeeze3A_1432 = vector.extract %slice3A_1431[0] : i32 from vector<1xi32>
      %add3A_1433 = arith.constant 8 : i32
      %add3A_1434 = arith.addi %add3A_1356, %add3A_1433 : i32
      %lt3A_1435 = arith.constant 256 : i32
      %lt3A_1436 = arith.cmpi slt, %add3A_1434, %lt3A_1435 : i32
      %convert_element_type3A_1437 = arith.extui %lt3A_1436 : i1 to i32
      %cond3A_1438 = arith.constant 0 : i32
      %cond3A_1439 = arith.cmpi ne, %convert_element_type3A_1437, %cond3A_1438 : i32
      scf.if %cond3A_1439 {
        %shift_right_arithmetic3A_1534 = arith.constant 7 : i32
        %shift_right_arithmetic3A_1535 = arith.shrsi %squeeze3A_1432, %shift_right_arithmetic3A_1534 : i32
        %mul3A_1536 = arith.constant 128 : i32
        %mul3A_1537 = arith.muli %shift_right_arithmetic3A_1535, %mul3A_1536 : i32
        %multiple_of3A_1538 = tpu.assume_multiple %mul3A_1537, 128 : i32
        %dma_start3A_1539 = arith.constant 6 : i32
        %dma_start3A_1540 = arith.constant 0 : i32
        %dma_start3A_1541 = arith.constant 0 : i32
        %dma_start3A_1542 = tpu.memref_slice %arg6[%dma_start3A_1539, %dma_start3A_1540, %dma_start3A_1541] : memref<8x64x128xf32, #tpu.memory_space<vmem>> -> memref<1x64x128xf32, #tpu.memory_space<vmem>>
        %dma_start3A_1543 = tpu.memref_squeeze %dma_start3A_1542 : memref<1x64x128xf32, #tpu.memory_space<vmem>> -> memref<64x128xf32, #tpu.memory_space<vmem>>
        %dma_start3A_1544 = arith.constant 0 : i32
        %dma_start3A_1545 = tpu.memref_slice %arg3[%dma_start3A_1544, %multiple_of3A_1538] : memref<64x1000000xf32, #tpu.memory_space<hbm>> -> memref<64x128xf32, #tpu.memory_space<hbm>>
        %dma_start3A_1546 = arith.constant 0 : i32
        %dma_start3A_1547 = arith.constant 0 : i32
        %dma_start3A_1548 = tpu.memref_slice %arg6[%dma_start3A_1539, %dma_start3A_1546, %dma_start3A_1547] : memref<8x64x128xf32, #tpu.memory_space<vmem>> -> memref<1x64x128xf32, #tpu.memory_space<vmem>>
        %dma_start3A_1549 = tpu.memref_squeeze %dma_start3A_1548 : memref<1x64x128xf32, #tpu.memory_space<vmem>> -> memref<64x128xf32, #tpu.memory_space<vmem>>
        %dma_start3A_1550 = arith.constant 0 : i32
        %dma_start3A_1551 = tpu.memref_slice %arg3[%dma_start3A_1550, %multiple_of3A_1538] : memref<64x1000000xf32, #tpu.memory_space<hbm>> -> memref<64x128xf32, #tpu.memory_space<hbm>>
        tpu.enqueue_dma source(%dma_start3A_1551 : memref<64x128xf32, #tpu.memory_space<hbm>>) target(%dma_start3A_1549 : memref<64x128xf32, #tpu.memory_space<vmem>>) target_semaphore(%arg14 : memref<!tpu.dma_semaphore, #tpu.memory_space<semaphore_mem>>)
      } else {
      }
      %add3A_1440 = arith.constant 15 : i32
      %add3A_1441 = arith.addi %mul3A_166, %add3A_1440 : i32
      %dma_wait3A_1442 = arith.constant 7 : i32
      %dma_wait3A_1443 = arith.constant 0 : i32
      %dma_wait3A_1444 = arith.constant 0 : i32
      %dma_wait3A_1445 = tpu.memref_slice %arg6[%dma_wait3A_1442, %dma_wait3A_1443, %dma_wait3A_1444] : memref<8x64x128xf32, #tpu.memory_space<vmem>> -> memref<1x64x128xf32, #tpu.memory_space<vmem>>
      %dma_wait3A_1446 = tpu.memref_squeeze %dma_wait3A_1445 : memref<1x64x128xf32, #tpu.memory_space<vmem>> -> memref<64x128xf32, #tpu.memory_space<vmem>>
      %dma_wait3A_1447 = arith.constant 0 : i32
      %dma_wait3A_1448 = arith.constant 0 : i32
      %dma_wait3A_1449 = tpu.memref_slice %arg3[%dma_wait3A_1447, %dma_wait3A_1448] : memref<64x1000000xf32, #tpu.memory_space<hbm>> -> memref<64x128xf32, #tpu.memory_space<hbm>>
      %dma_wait3A_1450 = arith.constant 0 : i32
      %dma_wait3A_1451 = arith.constant 0 : i32
      %dma_wait3A_1452 = tpu.memref_slice %arg6[%dma_wait3A_1442, %dma_wait3A_1450, %dma_wait3A_1451] : memref<8x64x128xf32, #tpu.memory_space<vmem>> -> memref<1x64x128xf32, #tpu.memory_space<vmem>>
      %dma_wait3A_1453 = tpu.memref_squeeze %dma_wait3A_1452 : memref<1x64x128xf32, #tpu.memory_space<vmem>> -> memref<64x128xf32, #tpu.memory_space<vmem>>
      %dma_wait3A_1454 = arith.constant 0 : i32
      %dma_wait3A_1455 = arith.constant 0 : i32
      %dma_wait3A_1456 = tpu.memref_slice %arg3[%dma_wait3A_1454, %dma_wait3A_1455] : memref<64x1000000xf32, #tpu.memory_space<hbm>> -> memref<64x128xf32, #tpu.memory_space<hbm>>
      tpu.wait_dma2 semaphore(%arg15 : memref<!tpu.dma_semaphore, #tpu.memory_space<semaphore_mem>>) src(%dma_wait3A_1456 : memref<64x128xf32, #tpu.memory_space<hbm>>) dst(%dma_wait3A_1453 : memref<64x128xf32, #tpu.memory_space<vmem>>)
      %slice3A_1457 = vector.extract_strided_slice %get3A_168 {offsets = [15], sizes = [1], strides = [1]} : vector<16xi32> to vector<1xi32>
      %squeeze3A_1458 = vector.extract %slice3A_1457[0] : i32 from vector<1xi32>
      %and3A_1459 = arith.constant 127 : i32
      %and3A_1460 = arith.andi %add3A_1441, %and3A_1459 : i32
      %and3A_1461 = arith.constant 127 : i32
      %and3A_1462 = arith.andi %squeeze3A_1458, %and3A_1461 : i32
      %broadcast_in_dim3A_1463 = vector.broadcast %and3A_1462 : i32 to vector<16xi32>
      %iota3A_1464 = tpu.iota {dimensions = array<i32: 0>} : vector<16xi32>
      %add3A_1465 = arith.constant 0 : i32
      %add3A_1466 = vector.broadcast %add3A_1465 : i32 to vector<16xi32>
      %add3A_1467 = arith.addi %iota3A_1464, %add3A_1466 : vector<16xi32>
      %gather3A_1468 = arith.constant 7 : i32
      %gather3A_1469 = arith.constant 0 : i32
      %gather3A_1470 = arith.constant 0 : i32
      %gather3A_1471 = tpu.memref_slice %arg6[%gather3A_1468, %gather3A_1469, %gather3A_1470] : memref<8x64x128xf32, #tpu.memory_space<vmem>> -> memref<1x64x128xf32, #tpu.memory_space<vmem>>
      %gather3A_1472 = tpu.memref_squeeze %gather3A_1471 : memref<1x64x128xf32, #tpu.memory_space<vmem>> -> memref<64x128xf32, #tpu.memory_space<vmem>>
      %gather3A_1473 = tpu.vector_load_idx %gather3A_1472[%add3A_1467, %broadcast_in_dim3A_1463] : memref<64x128xf32, #tpu.memory_space<vmem>>[vector<16xi32>, vector<16xi32>], vector<16xf32>,
      %swap3A_1474 = arith.index_cast %and3A_1460 : i32 to index
      %swap3A_1475 = arith.constant 0 : index
      %swap3A_1476 = tpu.vector_load %arg7[%swap3A_1474, %swap3A_1475] {strides = array<i32>} : memref<128x64xf32, #tpu.memory_space<vmem>>, vector<16xf32>,
      tpu.vector_store %arg7[%swap3A_1474, %swap3A_1475], %gather3A_1473 {strides = array<i32>} : memref<128x64xf32, #tpu.memory_space<vmem>>, vector<16xf32>,
      %iota3A_1477 = tpu.iota {dimensions = array<i32: 0>} : vector<16xi32>
      %add3A_1478 = arith.constant 16 : i32
      %add3A_1479 = vector.broadcast %add3A_1478 : i32 to vector<16xi32>
      %add3A_1480 = arith.addi %iota3A_1477, %add3A_1479 : vector<16xi32>
      %gather3A_1481 = arith.constant 7 : i32
      %gather3A_1482 = arith.constant 0 : i32
      %gather3A_1483 = arith.constant 0 : i32
      %gather3A_1484 = tpu.memref_slice %arg6[%gather3A_1481, %gather3A_1482, %gather3A_1483] : memref<8x64x128xf32, #tpu.memory_space<vmem>> -> memref<1x64x128xf32, #tpu.memory_space<vmem>>
      %gather3A_1485 = tpu.memref_squeeze %gather3A_1484 : memref<1x64x128xf32, #tpu.memory_space<vmem>> -> memref<64x128xf32, #tpu.memory_space<vmem>>
      %gather3A_1486 = tpu.vector_load_idx %gather3A_1485[%add3A_1480, %broadcast_in_dim3A_1463] : memref<64x128xf32, #tpu.memory_space<vmem>>[vector<16xi32>, vector<16xi32>], vector<16xf32>,
      %swap3A_1487 = arith.index_cast %and3A_1460 : i32 to index
      %swap3A_1488 = arith.constant 16 : index
      %swap3A_1489 = tpu.vector_load %arg7[%swap3A_1487, %swap3A_1488] {strides = array<i32>} : memref<128x64xf32, #tpu.memory_space<vmem>>, vector<16xf32>,
      tpu.vector_store %arg7[%swap3A_1487, %swap3A_1488], %gather3A_1486 {strides = array<i32>} : memref<128x64xf32, #tpu.memory_space<vmem>>, vector<16xf32>,
      %iota3A_1490 = tpu.iota {dimensions = array<i32: 0>} : vector<16xi32>
      %add3A_1491 = arith.constant 32 : i32
      %add3A_1492 = vector.broadcast %add3A_1491 : i32 to vector<16xi32>
      %add3A_1493 = arith.addi %iota3A_1490, %add3A_1492 : vector<16xi32>
      %gather3A_1494 = arith.constant 7 : i32
      %gather3A_1495 = arith.constant 0 : i32
      %gather3A_1496 = arith.constant 0 : i32
      %gather3A_1497 = tpu.memref_slice %arg6[%gather3A_1494, %gather3A_1495, %gather3A_1496] : memref<8x64x128xf32, #tpu.memory_space<vmem>> -> memref<1x64x128xf32, #tpu.memory_space<vmem>>
      %gather3A_1498 = tpu.memref_squeeze %gather3A_1497 : memref<1x64x128xf32, #tpu.memory_space<vmem>> -> memref<64x128xf32, #tpu.memory_space<vmem>>
      %gather3A_1499 = tpu.vector_load_idx %gather3A_1498[%add3A_1493, %broadcast_in_dim3A_1463] : memref<64x128xf32, #tpu.memory_space<vmem>>[vector<16xi32>, vector<16xi32>], vector<16xf32>,
      %swap3A_1500 = arith.index_cast %and3A_1460 : i32 to index
      %swap3A_1501 = arith.constant 32 : index
      %swap3A_1502 = tpu.vector_load %arg7[%swap3A_1500, %swap3A_1501] {strides = array<i32>} : memref<128x64xf32, #tpu.memory_space<vmem>>, vector<16xf32>,
      tpu.vector_store %arg7[%swap3A_1500, %swap3A_1501], %gather3A_1499 {strides = array<i32>} : memref<128x64xf32, #tpu.memory_space<vmem>>, vector<16xf32>,
      %iota3A_1503 = tpu.iota {dimensions = array<i32: 0>} : vector<16xi32>
      %add3A_1504 = arith.constant 48 : i32
      %add3A_1505 = vector.broadcast %add3A_1504 : i32 to vector<16xi32>
      %add3A_1506 = arith.addi %iota3A_1503, %add3A_1505 : vector<16xi32>
      %gather3A_1507 = arith.constant 7 : i32
      %gather3A_1508 = arith.constant 0 : i32
      %gather3A_1509 = arith.constant 0 : i32
      %gather3A_1510 = tpu.memref_slice %arg6[%gather3A_1507, %gather3A_1508, %gather3A_1509] : memref<8x64x128xf32, #tpu.memory_space<vmem>> -> memref<1x64x128xf32, #tpu.memory_space<vmem>>
      %gather3A_1511 = tpu.memref_squeeze %gather3A_1510 : memref<1x64x128xf32, #tpu.memory_space<vmem>> -> memref<64x128xf32, #tpu.memory_space<vmem>>
      %gather3A_1512 = tpu.vector_load_idx %gather3A_1511[%add3A_1506, %broadcast_in_dim3A_1463] : memref<64x128xf32, #tpu.memory_space<vmem>>[vector<16xi32>, vector<16xi32>], vector<16xf32>,
      %swap3A_1513 = arith.index_cast %and3A_1460 : i32 to index
      %swap3A_1514 = arith.constant 48 : index
      %swap3A_1515 = tpu.vector_load %arg7[%swap3A_1513, %swap3A_1514] {strides = array<i32>} : memref<128x64xf32, #tpu.memory_space<vmem>>, vector<16xf32>,
      tpu.vector_store %arg7[%swap3A_1513, %swap3A_1514], %gather3A_1512 {strides = array<i32>} : memref<128x64xf32, #tpu.memory_space<vmem>>, vector<16xf32>,
      %slice3A_1516 = vector.extract_strided_slice %get3A_173 {offsets = [7], sizes = [1], strides = [1]} : vector<16xi32> to vector<1xi32>
      %squeeze3A_1517 = vector.extract %slice3A_1516[0] : i32 from vector<1xi32>
      %add3A_1518 = arith.constant 8 : i32
      %add3A_1519 = arith.addi %add3A_1441, %add3A_1518 : i32
      %lt3A_1520 = arith.constant 256 : i32
      %lt3A_1521 = arith.cmpi slt, %add3A_1519, %lt3A_1520 : i32
      %convert_element_type3A_1522 = arith.extui %lt3A_1521 : i1 to i32
      %cond3A_1523 = arith.constant 0 : i32
      %cond3A_1524 = arith.cmpi ne, %convert_element_type3A_1522, %cond3A_1523 : i32
      scf.if %cond3A_1524 {
        %shift_right_arithmetic3A_1534 = arith.constant 7 : i32
        %shift_right_arithmetic3A_1535 = arith.shrsi %squeeze3A_1517, %shift_right_arithmetic3A_1534 : i32
        %mul3A_1536 = arith.constant 128 : i32
        %mul3A_1537 = arith.muli %shift_right_arithmetic3A_1535, %mul3A_1536 : i32
        %multiple_of3A_1538 = tpu.assume_multiple %mul3A_1537, 128 : i32
        %dma_start3A_1539 = arith.constant 7 : i32
        %dma_start3A_1540 = arith.constant 0 : i32
        %dma_start3A_1541 = arith.constant 0 : i32
        %dma_start3A_1542 = tpu.memref_slice %arg6[%dma_start3A_1539, %dma_start3A_1540, %dma_start3A_1541] : memref<8x64x128xf32, #tpu.memory_space<vmem>> -> memref<1x64x128xf32, #tpu.memory_space<vmem>>
        %dma_start3A_1543 = tpu.memref_squeeze %dma_start3A_1542 : memref<1x64x128xf32, #tpu.memory_space<vmem>> -> memref<64x128xf32, #tpu.memory_space<vmem>>
        %dma_start3A_1544 = arith.constant 0 : i32
        %dma_start3A_1545 = tpu.memref_slice %arg3[%dma_start3A_1544, %multiple_of3A_1538] : memref<64x1000000xf32, #tpu.memory_space<hbm>> -> memref<64x128xf32, #tpu.memory_space<hbm>>
        %dma_start3A_1546 = arith.constant 0 : i32
        %dma_start3A_1547 = arith.constant 0 : i32
        %dma_start3A_1548 = tpu.memref_slice %arg6[%dma_start3A_1539, %dma_start3A_1546, %dma_start3A_1547] : memref<8x64x128xf32, #tpu.memory_space<vmem>> -> memref<1x64x128xf32, #tpu.memory_space<vmem>>
        %dma_start3A_1549 = tpu.memref_squeeze %dma_start3A_1548 : memref<1x64x128xf32, #tpu.memory_space<vmem>> -> memref<64x128xf32, #tpu.memory_space<vmem>>
        %dma_start3A_1550 = arith.constant 0 : i32
        %dma_start3A_1551 = tpu.memref_slice %arg3[%dma_start3A_1550, %multiple_of3A_1538] : memref<64x1000000xf32, #tpu.memory_space<hbm>> -> memref<64x128xf32, #tpu.memory_space<hbm>>
        tpu.enqueue_dma source(%dma_start3A_1551 : memref<64x128xf32, #tpu.memory_space<hbm>>) target(%dma_start3A_1549 : memref<64x128xf32, #tpu.memory_space<vmem>>) target_semaphore(%arg15 : memref<!tpu.dma_semaphore, #tpu.memory_space<semaphore_mem>>)
      } else {
      }
      %eq3A = arith.constant 7 : i32
      %eq3A_1525 = arith.cmpi eq, %scan3A_164, %eq3A : i32
      %convert_element_type3A_1526 = arith.extui %eq3A_1525 : i1 to i32
      %cond3A_1527 = arith.constant 0 : i32
      %cond3A_1528 = arith.cmpi ne, %convert_element_type3A_1526, %cond3A_1527 : i32
      scf.if %cond3A_1528 {
        "tpu.region"() ({
          %run_scoped3A = tpu.sem_alloc : memref<!tpu.dma_semaphore, #tpu.memory_space<semaphore_mem>>
          %dma_start3A_1534 = arith.constant 0 : i32
          %dma_start3A_1535 = tpu.memref_slice %arg4[%mul3A_2, %dma_start3A_1534] : memref<8192x64xf32, #tpu.memory_space<hbm>> -> memref<128x64xf32, #tpu.memory_space<hbm>>
          %dma_start3A_1536 = arith.constant 0 : i32
          %dma_start3A_1537 = tpu.memref_slice %arg4[%mul3A_2, %dma_start3A_1536] : memref<8192x64xf32, #tpu.memory_space<hbm>> -> memref<128x64xf32, #tpu.memory_space<hbm>>
          tpu.enqueue_dma source(%arg7 : memref<128x64xf32, #tpu.memory_space<vmem>>) target(%dma_start3A_1537 : memref<128x64xf32, #tpu.memory_space<hbm>>) target_semaphore(%run_scoped3A : memref<!tpu.dma_semaphore, #tpu.memory_space<semaphore_mem>>)
          %dma_wait3A_1538 = arith.constant 0 : i32
          %dma_wait3A_1539 = tpu.memref_slice %arg4[%mul3A_2, %dma_wait3A_1538] : memref<8192x64xf32, #tpu.memory_space<hbm>> -> memref<128x64xf32, #tpu.memory_space<hbm>>
          %dma_wait3A_1540 = arith.constant 0 : i32
          %dma_wait3A_1541 = tpu.memref_slice %arg4[%mul3A_2, %dma_wait3A_1540] : memref<8192x64xf32, #tpu.memory_space<hbm>> -> memref<128x64xf32, #tpu.memory_space<hbm>>
          tpu.wait_dma2 semaphore(%run_scoped3A : memref<!tpu.dma_semaphore, #tpu.memory_space<semaphore_mem>>) src(%arg7 : memref<128x64xf32, #tpu.memory_space<vmem>>) dst(%dma_wait3A_1541 : memref<128x64xf32, #tpu.memory_space<hbm>>)
          tpu.yield
        }) : () -> ()
      } else {
      }
      %eq3A_1529 = arith.constant 15 : i32
      %eq3A_1530 = arith.cmpi eq, %scan3A_164, %eq3A_1529 : i32
      %convert_element_type3A_1531 = arith.extui %eq3A_1530 : i1 to i32
      %cond3A_1532 = arith.constant 0 : i32
      %cond3A_1533 = arith.cmpi ne, %convert_element_type3A_1531, %cond3A_1532 : i32
      scf.if %cond3A_1533 {
        %add3A_1534 = arith.constant 128 : i32
        %add3A_1535 = arith.addi %mul3A_2, %add3A_1534 : i32
        "tpu.region"() ({
          %run_scoped3A = tpu.sem_alloc : memref<!tpu.dma_semaphore, #tpu.memory_space<semaphore_mem>>
          %dma_start3A_1536 = arith.constant 0 : i32
          %dma_start3A_1537 = tpu.memref_slice %arg4[%add3A_1535, %dma_start3A_1536] : memref<8192x64xf32, #tpu.memory_space<hbm>> -> memref<128x64xf32, #tpu.memory_space<hbm>>
          %dma_start3A_1538 = arith.constant 0 : i32
          %dma_start3A_1539 = tpu.memref_slice %arg4[%add3A_1535, %dma_start3A_1538] : memref<8192x64xf32, #tpu.memory_space<hbm>> -> memref<128x64xf32, #tpu.memory_space<hbm>>
          tpu.enqueue_dma source(%arg7 : memref<128x64xf32, #tpu.memory_space<vmem>>) target(%dma_start3A_1539 : memref<128x64xf32, #tpu.memory_space<hbm>>) target_semaphore(%run_scoped3A : memref<!tpu.dma_semaphore, #tpu.memory_space<semaphore_mem>>)
          %dma_wait3A_1540 = arith.constant 0 : i32
          %dma_wait3A_1541 = tpu.memref_slice %arg4[%add3A_1535, %dma_wait3A_1540] : memref<8192x64xf32, #tpu.memory_space<hbm>> -> memref<128x64xf32, #tpu.memory_space<hbm>>
          %dma_wait3A_1542 = arith.constant 0 : i32
          %dma_wait3A_1543 = tpu.memref_slice %arg4[%add3A_1535, %dma_wait3A_1542] : memref<8192x64xf32, #tpu.memory_space<hbm>> -> memref<128x64xf32, #tpu.memory_space<hbm>>
          tpu.wait_dma2 semaphore(%run_scoped3A : memref<!tpu.dma_semaphore, #tpu.memory_space<semaphore_mem>>) src(%arg7 : memref<128x64xf32, #tpu.memory_space<vmem>>) dst(%dma_wait3A_1543 : memref<128x64xf32, #tpu.memory_space<hbm>>)
          tpu.yield
        }) : () -> ()
      } else {
      }
    }
    %scan3A_163 = arith.constant 16 : i32
    return
  }
}

#map = affine_map<(d0, d1) -> (0, 0)>
module attributes {stable_mosaic.version = 14 : i64} {
  func.func @body(%arg0: i32, %arg1: i32, %arg2: memref<32x256xi32, #tpu.memory_space<hbm>>, %arg3: memref<64x1000000xf32, #tpu.memory_space<hbm>>, %arg4: memref<8192x64xf32, #tpu.memory_space<hbm>>, %arg5: memref<256xi32, #tpu.memory_space<vmem>>, %arg6: memref<8x64x128xf32, #tpu.memory_space<vmem>>, %arg7: memref<128x64xf32, #tpu.memory_space<vmem>>, %arg8: memref<!tpu.dma_semaphore, #tpu.memory_space<semaphore_mem>>, %arg9: memref<!tpu.dma_semaphore, #tpu.memory_space<semaphore_mem>>, %arg10: memref<!tpu.dma_semaphore, #tpu.memory_space<semaphore_mem>>, %arg11: memref<!tpu.dma_semaphore, #tpu.memory_space<semaphore_mem>>, %arg12: memref<!tpu.dma_semaphore, #tpu.memory_space<semaphore_mem>>, %arg13: memref<!tpu.dma_semaphore, #tpu.memory_space<semaphore_mem>>, %arg14: memref<!tpu.dma_semaphore, #tpu.memory_space<semaphore_mem>>, %arg15: memref<!tpu.dma_semaphore, #tpu.memory_space<semaphore_mem>>) attributes {dimension_semantics = [#tpu.dimension_semantics<core_parallel>, #tpu.dimension_semantics<subcore_parallel>], iteration_bounds = array<i64: 2, 16>, scalar_prefetch = 0 : i64, scratch_operands = 11 : i64, tpu.core_type = #tpu.core_type<sc_vector_subcore>, window_params = [{transform_indices = #map}, {transform_indices = #map}, {transform_indices = #map}]} {
    %mul3A = arith.constant 2 : i32
    %mul3A_0 = arith.muli %arg1, %mul3A : i32
    %add3A = arith.addi %mul3A_0, %arg0 : i32
    %mul3A_1 = arith.constant 256 : i32
    %mul3A_2 = arith.muli %add3A, %mul3A_1 : i32
    "tpu.region"() ({
      %run_scoped3A = tpu.sem_alloc : memref<!tpu.dma_semaphore, #tpu.memory_space<semaphore_mem>>
      %dma_start3A_164 = arith.constant 0 : i32
      %dma_start3A_165 = tpu.memref_slice %arg2[%add3A, %dma_start3A_164] : memref<32x256xi32, #tpu.memory_space<hbm>> -> memref<1x256xi32, #tpu.memory_space<hbm>>
      %dma_start3A_166 = tpu.memref_squeeze %dma_start3A_165 : memref<1x256xi32, #tpu.memory_space<hbm>> -> memref<256xi32, #tpu.memory_space<hbm>>
      %dma_start3A_167 = arith.constant 0 : i32
      %dma_start3A_168 = tpu.memref_slice %arg2[%add3A, %dma_start3A_167] : memref<32x256xi32, #tpu.memory_space<hbm>> -> memref<1x256xi32, #tpu.memory_space<hbm>>
      %dma_start3A_169 = tpu.memref_squeeze %dma_start3A_168 : memref<1x256xi32, #tpu.memory_space<hbm>> -> memref<256xi32, #tpu.memory_space<hbm>>
      tpu.enqueue_dma source(%dma_start3A_169 : memref<256xi32, #tpu.memory_space<hbm>>) target(%arg5 : memref<256xi32, #tpu.memory_space<vmem>>) target_semaphore(%run_scoped3A : memref<!tpu.dma_semaphore, #tpu.memory_space<semaphore_mem>>)
      %dma_wait3A = arith.constant 0 : i32
      %dma_wait3A_170 = tpu.memref_slice %arg2[%add3A, %dma_wait3A] : memref<32x256xi32, #tpu.memory_space<hbm>> -> memref<1x256xi32, #tpu.memory_space<hbm>>
      %dma_wait3A_171 = tpu.memref_squeeze %dma_wait3A_170 : memref<1x256xi32, #tpu.memory_space<hbm>> -> memref<256xi32, #tpu.memory_space<hbm>>
      %dma_wait3A_172 = arith.constant 0 : i32
      %dma_wait3A_173 = tpu.memref_slice %arg2[%add3A, %dma_wait3A_172] : memref<32x256xi32, #tpu.memory_space<hbm>> -> memref<1x256xi32, #tpu.memory_space<hbm>>
      %dma_wait3A_174 = tpu.memref_squeeze %dma_wait3A_173 : memref<1x256xi32, #tpu.memory_space<hbm>> -> memref<256xi32, #tpu.memory_space<hbm>>
      tpu.wait_dma2 semaphore(%run_scoped3A : memref<!tpu.dma_semaphore, #tpu.memory_space<semaphore_mem>>) src(%dma_wait3A_174 : memref<256xi32, #tpu.memory_space<hbm>>) dst(%arg5 : memref<256xi32, #tpu.memory_space<vmem>>)
      tpu.yield
    }) : () -> ()
    %get3A = arith.constant 0 : index
    %get3A_3 = tpu.vector_load %arg5[%get3A] {strides = array<i32>} : memref<256xi32, #tpu.memory_space<vmem>>, vector<16xi32>,
    %slice3A = vector.extract_strided_slice %get3A_3 {offsets = [0], sizes = [1], strides = [1]} : vector<16xi32> to vector<1xi32>
    %squeeze3A = vector.extract %slice3A[0] : i32 from vector<1xi32>
    %shift_right_arithmetic3A = arith.constant 7 : i32
    %shift_right_arithmetic3A_4 = arith.shrsi %squeeze3A, %shift_right_arithmetic3A : i32
    %mul3A_5 = arith.constant 128 : i32
    %mul3A_6 = arith.muli %shift_right_arithmetic3A_4, %mul3A_5 : i32
    %multiple_of3A = tpu.assume_multiple %mul3A_6, 128 : i32
    %dma_start3A = arith.constant 0 : i32
    %dma_start3A_7 = arith.constant 0 : i32
    %dma_start3A_8 = arith.constant 0 : i32
    %dma_start3A_9 = tpu.memref_slice %arg6[%dma_start3A, %dma_start3A_7, %dma_start3A_8] : memref<8x64x128xf32, #tpu.memory_space<vmem>> -> memref<1x64x128xf32, #tpu.memory_space<vmem>>
    %dma_start3A_10 = tpu.memref_squeeze %dma_start3A_9 : memref<1x64x128xf32, #tpu.memory_space<vmem>> -> memref<64x128xf32, #tpu.memory_space<vmem>>
    %dma_start3A_11 = arith.constant 0 : i32
    %dma_start3A_12 = tpu.memref_slice %arg3[%dma_start3A_11, %multiple_of3A] : memref<64x1000000xf32, #tpu.memory_space<hbm>> -> memref<64x128xf32, #tpu.memory_space<hbm>>
    %dma_start3A_13 = arith.constant 0 : i32
    %dma_start3A_14 = arith.constant 0 : i32
    %dma_start3A_15 = tpu.memref_slice %arg6[%dma_start3A, %dma_start3A_13, %dma_start3A_14] : memref<8x64x128xf32, #tpu.memory_space<vmem>> -> memref<1x64x128xf32, #tpu.memory_space<vmem>>
    %dma_start3A_16 = tpu.memref_squeeze %dma_start3A_15 : memref<1x64x128xf32, #tpu.memory_space<vmem>> -> memref<64x128xf32, #tpu.memory_space<vmem>>
    %dma_start3A_17 = arith.constant 0 : i32
    %dma_start3A_18 = tpu.memref_slice %arg3[%dma_start3A_17, %multiple_of3A] : memref<64x1000000xf32, #tpu.memory_space<hbm>> -> memref<64x128xf32, #tpu.memory_space<hbm>>
    tpu.enqueue_dma source(%dma_start3A_18 : memref<64x128xf32, #tpu.memory_space<hbm>>) target(%dma_start3A_16 : memref<64x128xf32, #tpu.memory_space<vmem>>) target_semaphore(%arg8 : memref<!tpu.dma_semaphore, #tpu.memory_space<semaphore_mem>>)
    %slice3A_19 = vector.extract_strided_slice %get3A_3 {offsets = [1], sizes = [1], strides = [1]} : vector<16xi32> to vector<1xi32>
    %squeeze3A_20 = vector.extract %slice3A_19[0] : i32 from vector<1xi32>
    %shift_right_arithmetic3A_21 = arith.constant 7 : i32
    %shift_right_arithmetic3A_22 = arith.shrsi %squeeze3A_20, %shift_right_arithmetic3A_21 : i32
    %mul3A_23 = arith.constant 128 : i32
    %mul3A_24 = arith.muli %shift_right_arithmetic3A_22, %mul3A_23 : i32
    %multiple_of3A_25 = tpu.assume_multiple %mul3A_24, 128 : i32
    %dma_start3A_26 = arith.constant 1 : i32
    %dma_start3A_27 = arith.constant 0 : i32
    %dma_start3A_28 = arith.constant 0 : i32
    %dma_start3A_29 = tpu.memref_slice %arg6[%dma_start3A_26, %dma_start3A_27, %dma_start3A_28] : memref<8x64x128xf32, #tpu.memory_space<vmem>> -> memref<1x64x128xf32, #tpu.memory_space<vmem>>
    %dma_start3A_30 = tpu.memref_squeeze %dma_start3A_29 : memref<1x64x128xf32, #tpu.memory_space<vmem>> -> memref<64x128xf32, #tpu.memory_space<vmem>>
    %dma_start3A_31 = arith.constant 0 : i32
    %dma_start3A_32 = tpu.memref_slice %arg3[%dma_start3A_31, %multiple_of3A_25] : memref<64x1000000xf32, #tpu.memory_space<hbm>> -> memref<64x128xf32, #tpu.memory_space<hbm>>
    %dma_start3A_33 = arith.constant 0 : i32
    %dma_start3A_34 = arith.constant 0 : i32
    %dma_start3A_35 = tpu.memref_slice %arg6[%dma_start3A_26, %dma_start3A_33, %dma_start3A_34] : memref<8x64x128xf32, #tpu.memory_space<vmem>> -> memref<1x64x128xf32, #tpu.memory_space<vmem>>
    %dma_start3A_36 = tpu.memref_squeeze %dma_start3A_35 : memref<1x64x128xf32, #tpu.memory_space<vmem>> -> memref<64x128xf32, #tpu.memory_space<vmem>>
    %dma_start3A_37 = arith.constant 0 : i32
    %dma_start3A_38 = tpu.memref_slice %arg3[%dma_start3A_37, %multiple_of3A_25] : memref<64x1000000xf32, #tpu.memory_space<hbm>> -> memref<64x128xf32, #tpu.memory_space<hbm>>
    tpu.enqueue_dma source(%dma_start3A_38 : memref<64x128xf32, #tpu.memory_space<hbm>>) target(%dma_start3A_36 : memref<64x128xf32, #tpu.memory_space<vmem>>) target_semaphore(%arg9 : memref<!tpu.dma_semaphore, #tpu.memory_space<semaphore_mem>>)
    %slice3A_39 = vector.extract_strided_slice %get3A_3 {offsets = [2], sizes = [1], strides = [1]} : vector<16xi32> to vector<1xi32>
    %squeeze3A_40 = vector.extract %slice3A_39[0] : i32 from vector<1xi32>
    %shift_right_arithmetic3A_41 = arith.constant 7 : i32
    %shift_right_arithmetic3A_42 = arith.shrsi %squeeze3A_40, %shift_right_arithmetic3A_41 : i32
    %mul3A_43 = arith.constant 128 : i32
    %mul3A_44 = arith.muli %shift_right_arithmetic3A_42, %mul3A_43 : i32
    %multiple_of3A_45 = tpu.assume_multiple %mul3A_44, 128 : i32
    %dma_start3A_46 = arith.constant 2 : i32
    %dma_start3A_47 = arith.constant 0 : i32
    %dma_start3A_48 = arith.constant 0 : i32
    %dma_start3A_49 = tpu.memref_slice %arg6[%dma_start3A_46, %dma_start3A_47, %dma_start3A_48] : memref<8x64x128xf32, #tpu.memory_space<vmem>> -> memref<1x64x128xf32, #tpu.memory_space<vmem>>
    %dma_start3A_50 = tpu.memref_squeeze %dma_start3A_49 : memref<1x64x128xf32, #tpu.memory_space<vmem>> -> memref<64x128xf32, #tpu.memory_space<vmem>>
    %dma_start3A_51 = arith.constant 0 : i32
    %dma_start3A_52 = tpu.memref_slice %arg3[%dma_start3A_51, %multiple_of3A_45] : memref<64x1000000xf32, #tpu.memory_space<hbm>> -> memref<64x128xf32, #tpu.memory_space<hbm>>
    %dma_start3A_53 = arith.constant 0 : i32
    %dma_start3A_54 = arith.constant 0 : i32
    %dma_start3A_55 = tpu.memref_slice %arg6[%dma_start3A_46, %dma_start3A_53, %dma_start3A_54] : memref<8x64x128xf32, #tpu.memory_space<vmem>> -> memref<1x64x128xf32, #tpu.memory_space<vmem>>
    %dma_start3A_56 = tpu.memref_squeeze %dma_start3A_55 : memref<1x64x128xf32, #tpu.memory_space<vmem>> -> memref<64x128xf32, #tpu.memory_space<vmem>>
    %dma_start3A_57 = arith.constant 0 : i32
    %dma_start3A_58 = tpu.memref_slice %arg3[%dma_start3A_57, %multiple_of3A_45] : memref<64x1000000xf32, #tpu.memory_space<hbm>> -> memref<64x128xf32, #tpu.memory_space<hbm>>
    tpu.enqueue_dma source(%dma_start3A_58 : memref<64x128xf32, #tpu.memory_space<hbm>>) target(%dma_start3A_56 : memref<64x128xf32, #tpu.memory_space<vmem>>) target_semaphore(%arg10 : memref<!tpu.dma_semaphore, #tpu.memory_space<semaphore_mem>>)
    %slice3A_59 = vector.extract_strided_slice %get3A_3 {offsets = [3], sizes = [1], strides = [1]} : vector<16xi32> to vector<1xi32>
    %squeeze3A_60 = vector.extract %slice3A_59[0] : i32 from vector<1xi32>
    %shift_right_arithmetic3A_61 = arith.constant 7 : i32
    %shift_right_arithmetic3A_62 = arith.shrsi %squeeze3A_60, %shift_right_arithmetic3A_61 : i32
    %mul3A_63 = arith.constant 128 : i32
    %mul3A_64 = arith.muli %shift_right_arithmetic3A_62, %mul3A_63 : i32
    %multiple_of3A_65 = tpu.assume_multiple %mul3A_64, 128 : i32
    %dma_start3A_66 = arith.constant 3 : i32
    %dma_start3A_67 = arith.constant 0 : i32
    %dma_start3A_68 = arith.constant 0 : i32
    %dma_start3A_69 = tpu.memref_slice %arg6[%dma_start3A_66, %dma_start3A_67, %dma_start3A_68] : memref<8x64x128xf32, #tpu.memory_space<vmem>> -> memref<1x64x128xf32, #tpu.memory_space<vmem>>
    %dma_start3A_70 = tpu.memref_squeeze %dma_start3A_69 : memref<1x64x128xf32, #tpu.memory_space<vmem>> -> memref<64x128xf32, #tpu.memory_space<vmem>>
    %dma_start3A_71 = arith.constant 0 : i32
    %dma_start3A_72 = tpu.memref_slice %arg3[%dma_start3A_71, %multiple_of3A_65] : memref<64x1000000xf32, #tpu.memory_space<hbm>> -> memref<64x128xf32, #tpu.memory_space<hbm>>
    %dma_start3A_73 = arith.constant 0 : i32
    %dma_start3A_74 = arith.constant 0 : i32
    %dma_start3A_75 = tpu.memref_slice %arg6[%dma_start3A_66, %dma_start3A_73, %dma_start3A_74] : memref<8x64x128xf32, #tpu.memory_space<vmem>> -> memref<1x64x128xf32, #tpu.memory_space<vmem>>
    %dma_start3A_76 = tpu.memref_squeeze %dma_start3A_75 : memref<1x64x128xf32, #tpu.memory_space<vmem>> -> memref<64x128xf32, #tpu.memory_space<vmem>>
    %dma_start3A_77 = arith.constant 0 : i32
    %dma_start3A_78 = tpu.memref_slice %arg3[%dma_start3A_77, %multiple_of3A_65] : memref<64x1000000xf32, #tpu.memory_space<hbm>> -> memref<64x128xf32, #tpu.memory_space<hbm>>
    tpu.enqueue_dma source(%dma_start3A_78 : memref<64x128xf32, #tpu.memory_space<hbm>>) target(%dma_start3A_76 : memref<64x128xf32, #tpu.memory_space<vmem>>) target_semaphore(%arg11 : memref<!tpu.dma_semaphore, #tpu.memory_space<semaphore_mem>>)
    %slice3A_79 = vector.extract_strided_slice %get3A_3 {offsets = [4], sizes = [1], strides = [1]} : vector<16xi32> to vector<1xi32>
    %squeeze3A_80 = vector.extract %slice3A_79[0] : i32 from vector<1xi32>
    %shift_right_arithmetic3A_81 = arith.constant 7 : i32
    %shift_right_arithmetic3A_82 = arith.shrsi %squeeze3A_80, %shift_right_arithmetic3A_81 : i32
    %mul3A_83 = arith.constant 128 : i32
    %mul3A_84 = arith.muli %shift_right_arithmetic3A_82, %mul3A_83 : i32
    %multiple_of3A_85 = tpu.assume_multiple %mul3A_84, 128 : i32
    %dma_start3A_86 = arith.constant 4 : i32
    %dma_start3A_87 = arith.constant 0 : i32
    %dma_start3A_88 = arith.constant 0 : i32
    %dma_start3A_89 = tpu.memref_slice %arg6[%dma_start3A_86, %dma_start3A_87, %dma_start3A_88] : memref<8x64x128xf32, #tpu.memory_space<vmem>> -> memref<1x64x128xf32, #tpu.memory_space<vmem>>
    %dma_start3A_90 = tpu.memref_squeeze %dma_start3A_89 : memref<1x64x128xf32, #tpu.memory_space<vmem>> -> memref<64x128xf32, #tpu.memory_space<vmem>>
    %dma_start3A_91 = arith.constant 0 : i32
    %dma_start3A_92 = tpu.memref_slice %arg3[%dma_start3A_91, %multiple_of3A_85] : memref<64x1000000xf32, #tpu.memory_space<hbm>> -> memref<64x128xf32, #tpu.memory_space<hbm>>
    %dma_start3A_93 = arith.constant 0 : i32
    %dma_start3A_94 = arith.constant 0 : i32
    %dma_start3A_95 = tpu.memref_slice %arg6[%dma_start3A_86, %dma_start3A_93, %dma_start3A_94] : memref<8x64x128xf32, #tpu.memory_space<vmem>> -> memref<1x64x128xf32, #tpu.memory_space<vmem>>
    %dma_start3A_96 = tpu.memref_squeeze %dma_start3A_95 : memref<1x64x128xf32, #tpu.memory_space<vmem>> -> memref<64x128xf32, #tpu.memory_space<vmem>>
    %dma_start3A_97 = arith.constant 0 : i32
    %dma_start3A_98 = tpu.memref_slice %arg3[%dma_start3A_97, %multiple_of3A_85] : memref<64x1000000xf32, #tpu.memory_space<hbm>> -> memref<64x128xf32, #tpu.memory_space<hbm>>
    tpu.enqueue_dma source(%dma_start3A_98 : memref<64x128xf32, #tpu.memory_space<hbm>>) target(%dma_start3A_96 : memref<64x128xf32, #tpu.memory_space<vmem>>) target_semaphore(%arg12 : memref<!tpu.dma_semaphore, #tpu.memory_space<semaphore_mem>>)
    %slice3A_99 = vector.extract_strided_slice %get3A_3 {offsets = [5], sizes = [1], strides = [1]} : vector<16xi32> to vector<1xi32>
    %squeeze3A_100 = vector.extract %slice3A_99[0] : i32 from vector<1xi32>
    %shift_right_arithmetic3A_101 = arith.constant 7 : i32
    %shift_right_arithmetic3A_102 = arith.shrsi %squeeze3A_100, %shift_right_arithmetic3A_101 : i32
    %mul3A_103 = arith.constant 128 : i32
    %mul3A_104 = arith.muli %shift_right_arithmetic3A_102, %mul3A_103 : i32
    %multiple_of3A_105 = tpu.assume_multiple %mul3A_104, 128 : i32
    %dma_start3A_106 = arith.constant 5 : i32
    %dma_start3A_107 = arith.constant 0 : i32
    %dma_start3A_108 = arith.constant 0 : i32
    %dma_start3A_109 = tpu.memref_slice %arg6[%dma_start3A_106, %dma_start3A_107, %dma_start3A_108] : memref<8x64x128xf32, #tpu.memory_space<vmem>> -> memref<1x64x128xf32, #tpu.memory_space<vmem>>
    %dma_start3A_110 = tpu.memref_squeeze %dma_start3A_109 : memref<1x64x128xf32, #tpu.memory_space<vmem>> -> memref<64x128xf32, #tpu.memory_space<vmem>>
    %dma_start3A_111 = arith.constant 0 : i32
    %dma_start3A_112 = tpu.memref_slice %arg3[%dma_start3A_111, %multiple_of3A_105] : memref<64x1000000xf32, #tpu.memory_space<hbm>> -> memref<64x128xf32, #tpu.memory_space<hbm>>
    %dma_start3A_113 = arith.constant 0 : i32
    %dma_start3A_114 = arith.constant 0 : i32
    %dma_start3A_115 = tpu.memref_slice %arg6[%dma_start3A_106, %dma_start3A_113, %dma_start3A_114] : memref<8x64x128xf32, #tpu.memory_space<vmem>> -> memref<1x64x128xf32, #tpu.memory_space<vmem>>
    %dma_start3A_116 = tpu.memref_squeeze %dma_start3A_115 : memref<1x64x128xf32, #tpu.memory_space<vmem>> -> memref<64x128xf32, #tpu.memory_space<vmem>>
    %dma_start3A_117 = arith.constant 0 : i32
    %dma_start3A_118 = tpu.memref_slice %arg3[%dma_start3A_117, %multiple_of3A_105] : memref<64x1000000xf32, #tpu.memory_space<hbm>> -> memref<64x128xf32, #tpu.memory_space<hbm>>
    tpu.enqueue_dma source(%dma_start3A_118 : memref<64x128xf32, #tpu.memory_space<hbm>>) target(%dma_start3A_116 : memref<64x128xf32, #tpu.memory_space<vmem>>) target_semaphore(%arg13 : memref<!tpu.dma_semaphore, #tpu.memory_space<semaphore_mem>>)
    %slice3A_119 = vector.extract_strided_slice %get3A_3 {offsets = [6], sizes = [1], strides = [1]} : vector<16xi32> to vector<1xi32>
    %squeeze3A_120 = vector.extract %slice3A_119[0] : i32 from vector<1xi32>
    %shift_right_arithmetic3A_121 = arith.constant 7 : i32
    %shift_right_arithmetic3A_122 = arith.shrsi %squeeze3A_120, %shift_right_arithmetic3A_121 : i32
    %mul3A_123 = arith.constant 128 : i32
    %mul3A_124 = arith.muli %shift_right_arithmetic3A_122, %mul3A_123 : i32
    %multiple_of3A_125 = tpu.assume_multiple %mul3A_124, 128 : i32
    %dma_start3A_126 = arith.constant 6 : i32
    %dma_start3A_127 = arith.constant 0 : i32
    %dma_start3A_128 = arith.constant 0 : i32
    %dma_start3A_129 = tpu.memref_slice %arg6[%dma_start3A_126, %dma_start3A_127, %dma_start3A_128] : memref<8x64x128xf32, #tpu.memory_space<vmem>> -> memref<1x64x128xf32, #tpu.memory_space<vmem>>
    %dma_start3A_130 = tpu.memref_squeeze %dma_start3A_129 : memref<1x64x128xf32, #tpu.memory_space<vmem>> -> memref<64x128xf32, #tpu.memory_space<vmem>>
    %dma_start3A_131 = arith.constant 0 : i32
    %dma_start3A_132 = tpu.memref_slice %arg3[%dma_start3A_131, %multiple_of3A_125] : memref<64x1000000xf32, #tpu.memory_space<hbm>> -> memref<64x128xf32, #tpu.memory_space<hbm>>
    %dma_start3A_133 = arith.constant 0 : i32
    %dma_start3A_134 = arith.constant 0 : i32
    %dma_start3A_135 = tpu.memref_slice %arg6[%dma_start3A_126, %dma_start3A_133, %dma_start3A_134] : memref<8x64x128xf32, #tpu.memory_space<vmem>> -> memref<1x64x128xf32, #tpu.memory_space<vmem>>
    %dma_start3A_136 = tpu.memref_squeeze %dma_start3A_135 : memref<1x64x128xf32, #tpu.memory_space<vmem>> -> memref<64x128xf32, #tpu.memory_space<vmem>>
    %dma_start3A_137 = arith.constant 0 : i32
    %dma_start3A_138 = tpu.memref_slice %arg3[%dma_start3A_137, %multiple_of3A_125] : memref<64x1000000xf32, #tpu.memory_space<hbm>> -> memref<64x128xf32, #tpu.memory_space<hbm>>
    tpu.enqueue_dma source(%dma_start3A_138 : memref<64x128xf32, #tpu.memory_space<hbm>>) target(%dma_start3A_136 : memref<64x128xf32, #tpu.memory_space<vmem>>) target_semaphore(%arg14 : memref<!tpu.dma_semaphore, #tpu.memory_space<semaphore_mem>>)
    %slice3A_139 = vector.extract_strided_slice %get3A_3 {offsets = [7], sizes = [1], strides = [1]} : vector<16xi32> to vector<1xi32>
    %squeeze3A_140 = vector.extract %slice3A_139[0] : i32 from vector<1xi32>
    %shift_right_arithmetic3A_141 = arith.constant 7 : i32
    %shift_right_arithmetic3A_142 = arith.shrsi %squeeze3A_140, %shift_right_arithmetic3A_141 : i32
    %mul3A_143 = arith.constant 128 : i32
    %mul3A_144 = arith.muli %shift_right_arithmetic3A_142, %mul3A_143 : i32
    %multiple_of3A_145 = tpu.assume_multiple %mul3A_144, 128 : i32
    %dma_start3A_146 = arith.constant 7 : i32
    %dma_start3A_147 = arith.constant 0 : i32
    %dma_start3A_148 = arith.constant 0 : i32
    %dma_start3A_149 = tpu.memref_slice %arg6[%dma_start3A_146, %dma_start3A_147, %dma_start3A_148] : memref<8x64x128xf32, #tpu.memory_space<vmem>> -> memref<1x64x128xf32, #tpu.memory_space<vmem>>
    %dma_start3A_150 = tpu.memref_squeeze %dma_start3A_149 : memref<1x64x128xf32, #tpu.memory_space<vmem>> -> memref<64x128xf32, #tpu.memory_space<vmem>>
    %dma_start3A_151 = arith.constant 0 : i32
    %dma_start3A_152 = tpu.memref_slice %arg3[%dma_start3A_151, %multiple_of3A_145] : memref<64x1000000xf32, #tpu.memory_space<hbm>> -> memref<64x128xf32, #tpu.memory_space<hbm>>
    %dma_start3A_153 = arith.constant 0 : i32
    %dma_start3A_154 = arith.constant 0 : i32
    %dma_start3A_155 = tpu.memref_slice %arg6[%dma_start3A_146, %dma_start3A_153, %dma_start3A_154] : memref<8x64x128xf32, #tpu.memory_space<vmem>> -> memref<1x64x128xf32, #tpu.memory_space<vmem>>
    %dma_start3A_156 = tpu.memref_squeeze %dma_start3A_155 : memref<1x64x128xf32, #tpu.memory_space<vmem>> -> memref<64x128xf32, #tpu.memory_space<vmem>>
    %dma_start3A_157 = arith.constant 0 : i32
    %dma_start3A_158 = tpu.memref_slice %arg3[%dma_start3A_157, %multiple_of3A_145] : memref<64x1000000xf32, #tpu.memory_space<hbm>> -> memref<64x128xf32, #tpu.memory_space<hbm>>
    tpu.enqueue_dma source(%dma_start3A_158 : memref<64x128xf32, #tpu.memory_space<hbm>>) target(%dma_start3A_156 : memref<64x128xf32, #tpu.memory_space<vmem>>) target_semaphore(%arg15 : memref<!tpu.dma_semaphore, #tpu.memory_space<semaphore_mem>>)
    %scan3A = arith.constant 0 : i32
    %scan3A_159 = arith.constant 0 : i32
    %scan3A_160 = arith.constant 16 : i32
    %scan3A_161 = arith.addi %scan3A_159, %scan3A_160 : i32
    %scan3A_162 = arith.constant 1 : i32
    scf.for %scan3A_164 = %scan3A_159 to %scan3A_161 step %scan3A_162  : i32 {
      %mul3A_165 = arith.constant 16 : i32
      %mul3A_166 = arith.muli %scan3A_164, %mul3A_165 : i32
      %get3A_167 = arith.index_cast %mul3A_166 : i32 to index
      %get3A_168 = tpu.vector_load %arg5[%get3A_167] {strides = array<i32>} : memref<256xi32, #tpu.memory_space<vmem>>, vector<16xi32>,
      %add3A_169 = arith.constant 16 : i32
      %add3A_170 = arith.addi %mul3A_166, %add3A_169 : i32
      %min3A = arith.constant 240 : i32
      %min3A_171 = arith.minsi %add3A_170, %min3A : i32
      %get3A_172 = arith.index_cast %min3A_171 : i32 to index
      %get3A_173 = tpu.vector_load %arg5[%get3A_172] {strides = array<i32>} : memref<256xi32, #tpu.memory_space<vmem>>, vector<16xi32>,
      %add3A_174 = arith.constant 0 : i32
      %add3A_175 = arith.addi %mul3A_166, %add3A_174 : i32
      %dma_wait3A = arith.constant 0 : i32
      %dma_wait3A_176 = arith.constant 0 : i32
      %dma_wait3A_177 = arith.constant 0 : i32
      %dma_wait3A_178 = tpu.memref_slice %arg6[%dma_wait3A, %dma_wait3A_176, %dma_wait3A_177] : memref<8x64x128xf32, #tpu.memory_space<vmem>> -> memref<1x64x128xf32, #tpu.memory_space<vmem>>
      %dma_wait3A_179 = tpu.memref_squeeze %dma_wait3A_178 : memref<1x64x128xf32, #tpu.memory_space<vmem>> -> memref<64x128xf32, #tpu.memory_space<vmem>>
      %dma_wait3A_180 = arith.constant 0 : i32
      %dma_wait3A_181 = arith.constant 0 : i32
      %dma_wait3A_182 = tpu.memref_slice %arg3[%dma_wait3A_180, %dma_wait3A_181] : memref<64x1000000xf32, #tpu.memory_space<hbm>> -> memref<64x128xf32, #tpu.memory_space<hbm>>
      %dma_wait3A_183 = arith.constant 0 : i32
      %dma_wait3A_184 = arith.constant 0 : i32
      %dma_wait3A_185 = tpu.memref_slice %arg6[%dma_wait3A, %dma_wait3A_183, %dma_wait3A_184] : memref<8x64x128xf32, #tpu.memory_space<vmem>> -> memref<1x64x128xf32, #tpu.memory_space<vmem>>
      %dma_wait3A_186 = tpu.memref_squeeze %dma_wait3A_185 : memref<1x64x128xf32, #tpu.memory_space<vmem>> -> memref<64x128xf32, #tpu.memory_space<vmem>>
      %dma_wait3A_187 = arith.constant 0 : i32
      %dma_wait3A_188 = arith.constant 0 : i32
      %dma_wait3A_189 = tpu.memref_slice %arg3[%dma_wait3A_187, %dma_wait3A_188] : memref<64x1000000xf32, #tpu.memory_space<hbm>> -> memref<64x128xf32, #tpu.memory_space<hbm>>
      tpu.wait_dma2 semaphore(%arg8 : memref<!tpu.dma_semaphore, #tpu.memory_space<semaphore_mem>>) src(%dma_wait3A_189 : memref<64x128xf32, #tpu.memory_space<hbm>>) dst(%dma_wait3A_186 : memref<64x128xf32, #tpu.memory_space<vmem>>)
      %slice3A_190 = vector.extract_strided_slice %get3A_168 {offsets = [0], sizes = [1], strides = [1]} : vector<16xi32> to vector<1xi32>
      %squeeze3A_191 = vector.extract %slice3A_190[0] : i32 from vector<1xi32>
      %and3A = arith.constant 127 : i32
      %and3A_192 = arith.andi %add3A_175, %and3A : i32
      %and3A_193 = arith.constant 127 : i32
      %and3A_194 = arith.andi %squeeze3A_191, %and3A_193 : i32
      %broadcast_in_dim3A = vector.broadcast %and3A_194 : i32 to vector<16xi32>
      %iota3A = tpu.iota {dimensions = array<i32: 0>} : vector<16xi32>
      %add3A_195 = arith.constant 0 : i32
      %add3A_196 = vector.broadcast %add3A_195 : i32 to vector<16xi32>
      %add3A_197 = arith.addi %iota3A, %add3A_196 : vector<16xi32>
      %gather3A = arith.constant 0 : i32
      %gather3A_198 = arith.constant 0 : i32
      %gather3A_199 = arith.constant 0 : i32
      %gather3A_200 = tpu.memref_slice %arg6[%gather3A, %gather3A_198, %gather3A_199] : memref<8x64x128xf32, #tpu.memory_space<vmem>> -> memref<1x64x128xf32, #tpu.memory_space<vmem>>
      %gather3A_201 = tpu.memref_squeeze %gather3A_200 : memref<1x64x128xf32, #tpu.memory_space<vmem>> -> memref<64x128xf32, #tpu.memory_space<vmem>>
      %gather3A_202 = tpu.vector_load_idx %gather3A_201[%add3A_197, %broadcast_in_dim3A] : memref<64x128xf32, #tpu.memory_space<vmem>>[vector<16xi32>, vector<16xi32>], vector<16xf32>,
      %swap3A = arith.index_cast %and3A_192 : i32 to index
      %swap3A_203 = arith.constant 0 : index
      %swap3A_204 = tpu.vector_load %arg7[%swap3A, %swap3A_203] {strides = array<i32>} : memref<128x64xf32, #tpu.memory_space<vmem>>, vector<16xf32>,
      tpu.vector_store %arg7[%swap3A, %swap3A_203], %gather3A_202 {strides = array<i32>} : memref<128x64xf32, #tpu.memory_space<vmem>>, vector<16xf32>,
      %iota3A_205 = tpu.iota {dimensions = array<i32: 0>} : vector<16xi32>
      %add3A_206 = arith.constant 16 : i32
      %add3A_207 = vector.broadcast %add3A_206 : i32 to vector<16xi32>
      %add3A_208 = arith.addi %iota3A_205, %add3A_207 : vector<16xi32>
      %gather3A_209 = arith.constant 0 : i32
      %gather3A_210 = arith.constant 0 : i32
      %gather3A_211 = arith.constant 0 : i32
      %gather3A_212 = tpu.memref_slice %arg6[%gather3A_209, %gather3A_210, %gather3A_211] : memref<8x64x128xf32, #tpu.memory_space<vmem>> -> memref<1x64x128xf32, #tpu.memory_space<vmem>>
      %gather3A_213 = tpu.memref_squeeze %gather3A_212 : memref<1x64x128xf32, #tpu.memory_space<vmem>> -> memref<64x128xf32, #tpu.memory_space<vmem>>
      %gather3A_214 = tpu.vector_load_idx %gather3A_213[%add3A_208, %broadcast_in_dim3A] : memref<64x128xf32, #tpu.memory_space<vmem>>[vector<16xi32>, vector<16xi32>], vector<16xf32>,
      %swap3A_215 = arith.index_cast %and3A_192 : i32 to index
      %swap3A_216 = arith.constant 16 : index
      %swap3A_217 = tpu.vector_load %arg7[%swap3A_215, %swap3A_216] {strides = array<i32>} : memref<128x64xf32, #tpu.memory_space<vmem>>, vector<16xf32>,
      tpu.vector_store %arg7[%swap3A_215, %swap3A_216], %gather3A_214 {strides = array<i32>} : memref<128x64xf32, #tpu.memory_space<vmem>>, vector<16xf32>,
      %iota3A_218 = tpu.iota {dimensions = array<i32: 0>} : vector<16xi32>
      %add3A_219 = arith.constant 32 : i32
      %add3A_220 = vector.broadcast %add3A_219 : i32 to vector<16xi32>
      %add3A_221 = arith.addi %iota3A_218, %add3A_220 : vector<16xi32>
      %gather3A_222 = arith.constant 0 : i32
      %gather3A_223 = arith.constant 0 : i32
      %gather3A_224 = arith.constant 0 : i32
      %gather3A_225 = tpu.memref_slice %arg6[%gather3A_222, %gather3A_223, %gather3A_224] : memref<8x64x128xf32, #tpu.memory_space<vmem>> -> memref<1x64x128xf32, #tpu.memory_space<vmem>>
      %gather3A_226 = tpu.memref_squeeze %gather3A_225 : memref<1x64x128xf32, #tpu.memory_space<vmem>> -> memref<64x128xf32, #tpu.memory_space<vmem>>
      %gather3A_227 = tpu.vector_load_idx %gather3A_226[%add3A_221, %broadcast_in_dim3A] : memref<64x128xf32, #tpu.memory_space<vmem>>[vector<16xi32>, vector<16xi32>], vector<16xf32>,
      %swap3A_228 = arith.index_cast %and3A_192 : i32 to index
      %swap3A_229 = arith.constant 32 : index
      %swap3A_230 = tpu.vector_load %arg7[%swap3A_228, %swap3A_229] {strides = array<i32>} : memref<128x64xf32, #tpu.memory_space<vmem>>, vector<16xf32>,
      tpu.vector_store %arg7[%swap3A_228, %swap3A_229], %gather3A_227 {strides = array<i32>} : memref<128x64xf32, #tpu.memory_space<vmem>>, vector<16xf32>,
      %iota3A_231 = tpu.iota {dimensions = array<i32: 0>} : vector<16xi32>
      %add3A_232 = arith.constant 48 : i32
      %add3A_233 = vector.broadcast %add3A_232 : i32 to vector<16xi32>
      %add3A_234 = arith.addi %iota3A_231, %add3A_233 : vector<16xi32>
      %gather3A_235 = arith.constant 0 : i32
      %gather3A_236 = arith.constant 0 : i32
      %gather3A_237 = arith.constant 0 : i32
      %gather3A_238 = tpu.memref_slice %arg6[%gather3A_235, %gather3A_236, %gather3A_237] : memref<8x64x128xf32, #tpu.memory_space<vmem>> -> memref<1x64x128xf32, #tpu.memory_space<vmem>>
      %gather3A_239 = tpu.memref_squeeze %gather3A_238 : memref<1x64x128xf32, #tpu.memory_space<vmem>> -> memref<64x128xf32, #tpu.memory_space<vmem>>
      %gather3A_240 = tpu.vector_load_idx %gather3A_239[%add3A_234, %broadcast_in_dim3A] : memref<64x128xf32, #tpu.memory_space<vmem>>[vector<16xi32>, vector<16xi32>], vector<16xf32>,
      %swap3A_241 = arith.index_cast %and3A_192 : i32 to index
      %swap3A_242 = arith.constant 48 : index
      %swap3A_243 = tpu.vector_load %arg7[%swap3A_241, %swap3A_242] {strides = array<i32>} : memref<128x64xf32, #tpu.memory_space<vmem>>, vector<16xf32>,
      tpu.vector_store %arg7[%swap3A_241, %swap3A_242], %gather3A_240 {strides = array<i32>} : memref<128x64xf32, #tpu.memory_space<vmem>>, vector<16xf32>,
      %slice3A_244 = vector.extract_strided_slice %get3A_168 {offsets = [8], sizes = [1], strides = [1]} : vector<16xi32> to vector<1xi32>
      %squeeze3A_245 = vector.extract %slice3A_244[0] : i32 from vector<1xi32>
      %add3A_246 = arith.constant 8 : i32
      %add3A_247 = arith.addi %add3A_175, %add3A_246 : i32
      %lt3A = arith.constant 256 : i32
      %lt3A_248 = arith.cmpi slt, %add3A_247, %lt3A : i32
      %convert_element_type3A = arith.extui %lt3A_248 : i1 to i32
      %cond3A = arith.constant 0 : i32
      %cond3A_249 = arith.cmpi ne, %convert_element_type3A, %cond3A : i32
      scf.if %cond3A_249 {
        %shift_right_arithmetic3A_1534 = arith.constant 7 : i32
        %shift_right_arithmetic3A_1535 = arith.shrsi %squeeze3A_245, %shift_right_arithmetic3A_1534 : i32
        %mul3A_1536 = arith.constant 128 : i32
        %mul3A_1537 = arith.muli %shift_right_arithmetic3A_1535, %mul3A_1536 : i32
        %multiple_of3A_1538 = tpu.assume_multiple %mul3A_1537, 128 : i32
        %dma_start3A_1539 = arith.constant 0 : i32
        %dma_start3A_1540 = arith.constant 0 : i32
        %dma_start3A_1541 = arith.constant 0 : i32
        %dma_start3A_1542 = tpu.memref_slice %arg6[%dma_start3A_1539, %dma_start3A_1540, %dma_start3A_1541] : memref<8x64x128xf32, #tpu.memory_space<vmem>> -> memref<1x64x128xf32, #tpu.memory_space<vmem>>
        %dma_start3A_1543 = tpu.memref_squeeze %dma_start3A_1542 : memref<1x64x128xf32, #tpu.memory_space<vmem>> -> memref<64x128xf32, #tpu.memory_space<vmem>>
        %dma_start3A_1544 = arith.constant 0 : i32
        %dma_start3A_1545 = tpu.memref_slice %arg3[%dma_start3A_1544, %multiple_of3A_1538] : memref<64x1000000xf32, #tpu.memory_space<hbm>> -> memref<64x128xf32, #tpu.memory_space<hbm>>
        %dma_start3A_1546 = arith.constant 0 : i32
        %dma_start3A_1547 = arith.constant 0 : i32
        %dma_start3A_1548 = tpu.memref_slice %arg6[%dma_start3A_1539, %dma_start3A_1546, %dma_start3A_1547] : memref<8x64x128xf32, #tpu.memory_space<vmem>> -> memref<1x64x128xf32, #tpu.memory_space<vmem>>
        %dma_start3A_1549 = tpu.memref_squeeze %dma_start3A_1548 : memref<1x64x128xf32, #tpu.memory_space<vmem>> -> memref<64x128xf32, #tpu.memory_space<vmem>>
        %dma_start3A_1550 = arith.constant 0 : i32
        %dma_start3A_1551 = tpu.memref_slice %arg3[%dma_start3A_1550, %multiple_of3A_1538] : memref<64x1000000xf32, #tpu.memory_space<hbm>> -> memref<64x128xf32, #tpu.memory_space<hbm>>
        tpu.enqueue_dma source(%dma_start3A_1551 : memref<64x128xf32, #tpu.memory_space<hbm>>) target(%dma_start3A_1549 : memref<64x128xf32, #tpu.memory_space<vmem>>) target_semaphore(%arg8 : memref<!tpu.dma_semaphore, #tpu.memory_space<semaphore_mem>>)
      } else {
      }
      %add3A_250 = arith.constant 1 : i32
      %add3A_251 = arith.addi %mul3A_166, %add3A_250 : i32
      %dma_wait3A_252 = arith.constant 1 : i32
      %dma_wait3A_253 = arith.constant 0 : i32
      %dma_wait3A_254 = arith.constant 0 : i32
      %dma_wait3A_255 = tpu.memref_slice %arg6[%dma_wait3A_252, %dma_wait3A_253, %dma_wait3A_254] : memref<8x64x128xf32, #tpu.memory_space<vmem>> -> memref<1x64x128xf32, #tpu.memory_space<vmem>>
      %dma_wait3A_256 = tpu.memref_squeeze %dma_wait3A_255 : memref<1x64x128xf32, #tpu.memory_space<vmem>> -> memref<64x128xf32, #tpu.memory_space<vmem>>
      %dma_wait3A_257 = arith.constant 0 : i32
      %dma_wait3A_258 = arith.constant 0 : i32
      %dma_wait3A_259 = tpu.memref_slice %arg3[%dma_wait3A_257, %dma_wait3A_258] : memref<64x1000000xf32, #tpu.memory_space<hbm>> -> memref<64x128xf32, #tpu.memory_space<hbm>>
      %dma_wait3A_260 = arith.constant 0 : i32
      %dma_wait3A_261 = arith.constant 0 : i32
      %dma_wait3A_262 = tpu.memref_slice %arg6[%dma_wait3A_252, %dma_wait3A_260, %dma_wait3A_261] : memref<8x64x128xf32, #tpu.memory_space<vmem>> -> memref<1x64x128xf32, #tpu.memory_space<vmem>>
      %dma_wait3A_263 = tpu.memref_squeeze %dma_wait3A_262 : memref<1x64x128xf32, #tpu.memory_space<vmem>> -> memref<64x128xf32, #tpu.memory_space<vmem>>
      %dma_wait3A_264 = arith.constant 0 : i32
      %dma_wait3A_265 = arith.constant 0 : i32
      %dma_wait3A_266 = tpu.memref_slice %arg3[%dma_wait3A_264, %dma_wait3A_265] : memref<64x1000000xf32, #tpu.memory_space<hbm>> -> memref<64x128xf32, #tpu.memory_space<hbm>>
      tpu.wait_dma2 semaphore(%arg9 : memref<!tpu.dma_semaphore, #tpu.memory_space<semaphore_mem>>) src(%dma_wait3A_266 : memref<64x128xf32, #tpu.memory_space<hbm>>) dst(%dma_wait3A_263 : memref<64x128xf32, #tpu.memory_space<vmem>>)
      %slice3A_267 = vector.extract_strided_slice %get3A_168 {offsets = [1], sizes = [1], strides = [1]} : vector<16xi32> to vector<1xi32>
      %squeeze3A_268 = vector.extract %slice3A_267[0] : i32 from vector<1xi32>
      %and3A_269 = arith.constant 127 : i32
      %and3A_270 = arith.andi %add3A_251, %and3A_269 : i32
      %and3A_271 = arith.constant 127 : i32
      %and3A_272 = arith.andi %squeeze3A_268, %and3A_271 : i32
      %broadcast_in_dim3A_273 = vector.broadcast %and3A_272 : i32 to vector<16xi32>
      %iota3A_274 = tpu.iota {dimensions = array<i32: 0>} : vector<16xi32>
      %add3A_275 = arith.constant 0 : i32
      %add3A_276 = vector.broadcast %add3A_275 : i32 to vector<16xi32>
      %add3A_277 = arith.addi %iota3A_274, %add3A_276 : vector<16xi32>
      %gather3A_278 = arith.constant 1 : i32
      %gather3A_279 = arith.constant 0 : i32
      %gather3A_280 = arith.constant 0 : i32
      %gather3A_281 = tpu.memref_slice %arg6[%gather3A_278, %gather3A_279, %gather3A_280] : memref<8x64x128xf32, #tpu.memory_space<vmem>> -> memref<1x64x128xf32, #tpu.memory_space<vmem>>
      %gather3A_282 = tpu.memref_squeeze %gather3A_281 : memref<1x64x128xf32, #tpu.memory_space<vmem>> -> memref<64x128xf32, #tpu.memory_space<vmem>>
      %gather3A_283 = tpu.vector_load_idx %gather3A_282[%add3A_277, %broadcast_in_dim3A_273] : memref<64x128xf32, #tpu.memory_space<vmem>>[vector<16xi32>, vector<16xi32>], vector<16xf32>,
      %swap3A_284 = arith.index_cast %and3A_270 : i32 to index
      %swap3A_285 = arith.constant 0 : index
      %swap3A_286 = tpu.vector_load %arg7[%swap3A_284, %swap3A_285] {strides = array<i32>} : memref<128x64xf32, #tpu.memory_space<vmem>>, vector<16xf32>,
      tpu.vector_store %arg7[%swap3A_284, %swap3A_285], %gather3A_283 {strides = array<i32>} : memref<128x64xf32, #tpu.memory_space<vmem>>, vector<16xf32>,
      %iota3A_287 = tpu.iota {dimensions = array<i32: 0>} : vector<16xi32>
      %add3A_288 = arith.constant 16 : i32
      %add3A_289 = vector.broadcast %add3A_288 : i32 to vector<16xi32>
      %add3A_290 = arith.addi %iota3A_287, %add3A_289 : vector<16xi32>
      %gather3A_291 = arith.constant 1 : i32
      %gather3A_292 = arith.constant 0 : i32
      %gather3A_293 = arith.constant 0 : i32
      %gather3A_294 = tpu.memref_slice %arg6[%gather3A_291, %gather3A_292, %gather3A_293] : memref<8x64x128xf32, #tpu.memory_space<vmem>> -> memref<1x64x128xf32, #tpu.memory_space<vmem>>
      %gather3A_295 = tpu.memref_squeeze %gather3A_294 : memref<1x64x128xf32, #tpu.memory_space<vmem>> -> memref<64x128xf32, #tpu.memory_space<vmem>>
      %gather3A_296 = tpu.vector_load_idx %gather3A_295[%add3A_290, %broadcast_in_dim3A_273] : memref<64x128xf32, #tpu.memory_space<vmem>>[vector<16xi32>, vector<16xi32>], vector<16xf32>,
      %swap3A_297 = arith.index_cast %and3A_270 : i32 to index
      %swap3A_298 = arith.constant 16 : index
      %swap3A_299 = tpu.vector_load %arg7[%swap3A_297, %swap3A_298] {strides = array<i32>} : memref<128x64xf32, #tpu.memory_space<vmem>>, vector<16xf32>,
      tpu.vector_store %arg7[%swap3A_297, %swap3A_298], %gather3A_296 {strides = array<i32>} : memref<128x64xf32, #tpu.memory_space<vmem>>, vector<16xf32>,
      %iota3A_300 = tpu.iota {dimensions = array<i32: 0>} : vector<16xi32>
      %add3A_301 = arith.constant 32 : i32
      %add3A_302 = vector.broadcast %add3A_301 : i32 to vector<16xi32>
      %add3A_303 = arith.addi %iota3A_300, %add3A_302 : vector<16xi32>
      %gather3A_304 = arith.constant 1 : i32
      %gather3A_305 = arith.constant 0 : i32
      %gather3A_306 = arith.constant 0 : i32
      %gather3A_307 = tpu.memref_slice %arg6[%gather3A_304, %gather3A_305, %gather3A_306] : memref<8x64x128xf32, #tpu.memory_space<vmem>> -> memref<1x64x128xf32, #tpu.memory_space<vmem>>
      %gather3A_308 = tpu.memref_squeeze %gather3A_307 : memref<1x64x128xf32, #tpu.memory_space<vmem>> -> memref<64x128xf32, #tpu.memory_space<vmem>>
      %gather3A_309 = tpu.vector_load_idx %gather3A_308[%add3A_303, %broadcast_in_dim3A_273] : memref<64x128xf32, #tpu.memory_space<vmem>>[vector<16xi32>, vector<16xi32>], vector<16xf32>,
      %swap3A_310 = arith.index_cast %and3A_270 : i32 to index
      %swap3A_311 = arith.constant 32 : index
      %swap3A_312 = tpu.vector_load %arg7[%swap3A_310, %swap3A_311] {strides = array<i32>} : memref<128x64xf32, #tpu.memory_space<vmem>>, vector<16xf32>,
      tpu.vector_store %arg7[%swap3A_310, %swap3A_311], %gather3A_309 {strides = array<i32>} : memref<128x64xf32, #tpu.memory_space<vmem>>, vector<16xf32>,
      %iota3A_313 = tpu.iota {dimensions = array<i32: 0>} : vector<16xi32>
      %add3A_314 = arith.constant 48 : i32
      %add3A_315 = vector.broadcast %add3A_314 : i32 to vector<16xi32>
      %add3A_316 = arith.addi %iota3A_313, %add3A_315 : vector<16xi32>
      %gather3A_317 = arith.constant 1 : i32
      %gather3A_318 = arith.constant 0 : i32
      %gather3A_319 = arith.constant 0 : i32
      %gather3A_320 = tpu.memref_slice %arg6[%gather3A_317, %gather3A_318, %gather3A_319] : memref<8x64x128xf32, #tpu.memory_space<vmem>> -> memref<1x64x128xf32, #tpu.memory_space<vmem>>
      %gather3A_321 = tpu.memref_squeeze %gather3A_320 : memref<1x64x128xf32, #tpu.memory_space<vmem>> -> memref<64x128xf32, #tpu.memory_space<vmem>>
      %gather3A_322 = tpu.vector_load_idx %gather3A_321[%add3A_316, %broadcast_in_dim3A_273] : memref<64x128xf32, #tpu.memory_space<vmem>>[vector<16xi32>, vector<16xi32>], vector<16xf32>,
      %swap3A_323 = arith.index_cast %and3A_270 : i32 to index
      %swap3A_324 = arith.constant 48 : index
      %swap3A_325 = tpu.vector_load %arg7[%swap3A_323, %swap3A_324] {strides = array<i32>} : memref<128x64xf32, #tpu.memory_space<vmem>>, vector<16xf32>,
      tpu.vector_store %arg7[%swap3A_323, %swap3A_324], %gather3A_322 {strides = array<i32>} : memref<128x64xf32, #tpu.memory_space<vmem>>, vector<16xf32>,
      %slice3A_326 = vector.extract_strided_slice %get3A_168 {offsets = [9], sizes = [1], strides = [1]} : vector<16xi32> to vector<1xi32>
      %squeeze3A_327 = vector.extract %slice3A_326[0] : i32 from vector<1xi32>
      %add3A_328 = arith.constant 8 : i32
      %add3A_329 = arith.addi %add3A_251, %add3A_328 : i32
      %lt3A_330 = arith.constant 256 : i32
      %lt3A_331 = arith.cmpi slt, %add3A_329, %lt3A_330 : i32
      %convert_element_type3A_332 = arith.extui %lt3A_331 : i1 to i32
      %cond3A_333 = arith.constant 0 : i32
      %cond3A_334 = arith.cmpi ne, %convert_element_type3A_332, %cond3A_333 : i32
      scf.if %cond3A_334 {
        %shift_right_arithmetic3A_1534 = arith.constant 7 : i32
        %shift_right_arithmetic3A_1535 = arith.shrsi %squeeze3A_327, %shift_right_arithmetic3A_1534 : i32
        %mul3A_1536 = arith.constant 128 : i32
        %mul3A_1537 = arith.muli %shift_right_arithmetic3A_1535, %mul3A_1536 : i32
        %multiple_of3A_1538 = tpu.assume_multiple %mul3A_1537, 128 : i32
        %dma_start3A_1539 = arith.constant 1 : i32
        %dma_start3A_1540 = arith.constant 0 : i32
        %dma_start3A_1541 = arith.constant 0 : i32
        %dma_start3A_1542 = tpu.memref_slice %arg6[%dma_start3A_1539, %dma_start3A_1540, %dma_start3A_1541] : memref<8x64x128xf32, #tpu.memory_space<vmem>> -> memref<1x64x128xf32, #tpu.memory_space<vmem>>
        %dma_start3A_1543 = tpu.memref_squeeze %dma_start3A_1542 : memref<1x64x128xf32, #tpu.memory_space<vmem>> -> memref<64x128xf32, #tpu.memory_space<vmem>>
        %dma_start3A_1544 = arith.constant 0 : i32
        %dma_start3A_1545 = tpu.memref_slice %arg3[%dma_start3A_1544, %multiple_of3A_1538] : memref<64x1000000xf32, #tpu.memory_space<hbm>> -> memref<64x128xf32, #tpu.memory_space<hbm>>
        %dma_start3A_1546 = arith.constant 0 : i32
        %dma_start3A_1547 = arith.constant 0 : i32
        %dma_start3A_1548 = tpu.memref_slice %arg6[%dma_start3A_1539, %dma_start3A_1546, %dma_start3A_1547] : memref<8x64x128xf32, #tpu.memory_space<vmem>> -> memref<1x64x128xf32, #tpu.memory_space<vmem>>
        %dma_start3A_1549 = tpu.memref_squeeze %dma_start3A_1548 : memref<1x64x128xf32, #tpu.memory_space<vmem>> -> memref<64x128xf32, #tpu.memory_space<vmem>>
        %dma_start3A_1550 = arith.constant 0 : i32
        %dma_start3A_1551 = tpu.memref_slice %arg3[%dma_start3A_1550, %multiple_of3A_1538] : memref<64x1000000xf32, #tpu.memory_space<hbm>> -> memref<64x128xf32, #tpu.memory_space<hbm>>
        tpu.enqueue_dma source(%dma_start3A_1551 : memref<64x128xf32, #tpu.memory_space<hbm>>) target(%dma_start3A_1549 : memref<64x128xf32, #tpu.memory_space<vmem>>) target_semaphore(%arg9 : memref<!tpu.dma_semaphore, #tpu.memory_space<semaphore_mem>>)
      } else {
      }
      %add3A_335 = arith.constant 2 : i32
      %add3A_336 = arith.addi %mul3A_166, %add3A_335 : i32
      %dma_wait3A_337 = arith.constant 2 : i32
      %dma_wait3A_338 = arith.constant 0 : i32
      %dma_wait3A_339 = arith.constant 0 : i32
      %dma_wait3A_340 = tpu.memref_slice %arg6[%dma_wait3A_337, %dma_wait3A_338, %dma_wait3A_339] : memref<8x64x128xf32, #tpu.memory_space<vmem>> -> memref<1x64x128xf32, #tpu.memory_space<vmem>>
      %dma_wait3A_341 = tpu.memref_squeeze %dma_wait3A_340 : memref<1x64x128xf32, #tpu.memory_space<vmem>> -> memref<64x128xf32, #tpu.memory_space<vmem>>
      %dma_wait3A_342 = arith.constant 0 : i32
      %dma_wait3A_343 = arith.constant 0 : i32
      %dma_wait3A_344 = tpu.memref_slice %arg3[%dma_wait3A_342, %dma_wait3A_343] : memref<64x1000000xf32, #tpu.memory_space<hbm>> -> memref<64x128xf32, #tpu.memory_space<hbm>>
      %dma_wait3A_345 = arith.constant 0 : i32
      %dma_wait3A_346 = arith.constant 0 : i32
      %dma_wait3A_347 = tpu.memref_slice %arg6[%dma_wait3A_337, %dma_wait3A_345, %dma_wait3A_346] : memref<8x64x128xf32, #tpu.memory_space<vmem>> -> memref<1x64x128xf32, #tpu.memory_space<vmem>>
      %dma_wait3A_348 = tpu.memref_squeeze %dma_wait3A_347 : memref<1x64x128xf32, #tpu.memory_space<vmem>> -> memref<64x128xf32, #tpu.memory_space<vmem>>
      %dma_wait3A_349 = arith.constant 0 : i32
      %dma_wait3A_350 = arith.constant 0 : i32
      %dma_wait3A_351 = tpu.memref_slice %arg3[%dma_wait3A_349, %dma_wait3A_350] : memref<64x1000000xf32, #tpu.memory_space<hbm>> -> memref<64x128xf32, #tpu.memory_space<hbm>>
      tpu.wait_dma2 semaphore(%arg10 : memref<!tpu.dma_semaphore, #tpu.memory_space<semaphore_mem>>) src(%dma_wait3A_351 : memref<64x128xf32, #tpu.memory_space<hbm>>) dst(%dma_wait3A_348 : memref<64x128xf32, #tpu.memory_space<vmem>>)
      %slice3A_352 = vector.extract_strided_slice %get3A_168 {offsets = [2], sizes = [1], strides = [1]} : vector<16xi32> to vector<1xi32>
      %squeeze3A_353 = vector.extract %slice3A_352[0] : i32 from vector<1xi32>
      %and3A_354 = arith.constant 127 : i32
      %and3A_355 = arith.andi %add3A_336, %and3A_354 : i32
      %and3A_356 = arith.constant 127 : i32
      %and3A_357 = arith.andi %squeeze3A_353, %and3A_356 : i32
      %broadcast_in_dim3A_358 = vector.broadcast %and3A_357 : i32 to vector<16xi32>
      %iota3A_359 = tpu.iota {dimensions = array<i32: 0>} : vector<16xi32>
      %add3A_360 = arith.constant 0 : i32
      %add3A_361 = vector.broadcast %add3A_360 : i32 to vector<16xi32>
      %add3A_362 = arith.addi %iota3A_359, %add3A_361 : vector<16xi32>
      %gather3A_363 = arith.constant 2 : i32
      %gather3A_364 = arith.constant 0 : i32
      %gather3A_365 = arith.constant 0 : i32
      %gather3A_366 = tpu.memref_slice %arg6[%gather3A_363, %gather3A_364, %gather3A_365] : memref<8x64x128xf32, #tpu.memory_space<vmem>> -> memref<1x64x128xf32, #tpu.memory_space<vmem>>
      %gather3A_367 = tpu.memref_squeeze %gather3A_366 : memref<1x64x128xf32, #tpu.memory_space<vmem>> -> memref<64x128xf32, #tpu.memory_space<vmem>>
      %gather3A_368 = tpu.vector_load_idx %gather3A_367[%add3A_362, %broadcast_in_dim3A_358] : memref<64x128xf32, #tpu.memory_space<vmem>>[vector<16xi32>, vector<16xi32>], vector<16xf32>,
      %swap3A_369 = arith.index_cast %and3A_355 : i32 to index
      %swap3A_370 = arith.constant 0 : index
      %swap3A_371 = tpu.vector_load %arg7[%swap3A_369, %swap3A_370] {strides = array<i32>} : memref<128x64xf32, #tpu.memory_space<vmem>>, vector<16xf32>,
      tpu.vector_store %arg7[%swap3A_369, %swap3A_370], %gather3A_368 {strides = array<i32>} : memref<128x64xf32, #tpu.memory_space<vmem>>, vector<16xf32>,
      %iota3A_372 = tpu.iota {dimensions = array<i32: 0>} : vector<16xi32>
      %add3A_373 = arith.constant 16 : i32
      %add3A_374 = vector.broadcast %add3A_373 : i32 to vector<16xi32>
      %add3A_375 = arith.addi %iota3A_372, %add3A_374 : vector<16xi32>
      %gather3A_376 = arith.constant 2 : i32
      %gather3A_377 = arith.constant 0 : i32
      %gather3A_378 = arith.constant 0 : i32
      %gather3A_379 = tpu.memref_slice %arg6[%gather3A_376, %gather3A_377, %gather3A_378] : memref<8x64x128xf32, #tpu.memory_space<vmem>> -> memref<1x64x128xf32, #tpu.memory_space<vmem>>
      %gather3A_380 = tpu.memref_squeeze %gather3A_379 : memref<1x64x128xf32, #tpu.memory_space<vmem>> -> memref<64x128xf32, #tpu.memory_space<vmem>>
      %gather3A_381 = tpu.vector_load_idx %gather3A_380[%add3A_375, %broadcast_in_dim3A_358] : memref<64x128xf32, #tpu.memory_space<vmem>>[vector<16xi32>, vector<16xi32>], vector<16xf32>,
      %swap3A_382 = arith.index_cast %and3A_355 : i32 to index
      %swap3A_383 = arith.constant 16 : index
      %swap3A_384 = tpu.vector_load %arg7[%swap3A_382, %swap3A_383] {strides = array<i32>} : memref<128x64xf32, #tpu.memory_space<vmem>>, vector<16xf32>,
      tpu.vector_store %arg7[%swap3A_382, %swap3A_383], %gather3A_381 {strides = array<i32>} : memref<128x64xf32, #tpu.memory_space<vmem>>, vector<16xf32>,
      %iota3A_385 = tpu.iota {dimensions = array<i32: 0>} : vector<16xi32>
      %add3A_386 = arith.constant 32 : i32
      %add3A_387 = vector.broadcast %add3A_386 : i32 to vector<16xi32>
      %add3A_388 = arith.addi %iota3A_385, %add3A_387 : vector<16xi32>
      %gather3A_389 = arith.constant 2 : i32
      %gather3A_390 = arith.constant 0 : i32
      %gather3A_391 = arith.constant 0 : i32
      %gather3A_392 = tpu.memref_slice %arg6[%gather3A_389, %gather3A_390, %gather3A_391] : memref<8x64x128xf32, #tpu.memory_space<vmem>> -> memref<1x64x128xf32, #tpu.memory_space<vmem>>
      %gather3A_393 = tpu.memref_squeeze %gather3A_392 : memref<1x64x128xf32, #tpu.memory_space<vmem>> -> memref<64x128xf32, #tpu.memory_space<vmem>>
      %gather3A_394 = tpu.vector_load_idx %gather3A_393[%add3A_388, %broadcast_in_dim3A_358] : memref<64x128xf32, #tpu.memory_space<vmem>>[vector<16xi32>, vector<16xi32>], vector<16xf32>,
      %swap3A_395 = arith.index_cast %and3A_355 : i32 to index
      %swap3A_396 = arith.constant 32 : index
      %swap3A_397 = tpu.vector_load %arg7[%swap3A_395, %swap3A_396] {strides = array<i32>} : memref<128x64xf32, #tpu.memory_space<vmem>>, vector<16xf32>,
      tpu.vector_store %arg7[%swap3A_395, %swap3A_396], %gather3A_394 {strides = array<i32>} : memref<128x64xf32, #tpu.memory_space<vmem>>, vector<16xf32>,
      %iota3A_398 = tpu.iota {dimensions = array<i32: 0>} : vector<16xi32>
      %add3A_399 = arith.constant 48 : i32
      %add3A_400 = vector.broadcast %add3A_399 : i32 to vector<16xi32>
      %add3A_401 = arith.addi %iota3A_398, %add3A_400 : vector<16xi32>
      %gather3A_402 = arith.constant 2 : i32
      %gather3A_403 = arith.constant 0 : i32
      %gather3A_404 = arith.constant 0 : i32
      %gather3A_405 = tpu.memref_slice %arg6[%gather3A_402, %gather3A_403, %gather3A_404] : memref<8x64x128xf32, #tpu.memory_space<vmem>> -> memref<1x64x128xf32, #tpu.memory_space<vmem>>
      %gather3A_406 = tpu.memref_squeeze %gather3A_405 : memref<1x64x128xf32, #tpu.memory_space<vmem>> -> memref<64x128xf32, #tpu.memory_space<vmem>>
      %gather3A_407 = tpu.vector_load_idx %gather3A_406[%add3A_401, %broadcast_in_dim3A_358] : memref<64x128xf32, #tpu.memory_space<vmem>>[vector<16xi32>, vector<16xi32>], vector<16xf32>,
      %swap3A_408 = arith.index_cast %and3A_355 : i32 to index
      %swap3A_409 = arith.constant 48 : index
      %swap3A_410 = tpu.vector_load %arg7[%swap3A_408, %swap3A_409] {strides = array<i32>} : memref<128x64xf32, #tpu.memory_space<vmem>>, vector<16xf32>,
      tpu.vector_store %arg7[%swap3A_408, %swap3A_409], %gather3A_407 {strides = array<i32>} : memref<128x64xf32, #tpu.memory_space<vmem>>, vector<16xf32>,
      %slice3A_411 = vector.extract_strided_slice %get3A_168 {offsets = [10], sizes = [1], strides = [1]} : vector<16xi32> to vector<1xi32>
      %squeeze3A_412 = vector.extract %slice3A_411[0] : i32 from vector<1xi32>
      %add3A_413 = arith.constant 8 : i32
      %add3A_414 = arith.addi %add3A_336, %add3A_413 : i32
      %lt3A_415 = arith.constant 256 : i32
      %lt3A_416 = arith.cmpi slt, %add3A_414, %lt3A_415 : i32
      %convert_element_type3A_417 = arith.extui %lt3A_416 : i1 to i32
      %cond3A_418 = arith.constant 0 : i32
      %cond3A_419 = arith.cmpi ne, %convert_element_type3A_417, %cond3A_418 : i32
      scf.if %cond3A_419 {
        %shift_right_arithmetic3A_1534 = arith.constant 7 : i32
        %shift_right_arithmetic3A_1535 = arith.shrsi %squeeze3A_412, %shift_right_arithmetic3A_1534 : i32
        %mul3A_1536 = arith.constant 128 : i32
        %mul3A_1537 = arith.muli %shift_right_arithmetic3A_1535, %mul3A_1536 : i32
        %multiple_of3A_1538 = tpu.assume_multiple %mul3A_1537, 128 : i32
        %dma_start3A_1539 = arith.constant 2 : i32
        %dma_start3A_1540 = arith.constant 0 : i32
        %dma_start3A_1541 = arith.constant 0 : i32
        %dma_start3A_1542 = tpu.memref_slice %arg6[%dma_start3A_1539, %dma_start3A_1540, %dma_start3A_1541] : memref<8x64x128xf32, #tpu.memory_space<vmem>> -> memref<1x64x128xf32, #tpu.memory_space<vmem>>
        %dma_start3A_1543 = tpu.memref_squeeze %dma_start3A_1542 : memref<1x64x128xf32, #tpu.memory_space<vmem>> -> memref<64x128xf32, #tpu.memory_space<vmem>>
        %dma_start3A_1544 = arith.constant 0 : i32
        %dma_start3A_1545 = tpu.memref_slice %arg3[%dma_start3A_1544, %multiple_of3A_1538] : memref<64x1000000xf32, #tpu.memory_space<hbm>> -> memref<64x128xf32, #tpu.memory_space<hbm>>
        %dma_start3A_1546 = arith.constant 0 : i32
        %dma_start3A_1547 = arith.constant 0 : i32
        %dma_start3A_1548 = tpu.memref_slice %arg6[%dma_start3A_1539, %dma_start3A_1546, %dma_start3A_1547] : memref<8x64x128xf32, #tpu.memory_space<vmem>> -> memref<1x64x128xf32, #tpu.memory_space<vmem>>
        %dma_start3A_1549 = tpu.memref_squeeze %dma_start3A_1548 : memref<1x64x128xf32, #tpu.memory_space<vmem>> -> memref<64x128xf32, #tpu.memory_space<vmem>>
        %dma_start3A_1550 = arith.constant 0 : i32
        %dma_start3A_1551 = tpu.memref_slice %arg3[%dma_start3A_1550, %multiple_of3A_1538] : memref<64x1000000xf32, #tpu.memory_space<hbm>> -> memref<64x128xf32, #tpu.memory_space<hbm>>
        tpu.enqueue_dma source(%dma_start3A_1551 : memref<64x128xf32, #tpu.memory_space<hbm>>) target(%dma_start3A_1549 : memref<64x128xf32, #tpu.memory_space<vmem>>) target_semaphore(%arg10 : memref<!tpu.dma_semaphore, #tpu.memory_space<semaphore_mem>>)
      } else {
      }
      %add3A_420 = arith.constant 3 : i32
      %add3A_421 = arith.addi %mul3A_166, %add3A_420 : i32
      %dma_wait3A_422 = arith.constant 3 : i32
      %dma_wait3A_423 = arith.constant 0 : i32
      %dma_wait3A_424 = arith.constant 0 : i32
      %dma_wait3A_425 = tpu.memref_slice %arg6[%dma_wait3A_422, %dma_wait3A_423, %dma_wait3A_424] : memref<8x64x128xf32, #tpu.memory_space<vmem>> -> memref<1x64x128xf32, #tpu.memory_space<vmem>>
      %dma_wait3A_426 = tpu.memref_squeeze %dma_wait3A_425 : memref<1x64x128xf32, #tpu.memory_space<vmem>> -> memref<64x128xf32, #tpu.memory_space<vmem>>
      %dma_wait3A_427 = arith.constant 0 : i32
      %dma_wait3A_428 = arith.constant 0 : i32
      %dma_wait3A_429 = tpu.memref_slice %arg3[%dma_wait3A_427, %dma_wait3A_428] : memref<64x1000000xf32, #tpu.memory_space<hbm>> -> memref<64x128xf32, #tpu.memory_space<hbm>>
      %dma_wait3A_430 = arith.constant 0 : i32
      %dma_wait3A_431 = arith.constant 0 : i32
      %dma_wait3A_432 = tpu.memref_slice %arg6[%dma_wait3A_422, %dma_wait3A_430, %dma_wait3A_431] : memref<8x64x128xf32, #tpu.memory_space<vmem>> -> memref<1x64x128xf32, #tpu.memory_space<vmem>>
      %dma_wait3A_433 = tpu.memref_squeeze %dma_wait3A_432 : memref<1x64x128xf32, #tpu.memory_space<vmem>> -> memref<64x128xf32, #tpu.memory_space<vmem>>
      %dma_wait3A_434 = arith.constant 0 : i32
      %dma_wait3A_435 = arith.constant 0 : i32
      %dma_wait3A_436 = tpu.memref_slice %arg3[%dma_wait3A_434, %dma_wait3A_435] : memref<64x1000000xf32, #tpu.memory_space<hbm>> -> memref<64x128xf32, #tpu.memory_space<hbm>>
      tpu.wait_dma2 semaphore(%arg11 : memref<!tpu.dma_semaphore, #tpu.memory_space<semaphore_mem>>) src(%dma_wait3A_436 : memref<64x128xf32, #tpu.memory_space<hbm>>) dst(%dma_wait3A_433 : memref<64x128xf32, #tpu.memory_space<vmem>>)
      %slice3A_437 = vector.extract_strided_slice %get3A_168 {offsets = [3], sizes = [1], strides = [1]} : vector<16xi32> to vector<1xi32>
      %squeeze3A_438 = vector.extract %slice3A_437[0] : i32 from vector<1xi32>
      %and3A_439 = arith.constant 127 : i32
      %and3A_440 = arith.andi %add3A_421, %and3A_439 : i32
      %and3A_441 = arith.constant 127 : i32
      %and3A_442 = arith.andi %squeeze3A_438, %and3A_441 : i32
      %broadcast_in_dim3A_443 = vector.broadcast %and3A_442 : i32 to vector<16xi32>
      %iota3A_444 = tpu.iota {dimensions = array<i32: 0>} : vector<16xi32>
      %add3A_445 = arith.constant 0 : i32
      %add3A_446 = vector.broadcast %add3A_445 : i32 to vector<16xi32>
      %add3A_447 = arith.addi %iota3A_444, %add3A_446 : vector<16xi32>
      %gather3A_448 = arith.constant 3 : i32
      %gather3A_449 = arith.constant 0 : i32
      %gather3A_450 = arith.constant 0 : i32
      %gather3A_451 = tpu.memref_slice %arg6[%gather3A_448, %gather3A_449, %gather3A_450] : memref<8x64x128xf32, #tpu.memory_space<vmem>> -> memref<1x64x128xf32, #tpu.memory_space<vmem>>
      %gather3A_452 = tpu.memref_squeeze %gather3A_451 : memref<1x64x128xf32, #tpu.memory_space<vmem>> -> memref<64x128xf32, #tpu.memory_space<vmem>>
      %gather3A_453 = tpu.vector_load_idx %gather3A_452[%add3A_447, %broadcast_in_dim3A_443] : memref<64x128xf32, #tpu.memory_space<vmem>>[vector<16xi32>, vector<16xi32>], vector<16xf32>,
      %swap3A_454 = arith.index_cast %and3A_440 : i32 to index
      %swap3A_455 = arith.constant 0 : index
      %swap3A_456 = tpu.vector_load %arg7[%swap3A_454, %swap3A_455] {strides = array<i32>} : memref<128x64xf32, #tpu.memory_space<vmem>>, vector<16xf32>,
      tpu.vector_store %arg7[%swap3A_454, %swap3A_455], %gather3A_453 {strides = array<i32>} : memref<128x64xf32, #tpu.memory_space<vmem>>, vector<16xf32>,
      %iota3A_457 = tpu.iota {dimensions = array<i32: 0>} : vector<16xi32>
      %add3A_458 = arith.constant 16 : i32
      %add3A_459 = vector.broadcast %add3A_458 : i32 to vector<16xi32>
      %add3A_460 = arith.addi %iota3A_457, %add3A_459 : vector<16xi32>
      %gather3A_461 = arith.constant 3 : i32
      %gather3A_462 = arith.constant 0 : i32
      %gather3A_463 = arith.constant 0 : i32
      %gather3A_464 = tpu.memref_slice %arg6[%gather3A_461, %gather3A_462, %gather3A_463] : memref<8x64x128xf32, #tpu.memory_space<vmem>> -> memref<1x64x128xf32, #tpu.memory_space<vmem>>
      %gather3A_465 = tpu.memref_squeeze %gather3A_464 : memref<1x64x128xf32, #tpu.memory_space<vmem>> -> memref<64x128xf32, #tpu.memory_space<vmem>>
      %gather3A_466 = tpu.vector_load_idx %gather3A_465[%add3A_460, %broadcast_in_dim3A_443] : memref<64x128xf32, #tpu.memory_space<vmem>>[vector<16xi32>, vector<16xi32>], vector<16xf32>,
      %swap3A_467 = arith.index_cast %and3A_440 : i32 to index
      %swap3A_468 = arith.constant 16 : index
      %swap3A_469 = tpu.vector_load %arg7[%swap3A_467, %swap3A_468] {strides = array<i32>} : memref<128x64xf32, #tpu.memory_space<vmem>>, vector<16xf32>,
      tpu.vector_store %arg7[%swap3A_467, %swap3A_468], %gather3A_466 {strides = array<i32>} : memref<128x64xf32, #tpu.memory_space<vmem>>, vector<16xf32>,
      %iota3A_470 = tpu.iota {dimensions = array<i32: 0>} : vector<16xi32>
      %add3A_471 = arith.constant 32 : i32
      %add3A_472 = vector.broadcast %add3A_471 : i32 to vector<16xi32>
      %add3A_473 = arith.addi %iota3A_470, %add3A_472 : vector<16xi32>
      %gather3A_474 = arith.constant 3 : i32
      %gather3A_475 = arith.constant 0 : i32
      %gather3A_476 = arith.constant 0 : i32
      %gather3A_477 = tpu.memref_slice %arg6[%gather3A_474, %gather3A_475, %gather3A_476] : memref<8x64x128xf32, #tpu.memory_space<vmem>> -> memref<1x64x128xf32, #tpu.memory_space<vmem>>
      %gather3A_478 = tpu.memref_squeeze %gather3A_477 : memref<1x64x128xf32, #tpu.memory_space<vmem>> -> memref<64x128xf32, #tpu.memory_space<vmem>>
      %gather3A_479 = tpu.vector_load_idx %gather3A_478[%add3A_473, %broadcast_in_dim3A_443] : memref<64x128xf32, #tpu.memory_space<vmem>>[vector<16xi32>, vector<16xi32>], vector<16xf32>,
      %swap3A_480 = arith.index_cast %and3A_440 : i32 to index
      %swap3A_481 = arith.constant 32 : index
      %swap3A_482 = tpu.vector_load %arg7[%swap3A_480, %swap3A_481] {strides = array<i32>} : memref<128x64xf32, #tpu.memory_space<vmem>>, vector<16xf32>,
      tpu.vector_store %arg7[%swap3A_480, %swap3A_481], %gather3A_479 {strides = array<i32>} : memref<128x64xf32, #tpu.memory_space<vmem>>, vector<16xf32>,
      %iota3A_483 = tpu.iota {dimensions = array<i32: 0>} : vector<16xi32>
      %add3A_484 = arith.constant 48 : i32
      %add3A_485 = vector.broadcast %add3A_484 : i32 to vector<16xi32>
      %add3A_486 = arith.addi %iota3A_483, %add3A_485 : vector<16xi32>
      %gather3A_487 = arith.constant 3 : i32
      %gather3A_488 = arith.constant 0 : i32
      %gather3A_489 = arith.constant 0 : i32
      %gather3A_490 = tpu.memref_slice %arg6[%gather3A_487, %gather3A_488, %gather3A_489] : memref<8x64x128xf32, #tpu.memory_space<vmem>> -> memref<1x64x128xf32, #tpu.memory_space<vmem>>
      %gather3A_491 = tpu.memref_squeeze %gather3A_490 : memref<1x64x128xf32, #tpu.memory_space<vmem>> -> memref<64x128xf32, #tpu.memory_space<vmem>>
      %gather3A_492 = tpu.vector_load_idx %gather3A_491[%add3A_486, %broadcast_in_dim3A_443] : memref<64x128xf32, #tpu.memory_space<vmem>>[vector<16xi32>, vector<16xi32>], vector<16xf32>,
      %swap3A_493 = arith.index_cast %and3A_440 : i32 to index
      %swap3A_494 = arith.constant 48 : index
      %swap3A_495 = tpu.vector_load %arg7[%swap3A_493, %swap3A_494] {strides = array<i32>} : memref<128x64xf32, #tpu.memory_space<vmem>>, vector<16xf32>,
      tpu.vector_store %arg7[%swap3A_493, %swap3A_494], %gather3A_492 {strides = array<i32>} : memref<128x64xf32, #tpu.memory_space<vmem>>, vector<16xf32>,
      %slice3A_496 = vector.extract_strided_slice %get3A_168 {offsets = [11], sizes = [1], strides = [1]} : vector<16xi32> to vector<1xi32>
      %squeeze3A_497 = vector.extract %slice3A_496[0] : i32 from vector<1xi32>
      %add3A_498 = arith.constant 8 : i32
      %add3A_499 = arith.addi %add3A_421, %add3A_498 : i32
      %lt3A_500 = arith.constant 256 : i32
      %lt3A_501 = arith.cmpi slt, %add3A_499, %lt3A_500 : i32
      %convert_element_type3A_502 = arith.extui %lt3A_501 : i1 to i32
      %cond3A_503 = arith.constant 0 : i32
      %cond3A_504 = arith.cmpi ne, %convert_element_type3A_502, %cond3A_503 : i32
      scf.if %cond3A_504 {
        %shift_right_arithmetic3A_1534 = arith.constant 7 : i32
        %shift_right_arithmetic3A_1535 = arith.shrsi %squeeze3A_497, %shift_right_arithmetic3A_1534 : i32
        %mul3A_1536 = arith.constant 128 : i32
        %mul3A_1537 = arith.muli %shift_right_arithmetic3A_1535, %mul3A_1536 : i32
        %multiple_of3A_1538 = tpu.assume_multiple %mul3A_1537, 128 : i32
        %dma_start3A_1539 = arith.constant 3 : i32
        %dma_start3A_1540 = arith.constant 0 : i32
        %dma_start3A_1541 = arith.constant 0 : i32
        %dma_start3A_1542 = tpu.memref_slice %arg6[%dma_start3A_1539, %dma_start3A_1540, %dma_start3A_1541] : memref<8x64x128xf32, #tpu.memory_space<vmem>> -> memref<1x64x128xf32, #tpu.memory_space<vmem>>
        %dma_start3A_1543 = tpu.memref_squeeze %dma_start3A_1542 : memref<1x64x128xf32, #tpu.memory_space<vmem>> -> memref<64x128xf32, #tpu.memory_space<vmem>>
        %dma_start3A_1544 = arith.constant 0 : i32
        %dma_start3A_1545 = tpu.memref_slice %arg3[%dma_start3A_1544, %multiple_of3A_1538] : memref<64x1000000xf32, #tpu.memory_space<hbm>> -> memref<64x128xf32, #tpu.memory_space<hbm>>
        %dma_start3A_1546 = arith.constant 0 : i32
        %dma_start3A_1547 = arith.constant 0 : i32
        %dma_start3A_1548 = tpu.memref_slice %arg6[%dma_start3A_1539, %dma_start3A_1546, %dma_start3A_1547] : memref<8x64x128xf32, #tpu.memory_space<vmem>> -> memref<1x64x128xf32, #tpu.memory_space<vmem>>
        %dma_start3A_1549 = tpu.memref_squeeze %dma_start3A_1548 : memref<1x64x128xf32, #tpu.memory_space<vmem>> -> memref<64x128xf32, #tpu.memory_space<vmem>>
        %dma_start3A_1550 = arith.constant 0 : i32
        %dma_start3A_1551 = tpu.memref_slice %arg3[%dma_start3A_1550, %multiple_of3A_1538] : memref<64x1000000xf32, #tpu.memory_space<hbm>> -> memref<64x128xf32, #tpu.memory_space<hbm>>
        tpu.enqueue_dma source(%dma_start3A_1551 : memref<64x128xf32, #tpu.memory_space<hbm>>) target(%dma_start3A_1549 : memref<64x128xf32, #tpu.memory_space<vmem>>) target_semaphore(%arg11 : memref<!tpu.dma_semaphore, #tpu.memory_space<semaphore_mem>>)
      } else {
      }
      %add3A_505 = arith.constant 4 : i32
      %add3A_506 = arith.addi %mul3A_166, %add3A_505 : i32
      %dma_wait3A_507 = arith.constant 4 : i32
      %dma_wait3A_508 = arith.constant 0 : i32
      %dma_wait3A_509 = arith.constant 0 : i32
      %dma_wait3A_510 = tpu.memref_slice %arg6[%dma_wait3A_507, %dma_wait3A_508, %dma_wait3A_509] : memref<8x64x128xf32, #tpu.memory_space<vmem>> -> memref<1x64x128xf32, #tpu.memory_space<vmem>>
      %dma_wait3A_511 = tpu.memref_squeeze %dma_wait3A_510 : memref<1x64x128xf32, #tpu.memory_space<vmem>> -> memref<64x128xf32, #tpu.memory_space<vmem>>
      %dma_wait3A_512 = arith.constant 0 : i32
      %dma_wait3A_513 = arith.constant 0 : i32
      %dma_wait3A_514 = tpu.memref_slice %arg3[%dma_wait3A_512, %dma_wait3A_513] : memref<64x1000000xf32, #tpu.memory_space<hbm>> -> memref<64x128xf32, #tpu.memory_space<hbm>>
      %dma_wait3A_515 = arith.constant 0 : i32
      %dma_wait3A_516 = arith.constant 0 : i32
      %dma_wait3A_517 = tpu.memref_slice %arg6[%dma_wait3A_507, %dma_wait3A_515, %dma_wait3A_516] : memref<8x64x128xf32, #tpu.memory_space<vmem>> -> memref<1x64x128xf32, #tpu.memory_space<vmem>>
      %dma_wait3A_518 = tpu.memref_squeeze %dma_wait3A_517 : memref<1x64x128xf32, #tpu.memory_space<vmem>> -> memref<64x128xf32, #tpu.memory_space<vmem>>
      %dma_wait3A_519 = arith.constant 0 : i32
      %dma_wait3A_520 = arith.constant 0 : i32
      %dma_wait3A_521 = tpu.memref_slice %arg3[%dma_wait3A_519, %dma_wait3A_520] : memref<64x1000000xf32, #tpu.memory_space<hbm>> -> memref<64x128xf32, #tpu.memory_space<hbm>>
      tpu.wait_dma2 semaphore(%arg12 : memref<!tpu.dma_semaphore, #tpu.memory_space<semaphore_mem>>) src(%dma_wait3A_521 : memref<64x128xf32, #tpu.memory_space<hbm>>) dst(%dma_wait3A_518 : memref<64x128xf32, #tpu.memory_space<vmem>>)
      %slice3A_522 = vector.extract_strided_slice %get3A_168 {offsets = [4], sizes = [1], strides = [1]} : vector<16xi32> to vector<1xi32>
      %squeeze3A_523 = vector.extract %slice3A_522[0] : i32 from vector<1xi32>
      %and3A_524 = arith.constant 127 : i32
      %and3A_525 = arith.andi %add3A_506, %and3A_524 : i32
      %and3A_526 = arith.constant 127 : i32
      %and3A_527 = arith.andi %squeeze3A_523, %and3A_526 : i32
      %broadcast_in_dim3A_528 = vector.broadcast %and3A_527 : i32 to vector<16xi32>
      %iota3A_529 = tpu.iota {dimensions = array<i32: 0>} : vector<16xi32>
      %add3A_530 = arith.constant 0 : i32
      %add3A_531 = vector.broadcast %add3A_530 : i32 to vector<16xi32>
      %add3A_532 = arith.addi %iota3A_529, %add3A_531 : vector<16xi32>
      %gather3A_533 = arith.constant 4 : i32
      %gather3A_534 = arith.constant 0 : i32
      %gather3A_535 = arith.constant 0 : i32
      %gather3A_536 = tpu.memref_slice %arg6[%gather3A_533, %gather3A_534, %gather3A_535] : memref<8x64x128xf32, #tpu.memory_space<vmem>> -> memref<1x64x128xf32, #tpu.memory_space<vmem>>
      %gather3A_537 = tpu.memref_squeeze %gather3A_536 : memref<1x64x128xf32, #tpu.memory_space<vmem>> -> memref<64x128xf32, #tpu.memory_space<vmem>>
      %gather3A_538 = tpu.vector_load_idx %gather3A_537[%add3A_532, %broadcast_in_dim3A_528] : memref<64x128xf32, #tpu.memory_space<vmem>>[vector<16xi32>, vector<16xi32>], vector<16xf32>,
      %swap3A_539 = arith.index_cast %and3A_525 : i32 to index
      %swap3A_540 = arith.constant 0 : index
      %swap3A_541 = tpu.vector_load %arg7[%swap3A_539, %swap3A_540] {strides = array<i32>} : memref<128x64xf32, #tpu.memory_space<vmem>>, vector<16xf32>,
      tpu.vector_store %arg7[%swap3A_539, %swap3A_540], %gather3A_538 {strides = array<i32>} : memref<128x64xf32, #tpu.memory_space<vmem>>, vector<16xf32>,
      %iota3A_542 = tpu.iota {dimensions = array<i32: 0>} : vector<16xi32>
      %add3A_543 = arith.constant 16 : i32
      %add3A_544 = vector.broadcast %add3A_543 : i32 to vector<16xi32>
      %add3A_545 = arith.addi %iota3A_542, %add3A_544 : vector<16xi32>
      %gather3A_546 = arith.constant 4 : i32
      %gather3A_547 = arith.constant 0 : i32
      %gather3A_548 = arith.constant 0 : i32
      %gather3A_549 = tpu.memref_slice %arg6[%gather3A_546, %gather3A_547, %gather3A_548] : memref<8x64x128xf32, #tpu.memory_space<vmem>> -> memref<1x64x128xf32, #tpu.memory_space<vmem>>
      %gather3A_550 = tpu.memref_squeeze %gather3A_549 : memref<1x64x128xf32, #tpu.memory_space<vmem>> -> memref<64x128xf32, #tpu.memory_space<vmem>>
      %gather3A_551 = tpu.vector_load_idx %gather3A_550[%add3A_545, %broadcast_in_dim3A_528] : memref<64x128xf32, #tpu.memory_space<vmem>>[vector<16xi32>, vector<16xi32>], vector<16xf32>,
      %swap3A_552 = arith.index_cast %and3A_525 : i32 to index
      %swap3A_553 = arith.constant 16 : index
      %swap3A_554 = tpu.vector_load %arg7[%swap3A_552, %swap3A_553] {strides = array<i32>} : memref<128x64xf32, #tpu.memory_space<vmem>>, vector<16xf32>,
      tpu.vector_store %arg7[%swap3A_552, %swap3A_553], %gather3A_551 {strides = array<i32>} : memref<128x64xf32, #tpu.memory_space<vmem>>, vector<16xf32>,
      %iota3A_555 = tpu.iota {dimensions = array<i32: 0>} : vector<16xi32>
      %add3A_556 = arith.constant 32 : i32
      %add3A_557 = vector.broadcast %add3A_556 : i32 to vector<16xi32>
      %add3A_558 = arith.addi %iota3A_555, %add3A_557 : vector<16xi32>
      %gather3A_559 = arith.constant 4 : i32
      %gather3A_560 = arith.constant 0 : i32
      %gather3A_561 = arith.constant 0 : i32
      %gather3A_562 = tpu.memref_slice %arg6[%gather3A_559, %gather3A_560, %gather3A_561] : memref<8x64x128xf32, #tpu.memory_space<vmem>> -> memref<1x64x128xf32, #tpu.memory_space<vmem>>
      %gather3A_563 = tpu.memref_squeeze %gather3A_562 : memref<1x64x128xf32, #tpu.memory_space<vmem>> -> memref<64x128xf32, #tpu.memory_space<vmem>>
      %gather3A_564 = tpu.vector_load_idx %gather3A_563[%add3A_558, %broadcast_in_dim3A_528] : memref<64x128xf32, #tpu.memory_space<vmem>>[vector<16xi32>, vector<16xi32>], vector<16xf32>,
      %swap3A_565 = arith.index_cast %and3A_525 : i32 to index
      %swap3A_566 = arith.constant 32 : index
      %swap3A_567 = tpu.vector_load %arg7[%swap3A_565, %swap3A_566] {strides = array<i32>} : memref<128x64xf32, #tpu.memory_space<vmem>>, vector<16xf32>,
      tpu.vector_store %arg7[%swap3A_565, %swap3A_566], %gather3A_564 {strides = array<i32>} : memref<128x64xf32, #tpu.memory_space<vmem>>, vector<16xf32>,
      %iota3A_568 = tpu.iota {dimensions = array<i32: 0>} : vector<16xi32>
      %add3A_569 = arith.constant 48 : i32
      %add3A_570 = vector.broadcast %add3A_569 : i32 to vector<16xi32>
      %add3A_571 = arith.addi %iota3A_568, %add3A_570 : vector<16xi32>
      %gather3A_572 = arith.constant 4 : i32
      %gather3A_573 = arith.constant 0 : i32
      %gather3A_574 = arith.constant 0 : i32
      %gather3A_575 = tpu.memref_slice %arg6[%gather3A_572, %gather3A_573, %gather3A_574] : memref<8x64x128xf32, #tpu.memory_space<vmem>> -> memref<1x64x128xf32, #tpu.memory_space<vmem>>
      %gather3A_576 = tpu.memref_squeeze %gather3A_575 : memref<1x64x128xf32, #tpu.memory_space<vmem>> -> memref<64x128xf32, #tpu.memory_space<vmem>>
      %gather3A_577 = tpu.vector_load_idx %gather3A_576[%add3A_571, %broadcast_in_dim3A_528] : memref<64x128xf32, #tpu.memory_space<vmem>>[vector<16xi32>, vector<16xi32>], vector<16xf32>,
      %swap3A_578 = arith.index_cast %and3A_525 : i32 to index
      %swap3A_579 = arith.constant 48 : index
      %swap3A_580 = tpu.vector_load %arg7[%swap3A_578, %swap3A_579] {strides = array<i32>} : memref<128x64xf32, #tpu.memory_space<vmem>>, vector<16xf32>,
      tpu.vector_store %arg7[%swap3A_578, %swap3A_579], %gather3A_577 {strides = array<i32>} : memref<128x64xf32, #tpu.memory_space<vmem>>, vector<16xf32>,
      %slice3A_581 = vector.extract_strided_slice %get3A_168 {offsets = [12], sizes = [1], strides = [1]} : vector<16xi32> to vector<1xi32>
      %squeeze3A_582 = vector.extract %slice3A_581[0] : i32 from vector<1xi32>
      %add3A_583 = arith.constant 8 : i32
      %add3A_584 = arith.addi %add3A_506, %add3A_583 : i32
      %lt3A_585 = arith.constant 256 : i32
      %lt3A_586 = arith.cmpi slt, %add3A_584, %lt3A_585 : i32
      %convert_element_type3A_587 = arith.extui %lt3A_586 : i1 to i32
      %cond3A_588 = arith.constant 0 : i32
      %cond3A_589 = arith.cmpi ne, %convert_element_type3A_587, %cond3A_588 : i32
      scf.if %cond3A_589 {
        %shift_right_arithmetic3A_1534 = arith.constant 7 : i32
        %shift_right_arithmetic3A_1535 = arith.shrsi %squeeze3A_582, %shift_right_arithmetic3A_1534 : i32
        %mul3A_1536 = arith.constant 128 : i32
        %mul3A_1537 = arith.muli %shift_right_arithmetic3A_1535, %mul3A_1536 : i32
        %multiple_of3A_1538 = tpu.assume_multiple %mul3A_1537, 128 : i32
        %dma_start3A_1539 = arith.constant 4 : i32
        %dma_start3A_1540 = arith.constant 0 : i32
        %dma_start3A_1541 = arith.constant 0 : i32
        %dma_start3A_1542 = tpu.memref_slice %arg6[%dma_start3A_1539, %dma_start3A_1540, %dma_start3A_1541] : memref<8x64x128xf32, #tpu.memory_space<vmem>> -> memref<1x64x128xf32, #tpu.memory_space<vmem>>
        %dma_start3A_1543 = tpu.memref_squeeze %dma_start3A_1542 : memref<1x64x128xf32, #tpu.memory_space<vmem>> -> memref<64x128xf32, #tpu.memory_space<vmem>>
        %dma_start3A_1544 = arith.constant 0 : i32
        %dma_start3A_1545 = tpu.memref_slice %arg3[%dma_start3A_1544, %multiple_of3A_1538] : memref<64x1000000xf32, #tpu.memory_space<hbm>> -> memref<64x128xf32, #tpu.memory_space<hbm>>
        %dma_start3A_1546 = arith.constant 0 : i32
        %dma_start3A_1547 = arith.constant 0 : i32
        %dma_start3A_1548 = tpu.memref_slice %arg6[%dma_start3A_1539, %dma_start3A_1546, %dma_start3A_1547] : memref<8x64x128xf32, #tpu.memory_space<vmem>> -> memref<1x64x128xf32, #tpu.memory_space<vmem>>
        %dma_start3A_1549 = tpu.memref_squeeze %dma_start3A_1548 : memref<1x64x128xf32, #tpu.memory_space<vmem>> -> memref<64x128xf32, #tpu.memory_space<vmem>>
        %dma_start3A_1550 = arith.constant 0 : i32
        %dma_start3A_1551 = tpu.memref_slice %arg3[%dma_start3A_1550, %multiple_of3A_1538] : memref<64x1000000xf32, #tpu.memory_space<hbm>> -> memref<64x128xf32, #tpu.memory_space<hbm>>
        tpu.enqueue_dma source(%dma_start3A_1551 : memref<64x128xf32, #tpu.memory_space<hbm>>) target(%dma_start3A_1549 : memref<64x128xf32, #tpu.memory_space<vmem>>) target_semaphore(%arg12 : memref<!tpu.dma_semaphore, #tpu.memory_space<semaphore_mem>>)
      } else {
      }
      %add3A_590 = arith.constant 5 : i32
      %add3A_591 = arith.addi %mul3A_166, %add3A_590 : i32
      %dma_wait3A_592 = arith.constant 5 : i32
      %dma_wait3A_593 = arith.constant 0 : i32
      %dma_wait3A_594 = arith.constant 0 : i32
      %dma_wait3A_595 = tpu.memref_slice %arg6[%dma_wait3A_592, %dma_wait3A_593, %dma_wait3A_594] : memref<8x64x128xf32, #tpu.memory_space<vmem>> -> memref<1x64x128xf32, #tpu.memory_space<vmem>>
      %dma_wait3A_596 = tpu.memref_squeeze %dma_wait3A_595 : memref<1x64x128xf32, #tpu.memory_space<vmem>> -> memref<64x128xf32, #tpu.memory_space<vmem>>
      %dma_wait3A_597 = arith.constant 0 : i32
      %dma_wait3A_598 = arith.constant 0 : i32
      %dma_wait3A_599 = tpu.memref_slice %arg3[%dma_wait3A_597, %dma_wait3A_598] : memref<64x1000000xf32, #tpu.memory_space<hbm>> -> memref<64x128xf32, #tpu.memory_space<hbm>>
      %dma_wait3A_600 = arith.constant 0 : i32
      %dma_wait3A_601 = arith.constant 0 : i32
      %dma_wait3A_602 = tpu.memref_slice %arg6[%dma_wait3A_592, %dma_wait3A_600, %dma_wait3A_601] : memref<8x64x128xf32, #tpu.memory_space<vmem>> -> memref<1x64x128xf32, #tpu.memory_space<vmem>>
      %dma_wait3A_603 = tpu.memref_squeeze %dma_wait3A_602 : memref<1x64x128xf32, #tpu.memory_space<vmem>> -> memref<64x128xf32, #tpu.memory_space<vmem>>
      %dma_wait3A_604 = arith.constant 0 : i32
      %dma_wait3A_605 = arith.constant 0 : i32
      %dma_wait3A_606 = tpu.memref_slice %arg3[%dma_wait3A_604, %dma_wait3A_605] : memref<64x1000000xf32, #tpu.memory_space<hbm>> -> memref<64x128xf32, #tpu.memory_space<hbm>>
      tpu.wait_dma2 semaphore(%arg13 : memref<!tpu.dma_semaphore, #tpu.memory_space<semaphore_mem>>) src(%dma_wait3A_606 : memref<64x128xf32, #tpu.memory_space<hbm>>) dst(%dma_wait3A_603 : memref<64x128xf32, #tpu.memory_space<vmem>>)
      %slice3A_607 = vector.extract_strided_slice %get3A_168 {offsets = [5], sizes = [1], strides = [1]} : vector<16xi32> to vector<1xi32>
      %squeeze3A_608 = vector.extract %slice3A_607[0] : i32 from vector<1xi32>
      %and3A_609 = arith.constant 127 : i32
      %and3A_610 = arith.andi %add3A_591, %and3A_609 : i32
      %and3A_611 = arith.constant 127 : i32
      %and3A_612 = arith.andi %squeeze3A_608, %and3A_611 : i32
      %broadcast_in_dim3A_613 = vector.broadcast %and3A_612 : i32 to vector<16xi32>
      %iota3A_614 = tpu.iota {dimensions = array<i32: 0>} : vector<16xi32>
      %add3A_615 = arith.constant 0 : i32
      %add3A_616 = vector.broadcast %add3A_615 : i32 to vector<16xi32>
      %add3A_617 = arith.addi %iota3A_614, %add3A_616 : vector<16xi32>
      %gather3A_618 = arith.constant 5 : i32
      %gather3A_619 = arith.constant 0 : i32
      %gather3A_620 = arith.constant 0 : i32
      %gather3A_621 = tpu.memref_slice %arg6[%gather3A_618, %gather3A_619, %gather3A_620] : memref<8x64x128xf32, #tpu.memory_space<vmem>> -> memref<1x64x128xf32, #tpu.memory_space<vmem>>
      %gather3A_622 = tpu.memref_squeeze %gather3A_621 : memref<1x64x128xf32, #tpu.memory_space<vmem>> -> memref<64x128xf32, #tpu.memory_space<vmem>>
      %gather3A_623 = tpu.vector_load_idx %gather3A_622[%add3A_617, %broadcast_in_dim3A_613] : memref<64x128xf32, #tpu.memory_space<vmem>>[vector<16xi32>, vector<16xi32>], vector<16xf32>,
      %swap3A_624 = arith.index_cast %and3A_610 : i32 to index
      %swap3A_625 = arith.constant 0 : index
      %swap3A_626 = tpu.vector_load %arg7[%swap3A_624, %swap3A_625] {strides = array<i32>} : memref<128x64xf32, #tpu.memory_space<vmem>>, vector<16xf32>,
      tpu.vector_store %arg7[%swap3A_624, %swap3A_625], %gather3A_623 {strides = array<i32>} : memref<128x64xf32, #tpu.memory_space<vmem>>, vector<16xf32>,
      %iota3A_627 = tpu.iota {dimensions = array<i32: 0>} : vector<16xi32>
      %add3A_628 = arith.constant 16 : i32
      %add3A_629 = vector.broadcast %add3A_628 : i32 to vector<16xi32>
      %add3A_630 = arith.addi %iota3A_627, %add3A_629 : vector<16xi32>
      %gather3A_631 = arith.constant 5 : i32
      %gather3A_632 = arith.constant 0 : i32
      %gather3A_633 = arith.constant 0 : i32
      %gather3A_634 = tpu.memref_slice %arg6[%gather3A_631, %gather3A_632, %gather3A_633] : memref<8x64x128xf32, #tpu.memory_space<vmem>> -> memref<1x64x128xf32, #tpu.memory_space<vmem>>
      %gather3A_635 = tpu.memref_squeeze %gather3A_634 : memref<1x64x128xf32, #tpu.memory_space<vmem>> -> memref<64x128xf32, #tpu.memory_space<vmem>>
      %gather3A_636 = tpu.vector_load_idx %gather3A_635[%add3A_630, %broadcast_in_dim3A_613] : memref<64x128xf32, #tpu.memory_space<vmem>>[vector<16xi32>, vector<16xi32>], vector<16xf32>,
      %swap3A_637 = arith.index_cast %and3A_610 : i32 to index
      %swap3A_638 = arith.constant 16 : index
      %swap3A_639 = tpu.vector_load %arg7[%swap3A_637, %swap3A_638] {strides = array<i32>} : memref<128x64xf32, #tpu.memory_space<vmem>>, vector<16xf32>,
      tpu.vector_store %arg7[%swap3A_637, %swap3A_638], %gather3A_636 {strides = array<i32>} : memref<128x64xf32, #tpu.memory_space<vmem>>, vector<16xf32>,
      %iota3A_640 = tpu.iota {dimensions = array<i32: 0>} : vector<16xi32>
      %add3A_641 = arith.constant 32 : i32
      %add3A_642 = vector.broadcast %add3A_641 : i32 to vector<16xi32>
      %add3A_643 = arith.addi %iota3A_640, %add3A_642 : vector<16xi32>
      %gather3A_644 = arith.constant 5 : i32
      %gather3A_645 = arith.constant 0 : i32
      %gather3A_646 = arith.constant 0 : i32
      %gather3A_647 = tpu.memref_slice %arg6[%gather3A_644, %gather3A_645, %gather3A_646] : memref<8x64x128xf32, #tpu.memory_space<vmem>> -> memref<1x64x128xf32, #tpu.memory_space<vmem>>
      %gather3A_648 = tpu.memref_squeeze %gather3A_647 : memref<1x64x128xf32, #tpu.memory_space<vmem>> -> memref<64x128xf32, #tpu.memory_space<vmem>>
      %gather3A_649 = tpu.vector_load_idx %gather3A_648[%add3A_643, %broadcast_in_dim3A_613] : memref<64x128xf32, #tpu.memory_space<vmem>>[vector<16xi32>, vector<16xi32>], vector<16xf32>,
      %swap3A_650 = arith.index_cast %and3A_610 : i32 to index
      %swap3A_651 = arith.constant 32 : index
      %swap3A_652 = tpu.vector_load %arg7[%swap3A_650, %swap3A_651] {strides = array<i32>} : memref<128x64xf32, #tpu.memory_space<vmem>>, vector<16xf32>,
      tpu.vector_store %arg7[%swap3A_650, %swap3A_651], %gather3A_649 {strides = array<i32>} : memref<128x64xf32, #tpu.memory_space<vmem>>, vector<16xf32>,
      %iota3A_653 = tpu.iota {dimensions = array<i32: 0>} : vector<16xi32>
      %add3A_654 = arith.constant 48 : i32
      %add3A_655 = vector.broadcast %add3A_654 : i32 to vector<16xi32>
      %add3A_656 = arith.addi %iota3A_653, %add3A_655 : vector<16xi32>
      %gather3A_657 = arith.constant 5 : i32
      %gather3A_658 = arith.constant 0 : i32
      %gather3A_659 = arith.constant 0 : i32
      %gather3A_660 = tpu.memref_slice %arg6[%gather3A_657, %gather3A_658, %gather3A_659] : memref<8x64x128xf32, #tpu.memory_space<vmem>> -> memref<1x64x128xf32, #tpu.memory_space<vmem>>
      %gather3A_661 = tpu.memref_squeeze %gather3A_660 : memref<1x64x128xf32, #tpu.memory_space<vmem>> -> memref<64x128xf32, #tpu.memory_space<vmem>>
      %gather3A_662 = tpu.vector_load_idx %gather3A_661[%add3A_656, %broadcast_in_dim3A_613] : memref<64x128xf32, #tpu.memory_space<vmem>>[vector<16xi32>, vector<16xi32>], vector<16xf32>,
      %swap3A_663 = arith.index_cast %and3A_610 : i32 to index
      %swap3A_664 = arith.constant 48 : index
      %swap3A_665 = tpu.vector_load %arg7[%swap3A_663, %swap3A_664] {strides = array<i32>} : memref<128x64xf32, #tpu.memory_space<vmem>>, vector<16xf32>,
      tpu.vector_store %arg7[%swap3A_663, %swap3A_664], %gather3A_662 {strides = array<i32>} : memref<128x64xf32, #tpu.memory_space<vmem>>, vector<16xf32>,
      %slice3A_666 = vector.extract_strided_slice %get3A_168 {offsets = [13], sizes = [1], strides = [1]} : vector<16xi32> to vector<1xi32>
      %squeeze3A_667 = vector.extract %slice3A_666[0] : i32 from vector<1xi32>
      %add3A_668 = arith.constant 8 : i32
      %add3A_669 = arith.addi %add3A_591, %add3A_668 : i32
      %lt3A_670 = arith.constant 256 : i32
      %lt3A_671 = arith.cmpi slt, %add3A_669, %lt3A_670 : i32
      %convert_element_type3A_672 = arith.extui %lt3A_671 : i1 to i32
      %cond3A_673 = arith.constant 0 : i32
      %cond3A_674 = arith.cmpi ne, %convert_element_type3A_672, %cond3A_673 : i32
      scf.if %cond3A_674 {
        %shift_right_arithmetic3A_1534 = arith.constant 7 : i32
        %shift_right_arithmetic3A_1535 = arith.shrsi %squeeze3A_667, %shift_right_arithmetic3A_1534 : i32
        %mul3A_1536 = arith.constant 128 : i32
        %mul3A_1537 = arith.muli %shift_right_arithmetic3A_1535, %mul3A_1536 : i32
        %multiple_of3A_1538 = tpu.assume_multiple %mul3A_1537, 128 : i32
        %dma_start3A_1539 = arith.constant 5 : i32
        %dma_start3A_1540 = arith.constant 0 : i32
        %dma_start3A_1541 = arith.constant 0 : i32
        %dma_start3A_1542 = tpu.memref_slice %arg6[%dma_start3A_1539, %dma_start3A_1540, %dma_start3A_1541] : memref<8x64x128xf32, #tpu.memory_space<vmem>> -> memref<1x64x128xf32, #tpu.memory_space<vmem>>
        %dma_start3A_1543 = tpu.memref_squeeze %dma_start3A_1542 : memref<1x64x128xf32, #tpu.memory_space<vmem>> -> memref<64x128xf32, #tpu.memory_space<vmem>>
        %dma_start3A_1544 = arith.constant 0 : i32
        %dma_start3A_1545 = tpu.memref_slice %arg3[%dma_start3A_1544, %multiple_of3A_1538] : memref<64x1000000xf32, #tpu.memory_space<hbm>> -> memref<64x128xf32, #tpu.memory_space<hbm>>
        %dma_start3A_1546 = arith.constant 0 : i32
        %dma_start3A_1547 = arith.constant 0 : i32
        %dma_start3A_1548 = tpu.memref_slice %arg6[%dma_start3A_1539, %dma_start3A_1546, %dma_start3A_1547] : memref<8x64x128xf32, #tpu.memory_space<vmem>> -> memref<1x64x128xf32, #tpu.memory_space<vmem>>
        %dma_start3A_1549 = tpu.memref_squeeze %dma_start3A_1548 : memref<1x64x128xf32, #tpu.memory_space<vmem>> -> memref<64x128xf32, #tpu.memory_space<vmem>>
        %dma_start3A_1550 = arith.constant 0 : i32
        %dma_start3A_1551 = tpu.memref_slice %arg3[%dma_start3A_1550, %multiple_of3A_1538] : memref<64x1000000xf32, #tpu.memory_space<hbm>> -> memref<64x128xf32, #tpu.memory_space<hbm>>
        tpu.enqueue_dma source(%dma_start3A_1551 : memref<64x128xf32, #tpu.memory_space<hbm>>) target(%dma_start3A_1549 : memref<64x128xf32, #tpu.memory_space<vmem>>) target_semaphore(%arg13 : memref<!tpu.dma_semaphore, #tpu.memory_space<semaphore_mem>>)
      } else {
      }
      %add3A_675 = arith.constant 6 : i32
      %add3A_676 = arith.addi %mul3A_166, %add3A_675 : i32
      %dma_wait3A_677 = arith.constant 6 : i32
      %dma_wait3A_678 = arith.constant 0 : i32
      %dma_wait3A_679 = arith.constant 0 : i32
      %dma_wait3A_680 = tpu.memref_slice %arg6[%dma_wait3A_677, %dma_wait3A_678, %dma_wait3A_679] : memref<8x64x128xf32, #tpu.memory_space<vmem>> -> memref<1x64x128xf32, #tpu.memory_space<vmem>>
      %dma_wait3A_681 = tpu.memref_squeeze %dma_wait3A_680 : memref<1x64x128xf32, #tpu.memory_space<vmem>> -> memref<64x128xf32, #tpu.memory_space<vmem>>
      %dma_wait3A_682 = arith.constant 0 : i32
      %dma_wait3A_683 = arith.constant 0 : i32
      %dma_wait3A_684 = tpu.memref_slice %arg3[%dma_wait3A_682, %dma_wait3A_683] : memref<64x1000000xf32, #tpu.memory_space<hbm>> -> memref<64x128xf32, #tpu.memory_space<hbm>>
      %dma_wait3A_685 = arith.constant 0 : i32
      %dma_wait3A_686 = arith.constant 0 : i32
      %dma_wait3A_687 = tpu.memref_slice %arg6[%dma_wait3A_677, %dma_wait3A_685, %dma_wait3A_686] : memref<8x64x128xf32, #tpu.memory_space<vmem>> -> memref<1x64x128xf32, #tpu.memory_space<vmem>>
      %dma_wait3A_688 = tpu.memref_squeeze %dma_wait3A_687 : memref<1x64x128xf32, #tpu.memory_space<vmem>> -> memref<64x128xf32, #tpu.memory_space<vmem>>
      %dma_wait3A_689 = arith.constant 0 : i32
      %dma_wait3A_690 = arith.constant 0 : i32
      %dma_wait3A_691 = tpu.memref_slice %arg3[%dma_wait3A_689, %dma_wait3A_690] : memref<64x1000000xf32, #tpu.memory_space<hbm>> -> memref<64x128xf32, #tpu.memory_space<hbm>>
      tpu.wait_dma2 semaphore(%arg14 : memref<!tpu.dma_semaphore, #tpu.memory_space<semaphore_mem>>) src(%dma_wait3A_691 : memref<64x128xf32, #tpu.memory_space<hbm>>) dst(%dma_wait3A_688 : memref<64x128xf32, #tpu.memory_space<vmem>>)
      %slice3A_692 = vector.extract_strided_slice %get3A_168 {offsets = [6], sizes = [1], strides = [1]} : vector<16xi32> to vector<1xi32>
      %squeeze3A_693 = vector.extract %slice3A_692[0] : i32 from vector<1xi32>
      %and3A_694 = arith.constant 127 : i32
      %and3A_695 = arith.andi %add3A_676, %and3A_694 : i32
      %and3A_696 = arith.constant 127 : i32
      %and3A_697 = arith.andi %squeeze3A_693, %and3A_696 : i32
      %broadcast_in_dim3A_698 = vector.broadcast %and3A_697 : i32 to vector<16xi32>
      %iota3A_699 = tpu.iota {dimensions = array<i32: 0>} : vector<16xi32>
      %add3A_700 = arith.constant 0 : i32
      %add3A_701 = vector.broadcast %add3A_700 : i32 to vector<16xi32>
      %add3A_702 = arith.addi %iota3A_699, %add3A_701 : vector<16xi32>
      %gather3A_703 = arith.constant 6 : i32
      %gather3A_704 = arith.constant 0 : i32
      %gather3A_705 = arith.constant 0 : i32
      %gather3A_706 = tpu.memref_slice %arg6[%gather3A_703, %gather3A_704, %gather3A_705] : memref<8x64x128xf32, #tpu.memory_space<vmem>> -> memref<1x64x128xf32, #tpu.memory_space<vmem>>
      %gather3A_707 = tpu.memref_squeeze %gather3A_706 : memref<1x64x128xf32, #tpu.memory_space<vmem>> -> memref<64x128xf32, #tpu.memory_space<vmem>>
      %gather3A_708 = tpu.vector_load_idx %gather3A_707[%add3A_702, %broadcast_in_dim3A_698] : memref<64x128xf32, #tpu.memory_space<vmem>>[vector<16xi32>, vector<16xi32>], vector<16xf32>,
      %swap3A_709 = arith.index_cast %and3A_695 : i32 to index
      %swap3A_710 = arith.constant 0 : index
      %swap3A_711 = tpu.vector_load %arg7[%swap3A_709, %swap3A_710] {strides = array<i32>} : memref<128x64xf32, #tpu.memory_space<vmem>>, vector<16xf32>,
      tpu.vector_store %arg7[%swap3A_709, %swap3A_710], %gather3A_708 {strides = array<i32>} : memref<128x64xf32, #tpu.memory_space<vmem>>, vector<16xf32>,
      %iota3A_712 = tpu.iota {dimensions = array<i32: 0>} : vector<16xi32>
      %add3A_713 = arith.constant 16 : i32
      %add3A_714 = vector.broadcast %add3A_713 : i32 to vector<16xi32>
      %add3A_715 = arith.addi %iota3A_712, %add3A_714 : vector<16xi32>
      %gather3A_716 = arith.constant 6 : i32
      %gather3A_717 = arith.constant 0 : i32
      %gather3A_718 = arith.constant 0 : i32
      %gather3A_719 = tpu.memref_slice %arg6[%gather3A_716, %gather3A_717, %gather3A_718] : memref<8x64x128xf32, #tpu.memory_space<vmem>> -> memref<1x64x128xf32, #tpu.memory_space<vmem>>
      %gather3A_720 = tpu.memref_squeeze %gather3A_719 : memref<1x64x128xf32, #tpu.memory_space<vmem>> -> memref<64x128xf32, #tpu.memory_space<vmem>>
      %gather3A_721 = tpu.vector_load_idx %gather3A_720[%add3A_715, %broadcast_in_dim3A_698] : memref<64x128xf32, #tpu.memory_space<vmem>>[vector<16xi32>, vector<16xi32>], vector<16xf32>,
      %swap3A_722 = arith.index_cast %and3A_695 : i32 to index
      %swap3A_723 = arith.constant 16 : index
      %swap3A_724 = tpu.vector_load %arg7[%swap3A_722, %swap3A_723] {strides = array<i32>} : memref<128x64xf32, #tpu.memory_space<vmem>>, vector<16xf32>,
      tpu.vector_store %arg7[%swap3A_722, %swap3A_723], %gather3A_721 {strides = array<i32>} : memref<128x64xf32, #tpu.memory_space<vmem>>, vector<16xf32>,
      %iota3A_725 = tpu.iota {dimensions = array<i32: 0>} : vector<16xi32>
      %add3A_726 = arith.constant 32 : i32
      %add3A_727 = vector.broadcast %add3A_726 : i32 to vector<16xi32>
      %add3A_728 = arith.addi %iota3A_725, %add3A_727 : vector<16xi32>
      %gather3A_729 = arith.constant 6 : i32
      %gather3A_730 = arith.constant 0 : i32
      %gather3A_731 = arith.constant 0 : i32
      %gather3A_732 = tpu.memref_slice %arg6[%gather3A_729, %gather3A_730, %gather3A_731] : memref<8x64x128xf32, #tpu.memory_space<vmem>> -> memref<1x64x128xf32, #tpu.memory_space<vmem>>
      %gather3A_733 = tpu.memref_squeeze %gather3A_732 : memref<1x64x128xf32, #tpu.memory_space<vmem>> -> memref<64x128xf32, #tpu.memory_space<vmem>>
      %gather3A_734 = tpu.vector_load_idx %gather3A_733[%add3A_728, %broadcast_in_dim3A_698] : memref<64x128xf32, #tpu.memory_space<vmem>>[vector<16xi32>, vector<16xi32>], vector<16xf32>,
      %swap3A_735 = arith.index_cast %and3A_695 : i32 to index
      %swap3A_736 = arith.constant 32 : index
      %swap3A_737 = tpu.vector_load %arg7[%swap3A_735, %swap3A_736] {strides = array<i32>} : memref<128x64xf32, #tpu.memory_space<vmem>>, vector<16xf32>,
      tpu.vector_store %arg7[%swap3A_735, %swap3A_736], %gather3A_734 {strides = array<i32>} : memref<128x64xf32, #tpu.memory_space<vmem>>, vector<16xf32>,
      %iota3A_738 = tpu.iota {dimensions = array<i32: 0>} : vector<16xi32>
      %add3A_739 = arith.constant 48 : i32
      %add3A_740 = vector.broadcast %add3A_739 : i32 to vector<16xi32>
      %add3A_741 = arith.addi %iota3A_738, %add3A_740 : vector<16xi32>
      %gather3A_742 = arith.constant 6 : i32
      %gather3A_743 = arith.constant 0 : i32
      %gather3A_744 = arith.constant 0 : i32
      %gather3A_745 = tpu.memref_slice %arg6[%gather3A_742, %gather3A_743, %gather3A_744] : memref<8x64x128xf32, #tpu.memory_space<vmem>> -> memref<1x64x128xf32, #tpu.memory_space<vmem>>
      %gather3A_746 = tpu.memref_squeeze %gather3A_745 : memref<1x64x128xf32, #tpu.memory_space<vmem>> -> memref<64x128xf32, #tpu.memory_space<vmem>>
      %gather3A_747 = tpu.vector_load_idx %gather3A_746[%add3A_741, %broadcast_in_dim3A_698] : memref<64x128xf32, #tpu.memory_space<vmem>>[vector<16xi32>, vector<16xi32>], vector<16xf32>,
      %swap3A_748 = arith.index_cast %and3A_695 : i32 to index
      %swap3A_749 = arith.constant 48 : index
      %swap3A_750 = tpu.vector_load %arg7[%swap3A_748, %swap3A_749] {strides = array<i32>} : memref<128x64xf32, #tpu.memory_space<vmem>>, vector<16xf32>,
      tpu.vector_store %arg7[%swap3A_748, %swap3A_749], %gather3A_747 {strides = array<i32>} : memref<128x64xf32, #tpu.memory_space<vmem>>, vector<16xf32>,
      %slice3A_751 = vector.extract_strided_slice %get3A_168 {offsets = [14], sizes = [1], strides = [1]} : vector<16xi32> to vector<1xi32>
      %squeeze3A_752 = vector.extract %slice3A_751[0] : i32 from vector<1xi32>
      %add3A_753 = arith.constant 8 : i32
      %add3A_754 = arith.addi %add3A_676, %add3A_753 : i32
      %lt3A_755 = arith.constant 256 : i32
      %lt3A_756 = arith.cmpi slt, %add3A_754, %lt3A_755 : i32
      %convert_element_type3A_757 = arith.extui %lt3A_756 : i1 to i32
      %cond3A_758 = arith.constant 0 : i32
      %cond3A_759 = arith.cmpi ne, %convert_element_type3A_757, %cond3A_758 : i32
      scf.if %cond3A_759 {
        %shift_right_arithmetic3A_1534 = arith.constant 7 : i32
        %shift_right_arithmetic3A_1535 = arith.shrsi %squeeze3A_752, %shift_right_arithmetic3A_1534 : i32
        %mul3A_1536 = arith.constant 128 : i32
        %mul3A_1537 = arith.muli %shift_right_arithmetic3A_1535, %mul3A_1536 : i32
        %multiple_of3A_1538 = tpu.assume_multiple %mul3A_1537, 128 : i32
        %dma_start3A_1539 = arith.constant 6 : i32
        %dma_start3A_1540 = arith.constant 0 : i32
        %dma_start3A_1541 = arith.constant 0 : i32
        %dma_start3A_1542 = tpu.memref_slice %arg6[%dma_start3A_1539, %dma_start3A_1540, %dma_start3A_1541] : memref<8x64x128xf32, #tpu.memory_space<vmem>> -> memref<1x64x128xf32, #tpu.memory_space<vmem>>
        %dma_start3A_1543 = tpu.memref_squeeze %dma_start3A_1542 : memref<1x64x128xf32, #tpu.memory_space<vmem>> -> memref<64x128xf32, #tpu.memory_space<vmem>>
        %dma_start3A_1544 = arith.constant 0 : i32
        %dma_start3A_1545 = tpu.memref_slice %arg3[%dma_start3A_1544, %multiple_of3A_1538] : memref<64x1000000xf32, #tpu.memory_space<hbm>> -> memref<64x128xf32, #tpu.memory_space<hbm>>
        %dma_start3A_1546 = arith.constant 0 : i32
        %dma_start3A_1547 = arith.constant 0 : i32
        %dma_start3A_1548 = tpu.memref_slice %arg6[%dma_start3A_1539, %dma_start3A_1546, %dma_start3A_1547] : memref<8x64x128xf32, #tpu.memory_space<vmem>> -> memref<1x64x128xf32, #tpu.memory_space<vmem>>
        %dma_start3A_1549 = tpu.memref_squeeze %dma_start3A_1548 : memref<1x64x128xf32, #tpu.memory_space<vmem>> -> memref<64x128xf32, #tpu.memory_space<vmem>>
        %dma_start3A_1550 = arith.constant 0 : i32
        %dma_start3A_1551 = tpu.memref_slice %arg3[%dma_start3A_1550, %multiple_of3A_1538] : memref<64x1000000xf32, #tpu.memory_space<hbm>> -> memref<64x128xf32, #tpu.memory_space<hbm>>
        tpu.enqueue_dma source(%dma_start3A_1551 : memref<64x128xf32, #tpu.memory_space<hbm>>) target(%dma_start3A_1549 : memref<64x128xf32, #tpu.memory_space<vmem>>) target_semaphore(%arg14 : memref<!tpu.dma_semaphore, #tpu.memory_space<semaphore_mem>>)
      } else {
      }
      %add3A_760 = arith.constant 7 : i32
      %add3A_761 = arith.addi %mul3A_166, %add3A_760 : i32
      %dma_wait3A_762 = arith.constant 7 : i32
      %dma_wait3A_763 = arith.constant 0 : i32
      %dma_wait3A_764 = arith.constant 0 : i32
      %dma_wait3A_765 = tpu.memref_slice %arg6[%dma_wait3A_762, %dma_wait3A_763, %dma_wait3A_764] : memref<8x64x128xf32, #tpu.memory_space<vmem>> -> memref<1x64x128xf32, #tpu.memory_space<vmem>>
      %dma_wait3A_766 = tpu.memref_squeeze %dma_wait3A_765 : memref<1x64x128xf32, #tpu.memory_space<vmem>> -> memref<64x128xf32, #tpu.memory_space<vmem>>
      %dma_wait3A_767 = arith.constant 0 : i32
      %dma_wait3A_768 = arith.constant 0 : i32
      %dma_wait3A_769 = tpu.memref_slice %arg3[%dma_wait3A_767, %dma_wait3A_768] : memref<64x1000000xf32, #tpu.memory_space<hbm>> -> memref<64x128xf32, #tpu.memory_space<hbm>>
      %dma_wait3A_770 = arith.constant 0 : i32
      %dma_wait3A_771 = arith.constant 0 : i32
      %dma_wait3A_772 = tpu.memref_slice %arg6[%dma_wait3A_762, %dma_wait3A_770, %dma_wait3A_771] : memref<8x64x128xf32, #tpu.memory_space<vmem>> -> memref<1x64x128xf32, #tpu.memory_space<vmem>>
      %dma_wait3A_773 = tpu.memref_squeeze %dma_wait3A_772 : memref<1x64x128xf32, #tpu.memory_space<vmem>> -> memref<64x128xf32, #tpu.memory_space<vmem>>
      %dma_wait3A_774 = arith.constant 0 : i32
      %dma_wait3A_775 = arith.constant 0 : i32
      %dma_wait3A_776 = tpu.memref_slice %arg3[%dma_wait3A_774, %dma_wait3A_775] : memref<64x1000000xf32, #tpu.memory_space<hbm>> -> memref<64x128xf32, #tpu.memory_space<hbm>>
      tpu.wait_dma2 semaphore(%arg15 : memref<!tpu.dma_semaphore, #tpu.memory_space<semaphore_mem>>) src(%dma_wait3A_776 : memref<64x128xf32, #tpu.memory_space<hbm>>) dst(%dma_wait3A_773 : memref<64x128xf32, #tpu.memory_space<vmem>>)
      %slice3A_777 = vector.extract_strided_slice %get3A_168 {offsets = [7], sizes = [1], strides = [1]} : vector<16xi32> to vector<1xi32>
      %squeeze3A_778 = vector.extract %slice3A_777[0] : i32 from vector<1xi32>
      %and3A_779 = arith.constant 127 : i32
      %and3A_780 = arith.andi %add3A_761, %and3A_779 : i32
      %and3A_781 = arith.constant 127 : i32
      %and3A_782 = arith.andi %squeeze3A_778, %and3A_781 : i32
      %broadcast_in_dim3A_783 = vector.broadcast %and3A_782 : i32 to vector<16xi32>
      %iota3A_784 = tpu.iota {dimensions = array<i32: 0>} : vector<16xi32>
      %add3A_785 = arith.constant 0 : i32
      %add3A_786 = vector.broadcast %add3A_785 : i32 to vector<16xi32>
      %add3A_787 = arith.addi %iota3A_784, %add3A_786 : vector<16xi32>
      %gather3A_788 = arith.constant 7 : i32
      %gather3A_789 = arith.constant 0 : i32
      %gather3A_790 = arith.constant 0 : i32
      %gather3A_791 = tpu.memref_slice %arg6[%gather3A_788, %gather3A_789, %gather3A_790] : memref<8x64x128xf32, #tpu.memory_space<vmem>> -> memref<1x64x128xf32, #tpu.memory_space<vmem>>
      %gather3A_792 = tpu.memref_squeeze %gather3A_791 : memref<1x64x128xf32, #tpu.memory_space<vmem>> -> memref<64x128xf32, #tpu.memory_space<vmem>>
      %gather3A_793 = tpu.vector_load_idx %gather3A_792[%add3A_787, %broadcast_in_dim3A_783] : memref<64x128xf32, #tpu.memory_space<vmem>>[vector<16xi32>, vector<16xi32>], vector<16xf32>,
      %swap3A_794 = arith.index_cast %and3A_780 : i32 to index
      %swap3A_795 = arith.constant 0 : index
      %swap3A_796 = tpu.vector_load %arg7[%swap3A_794, %swap3A_795] {strides = array<i32>} : memref<128x64xf32, #tpu.memory_space<vmem>>, vector<16xf32>,
      tpu.vector_store %arg7[%swap3A_794, %swap3A_795], %gather3A_793 {strides = array<i32>} : memref<128x64xf32, #tpu.memory_space<vmem>>, vector<16xf32>,
      %iota3A_797 = tpu.iota {dimensions = array<i32: 0>} : vector<16xi32>
      %add3A_798 = arith.constant 16 : i32
      %add3A_799 = vector.broadcast %add3A_798 : i32 to vector<16xi32>
      %add3A_800 = arith.addi %iota3A_797, %add3A_799 : vector<16xi32>
      %gather3A_801 = arith.constant 7 : i32
      %gather3A_802 = arith.constant 0 : i32
      %gather3A_803 = arith.constant 0 : i32
      %gather3A_804 = tpu.memref_slice %arg6[%gather3A_801, %gather3A_802, %gather3A_803] : memref<8x64x128xf32, #tpu.memory_space<vmem>> -> memref<1x64x128xf32, #tpu.memory_space<vmem>>
      %gather3A_805 = tpu.memref_squeeze %gather3A_804 : memref<1x64x128xf32, #tpu.memory_space<vmem>> -> memref<64x128xf32, #tpu.memory_space<vmem>>
      %gather3A_806 = tpu.vector_load_idx %gather3A_805[%add3A_800, %broadcast_in_dim3A_783] : memref<64x128xf32, #tpu.memory_space<vmem>>[vector<16xi32>, vector<16xi32>], vector<16xf32>,
      %swap3A_807 = arith.index_cast %and3A_780 : i32 to index
      %swap3A_808 = arith.constant 16 : index
      %swap3A_809 = tpu.vector_load %arg7[%swap3A_807, %swap3A_808] {strides = array<i32>} : memref<128x64xf32, #tpu.memory_space<vmem>>, vector<16xf32>,
      tpu.vector_store %arg7[%swap3A_807, %swap3A_808], %gather3A_806 {strides = array<i32>} : memref<128x64xf32, #tpu.memory_space<vmem>>, vector<16xf32>,
      %iota3A_810 = tpu.iota {dimensions = array<i32: 0>} : vector<16xi32>
      %add3A_811 = arith.constant 32 : i32
      %add3A_812 = vector.broadcast %add3A_811 : i32 to vector<16xi32>
      %add3A_813 = arith.addi %iota3A_810, %add3A_812 : vector<16xi32>
      %gather3A_814 = arith.constant 7 : i32
      %gather3A_815 = arith.constant 0 : i32
      %gather3A_816 = arith.constant 0 : i32
      %gather3A_817 = tpu.memref_slice %arg6[%gather3A_814, %gather3A_815, %gather3A_816] : memref<8x64x128xf32, #tpu.memory_space<vmem>> -> memref<1x64x128xf32, #tpu.memory_space<vmem>>
      %gather3A_818 = tpu.memref_squeeze %gather3A_817 : memref<1x64x128xf32, #tpu.memory_space<vmem>> -> memref<64x128xf32, #tpu.memory_space<vmem>>
      %gather3A_819 = tpu.vector_load_idx %gather3A_818[%add3A_813, %broadcast_in_dim3A_783] : memref<64x128xf32, #tpu.memory_space<vmem>>[vector<16xi32>, vector<16xi32>], vector<16xf32>,
      %swap3A_820 = arith.index_cast %and3A_780 : i32 to index
      %swap3A_821 = arith.constant 32 : index
      %swap3A_822 = tpu.vector_load %arg7[%swap3A_820, %swap3A_821] {strides = array<i32>} : memref<128x64xf32, #tpu.memory_space<vmem>>, vector<16xf32>,
      tpu.vector_store %arg7[%swap3A_820, %swap3A_821], %gather3A_819 {strides = array<i32>} : memref<128x64xf32, #tpu.memory_space<vmem>>, vector<16xf32>,
      %iota3A_823 = tpu.iota {dimensions = array<i32: 0>} : vector<16xi32>
      %add3A_824 = arith.constant 48 : i32
      %add3A_825 = vector.broadcast %add3A_824 : i32 to vector<16xi32>
      %add3A_826 = arith.addi %iota3A_823, %add3A_825 : vector<16xi32>
      %gather3A_827 = arith.constant 7 : i32
      %gather3A_828 = arith.constant 0 : i32
      %gather3A_829 = arith.constant 0 : i32
      %gather3A_830 = tpu.memref_slice %arg6[%gather3A_827, %gather3A_828, %gather3A_829] : memref<8x64x128xf32, #tpu.memory_space<vmem>> -> memref<1x64x128xf32, #tpu.memory_space<vmem>>
      %gather3A_831 = tpu.memref_squeeze %gather3A_830 : memref<1x64x128xf32, #tpu.memory_space<vmem>> -> memref<64x128xf32, #tpu.memory_space<vmem>>
      %gather3A_832 = tpu.vector_load_idx %gather3A_831[%add3A_826, %broadcast_in_dim3A_783] : memref<64x128xf32, #tpu.memory_space<vmem>>[vector<16xi32>, vector<16xi32>], vector<16xf32>,
      %swap3A_833 = arith.index_cast %and3A_780 : i32 to index
      %swap3A_834 = arith.constant 48 : index
      %swap3A_835 = tpu.vector_load %arg7[%swap3A_833, %swap3A_834] {strides = array<i32>} : memref<128x64xf32, #tpu.memory_space<vmem>>, vector<16xf32>,
      tpu.vector_store %arg7[%swap3A_833, %swap3A_834], %gather3A_832 {strides = array<i32>} : memref<128x64xf32, #tpu.memory_space<vmem>>, vector<16xf32>,
      %slice3A_836 = vector.extract_strided_slice %get3A_168 {offsets = [15], sizes = [1], strides = [1]} : vector<16xi32> to vector<1xi32>
      %squeeze3A_837 = vector.extract %slice3A_836[0] : i32 from vector<1xi32>
      %add3A_838 = arith.constant 8 : i32
      %add3A_839 = arith.addi %add3A_761, %add3A_838 : i32
      %lt3A_840 = arith.constant 256 : i32
      %lt3A_841 = arith.cmpi slt, %add3A_839, %lt3A_840 : i32
      %convert_element_type3A_842 = arith.extui %lt3A_841 : i1 to i32
      %cond3A_843 = arith.constant 0 : i32
      %cond3A_844 = arith.cmpi ne, %convert_element_type3A_842, %cond3A_843 : i32
      scf.if %cond3A_844 {
        %shift_right_arithmetic3A_1534 = arith.constant 7 : i32
        %shift_right_arithmetic3A_1535 = arith.shrsi %squeeze3A_837, %shift_right_arithmetic3A_1534 : i32
        %mul3A_1536 = arith.constant 128 : i32
        %mul3A_1537 = arith.muli %shift_right_arithmetic3A_1535, %mul3A_1536 : i32
        %multiple_of3A_1538 = tpu.assume_multiple %mul3A_1537, 128 : i32
        %dma_start3A_1539 = arith.constant 7 : i32
        %dma_start3A_1540 = arith.constant 0 : i32
        %dma_start3A_1541 = arith.constant 0 : i32
        %dma_start3A_1542 = tpu.memref_slice %arg6[%dma_start3A_1539, %dma_start3A_1540, %dma_start3A_1541] : memref<8x64x128xf32, #tpu.memory_space<vmem>> -> memref<1x64x128xf32, #tpu.memory_space<vmem>>
        %dma_start3A_1543 = tpu.memref_squeeze %dma_start3A_1542 : memref<1x64x128xf32, #tpu.memory_space<vmem>> -> memref<64x128xf32, #tpu.memory_space<vmem>>
        %dma_start3A_1544 = arith.constant 0 : i32
        %dma_start3A_1545 = tpu.memref_slice %arg3[%dma_start3A_1544, %multiple_of3A_1538] : memref<64x1000000xf32, #tpu.memory_space<hbm>> -> memref<64x128xf32, #tpu.memory_space<hbm>>
        %dma_start3A_1546 = arith.constant 0 : i32
        %dma_start3A_1547 = arith.constant 0 : i32
        %dma_start3A_1548 = tpu.memref_slice %arg6[%dma_start3A_1539, %dma_start3A_1546, %dma_start3A_1547] : memref<8x64x128xf32, #tpu.memory_space<vmem>> -> memref<1x64x128xf32, #tpu.memory_space<vmem>>
        %dma_start3A_1549 = tpu.memref_squeeze %dma_start3A_1548 : memref<1x64x128xf32, #tpu.memory_space<vmem>> -> memref<64x128xf32, #tpu.memory_space<vmem>>
        %dma_start3A_1550 = arith.constant 0 : i32
        %dma_start3A_1551 = tpu.memref_slice %arg3[%dma_start3A_1550, %multiple_of3A_1538] : memref<64x1000000xf32, #tpu.memory_space<hbm>> -> memref<64x128xf32, #tpu.memory_space<hbm>>
        tpu.enqueue_dma source(%dma_start3A_1551 : memref<64x128xf32, #tpu.memory_space<hbm>>) target(%dma_start3A_1549 : memref<64x128xf32, #tpu.memory_space<vmem>>) target_semaphore(%arg15 : memref<!tpu.dma_semaphore, #tpu.memory_space<semaphore_mem>>)
      } else {
      }
      %add3A_845 = arith.constant 8 : i32
      %add3A_846 = arith.addi %mul3A_166, %add3A_845 : i32
      %dma_wait3A_847 = arith.constant 0 : i32
      %dma_wait3A_848 = arith.constant 0 : i32
      %dma_wait3A_849 = arith.constant 0 : i32
      %dma_wait3A_850 = tpu.memref_slice %arg6[%dma_wait3A_847, %dma_wait3A_848, %dma_wait3A_849] : memref<8x64x128xf32, #tpu.memory_space<vmem>> -> memref<1x64x128xf32, #tpu.memory_space<vmem>>
      %dma_wait3A_851 = tpu.memref_squeeze %dma_wait3A_850 : memref<1x64x128xf32, #tpu.memory_space<vmem>> -> memref<64x128xf32, #tpu.memory_space<vmem>>
      %dma_wait3A_852 = arith.constant 0 : i32
      %dma_wait3A_853 = arith.constant 0 : i32
      %dma_wait3A_854 = tpu.memref_slice %arg3[%dma_wait3A_852, %dma_wait3A_853] : memref<64x1000000xf32, #tpu.memory_space<hbm>> -> memref<64x128xf32, #tpu.memory_space<hbm>>
      %dma_wait3A_855 = arith.constant 0 : i32
      %dma_wait3A_856 = arith.constant 0 : i32
      %dma_wait3A_857 = tpu.memref_slice %arg6[%dma_wait3A_847, %dma_wait3A_855, %dma_wait3A_856] : memref<8x64x128xf32, #tpu.memory_space<vmem>> -> memref<1x64x128xf32, #tpu.memory_space<vmem>>
      %dma_wait3A_858 = tpu.memref_squeeze %dma_wait3A_857 : memref<1x64x128xf32, #tpu.memory_space<vmem>> -> memref<64x128xf32, #tpu.memory_space<vmem>>
      %dma_wait3A_859 = arith.constant 0 : i32
      %dma_wait3A_860 = arith.constant 0 : i32
      %dma_wait3A_861 = tpu.memref_slice %arg3[%dma_wait3A_859, %dma_wait3A_860] : memref<64x1000000xf32, #tpu.memory_space<hbm>> -> memref<64x128xf32, #tpu.memory_space<hbm>>
      tpu.wait_dma2 semaphore(%arg8 : memref<!tpu.dma_semaphore, #tpu.memory_space<semaphore_mem>>) src(%dma_wait3A_861 : memref<64x128xf32, #tpu.memory_space<hbm>>) dst(%dma_wait3A_858 : memref<64x128xf32, #tpu.memory_space<vmem>>)
      %slice3A_862 = vector.extract_strided_slice %get3A_168 {offsets = [8], sizes = [1], strides = [1]} : vector<16xi32> to vector<1xi32>
      %squeeze3A_863 = vector.extract %slice3A_862[0] : i32 from vector<1xi32>
      %and3A_864 = arith.constant 127 : i32
      %and3A_865 = arith.andi %add3A_846, %and3A_864 : i32
      %and3A_866 = arith.constant 127 : i32
      %and3A_867 = arith.andi %squeeze3A_863, %and3A_866 : i32
      %broadcast_in_dim3A_868 = vector.broadcast %and3A_867 : i32 to vector<16xi32>
      %iota3A_869 = tpu.iota {dimensions = array<i32: 0>} : vector<16xi32>
      %add3A_870 = arith.constant 0 : i32
      %add3A_871 = vector.broadcast %add3A_870 : i32 to vector<16xi32>
      %add3A_872 = arith.addi %iota3A_869, %add3A_871 : vector<16xi32>
      %gather3A_873 = arith.constant 0 : i32
      %gather3A_874 = arith.constant 0 : i32
      %gather3A_875 = arith.constant 0 : i32
      %gather3A_876 = tpu.memref_slice %arg6[%gather3A_873, %gather3A_874, %gather3A_875] : memref<8x64x128xf32, #tpu.memory_space<vmem>> -> memref<1x64x128xf32, #tpu.memory_space<vmem>>
      %gather3A_877 = tpu.memref_squeeze %gather3A_876 : memref<1x64x128xf32, #tpu.memory_space<vmem>> -> memref<64x128xf32, #tpu.memory_space<vmem>>
      %gather3A_878 = tpu.vector_load_idx %gather3A_877[%add3A_872, %broadcast_in_dim3A_868] : memref<64x128xf32, #tpu.memory_space<vmem>>[vector<16xi32>, vector<16xi32>], vector<16xf32>,
      %swap3A_879 = arith.index_cast %and3A_865 : i32 to index
      %swap3A_880 = arith.constant 0 : index
      %swap3A_881 = tpu.vector_load %arg7[%swap3A_879, %swap3A_880] {strides = array<i32>} : memref<128x64xf32, #tpu.memory_space<vmem>>, vector<16xf32>,
      tpu.vector_store %arg7[%swap3A_879, %swap3A_880], %gather3A_878 {strides = array<i32>} : memref<128x64xf32, #tpu.memory_space<vmem>>, vector<16xf32>,
      %iota3A_882 = tpu.iota {dimensions = array<i32: 0>} : vector<16xi32>
      %add3A_883 = arith.constant 16 : i32
      %add3A_884 = vector.broadcast %add3A_883 : i32 to vector<16xi32>
      %add3A_885 = arith.addi %iota3A_882, %add3A_884 : vector<16xi32>
      %gather3A_886 = arith.constant 0 : i32
      %gather3A_887 = arith.constant 0 : i32
      %gather3A_888 = arith.constant 0 : i32
      %gather3A_889 = tpu.memref_slice %arg6[%gather3A_886, %gather3A_887, %gather3A_888] : memref<8x64x128xf32, #tpu.memory_space<vmem>> -> memref<1x64x128xf32, #tpu.memory_space<vmem>>
      %gather3A_890 = tpu.memref_squeeze %gather3A_889 : memref<1x64x128xf32, #tpu.memory_space<vmem>> -> memref<64x128xf32, #tpu.memory_space<vmem>>
      %gather3A_891 = tpu.vector_load_idx %gather3A_890[%add3A_885, %broadcast_in_dim3A_868] : memref<64x128xf32, #tpu.memory_space<vmem>>[vector<16xi32>, vector<16xi32>], vector<16xf32>,
      %swap3A_892 = arith.index_cast %and3A_865 : i32 to index
      %swap3A_893 = arith.constant 16 : index
      %swap3A_894 = tpu.vector_load %arg7[%swap3A_892, %swap3A_893] {strides = array<i32>} : memref<128x64xf32, #tpu.memory_space<vmem>>, vector<16xf32>,
      tpu.vector_store %arg7[%swap3A_892, %swap3A_893], %gather3A_891 {strides = array<i32>} : memref<128x64xf32, #tpu.memory_space<vmem>>, vector<16xf32>,
      %iota3A_895 = tpu.iota {dimensions = array<i32: 0>} : vector<16xi32>
      %add3A_896 = arith.constant 32 : i32
      %add3A_897 = vector.broadcast %add3A_896 : i32 to vector<16xi32>
      %add3A_898 = arith.addi %iota3A_895, %add3A_897 : vector<16xi32>
      %gather3A_899 = arith.constant 0 : i32
      %gather3A_900 = arith.constant 0 : i32
      %gather3A_901 = arith.constant 0 : i32
      %gather3A_902 = tpu.memref_slice %arg6[%gather3A_899, %gather3A_900, %gather3A_901] : memref<8x64x128xf32, #tpu.memory_space<vmem>> -> memref<1x64x128xf32, #tpu.memory_space<vmem>>
      %gather3A_903 = tpu.memref_squeeze %gather3A_902 : memref<1x64x128xf32, #tpu.memory_space<vmem>> -> memref<64x128xf32, #tpu.memory_space<vmem>>
      %gather3A_904 = tpu.vector_load_idx %gather3A_903[%add3A_898, %broadcast_in_dim3A_868] : memref<64x128xf32, #tpu.memory_space<vmem>>[vector<16xi32>, vector<16xi32>], vector<16xf32>,
      %swap3A_905 = arith.index_cast %and3A_865 : i32 to index
      %swap3A_906 = arith.constant 32 : index
      %swap3A_907 = tpu.vector_load %arg7[%swap3A_905, %swap3A_906] {strides = array<i32>} : memref<128x64xf32, #tpu.memory_space<vmem>>, vector<16xf32>,
      tpu.vector_store %arg7[%swap3A_905, %swap3A_906], %gather3A_904 {strides = array<i32>} : memref<128x64xf32, #tpu.memory_space<vmem>>, vector<16xf32>,
      %iota3A_908 = tpu.iota {dimensions = array<i32: 0>} : vector<16xi32>
      %add3A_909 = arith.constant 48 : i32
      %add3A_910 = vector.broadcast %add3A_909 : i32 to vector<16xi32>
      %add3A_911 = arith.addi %iota3A_908, %add3A_910 : vector<16xi32>
      %gather3A_912 = arith.constant 0 : i32
      %gather3A_913 = arith.constant 0 : i32
      %gather3A_914 = arith.constant 0 : i32
      %gather3A_915 = tpu.memref_slice %arg6[%gather3A_912, %gather3A_913, %gather3A_914] : memref<8x64x128xf32, #tpu.memory_space<vmem>> -> memref<1x64x128xf32, #tpu.memory_space<vmem>>
      %gather3A_916 = tpu.memref_squeeze %gather3A_915 : memref<1x64x128xf32, #tpu.memory_space<vmem>> -> memref<64x128xf32, #tpu.memory_space<vmem>>
      %gather3A_917 = tpu.vector_load_idx %gather3A_916[%add3A_911, %broadcast_in_dim3A_868] : memref<64x128xf32, #tpu.memory_space<vmem>>[vector<16xi32>, vector<16xi32>], vector<16xf32>,
      %swap3A_918 = arith.index_cast %and3A_865 : i32 to index
      %swap3A_919 = arith.constant 48 : index
      %swap3A_920 = tpu.vector_load %arg7[%swap3A_918, %swap3A_919] {strides = array<i32>} : memref<128x64xf32, #tpu.memory_space<vmem>>, vector<16xf32>,
      tpu.vector_store %arg7[%swap3A_918, %swap3A_919], %gather3A_917 {strides = array<i32>} : memref<128x64xf32, #tpu.memory_space<vmem>>, vector<16xf32>,
      %slice3A_921 = vector.extract_strided_slice %get3A_173 {offsets = [0], sizes = [1], strides = [1]} : vector<16xi32> to vector<1xi32>
      %squeeze3A_922 = vector.extract %slice3A_921[0] : i32 from vector<1xi32>
      %add3A_923 = arith.constant 8 : i32
      %add3A_924 = arith.addi %add3A_846, %add3A_923 : i32
      %lt3A_925 = arith.constant 256 : i32
      %lt3A_926 = arith.cmpi slt, %add3A_924, %lt3A_925 : i32
      %convert_element_type3A_927 = arith.extui %lt3A_926 : i1 to i32
      %cond3A_928 = arith.constant 0 : i32
      %cond3A_929 = arith.cmpi ne, %convert_element_type3A_927, %cond3A_928 : i32
      scf.if %cond3A_929 {
        %shift_right_arithmetic3A_1534 = arith.constant 7 : i32
        %shift_right_arithmetic3A_1535 = arith.shrsi %squeeze3A_922, %shift_right_arithmetic3A_1534 : i32
        %mul3A_1536 = arith.constant 128 : i32
        %mul3A_1537 = arith.muli %shift_right_arithmetic3A_1535, %mul3A_1536 : i32
        %multiple_of3A_1538 = tpu.assume_multiple %mul3A_1537, 128 : i32
        %dma_start3A_1539 = arith.constant 0 : i32
        %dma_start3A_1540 = arith.constant 0 : i32
        %dma_start3A_1541 = arith.constant 0 : i32
        %dma_start3A_1542 = tpu.memref_slice %arg6[%dma_start3A_1539, %dma_start3A_1540, %dma_start3A_1541] : memref<8x64x128xf32, #tpu.memory_space<vmem>> -> memref<1x64x128xf32, #tpu.memory_space<vmem>>
        %dma_start3A_1543 = tpu.memref_squeeze %dma_start3A_1542 : memref<1x64x128xf32, #tpu.memory_space<vmem>> -> memref<64x128xf32, #tpu.memory_space<vmem>>
        %dma_start3A_1544 = arith.constant 0 : i32
        %dma_start3A_1545 = tpu.memref_slice %arg3[%dma_start3A_1544, %multiple_of3A_1538] : memref<64x1000000xf32, #tpu.memory_space<hbm>> -> memref<64x128xf32, #tpu.memory_space<hbm>>
        %dma_start3A_1546 = arith.constant 0 : i32
        %dma_start3A_1547 = arith.constant 0 : i32
        %dma_start3A_1548 = tpu.memref_slice %arg6[%dma_start3A_1539, %dma_start3A_1546, %dma_start3A_1547] : memref<8x64x128xf32, #tpu.memory_space<vmem>> -> memref<1x64x128xf32, #tpu.memory_space<vmem>>
        %dma_start3A_1549 = tpu.memref_squeeze %dma_start3A_1548 : memref<1x64x128xf32, #tpu.memory_space<vmem>> -> memref<64x128xf32, #tpu.memory_space<vmem>>
        %dma_start3A_1550 = arith.constant 0 : i32
        %dma_start3A_1551 = tpu.memref_slice %arg3[%dma_start3A_1550, %multiple_of3A_1538] : memref<64x1000000xf32, #tpu.memory_space<hbm>> -> memref<64x128xf32, #tpu.memory_space<hbm>>
        tpu.enqueue_dma source(%dma_start3A_1551 : memref<64x128xf32, #tpu.memory_space<hbm>>) target(%dma_start3A_1549 : memref<64x128xf32, #tpu.memory_space<vmem>>) target_semaphore(%arg8 : memref<!tpu.dma_semaphore, #tpu.memory_space<semaphore_mem>>)
      } else {
      }
      %add3A_930 = arith.constant 9 : i32
      %add3A_931 = arith.addi %mul3A_166, %add3A_930 : i32
      %dma_wait3A_932 = arith.constant 1 : i32
      %dma_wait3A_933 = arith.constant 0 : i32
      %dma_wait3A_934 = arith.constant 0 : i32
      %dma_wait3A_935 = tpu.memref_slice %arg6[%dma_wait3A_932, %dma_wait3A_933, %dma_wait3A_934] : memref<8x64x128xf32, #tpu.memory_space<vmem>> -> memref<1x64x128xf32, #tpu.memory_space<vmem>>
      %dma_wait3A_936 = tpu.memref_squeeze %dma_wait3A_935 : memref<1x64x128xf32, #tpu.memory_space<vmem>> -> memref<64x128xf32, #tpu.memory_space<vmem>>
      %dma_wait3A_937 = arith.constant 0 : i32
      %dma_wait3A_938 = arith.constant 0 : i32
      %dma_wait3A_939 = tpu.memref_slice %arg3[%dma_wait3A_937, %dma_wait3A_938] : memref<64x1000000xf32, #tpu.memory_space<hbm>> -> memref<64x128xf32, #tpu.memory_space<hbm>>
      %dma_wait3A_940 = arith.constant 0 : i32
      %dma_wait3A_941 = arith.constant 0 : i32
      %dma_wait3A_942 = tpu.memref_slice %arg6[%dma_wait3A_932, %dma_wait3A_940, %dma_wait3A_941] : memref<8x64x128xf32, #tpu.memory_space<vmem>> -> memref<1x64x128xf32, #tpu.memory_space<vmem>>
      %dma_wait3A_943 = tpu.memref_squeeze %dma_wait3A_942 : memref<1x64x128xf32, #tpu.memory_space<vmem>> -> memref<64x128xf32, #tpu.memory_space<vmem>>
      %dma_wait3A_944 = arith.constant 0 : i32
      %dma_wait3A_945 = arith.constant 0 : i32
      %dma_wait3A_946 = tpu.memref_slice %arg3[%dma_wait3A_944, %dma_wait3A_945] : memref<64x1000000xf32, #tpu.memory_space<hbm>> -> memref<64x128xf32, #tpu.memory_space<hbm>>
      tpu.wait_dma2 semaphore(%arg9 : memref<!tpu.dma_semaphore, #tpu.memory_space<semaphore_mem>>) src(%dma_wait3A_946 : memref<64x128xf32, #tpu.memory_space<hbm>>) dst(%dma_wait3A_943 : memref<64x128xf32, #tpu.memory_space<vmem>>)
      %slice3A_947 = vector.extract_strided_slice %get3A_168 {offsets = [9], sizes = [1], strides = [1]} : vector<16xi32> to vector<1xi32>
      %squeeze3A_948 = vector.extract %slice3A_947[0] : i32 from vector<1xi32>
      %and3A_949 = arith.constant 127 : i32
      %and3A_950 = arith.andi %add3A_931, %and3A_949 : i32
      %and3A_951 = arith.constant 127 : i32
      %and3A_952 = arith.andi %squeeze3A_948, %and3A_951 : i32
      %broadcast_in_dim3A_953 = vector.broadcast %and3A_952 : i32 to vector<16xi32>
      %iota3A_954 = tpu.iota {dimensions = array<i32: 0>} : vector<16xi32>
      %add3A_955 = arith.constant 0 : i32
      %add3A_956 = vector.broadcast %add3A_955 : i32 to vector<16xi32>
      %add3A_957 = arith.addi %iota3A_954, %add3A_956 : vector<16xi32>
      %gather3A_958 = arith.constant 1 : i32
      %gather3A_959 = arith.constant 0 : i32
      %gather3A_960 = arith.constant 0 : i32
      %gather3A_961 = tpu.memref_slice %arg6[%gather3A_958, %gather3A_959, %gather3A_960] : memref<8x64x128xf32, #tpu.memory_space<vmem>> -> memref<1x64x128xf32, #tpu.memory_space<vmem>>
      %gather3A_962 = tpu.memref_squeeze %gather3A_961 : memref<1x64x128xf32, #tpu.memory_space<vmem>> -> memref<64x128xf32, #tpu.memory_space<vmem>>
      %gather3A_963 = tpu.vector_load_idx %gather3A_962[%add3A_957, %broadcast_in_dim3A_953] : memref<64x128xf32, #tpu.memory_space<vmem>>[vector<16xi32>, vector<16xi32>], vector<16xf32>,
      %swap3A_964 = arith.index_cast %and3A_950 : i32 to index
      %swap3A_965 = arith.constant 0 : index
      %swap3A_966 = tpu.vector_load %arg7[%swap3A_964, %swap3A_965] {strides = array<i32>} : memref<128x64xf32, #tpu.memory_space<vmem>>, vector<16xf32>,
      tpu.vector_store %arg7[%swap3A_964, %swap3A_965], %gather3A_963 {strides = array<i32>} : memref<128x64xf32, #tpu.memory_space<vmem>>, vector<16xf32>,
      %iota3A_967 = tpu.iota {dimensions = array<i32: 0>} : vector<16xi32>
      %add3A_968 = arith.constant 16 : i32
      %add3A_969 = vector.broadcast %add3A_968 : i32 to vector<16xi32>
      %add3A_970 = arith.addi %iota3A_967, %add3A_969 : vector<16xi32>
      %gather3A_971 = arith.constant 1 : i32
      %gather3A_972 = arith.constant 0 : i32
      %gather3A_973 = arith.constant 0 : i32
      %gather3A_974 = tpu.memref_slice %arg6[%gather3A_971, %gather3A_972, %gather3A_973] : memref<8x64x128xf32, #tpu.memory_space<vmem>> -> memref<1x64x128xf32, #tpu.memory_space<vmem>>
      %gather3A_975 = tpu.memref_squeeze %gather3A_974 : memref<1x64x128xf32, #tpu.memory_space<vmem>> -> memref<64x128xf32, #tpu.memory_space<vmem>>
      %gather3A_976 = tpu.vector_load_idx %gather3A_975[%add3A_970, %broadcast_in_dim3A_953] : memref<64x128xf32, #tpu.memory_space<vmem>>[vector<16xi32>, vector<16xi32>], vector<16xf32>,
      %swap3A_977 = arith.index_cast %and3A_950 : i32 to index
      %swap3A_978 = arith.constant 16 : index
      %swap3A_979 = tpu.vector_load %arg7[%swap3A_977, %swap3A_978] {strides = array<i32>} : memref<128x64xf32, #tpu.memory_space<vmem>>, vector<16xf32>,
      tpu.vector_store %arg7[%swap3A_977, %swap3A_978], %gather3A_976 {strides = array<i32>} : memref<128x64xf32, #tpu.memory_space<vmem>>, vector<16xf32>,
      %iota3A_980 = tpu.iota {dimensions = array<i32: 0>} : vector<16xi32>
      %add3A_981 = arith.constant 32 : i32
      %add3A_982 = vector.broadcast %add3A_981 : i32 to vector<16xi32>
      %add3A_983 = arith.addi %iota3A_980, %add3A_982 : vector<16xi32>
      %gather3A_984 = arith.constant 1 : i32
      %gather3A_985 = arith.constant 0 : i32
      %gather3A_986 = arith.constant 0 : i32
      %gather3A_987 = tpu.memref_slice %arg6[%gather3A_984, %gather3A_985, %gather3A_986] : memref<8x64x128xf32, #tpu.memory_space<vmem>> -> memref<1x64x128xf32, #tpu.memory_space<vmem>>
      %gather3A_988 = tpu.memref_squeeze %gather3A_987 : memref<1x64x128xf32, #tpu.memory_space<vmem>> -> memref<64x128xf32, #tpu.memory_space<vmem>>
      %gather3A_989 = tpu.vector_load_idx %gather3A_988[%add3A_983, %broadcast_in_dim3A_953] : memref<64x128xf32, #tpu.memory_space<vmem>>[vector<16xi32>, vector<16xi32>], vector<16xf32>,
      %swap3A_990 = arith.index_cast %and3A_950 : i32 to index
      %swap3A_991 = arith.constant 32 : index
      %swap3A_992 = tpu.vector_load %arg7[%swap3A_990, %swap3A_991] {strides = array<i32>} : memref<128x64xf32, #tpu.memory_space<vmem>>, vector<16xf32>,
      tpu.vector_store %arg7[%swap3A_990, %swap3A_991], %gather3A_989 {strides = array<i32>} : memref<128x64xf32, #tpu.memory_space<vmem>>, vector<16xf32>,
      %iota3A_993 = tpu.iota {dimensions = array<i32: 0>} : vector<16xi32>
      %add3A_994 = arith.constant 48 : i32
      %add3A_995 = vector.broadcast %add3A_994 : i32 to vector<16xi32>
      %add3A_996 = arith.addi %iota3A_993, %add3A_995 : vector<16xi32>
      %gather3A_997 = arith.constant 1 : i32
      %gather3A_998 = arith.constant 0 : i32
      %gather3A_999 = arith.constant 0 : i32
      %gather3A_1000 = tpu.memref_slice %arg6[%gather3A_997, %gather3A_998, %gather3A_999] : memref<8x64x128xf32, #tpu.memory_space<vmem>> -> memref<1x64x128xf32, #tpu.memory_space<vmem>>
      %gather3A_1001 = tpu.memref_squeeze %gather3A_1000 : memref<1x64x128xf32, #tpu.memory_space<vmem>> -> memref<64x128xf32, #tpu.memory_space<vmem>>
      %gather3A_1002 = tpu.vector_load_idx %gather3A_1001[%add3A_996, %broadcast_in_dim3A_953] : memref<64x128xf32, #tpu.memory_space<vmem>>[vector<16xi32>, vector<16xi32>], vector<16xf32>,
      %swap3A_1003 = arith.index_cast %and3A_950 : i32 to index
      %swap3A_1004 = arith.constant 48 : index
      %swap3A_1005 = tpu.vector_load %arg7[%swap3A_1003, %swap3A_1004] {strides = array<i32>} : memref<128x64xf32, #tpu.memory_space<vmem>>, vector<16xf32>,
      tpu.vector_store %arg7[%swap3A_1003, %swap3A_1004], %gather3A_1002 {strides = array<i32>} : memref<128x64xf32, #tpu.memory_space<vmem>>, vector<16xf32>,
      %slice3A_1006 = vector.extract_strided_slice %get3A_173 {offsets = [1], sizes = [1], strides = [1]} : vector<16xi32> to vector<1xi32>
      %squeeze3A_1007 = vector.extract %slice3A_1006[0] : i32 from vector<1xi32>
      %add3A_1008 = arith.constant 8 : i32
      %add3A_1009 = arith.addi %add3A_931, %add3A_1008 : i32
      %lt3A_1010 = arith.constant 256 : i32
      %lt3A_1011 = arith.cmpi slt, %add3A_1009, %lt3A_1010 : i32
      %convert_element_type3A_1012 = arith.extui %lt3A_1011 : i1 to i32
      %cond3A_1013 = arith.constant 0 : i32
      %cond3A_1014 = arith.cmpi ne, %convert_element_type3A_1012, %cond3A_1013 : i32
      scf.if %cond3A_1014 {
        %shift_right_arithmetic3A_1534 = arith.constant 7 : i32
        %shift_right_arithmetic3A_1535 = arith.shrsi %squeeze3A_1007, %shift_right_arithmetic3A_1534 : i32
        %mul3A_1536 = arith.constant 128 : i32
        %mul3A_1537 = arith.muli %shift_right_arithmetic3A_1535, %mul3A_1536 : i32
        %multiple_of3A_1538 = tpu.assume_multiple %mul3A_1537, 128 : i32
        %dma_start3A_1539 = arith.constant 1 : i32
        %dma_start3A_1540 = arith.constant 0 : i32
        %dma_start3A_1541 = arith.constant 0 : i32
        %dma_start3A_1542 = tpu.memref_slice %arg6[%dma_start3A_1539, %dma_start3A_1540, %dma_start3A_1541] : memref<8x64x128xf32, #tpu.memory_space<vmem>> -> memref<1x64x128xf32, #tpu.memory_space<vmem>>
        %dma_start3A_1543 = tpu.memref_squeeze %dma_start3A_1542 : memref<1x64x128xf32, #tpu.memory_space<vmem>> -> memref<64x128xf32, #tpu.memory_space<vmem>>
        %dma_start3A_1544 = arith.constant 0 : i32
        %dma_start3A_1545 = tpu.memref_slice %arg3[%dma_start3A_1544, %multiple_of3A_1538] : memref<64x1000000xf32, #tpu.memory_space<hbm>> -> memref<64x128xf32, #tpu.memory_space<hbm>>
        %dma_start3A_1546 = arith.constant 0 : i32
        %dma_start3A_1547 = arith.constant 0 : i32
        %dma_start3A_1548 = tpu.memref_slice %arg6[%dma_start3A_1539, %dma_start3A_1546, %dma_start3A_1547] : memref<8x64x128xf32, #tpu.memory_space<vmem>> -> memref<1x64x128xf32, #tpu.memory_space<vmem>>
        %dma_start3A_1549 = tpu.memref_squeeze %dma_start3A_1548 : memref<1x64x128xf32, #tpu.memory_space<vmem>> -> memref<64x128xf32, #tpu.memory_space<vmem>>
        %dma_start3A_1550 = arith.constant 0 : i32
        %dma_start3A_1551 = tpu.memref_slice %arg3[%dma_start3A_1550, %multiple_of3A_1538] : memref<64x1000000xf32, #tpu.memory_space<hbm>> -> memref<64x128xf32, #tpu.memory_space<hbm>>
        tpu.enqueue_dma source(%dma_start3A_1551 : memref<64x128xf32, #tpu.memory_space<hbm>>) target(%dma_start3A_1549 : memref<64x128xf32, #tpu.memory_space<vmem>>) target_semaphore(%arg9 : memref<!tpu.dma_semaphore, #tpu.memory_space<semaphore_mem>>)
      } else {
      }
      %add3A_1015 = arith.constant 10 : i32
      %add3A_1016 = arith.addi %mul3A_166, %add3A_1015 : i32
      %dma_wait3A_1017 = arith.constant 2 : i32
      %dma_wait3A_1018 = arith.constant 0 : i32
      %dma_wait3A_1019 = arith.constant 0 : i32
      %dma_wait3A_1020 = tpu.memref_slice %arg6[%dma_wait3A_1017, %dma_wait3A_1018, %dma_wait3A_1019] : memref<8x64x128xf32, #tpu.memory_space<vmem>> -> memref<1x64x128xf32, #tpu.memory_space<vmem>>
      %dma_wait3A_1021 = tpu.memref_squeeze %dma_wait3A_1020 : memref<1x64x128xf32, #tpu.memory_space<vmem>> -> memref<64x128xf32, #tpu.memory_space<vmem>>
      %dma_wait3A_1022 = arith.constant 0 : i32
      %dma_wait3A_1023 = arith.constant 0 : i32
      %dma_wait3A_1024 = tpu.memref_slice %arg3[%dma_wait3A_1022, %dma_wait3A_1023] : memref<64x1000000xf32, #tpu.memory_space<hbm>> -> memref<64x128xf32, #tpu.memory_space<hbm>>
      %dma_wait3A_1025 = arith.constant 0 : i32
      %dma_wait3A_1026 = arith.constant 0 : i32
      %dma_wait3A_1027 = tpu.memref_slice %arg6[%dma_wait3A_1017, %dma_wait3A_1025, %dma_wait3A_1026] : memref<8x64x128xf32, #tpu.memory_space<vmem>> -> memref<1x64x128xf32, #tpu.memory_space<vmem>>
      %dma_wait3A_1028 = tpu.memref_squeeze %dma_wait3A_1027 : memref<1x64x128xf32, #tpu.memory_space<vmem>> -> memref<64x128xf32, #tpu.memory_space<vmem>>
      %dma_wait3A_1029 = arith.constant 0 : i32
      %dma_wait3A_1030 = arith.constant 0 : i32
      %dma_wait3A_1031 = tpu.memref_slice %arg3[%dma_wait3A_1029, %dma_wait3A_1030] : memref<64x1000000xf32, #tpu.memory_space<hbm>> -> memref<64x128xf32, #tpu.memory_space<hbm>>
      tpu.wait_dma2 semaphore(%arg10 : memref<!tpu.dma_semaphore, #tpu.memory_space<semaphore_mem>>) src(%dma_wait3A_1031 : memref<64x128xf32, #tpu.memory_space<hbm>>) dst(%dma_wait3A_1028 : memref<64x128xf32, #tpu.memory_space<vmem>>)
      %slice3A_1032 = vector.extract_strided_slice %get3A_168 {offsets = [10], sizes = [1], strides = [1]} : vector<16xi32> to vector<1xi32>
      %squeeze3A_1033 = vector.extract %slice3A_1032[0] : i32 from vector<1xi32>
      %and3A_1034 = arith.constant 127 : i32
      %and3A_1035 = arith.andi %add3A_1016, %and3A_1034 : i32
      %and3A_1036 = arith.constant 127 : i32
      %and3A_1037 = arith.andi %squeeze3A_1033, %and3A_1036 : i32
      %broadcast_in_dim3A_1038 = vector.broadcast %and3A_1037 : i32 to vector<16xi32>
      %iota3A_1039 = tpu.iota {dimensions = array<i32: 0>} : vector<16xi32>
      %add3A_1040 = arith.constant 0 : i32
      %add3A_1041 = vector.broadcast %add3A_1040 : i32 to vector<16xi32>
      %add3A_1042 = arith.addi %iota3A_1039, %add3A_1041 : vector<16xi32>
      %gather3A_1043 = arith.constant 2 : i32
      %gather3A_1044 = arith.constant 0 : i32
      %gather3A_1045 = arith.constant 0 : i32
      %gather3A_1046 = tpu.memref_slice %arg6[%gather3A_1043, %gather3A_1044, %gather3A_1045] : memref<8x64x128xf32, #tpu.memory_space<vmem>> -> memref<1x64x128xf32, #tpu.memory_space<vmem>>
      %gather3A_1047 = tpu.memref_squeeze %gather3A_1046 : memref<1x64x128xf32, #tpu.memory_space<vmem>> -> memref<64x128xf32, #tpu.memory_space<vmem>>
      %gather3A_1048 = tpu.vector_load_idx %gather3A_1047[%add3A_1042, %broadcast_in_dim3A_1038] : memref<64x128xf32, #tpu.memory_space<vmem>>[vector<16xi32>, vector<16xi32>], vector<16xf32>,
      %swap3A_1049 = arith.index_cast %and3A_1035 : i32 to index
      %swap3A_1050 = arith.constant 0 : index
      %swap3A_1051 = tpu.vector_load %arg7[%swap3A_1049, %swap3A_1050] {strides = array<i32>} : memref<128x64xf32, #tpu.memory_space<vmem>>, vector<16xf32>,
      tpu.vector_store %arg7[%swap3A_1049, %swap3A_1050], %gather3A_1048 {strides = array<i32>} : memref<128x64xf32, #tpu.memory_space<vmem>>, vector<16xf32>,
      %iota3A_1052 = tpu.iota {dimensions = array<i32: 0>} : vector<16xi32>
      %add3A_1053 = arith.constant 16 : i32
      %add3A_1054 = vector.broadcast %add3A_1053 : i32 to vector<16xi32>
      %add3A_1055 = arith.addi %iota3A_1052, %add3A_1054 : vector<16xi32>
      %gather3A_1056 = arith.constant 2 : i32
      %gather3A_1057 = arith.constant 0 : i32
      %gather3A_1058 = arith.constant 0 : i32
      %gather3A_1059 = tpu.memref_slice %arg6[%gather3A_1056, %gather3A_1057, %gather3A_1058] : memref<8x64x128xf32, #tpu.memory_space<vmem>> -> memref<1x64x128xf32, #tpu.memory_space<vmem>>
      %gather3A_1060 = tpu.memref_squeeze %gather3A_1059 : memref<1x64x128xf32, #tpu.memory_space<vmem>> -> memref<64x128xf32, #tpu.memory_space<vmem>>
      %gather3A_1061 = tpu.vector_load_idx %gather3A_1060[%add3A_1055, %broadcast_in_dim3A_1038] : memref<64x128xf32, #tpu.memory_space<vmem>>[vector<16xi32>, vector<16xi32>], vector<16xf32>,
      %swap3A_1062 = arith.index_cast %and3A_1035 : i32 to index
      %swap3A_1063 = arith.constant 16 : index
      %swap3A_1064 = tpu.vector_load %arg7[%swap3A_1062, %swap3A_1063] {strides = array<i32>} : memref<128x64xf32, #tpu.memory_space<vmem>>, vector<16xf32>,
      tpu.vector_store %arg7[%swap3A_1062, %swap3A_1063], %gather3A_1061 {strides = array<i32>} : memref<128x64xf32, #tpu.memory_space<vmem>>, vector<16xf32>,
      %iota3A_1065 = tpu.iota {dimensions = array<i32: 0>} : vector<16xi32>
      %add3A_1066 = arith.constant 32 : i32
      %add3A_1067 = vector.broadcast %add3A_1066 : i32 to vector<16xi32>
      %add3A_1068 = arith.addi %iota3A_1065, %add3A_1067 : vector<16xi32>
      %gather3A_1069 = arith.constant 2 : i32
      %gather3A_1070 = arith.constant 0 : i32
      %gather3A_1071 = arith.constant 0 : i32
      %gather3A_1072 = tpu.memref_slice %arg6[%gather3A_1069, %gather3A_1070, %gather3A_1071] : memref<8x64x128xf32, #tpu.memory_space<vmem>> -> memref<1x64x128xf32, #tpu.memory_space<vmem>>
      %gather3A_1073 = tpu.memref_squeeze %gather3A_1072 : memref<1x64x128xf32, #tpu.memory_space<vmem>> -> memref<64x128xf32, #tpu.memory_space<vmem>>
      %gather3A_1074 = tpu.vector_load_idx %gather3A_1073[%add3A_1068, %broadcast_in_dim3A_1038] : memref<64x128xf32, #tpu.memory_space<vmem>>[vector<16xi32>, vector<16xi32>], vector<16xf32>,
      %swap3A_1075 = arith.index_cast %and3A_1035 : i32 to index
      %swap3A_1076 = arith.constant 32 : index
      %swap3A_1077 = tpu.vector_load %arg7[%swap3A_1075, %swap3A_1076] {strides = array<i32>} : memref<128x64xf32, #tpu.memory_space<vmem>>, vector<16xf32>,
      tpu.vector_store %arg7[%swap3A_1075, %swap3A_1076], %gather3A_1074 {strides = array<i32>} : memref<128x64xf32, #tpu.memory_space<vmem>>, vector<16xf32>,
      %iota3A_1078 = tpu.iota {dimensions = array<i32: 0>} : vector<16xi32>
      %add3A_1079 = arith.constant 48 : i32
      %add3A_1080 = vector.broadcast %add3A_1079 : i32 to vector<16xi32>
      %add3A_1081 = arith.addi %iota3A_1078, %add3A_1080 : vector<16xi32>
      %gather3A_1082 = arith.constant 2 : i32
      %gather3A_1083 = arith.constant 0 : i32
      %gather3A_1084 = arith.constant 0 : i32
      %gather3A_1085 = tpu.memref_slice %arg6[%gather3A_1082, %gather3A_1083, %gather3A_1084] : memref<8x64x128xf32, #tpu.memory_space<vmem>> -> memref<1x64x128xf32, #tpu.memory_space<vmem>>
      %gather3A_1086 = tpu.memref_squeeze %gather3A_1085 : memref<1x64x128xf32, #tpu.memory_space<vmem>> -> memref<64x128xf32, #tpu.memory_space<vmem>>
      %gather3A_1087 = tpu.vector_load_idx %gather3A_1086[%add3A_1081, %broadcast_in_dim3A_1038] : memref<64x128xf32, #tpu.memory_space<vmem>>[vector<16xi32>, vector<16xi32>], vector<16xf32>,
      %swap3A_1088 = arith.index_cast %and3A_1035 : i32 to index
      %swap3A_1089 = arith.constant 48 : index
      %swap3A_1090 = tpu.vector_load %arg7[%swap3A_1088, %swap3A_1089] {strides = array<i32>} : memref<128x64xf32, #tpu.memory_space<vmem>>, vector<16xf32>,
      tpu.vector_store %arg7[%swap3A_1088, %swap3A_1089], %gather3A_1087 {strides = array<i32>} : memref<128x64xf32, #tpu.memory_space<vmem>>, vector<16xf32>,
      %slice3A_1091 = vector.extract_strided_slice %get3A_173 {offsets = [2], sizes = [1], strides = [1]} : vector<16xi32> to vector<1xi32>
      %squeeze3A_1092 = vector.extract %slice3A_1091[0] : i32 from vector<1xi32>
      %add3A_1093 = arith.constant 8 : i32
      %add3A_1094 = arith.addi %add3A_1016, %add3A_1093 : i32
      %lt3A_1095 = arith.constant 256 : i32
      %lt3A_1096 = arith.cmpi slt, %add3A_1094, %lt3A_1095 : i32
      %convert_element_type3A_1097 = arith.extui %lt3A_1096 : i1 to i32
      %cond3A_1098 = arith.constant 0 : i32
      %cond3A_1099 = arith.cmpi ne, %convert_element_type3A_1097, %cond3A_1098 : i32
      scf.if %cond3A_1099 {
        %shift_right_arithmetic3A_1534 = arith.constant 7 : i32
        %shift_right_arithmetic3A_1535 = arith.shrsi %squeeze3A_1092, %shift_right_arithmetic3A_1534 : i32
        %mul3A_1536 = arith.constant 128 : i32
        %mul3A_1537 = arith.muli %shift_right_arithmetic3A_1535, %mul3A_1536 : i32
        %multiple_of3A_1538 = tpu.assume_multiple %mul3A_1537, 128 : i32
        %dma_start3A_1539 = arith.constant 2 : i32
        %dma_start3A_1540 = arith.constant 0 : i32
        %dma_start3A_1541 = arith.constant 0 : i32
        %dma_start3A_1542 = tpu.memref_slice %arg6[%dma_start3A_1539, %dma_start3A_1540, %dma_start3A_1541] : memref<8x64x128xf32, #tpu.memory_space<vmem>> -> memref<1x64x128xf32, #tpu.memory_space<vmem>>
        %dma_start3A_1543 = tpu.memref_squeeze %dma_start3A_1542 : memref<1x64x128xf32, #tpu.memory_space<vmem>> -> memref<64x128xf32, #tpu.memory_space<vmem>>
        %dma_start3A_1544 = arith.constant 0 : i32
        %dma_start3A_1545 = tpu.memref_slice %arg3[%dma_start3A_1544, %multiple_of3A_1538] : memref<64x1000000xf32, #tpu.memory_space<hbm>> -> memref<64x128xf32, #tpu.memory_space<hbm>>
        %dma_start3A_1546 = arith.constant 0 : i32
        %dma_start3A_1547 = arith.constant 0 : i32
        %dma_start3A_1548 = tpu.memref_slice %arg6[%dma_start3A_1539, %dma_start3A_1546, %dma_start3A_1547] : memref<8x64x128xf32, #tpu.memory_space<vmem>> -> memref<1x64x128xf32, #tpu.memory_space<vmem>>
        %dma_start3A_1549 = tpu.memref_squeeze %dma_start3A_1548 : memref<1x64x128xf32, #tpu.memory_space<vmem>> -> memref<64x128xf32, #tpu.memory_space<vmem>>
        %dma_start3A_1550 = arith.constant 0 : i32
        %dma_start3A_1551 = tpu.memref_slice %arg3[%dma_start3A_1550, %multiple_of3A_1538] : memref<64x1000000xf32, #tpu.memory_space<hbm>> -> memref<64x128xf32, #tpu.memory_space<hbm>>
        tpu.enqueue_dma source(%dma_start3A_1551 : memref<64x128xf32, #tpu.memory_space<hbm>>) target(%dma_start3A_1549 : memref<64x128xf32, #tpu.memory_space<vmem>>) target_semaphore(%arg10 : memref<!tpu.dma_semaphore, #tpu.memory_space<semaphore_mem>>)
      } else {
      }
      %add3A_1100 = arith.constant 11 : i32
      %add3A_1101 = arith.addi %mul3A_166, %add3A_1100 : i32
      %dma_wait3A_1102 = arith.constant 3 : i32
      %dma_wait3A_1103 = arith.constant 0 : i32
      %dma_wait3A_1104 = arith.constant 0 : i32
      %dma_wait3A_1105 = tpu.memref_slice %arg6[%dma_wait3A_1102, %dma_wait3A_1103, %dma_wait3A_1104] : memref<8x64x128xf32, #tpu.memory_space<vmem>> -> memref<1x64x128xf32, #tpu.memory_space<vmem>>
      %dma_wait3A_1106 = tpu.memref_squeeze %dma_wait3A_1105 : memref<1x64x128xf32, #tpu.memory_space<vmem>> -> memref<64x128xf32, #tpu.memory_space<vmem>>
      %dma_wait3A_1107 = arith.constant 0 : i32
      %dma_wait3A_1108 = arith.constant 0 : i32
      %dma_wait3A_1109 = tpu.memref_slice %arg3[%dma_wait3A_1107, %dma_wait3A_1108] : memref<64x1000000xf32, #tpu.memory_space<hbm>> -> memref<64x128xf32, #tpu.memory_space<hbm>>
      %dma_wait3A_1110 = arith.constant 0 : i32
      %dma_wait3A_1111 = arith.constant 0 : i32
      %dma_wait3A_1112 = tpu.memref_slice %arg6[%dma_wait3A_1102, %dma_wait3A_1110, %dma_wait3A_1111] : memref<8x64x128xf32, #tpu.memory_space<vmem>> -> memref<1x64x128xf32, #tpu.memory_space<vmem>>
      %dma_wait3A_1113 = tpu.memref_squeeze %dma_wait3A_1112 : memref<1x64x128xf32, #tpu.memory_space<vmem>> -> memref<64x128xf32, #tpu.memory_space<vmem>>
      %dma_wait3A_1114 = arith.constant 0 : i32
      %dma_wait3A_1115 = arith.constant 0 : i32
      %dma_wait3A_1116 = tpu.memref_slice %arg3[%dma_wait3A_1114, %dma_wait3A_1115] : memref<64x1000000xf32, #tpu.memory_space<hbm>> -> memref<64x128xf32, #tpu.memory_space<hbm>>
      tpu.wait_dma2 semaphore(%arg11 : memref<!tpu.dma_semaphore, #tpu.memory_space<semaphore_mem>>) src(%dma_wait3A_1116 : memref<64x128xf32, #tpu.memory_space<hbm>>) dst(%dma_wait3A_1113 : memref<64x128xf32, #tpu.memory_space<vmem>>)
      %slice3A_1117 = vector.extract_strided_slice %get3A_168 {offsets = [11], sizes = [1], strides = [1]} : vector<16xi32> to vector<1xi32>
      %squeeze3A_1118 = vector.extract %slice3A_1117[0] : i32 from vector<1xi32>
      %and3A_1119 = arith.constant 127 : i32
      %and3A_1120 = arith.andi %add3A_1101, %and3A_1119 : i32
      %and3A_1121 = arith.constant 127 : i32
      %and3A_1122 = arith.andi %squeeze3A_1118, %and3A_1121 : i32
      %broadcast_in_dim3A_1123 = vector.broadcast %and3A_1122 : i32 to vector<16xi32>
      %iota3A_1124 = tpu.iota {dimensions = array<i32: 0>} : vector<16xi32>
      %add3A_1125 = arith.constant 0 : i32
      %add3A_1126 = vector.broadcast %add3A_1125 : i32 to vector<16xi32>
      %add3A_1127 = arith.addi %iota3A_1124, %add3A_1126 : vector<16xi32>
      %gather3A_1128 = arith.constant 3 : i32
      %gather3A_1129 = arith.constant 0 : i32
      %gather3A_1130 = arith.constant 0 : i32
      %gather3A_1131 = tpu.memref_slice %arg6[%gather3A_1128, %gather3A_1129, %gather3A_1130] : memref<8x64x128xf32, #tpu.memory_space<vmem>> -> memref<1x64x128xf32, #tpu.memory_space<vmem>>
      %gather3A_1132 = tpu.memref_squeeze %gather3A_1131 : memref<1x64x128xf32, #tpu.memory_space<vmem>> -> memref<64x128xf32, #tpu.memory_space<vmem>>
      %gather3A_1133 = tpu.vector_load_idx %gather3A_1132[%add3A_1127, %broadcast_in_dim3A_1123] : memref<64x128xf32, #tpu.memory_space<vmem>>[vector<16xi32>, vector<16xi32>], vector<16xf32>,
      %swap3A_1134 = arith.index_cast %and3A_1120 : i32 to index
      %swap3A_1135 = arith.constant 0 : index
      %swap3A_1136 = tpu.vector_load %arg7[%swap3A_1134, %swap3A_1135] {strides = array<i32>} : memref<128x64xf32, #tpu.memory_space<vmem>>, vector<16xf32>,
      tpu.vector_store %arg7[%swap3A_1134, %swap3A_1135], %gather3A_1133 {strides = array<i32>} : memref<128x64xf32, #tpu.memory_space<vmem>>, vector<16xf32>,
      %iota3A_1137 = tpu.iota {dimensions = array<i32: 0>} : vector<16xi32>
      %add3A_1138 = arith.constant 16 : i32
      %add3A_1139 = vector.broadcast %add3A_1138 : i32 to vector<16xi32>
      %add3A_1140 = arith.addi %iota3A_1137, %add3A_1139 : vector<16xi32>
      %gather3A_1141 = arith.constant 3 : i32
      %gather3A_1142 = arith.constant 0 : i32
      %gather3A_1143 = arith.constant 0 : i32
      %gather3A_1144 = tpu.memref_slice %arg6[%gather3A_1141, %gather3A_1142, %gather3A_1143] : memref<8x64x128xf32, #tpu.memory_space<vmem>> -> memref<1x64x128xf32, #tpu.memory_space<vmem>>
      %gather3A_1145 = tpu.memref_squeeze %gather3A_1144 : memref<1x64x128xf32, #tpu.memory_space<vmem>> -> memref<64x128xf32, #tpu.memory_space<vmem>>
      %gather3A_1146 = tpu.vector_load_idx %gather3A_1145[%add3A_1140, %broadcast_in_dim3A_1123] : memref<64x128xf32, #tpu.memory_space<vmem>>[vector<16xi32>, vector<16xi32>], vector<16xf32>,
      %swap3A_1147 = arith.index_cast %and3A_1120 : i32 to index
      %swap3A_1148 = arith.constant 16 : index
      %swap3A_1149 = tpu.vector_load %arg7[%swap3A_1147, %swap3A_1148] {strides = array<i32>} : memref<128x64xf32, #tpu.memory_space<vmem>>, vector<16xf32>,
      tpu.vector_store %arg7[%swap3A_1147, %swap3A_1148], %gather3A_1146 {strides = array<i32>} : memref<128x64xf32, #tpu.memory_space<vmem>>, vector<16xf32>,
      %iota3A_1150 = tpu.iota {dimensions = array<i32: 0>} : vector<16xi32>
      %add3A_1151 = arith.constant 32 : i32
      %add3A_1152 = vector.broadcast %add3A_1151 : i32 to vector<16xi32>
      %add3A_1153 = arith.addi %iota3A_1150, %add3A_1152 : vector<16xi32>
      %gather3A_1154 = arith.constant 3 : i32
      %gather3A_1155 = arith.constant 0 : i32
      %gather3A_1156 = arith.constant 0 : i32
      %gather3A_1157 = tpu.memref_slice %arg6[%gather3A_1154, %gather3A_1155, %gather3A_1156] : memref<8x64x128xf32, #tpu.memory_space<vmem>> -> memref<1x64x128xf32, #tpu.memory_space<vmem>>
      %gather3A_1158 = tpu.memref_squeeze %gather3A_1157 : memref<1x64x128xf32, #tpu.memory_space<vmem>> -> memref<64x128xf32, #tpu.memory_space<vmem>>
      %gather3A_1159 = tpu.vector_load_idx %gather3A_1158[%add3A_1153, %broadcast_in_dim3A_1123] : memref<64x128xf32, #tpu.memory_space<vmem>>[vector<16xi32>, vector<16xi32>], vector<16xf32>,
      %swap3A_1160 = arith.index_cast %and3A_1120 : i32 to index
      %swap3A_1161 = arith.constant 32 : index
      %swap3A_1162 = tpu.vector_load %arg7[%swap3A_1160, %swap3A_1161] {strides = array<i32>} : memref<128x64xf32, #tpu.memory_space<vmem>>, vector<16xf32>,
      tpu.vector_store %arg7[%swap3A_1160, %swap3A_1161], %gather3A_1159 {strides = array<i32>} : memref<128x64xf32, #tpu.memory_space<vmem>>, vector<16xf32>,
      %iota3A_1163 = tpu.iota {dimensions = array<i32: 0>} : vector<16xi32>
      %add3A_1164 = arith.constant 48 : i32
      %add3A_1165 = vector.broadcast %add3A_1164 : i32 to vector<16xi32>
      %add3A_1166 = arith.addi %iota3A_1163, %add3A_1165 : vector<16xi32>
      %gather3A_1167 = arith.constant 3 : i32
      %gather3A_1168 = arith.constant 0 : i32
      %gather3A_1169 = arith.constant 0 : i32
      %gather3A_1170 = tpu.memref_slice %arg6[%gather3A_1167, %gather3A_1168, %gather3A_1169] : memref<8x64x128xf32, #tpu.memory_space<vmem>> -> memref<1x64x128xf32, #tpu.memory_space<vmem>>
      %gather3A_1171 = tpu.memref_squeeze %gather3A_1170 : memref<1x64x128xf32, #tpu.memory_space<vmem>> -> memref<64x128xf32, #tpu.memory_space<vmem>>
      %gather3A_1172 = tpu.vector_load_idx %gather3A_1171[%add3A_1166, %broadcast_in_dim3A_1123] : memref<64x128xf32, #tpu.memory_space<vmem>>[vector<16xi32>, vector<16xi32>], vector<16xf32>,
      %swap3A_1173 = arith.index_cast %and3A_1120 : i32 to index
      %swap3A_1174 = arith.constant 48 : index
      %swap3A_1175 = tpu.vector_load %arg7[%swap3A_1173, %swap3A_1174] {strides = array<i32>} : memref<128x64xf32, #tpu.memory_space<vmem>>, vector<16xf32>,
      tpu.vector_store %arg7[%swap3A_1173, %swap3A_1174], %gather3A_1172 {strides = array<i32>} : memref<128x64xf32, #tpu.memory_space<vmem>>, vector<16xf32>,
      %slice3A_1176 = vector.extract_strided_slice %get3A_173 {offsets = [3], sizes = [1], strides = [1]} : vector<16xi32> to vector<1xi32>
      %squeeze3A_1177 = vector.extract %slice3A_1176[0] : i32 from vector<1xi32>
      %add3A_1178 = arith.constant 8 : i32
      %add3A_1179 = arith.addi %add3A_1101, %add3A_1178 : i32
      %lt3A_1180 = arith.constant 256 : i32
      %lt3A_1181 = arith.cmpi slt, %add3A_1179, %lt3A_1180 : i32
      %convert_element_type3A_1182 = arith.extui %lt3A_1181 : i1 to i32
      %cond3A_1183 = arith.constant 0 : i32
      %cond3A_1184 = arith.cmpi ne, %convert_element_type3A_1182, %cond3A_1183 : i32
      scf.if %cond3A_1184 {
        %shift_right_arithmetic3A_1534 = arith.constant 7 : i32
        %shift_right_arithmetic3A_1535 = arith.shrsi %squeeze3A_1177, %shift_right_arithmetic3A_1534 : i32
        %mul3A_1536 = arith.constant 128 : i32
        %mul3A_1537 = arith.muli %shift_right_arithmetic3A_1535, %mul3A_1536 : i32
        %multiple_of3A_1538 = tpu.assume_multiple %mul3A_1537, 128 : i32
        %dma_start3A_1539 = arith.constant 3 : i32
        %dma_start3A_1540 = arith.constant 0 : i32
        %dma_start3A_1541 = arith.constant 0 : i32
        %dma_start3A_1542 = tpu.memref_slice %arg6[%dma_start3A_1539, %dma_start3A_1540, %dma_start3A_1541] : memref<8x64x128xf32, #tpu.memory_space<vmem>> -> memref<1x64x128xf32, #tpu.memory_space<vmem>>
        %dma_start3A_1543 = tpu.memref_squeeze %dma_start3A_1542 : memref<1x64x128xf32, #tpu.memory_space<vmem>> -> memref<64x128xf32, #tpu.memory_space<vmem>>
        %dma_start3A_1544 = arith.constant 0 : i32
        %dma_start3A_1545 = tpu.memref_slice %arg3[%dma_start3A_1544, %multiple_of3A_1538] : memref<64x1000000xf32, #tpu.memory_space<hbm>> -> memref<64x128xf32, #tpu.memory_space<hbm>>
        %dma_start3A_1546 = arith.constant 0 : i32
        %dma_start3A_1547 = arith.constant 0 : i32
        %dma_start3A_1548 = tpu.memref_slice %arg6[%dma_start3A_1539, %dma_start3A_1546, %dma_start3A_1547] : memref<8x64x128xf32, #tpu.memory_space<vmem>> -> memref<1x64x128xf32, #tpu.memory_space<vmem>>
        %dma_start3A_1549 = tpu.memref_squeeze %dma_start3A_1548 : memref<1x64x128xf32, #tpu.memory_space<vmem>> -> memref<64x128xf32, #tpu.memory_space<vmem>>
        %dma_start3A_1550 = arith.constant 0 : i32
        %dma_start3A_1551 = tpu.memref_slice %arg3[%dma_start3A_1550, %multiple_of3A_1538] : memref<64x1000000xf32, #tpu.memory_space<hbm>> -> memref<64x128xf32, #tpu.memory_space<hbm>>
        tpu.enqueue_dma source(%dma_start3A_1551 : memref<64x128xf32, #tpu.memory_space<hbm>>) target(%dma_start3A_1549 : memref<64x128xf32, #tpu.memory_space<vmem>>) target_semaphore(%arg11 : memref<!tpu.dma_semaphore, #tpu.memory_space<semaphore_mem>>)
      } else {
      }
      %add3A_1185 = arith.constant 12 : i32
      %add3A_1186 = arith.addi %mul3A_166, %add3A_1185 : i32
      %dma_wait3A_1187 = arith.constant 4 : i32
      %dma_wait3A_1188 = arith.constant 0 : i32
      %dma_wait3A_1189 = arith.constant 0 : i32
      %dma_wait3A_1190 = tpu.memref_slice %arg6[%dma_wait3A_1187, %dma_wait3A_1188, %dma_wait3A_1189] : memref<8x64x128xf32, #tpu.memory_space<vmem>> -> memref<1x64x128xf32, #tpu.memory_space<vmem>>
      %dma_wait3A_1191 = tpu.memref_squeeze %dma_wait3A_1190 : memref<1x64x128xf32, #tpu.memory_space<vmem>> -> memref<64x128xf32, #tpu.memory_space<vmem>>
      %dma_wait3A_1192 = arith.constant 0 : i32
      %dma_wait3A_1193 = arith.constant 0 : i32
      %dma_wait3A_1194 = tpu.memref_slice %arg3[%dma_wait3A_1192, %dma_wait3A_1193] : memref<64x1000000xf32, #tpu.memory_space<hbm>> -> memref<64x128xf32, #tpu.memory_space<hbm>>
      %dma_wait3A_1195 = arith.constant 0 : i32
      %dma_wait3A_1196 = arith.constant 0 : i32
      %dma_wait3A_1197 = tpu.memref_slice %arg6[%dma_wait3A_1187, %dma_wait3A_1195, %dma_wait3A_1196] : memref<8x64x128xf32, #tpu.memory_space<vmem>> -> memref<1x64x128xf32, #tpu.memory_space<vmem>>
      %dma_wait3A_1198 = tpu.memref_squeeze %dma_wait3A_1197 : memref<1x64x128xf32, #tpu.memory_space<vmem>> -> memref<64x128xf32, #tpu.memory_space<vmem>>
      %dma_wait3A_1199 = arith.constant 0 : i32
      %dma_wait3A_1200 = arith.constant 0 : i32
      %dma_wait3A_1201 = tpu.memref_slice %arg3[%dma_wait3A_1199, %dma_wait3A_1200] : memref<64x1000000xf32, #tpu.memory_space<hbm>> -> memref<64x128xf32, #tpu.memory_space<hbm>>
      tpu.wait_dma2 semaphore(%arg12 : memref<!tpu.dma_semaphore, #tpu.memory_space<semaphore_mem>>) src(%dma_wait3A_1201 : memref<64x128xf32, #tpu.memory_space<hbm>>) dst(%dma_wait3A_1198 : memref<64x128xf32, #tpu.memory_space<vmem>>)
      %slice3A_1202 = vector.extract_strided_slice %get3A_168 {offsets = [12], sizes = [1], strides = [1]} : vector<16xi32> to vector<1xi32>
      %squeeze3A_1203 = vector.extract %slice3A_1202[0] : i32 from vector<1xi32>
      %and3A_1204 = arith.constant 127 : i32
      %and3A_1205 = arith.andi %add3A_1186, %and3A_1204 : i32
      %and3A_1206 = arith.constant 127 : i32
      %and3A_1207 = arith.andi %squeeze3A_1203, %and3A_1206 : i32
      %broadcast_in_dim3A_1208 = vector.broadcast %and3A_1207 : i32 to vector<16xi32>
      %iota3A_1209 = tpu.iota {dimensions = array<i32: 0>} : vector<16xi32>
      %add3A_1210 = arith.constant 0 : i32
      %add3A_1211 = vector.broadcast %add3A_1210 : i32 to vector<16xi32>
      %add3A_1212 = arith.addi %iota3A_1209, %add3A_1211 : vector<16xi32>
      %gather3A_1213 = arith.constant 4 : i32
      %gather3A_1214 = arith.constant 0 : i32
      %gather3A_1215 = arith.constant 0 : i32
      %gather3A_1216 = tpu.memref_slice %arg6[%gather3A_1213, %gather3A_1214, %gather3A_1215] : memref<8x64x128xf32, #tpu.memory_space<vmem>> -> memref<1x64x128xf32, #tpu.memory_space<vmem>>
      %gather3A_1217 = tpu.memref_squeeze %gather3A_1216 : memref<1x64x128xf32, #tpu.memory_space<vmem>> -> memref<64x128xf32, #tpu.memory_space<vmem>>
      %gather3A_1218 = tpu.vector_load_idx %gather3A_1217[%add3A_1212, %broadcast_in_dim3A_1208] : memref<64x128xf32, #tpu.memory_space<vmem>>[vector<16xi32>, vector<16xi32>], vector<16xf32>,
      %swap3A_1219 = arith.index_cast %and3A_1205 : i32 to index
      %swap3A_1220 = arith.constant 0 : index
      %swap3A_1221 = tpu.vector_load %arg7[%swap3A_1219, %swap3A_1220] {strides = array<i32>} : memref<128x64xf32, #tpu.memory_space<vmem>>, vector<16xf32>,
      tpu.vector_store %arg7[%swap3A_1219, %swap3A_1220], %gather3A_1218 {strides = array<i32>} : memref<128x64xf32, #tpu.memory_space<vmem>>, vector<16xf32>,
      %iota3A_1222 = tpu.iota {dimensions = array<i32: 0>} : vector<16xi32>
      %add3A_1223 = arith.constant 16 : i32
      %add3A_1224 = vector.broadcast %add3A_1223 : i32 to vector<16xi32>
      %add3A_1225 = arith.addi %iota3A_1222, %add3A_1224 : vector<16xi32>
      %gather3A_1226 = arith.constant 4 : i32
      %gather3A_1227 = arith.constant 0 : i32
      %gather3A_1228 = arith.constant 0 : i32
      %gather3A_1229 = tpu.memref_slice %arg6[%gather3A_1226, %gather3A_1227, %gather3A_1228] : memref<8x64x128xf32, #tpu.memory_space<vmem>> -> memref<1x64x128xf32, #tpu.memory_space<vmem>>
      %gather3A_1230 = tpu.memref_squeeze %gather3A_1229 : memref<1x64x128xf32, #tpu.memory_space<vmem>> -> memref<64x128xf32, #tpu.memory_space<vmem>>
      %gather3A_1231 = tpu.vector_load_idx %gather3A_1230[%add3A_1225, %broadcast_in_dim3A_1208] : memref<64x128xf32, #tpu.memory_space<vmem>>[vector<16xi32>, vector<16xi32>], vector<16xf32>,
      %swap3A_1232 = arith.index_cast %and3A_1205 : i32 to index
      %swap3A_1233 = arith.constant 16 : index
      %swap3A_1234 = tpu.vector_load %arg7[%swap3A_1232, %swap3A_1233] {strides = array<i32>} : memref<128x64xf32, #tpu.memory_space<vmem>>, vector<16xf32>,
      tpu.vector_store %arg7[%swap3A_1232, %swap3A_1233], %gather3A_1231 {strides = array<i32>} : memref<128x64xf32, #tpu.memory_space<vmem>>, vector<16xf32>,
      %iota3A_1235 = tpu.iota {dimensions = array<i32: 0>} : vector<16xi32>
      %add3A_1236 = arith.constant 32 : i32
      %add3A_1237 = vector.broadcast %add3A_1236 : i32 to vector<16xi32>
      %add3A_1238 = arith.addi %iota3A_1235, %add3A_1237 : vector<16xi32>
      %gather3A_1239 = arith.constant 4 : i32
      %gather3A_1240 = arith.constant 0 : i32
      %gather3A_1241 = arith.constant 0 : i32
      %gather3A_1242 = tpu.memref_slice %arg6[%gather3A_1239, %gather3A_1240, %gather3A_1241] : memref<8x64x128xf32, #tpu.memory_space<vmem>> -> memref<1x64x128xf32, #tpu.memory_space<vmem>>
      %gather3A_1243 = tpu.memref_squeeze %gather3A_1242 : memref<1x64x128xf32, #tpu.memory_space<vmem>> -> memref<64x128xf32, #tpu.memory_space<vmem>>
      %gather3A_1244 = tpu.vector_load_idx %gather3A_1243[%add3A_1238, %broadcast_in_dim3A_1208] : memref<64x128xf32, #tpu.memory_space<vmem>>[vector<16xi32>, vector<16xi32>], vector<16xf32>,
      %swap3A_1245 = arith.index_cast %and3A_1205 : i32 to index
      %swap3A_1246 = arith.constant 32 : index
      %swap3A_1247 = tpu.vector_load %arg7[%swap3A_1245, %swap3A_1246] {strides = array<i32>} : memref<128x64xf32, #tpu.memory_space<vmem>>, vector<16xf32>,
      tpu.vector_store %arg7[%swap3A_1245, %swap3A_1246], %gather3A_1244 {strides = array<i32>} : memref<128x64xf32, #tpu.memory_space<vmem>>, vector<16xf32>,
      %iota3A_1248 = tpu.iota {dimensions = array<i32: 0>} : vector<16xi32>
      %add3A_1249 = arith.constant 48 : i32
      %add3A_1250 = vector.broadcast %add3A_1249 : i32 to vector<16xi32>
      %add3A_1251 = arith.addi %iota3A_1248, %add3A_1250 : vector<16xi32>
      %gather3A_1252 = arith.constant 4 : i32
      %gather3A_1253 = arith.constant 0 : i32
      %gather3A_1254 = arith.constant 0 : i32
      %gather3A_1255 = tpu.memref_slice %arg6[%gather3A_1252, %gather3A_1253, %gather3A_1254] : memref<8x64x128xf32, #tpu.memory_space<vmem>> -> memref<1x64x128xf32, #tpu.memory_space<vmem>>
      %gather3A_1256 = tpu.memref_squeeze %gather3A_1255 : memref<1x64x128xf32, #tpu.memory_space<vmem>> -> memref<64x128xf32, #tpu.memory_space<vmem>>
      %gather3A_1257 = tpu.vector_load_idx %gather3A_1256[%add3A_1251, %broadcast_in_dim3A_1208] : memref<64x128xf32, #tpu.memory_space<vmem>>[vector<16xi32>, vector<16xi32>], vector<16xf32>,
      %swap3A_1258 = arith.index_cast %and3A_1205 : i32 to index
      %swap3A_1259 = arith.constant 48 : index
      %swap3A_1260 = tpu.vector_load %arg7[%swap3A_1258, %swap3A_1259] {strides = array<i32>} : memref<128x64xf32, #tpu.memory_space<vmem>>, vector<16xf32>,
      tpu.vector_store %arg7[%swap3A_1258, %swap3A_1259], %gather3A_1257 {strides = array<i32>} : memref<128x64xf32, #tpu.memory_space<vmem>>, vector<16xf32>,
      %slice3A_1261 = vector.extract_strided_slice %get3A_173 {offsets = [4], sizes = [1], strides = [1]} : vector<16xi32> to vector<1xi32>
      %squeeze3A_1262 = vector.extract %slice3A_1261[0] : i32 from vector<1xi32>
      %add3A_1263 = arith.constant 8 : i32
      %add3A_1264 = arith.addi %add3A_1186, %add3A_1263 : i32
      %lt3A_1265 = arith.constant 256 : i32
      %lt3A_1266 = arith.cmpi slt, %add3A_1264, %lt3A_1265 : i32
      %convert_element_type3A_1267 = arith.extui %lt3A_1266 : i1 to i32
      %cond3A_1268 = arith.constant 0 : i32
      %cond3A_1269 = arith.cmpi ne, %convert_element_type3A_1267, %cond3A_1268 : i32
      scf.if %cond3A_1269 {
        %shift_right_arithmetic3A_1534 = arith.constant 7 : i32
        %shift_right_arithmetic3A_1535 = arith.shrsi %squeeze3A_1262, %shift_right_arithmetic3A_1534 : i32
        %mul3A_1536 = arith.constant 128 : i32
        %mul3A_1537 = arith.muli %shift_right_arithmetic3A_1535, %mul3A_1536 : i32
        %multiple_of3A_1538 = tpu.assume_multiple %mul3A_1537, 128 : i32
        %dma_start3A_1539 = arith.constant 4 : i32
        %dma_start3A_1540 = arith.constant 0 : i32
        %dma_start3A_1541 = arith.constant 0 : i32
        %dma_start3A_1542 = tpu.memref_slice %arg6[%dma_start3A_1539, %dma_start3A_1540, %dma_start3A_1541] : memref<8x64x128xf32, #tpu.memory_space<vmem>> -> memref<1x64x128xf32, #tpu.memory_space<vmem>>
        %dma_start3A_1543 = tpu.memref_squeeze %dma_start3A_1542 : memref<1x64x128xf32, #tpu.memory_space<vmem>> -> memref<64x128xf32, #tpu.memory_space<vmem>>
        %dma_start3A_1544 = arith.constant 0 : i32
        %dma_start3A_1545 = tpu.memref_slice %arg3[%dma_start3A_1544, %multiple_of3A_1538] : memref<64x1000000xf32, #tpu.memory_space<hbm>> -> memref<64x128xf32, #tpu.memory_space<hbm>>
        %dma_start3A_1546 = arith.constant 0 : i32
        %dma_start3A_1547 = arith.constant 0 : i32
        %dma_start3A_1548 = tpu.memref_slice %arg6[%dma_start3A_1539, %dma_start3A_1546, %dma_start3A_1547] : memref<8x64x128xf32, #tpu.memory_space<vmem>> -> memref<1x64x128xf32, #tpu.memory_space<vmem>>
        %dma_start3A_1549 = tpu.memref_squeeze %dma_start3A_1548 : memref<1x64x128xf32, #tpu.memory_space<vmem>> -> memref<64x128xf32, #tpu.memory_space<vmem>>
        %dma_start3A_1550 = arith.constant 0 : i32
        %dma_start3A_1551 = tpu.memref_slice %arg3[%dma_start3A_1550, %multiple_of3A_1538] : memref<64x1000000xf32, #tpu.memory_space<hbm>> -> memref<64x128xf32, #tpu.memory_space<hbm>>
        tpu.enqueue_dma source(%dma_start3A_1551 : memref<64x128xf32, #tpu.memory_space<hbm>>) target(%dma_start3A_1549 : memref<64x128xf32, #tpu.memory_space<vmem>>) target_semaphore(%arg12 : memref<!tpu.dma_semaphore, #tpu.memory_space<semaphore_mem>>)
      } else {
      }
      %add3A_1270 = arith.constant 13 : i32
      %add3A_1271 = arith.addi %mul3A_166, %add3A_1270 : i32
      %dma_wait3A_1272 = arith.constant 5 : i32
      %dma_wait3A_1273 = arith.constant 0 : i32
      %dma_wait3A_1274 = arith.constant 0 : i32
      %dma_wait3A_1275 = tpu.memref_slice %arg6[%dma_wait3A_1272, %dma_wait3A_1273, %dma_wait3A_1274] : memref<8x64x128xf32, #tpu.memory_space<vmem>> -> memref<1x64x128xf32, #tpu.memory_space<vmem>>
      %dma_wait3A_1276 = tpu.memref_squeeze %dma_wait3A_1275 : memref<1x64x128xf32, #tpu.memory_space<vmem>> -> memref<64x128xf32, #tpu.memory_space<vmem>>
      %dma_wait3A_1277 = arith.constant 0 : i32
      %dma_wait3A_1278 = arith.constant 0 : i32
      %dma_wait3A_1279 = tpu.memref_slice %arg3[%dma_wait3A_1277, %dma_wait3A_1278] : memref<64x1000000xf32, #tpu.memory_space<hbm>> -> memref<64x128xf32, #tpu.memory_space<hbm>>
      %dma_wait3A_1280 = arith.constant 0 : i32
      %dma_wait3A_1281 = arith.constant 0 : i32
      %dma_wait3A_1282 = tpu.memref_slice %arg6[%dma_wait3A_1272, %dma_wait3A_1280, %dma_wait3A_1281] : memref<8x64x128xf32, #tpu.memory_space<vmem>> -> memref<1x64x128xf32, #tpu.memory_space<vmem>>
      %dma_wait3A_1283 = tpu.memref_squeeze %dma_wait3A_1282 : memref<1x64x128xf32, #tpu.memory_space<vmem>> -> memref<64x128xf32, #tpu.memory_space<vmem>>
      %dma_wait3A_1284 = arith.constant 0 : i32
      %dma_wait3A_1285 = arith.constant 0 : i32
      %dma_wait3A_1286 = tpu.memref_slice %arg3[%dma_wait3A_1284, %dma_wait3A_1285] : memref<64x1000000xf32, #tpu.memory_space<hbm>> -> memref<64x128xf32, #tpu.memory_space<hbm>>
      tpu.wait_dma2 semaphore(%arg13 : memref<!tpu.dma_semaphore, #tpu.memory_space<semaphore_mem>>) src(%dma_wait3A_1286 : memref<64x128xf32, #tpu.memory_space<hbm>>) dst(%dma_wait3A_1283 : memref<64x128xf32, #tpu.memory_space<vmem>>)
      %slice3A_1287 = vector.extract_strided_slice %get3A_168 {offsets = [13], sizes = [1], strides = [1]} : vector<16xi32> to vector<1xi32>
      %squeeze3A_1288 = vector.extract %slice3A_1287[0] : i32 from vector<1xi32>
      %and3A_1289 = arith.constant 127 : i32
      %and3A_1290 = arith.andi %add3A_1271, %and3A_1289 : i32
      %and3A_1291 = arith.constant 127 : i32
      %and3A_1292 = arith.andi %squeeze3A_1288, %and3A_1291 : i32
      %broadcast_in_dim3A_1293 = vector.broadcast %and3A_1292 : i32 to vector<16xi32>
      %iota3A_1294 = tpu.iota {dimensions = array<i32: 0>} : vector<16xi32>
      %add3A_1295 = arith.constant 0 : i32
      %add3A_1296 = vector.broadcast %add3A_1295 : i32 to vector<16xi32>
      %add3A_1297 = arith.addi %iota3A_1294, %add3A_1296 : vector<16xi32>
      %gather3A_1298 = arith.constant 5 : i32
      %gather3A_1299 = arith.constant 0 : i32
      %gather3A_1300 = arith.constant 0 : i32
      %gather3A_1301 = tpu.memref_slice %arg6[%gather3A_1298, %gather3A_1299, %gather3A_1300] : memref<8x64x128xf32, #tpu.memory_space<vmem>> -> memref<1x64x128xf32, #tpu.memory_space<vmem>>
      %gather3A_1302 = tpu.memref_squeeze %gather3A_1301 : memref<1x64x128xf32, #tpu.memory_space<vmem>> -> memref<64x128xf32, #tpu.memory_space<vmem>>
      %gather3A_1303 = tpu.vector_load_idx %gather3A_1302[%add3A_1297, %broadcast_in_dim3A_1293] : memref<64x128xf32, #tpu.memory_space<vmem>>[vector<16xi32>, vector<16xi32>], vector<16xf32>,
      %swap3A_1304 = arith.index_cast %and3A_1290 : i32 to index
      %swap3A_1305 = arith.constant 0 : index
      %swap3A_1306 = tpu.vector_load %arg7[%swap3A_1304, %swap3A_1305] {strides = array<i32>} : memref<128x64xf32, #tpu.memory_space<vmem>>, vector<16xf32>,
      tpu.vector_store %arg7[%swap3A_1304, %swap3A_1305], %gather3A_1303 {strides = array<i32>} : memref<128x64xf32, #tpu.memory_space<vmem>>, vector<16xf32>,
      %iota3A_1307 = tpu.iota {dimensions = array<i32: 0>} : vector<16xi32>
      %add3A_1308 = arith.constant 16 : i32
      %add3A_1309 = vector.broadcast %add3A_1308 : i32 to vector<16xi32>
      %add3A_1310 = arith.addi %iota3A_1307, %add3A_1309 : vector<16xi32>
      %gather3A_1311 = arith.constant 5 : i32
      %gather3A_1312 = arith.constant 0 : i32
      %gather3A_1313 = arith.constant 0 : i32
      %gather3A_1314 = tpu.memref_slice %arg6[%gather3A_1311, %gather3A_1312, %gather3A_1313] : memref<8x64x128xf32, #tpu.memory_space<vmem>> -> memref<1x64x128xf32, #tpu.memory_space<vmem>>
      %gather3A_1315 = tpu.memref_squeeze %gather3A_1314 : memref<1x64x128xf32, #tpu.memory_space<vmem>> -> memref<64x128xf32, #tpu.memory_space<vmem>>
      %gather3A_1316 = tpu.vector_load_idx %gather3A_1315[%add3A_1310, %broadcast_in_dim3A_1293] : memref<64x128xf32, #tpu.memory_space<vmem>>[vector<16xi32>, vector<16xi32>], vector<16xf32>,
      %swap3A_1317 = arith.index_cast %and3A_1290 : i32 to index
      %swap3A_1318 = arith.constant 16 : index
      %swap3A_1319 = tpu.vector_load %arg7[%swap3A_1317, %swap3A_1318] {strides = array<i32>} : memref<128x64xf32, #tpu.memory_space<vmem>>, vector<16xf32>,
      tpu.vector_store %arg7[%swap3A_1317, %swap3A_1318], %gather3A_1316 {strides = array<i32>} : memref<128x64xf32, #tpu.memory_space<vmem>>, vector<16xf32>,
      %iota3A_1320 = tpu.iota {dimensions = array<i32: 0>} : vector<16xi32>
      %add3A_1321 = arith.constant 32 : i32
      %add3A_1322 = vector.broadcast %add3A_1321 : i32 to vector<16xi32>
      %add3A_1323 = arith.addi %iota3A_1320, %add3A_1322 : vector<16xi32>
      %gather3A_1324 = arith.constant 5 : i32
      %gather3A_1325 = arith.constant 0 : i32
      %gather3A_1326 = arith.constant 0 : i32
      %gather3A_1327 = tpu.memref_slice %arg6[%gather3A_1324, %gather3A_1325, %gather3A_1326] : memref<8x64x128xf32, #tpu.memory_space<vmem>> -> memref<1x64x128xf32, #tpu.memory_space<vmem>>
      %gather3A_1328 = tpu.memref_squeeze %gather3A_1327 : memref<1x64x128xf32, #tpu.memory_space<vmem>> -> memref<64x128xf32, #tpu.memory_space<vmem>>
      %gather3A_1329 = tpu.vector_load_idx %gather3A_1328[%add3A_1323, %broadcast_in_dim3A_1293] : memref<64x128xf32, #tpu.memory_space<vmem>>[vector<16xi32>, vector<16xi32>], vector<16xf32>,
      %swap3A_1330 = arith.index_cast %and3A_1290 : i32 to index
      %swap3A_1331 = arith.constant 32 : index
      %swap3A_1332 = tpu.vector_load %arg7[%swap3A_1330, %swap3A_1331] {strides = array<i32>} : memref<128x64xf32, #tpu.memory_space<vmem>>, vector<16xf32>,
      tpu.vector_store %arg7[%swap3A_1330, %swap3A_1331], %gather3A_1329 {strides = array<i32>} : memref<128x64xf32, #tpu.memory_space<vmem>>, vector<16xf32>,
      %iota3A_1333 = tpu.iota {dimensions = array<i32: 0>} : vector<16xi32>
      %add3A_1334 = arith.constant 48 : i32
      %add3A_1335 = vector.broadcast %add3A_1334 : i32 to vector<16xi32>
      %add3A_1336 = arith.addi %iota3A_1333, %add3A_1335 : vector<16xi32>
      %gather3A_1337 = arith.constant 5 : i32
      %gather3A_1338 = arith.constant 0 : i32
      %gather3A_1339 = arith.constant 0 : i32
      %gather3A_1340 = tpu.memref_slice %arg6[%gather3A_1337, %gather3A_1338, %gather3A_1339] : memref<8x64x128xf32, #tpu.memory_space<vmem>> -> memref<1x64x128xf32, #tpu.memory_space<vmem>>
      %gather3A_1341 = tpu.memref_squeeze %gather3A_1340 : memref<1x64x128xf32, #tpu.memory_space<vmem>> -> memref<64x128xf32, #tpu.memory_space<vmem>>
      %gather3A_1342 = tpu.vector_load_idx %gather3A_1341[%add3A_1336, %broadcast_in_dim3A_1293] : memref<64x128xf32, #tpu.memory_space<vmem>>[vector<16xi32>, vector<16xi32>], vector<16xf32>,
      %swap3A_1343 = arith.index_cast %and3A_1290 : i32 to index
      %swap3A_1344 = arith.constant 48 : index
      %swap3A_1345 = tpu.vector_load %arg7[%swap3A_1343, %swap3A_1344] {strides = array<i32>} : memref<128x64xf32, #tpu.memory_space<vmem>>, vector<16xf32>,
      tpu.vector_store %arg7[%swap3A_1343, %swap3A_1344], %gather3A_1342 {strides = array<i32>} : memref<128x64xf32, #tpu.memory_space<vmem>>, vector<16xf32>,
      %slice3A_1346 = vector.extract_strided_slice %get3A_173 {offsets = [5], sizes = [1], strides = [1]} : vector<16xi32> to vector<1xi32>
      %squeeze3A_1347 = vector.extract %slice3A_1346[0] : i32 from vector<1xi32>
      %add3A_1348 = arith.constant 8 : i32
      %add3A_1349 = arith.addi %add3A_1271, %add3A_1348 : i32
      %lt3A_1350 = arith.constant 256 : i32
      %lt3A_1351 = arith.cmpi slt, %add3A_1349, %lt3A_1350 : i32
      %convert_element_type3A_1352 = arith.extui %lt3A_1351 : i1 to i32
      %cond3A_1353 = arith.constant 0 : i32
      %cond3A_1354 = arith.cmpi ne, %convert_element_type3A_1352, %cond3A_1353 : i32
      scf.if %cond3A_1354 {
        %shift_right_arithmetic3A_1534 = arith.constant 7 : i32
        %shift_right_arithmetic3A_1535 = arith.shrsi %squeeze3A_1347, %shift_right_arithmetic3A_1534 : i32
        %mul3A_1536 = arith.constant 128 : i32
        %mul3A_1537 = arith.muli %shift_right_arithmetic3A_1535, %mul3A_1536 : i32
        %multiple_of3A_1538 = tpu.assume_multiple %mul3A_1537, 128 : i32
        %dma_start3A_1539 = arith.constant 5 : i32
        %dma_start3A_1540 = arith.constant 0 : i32
        %dma_start3A_1541 = arith.constant 0 : i32
        %dma_start3A_1542 = tpu.memref_slice %arg6[%dma_start3A_1539, %dma_start3A_1540, %dma_start3A_1541] : memref<8x64x128xf32, #tpu.memory_space<vmem>> -> memref<1x64x128xf32, #tpu.memory_space<vmem>>
        %dma_start3A_1543 = tpu.memref_squeeze %dma_start3A_1542 : memref<1x64x128xf32, #tpu.memory_space<vmem>> -> memref<64x128xf32, #tpu.memory_space<vmem>>
        %dma_start3A_1544 = arith.constant 0 : i32
        %dma_start3A_1545 = tpu.memref_slice %arg3[%dma_start3A_1544, %multiple_of3A_1538] : memref<64x1000000xf32, #tpu.memory_space<hbm>> -> memref<64x128xf32, #tpu.memory_space<hbm>>
        %dma_start3A_1546 = arith.constant 0 : i32
        %dma_start3A_1547 = arith.constant 0 : i32
        %dma_start3A_1548 = tpu.memref_slice %arg6[%dma_start3A_1539, %dma_start3A_1546, %dma_start3A_1547] : memref<8x64x128xf32, #tpu.memory_space<vmem>> -> memref<1x64x128xf32, #tpu.memory_space<vmem>>
        %dma_start3A_1549 = tpu.memref_squeeze %dma_start3A_1548 : memref<1x64x128xf32, #tpu.memory_space<vmem>> -> memref<64x128xf32, #tpu.memory_space<vmem>>
        %dma_start3A_1550 = arith.constant 0 : i32
        %dma_start3A_1551 = tpu.memref_slice %arg3[%dma_start3A_1550, %multiple_of3A_1538] : memref<64x1000000xf32, #tpu.memory_space<hbm>> -> memref<64x128xf32, #tpu.memory_space<hbm>>
        tpu.enqueue_dma source(%dma_start3A_1551 : memref<64x128xf32, #tpu.memory_space<hbm>>) target(%dma_start3A_1549 : memref<64x128xf32, #tpu.memory_space<vmem>>) target_semaphore(%arg13 : memref<!tpu.dma_semaphore, #tpu.memory_space<semaphore_mem>>)
      } else {
      }
      %add3A_1355 = arith.constant 14 : i32
      %add3A_1356 = arith.addi %mul3A_166, %add3A_1355 : i32
      %dma_wait3A_1357 = arith.constant 6 : i32
      %dma_wait3A_1358 = arith.constant 0 : i32
      %dma_wait3A_1359 = arith.constant 0 : i32
      %dma_wait3A_1360 = tpu.memref_slice %arg6[%dma_wait3A_1357, %dma_wait3A_1358, %dma_wait3A_1359] : memref<8x64x128xf32, #tpu.memory_space<vmem>> -> memref<1x64x128xf32, #tpu.memory_space<vmem>>
      %dma_wait3A_1361 = tpu.memref_squeeze %dma_wait3A_1360 : memref<1x64x128xf32, #tpu.memory_space<vmem>> -> memref<64x128xf32, #tpu.memory_space<vmem>>
      %dma_wait3A_1362 = arith.constant 0 : i32
      %dma_wait3A_1363 = arith.constant 0 : i32
      %dma_wait3A_1364 = tpu.memref_slice %arg3[%dma_wait3A_1362, %dma_wait3A_1363] : memref<64x1000000xf32, #tpu.memory_space<hbm>> -> memref<64x128xf32, #tpu.memory_space<hbm>>
      %dma_wait3A_1365 = arith.constant 0 : i32
      %dma_wait3A_1366 = arith.constant 0 : i32
      %dma_wait3A_1367 = tpu.memref_slice %arg6[%dma_wait3A_1357, %dma_wait3A_1365, %dma_wait3A_1366] : memref<8x64x128xf32, #tpu.memory_space<vmem>> -> memref<1x64x128xf32, #tpu.memory_space<vmem>>
      %dma_wait3A_1368 = tpu.memref_squeeze %dma_wait3A_1367 : memref<1x64x128xf32, #tpu.memory_space<vmem>> -> memref<64x128xf32, #tpu.memory_space<vmem>>
      %dma_wait3A_1369 = arith.constant 0 : i32
      %dma_wait3A_1370 = arith.constant 0 : i32
      %dma_wait3A_1371 = tpu.memref_slice %arg3[%dma_wait3A_1369, %dma_wait3A_1370] : memref<64x1000000xf32, #tpu.memory_space<hbm>> -> memref<64x128xf32, #tpu.memory_space<hbm>>
      tpu.wait_dma2 semaphore(%arg14 : memref<!tpu.dma_semaphore, #tpu.memory_space<semaphore_mem>>) src(%dma_wait3A_1371 : memref<64x128xf32, #tpu.memory_space<hbm>>) dst(%dma_wait3A_1368 : memref<64x128xf32, #tpu.memory_space<vmem>>)
      %slice3A_1372 = vector.extract_strided_slice %get3A_168 {offsets = [14], sizes = [1], strides = [1]} : vector<16xi32> to vector<1xi32>
      %squeeze3A_1373 = vector.extract %slice3A_1372[0] : i32 from vector<1xi32>
      %and3A_1374 = arith.constant 127 : i32
      %and3A_1375 = arith.andi %add3A_1356, %and3A_1374 : i32
      %and3A_1376 = arith.constant 127 : i32
      %and3A_1377 = arith.andi %squeeze3A_1373, %and3A_1376 : i32
      %broadcast_in_dim3A_1378 = vector.broadcast %and3A_1377 : i32 to vector<16xi32>
      %iota3A_1379 = tpu.iota {dimensions = array<i32: 0>} : vector<16xi32>
      %add3A_1380 = arith.constant 0 : i32
      %add3A_1381 = vector.broadcast %add3A_1380 : i32 to vector<16xi32>
      %add3A_1382 = arith.addi %iota3A_1379, %add3A_1381 : vector<16xi32>
      %gather3A_1383 = arith.constant 6 : i32
      %gather3A_1384 = arith.constant 0 : i32
      %gather3A_1385 = arith.constant 0 : i32
      %gather3A_1386 = tpu.memref_slice %arg6[%gather3A_1383, %gather3A_1384, %gather3A_1385] : memref<8x64x128xf32, #tpu.memory_space<vmem>> -> memref<1x64x128xf32, #tpu.memory_space<vmem>>
      %gather3A_1387 = tpu.memref_squeeze %gather3A_1386 : memref<1x64x128xf32, #tpu.memory_space<vmem>> -> memref<64x128xf32, #tpu.memory_space<vmem>>
      %gather3A_1388 = tpu.vector_load_idx %gather3A_1387[%add3A_1382, %broadcast_in_dim3A_1378] : memref<64x128xf32, #tpu.memory_space<vmem>>[vector<16xi32>, vector<16xi32>], vector<16xf32>,
      %swap3A_1389 = arith.index_cast %and3A_1375 : i32 to index
      %swap3A_1390 = arith.constant 0 : index
      %swap3A_1391 = tpu.vector_load %arg7[%swap3A_1389, %swap3A_1390] {strides = array<i32>} : memref<128x64xf32, #tpu.memory_space<vmem>>, vector<16xf32>,
      tpu.vector_store %arg7[%swap3A_1389, %swap3A_1390], %gather3A_1388 {strides = array<i32>} : memref<128x64xf32, #tpu.memory_space<vmem>>, vector<16xf32>,
      %iota3A_1392 = tpu.iota {dimensions = array<i32: 0>} : vector<16xi32>
      %add3A_1393 = arith.constant 16 : i32
      %add3A_1394 = vector.broadcast %add3A_1393 : i32 to vector<16xi32>
      %add3A_1395 = arith.addi %iota3A_1392, %add3A_1394 : vector<16xi32>
      %gather3A_1396 = arith.constant 6 : i32
      %gather3A_1397 = arith.constant 0 : i32
      %gather3A_1398 = arith.constant 0 : i32
      %gather3A_1399 = tpu.memref_slice %arg6[%gather3A_1396, %gather3A_1397, %gather3A_1398] : memref<8x64x128xf32, #tpu.memory_space<vmem>> -> memref<1x64x128xf32, #tpu.memory_space<vmem>>
      %gather3A_1400 = tpu.memref_squeeze %gather3A_1399 : memref<1x64x128xf32, #tpu.memory_space<vmem>> -> memref<64x128xf32, #tpu.memory_space<vmem>>
      %gather3A_1401 = tpu.vector_load_idx %gather3A_1400[%add3A_1395, %broadcast_in_dim3A_1378] : memref<64x128xf32, #tpu.memory_space<vmem>>[vector<16xi32>, vector<16xi32>], vector<16xf32>,
      %swap3A_1402 = arith.index_cast %and3A_1375 : i32 to index
      %swap3A_1403 = arith.constant 16 : index
      %swap3A_1404 = tpu.vector_load %arg7[%swap3A_1402, %swap3A_1403] {strides = array<i32>} : memref<128x64xf32, #tpu.memory_space<vmem>>, vector<16xf32>,
      tpu.vector_store %arg7[%swap3A_1402, %swap3A_1403], %gather3A_1401 {strides = array<i32>} : memref<128x64xf32, #tpu.memory_space<vmem>>, vector<16xf32>,
      %iota3A_1405 = tpu.iota {dimensions = array<i32: 0>} : vector<16xi32>
      %add3A_1406 = arith.constant 32 : i32
      %add3A_1407 = vector.broadcast %add3A_1406 : i32 to vector<16xi32>
      %add3A_1408 = arith.addi %iota3A_1405, %add3A_1407 : vector<16xi32>
      %gather3A_1409 = arith.constant 6 : i32
      %gather3A_1410 = arith.constant 0 : i32
      %gather3A_1411 = arith.constant 0 : i32
      %gather3A_1412 = tpu.memref_slice %arg6[%gather3A_1409, %gather3A_1410, %gather3A_1411] : memref<8x64x128xf32, #tpu.memory_space<vmem>> -> memref<1x64x128xf32, #tpu.memory_space<vmem>>
      %gather3A_1413 = tpu.memref_squeeze %gather3A_1412 : memref<1x64x128xf32, #tpu.memory_space<vmem>> -> memref<64x128xf32, #tpu.memory_space<vmem>>
      %gather3A_1414 = tpu.vector_load_idx %gather3A_1413[%add3A_1408, %broadcast_in_dim3A_1378] : memref<64x128xf32, #tpu.memory_space<vmem>>[vector<16xi32>, vector<16xi32>], vector<16xf32>,
      %swap3A_1415 = arith.index_cast %and3A_1375 : i32 to index
      %swap3A_1416 = arith.constant 32 : index
      %swap3A_1417 = tpu.vector_load %arg7[%swap3A_1415, %swap3A_1416] {strides = array<i32>} : memref<128x64xf32, #tpu.memory_space<vmem>>, vector<16xf32>,
      tpu.vector_store %arg7[%swap3A_1415, %swap3A_1416], %gather3A_1414 {strides = array<i32>} : memref<128x64xf32, #tpu.memory_space<vmem>>, vector<16xf32>,
      %iota3A_1418 = tpu.iota {dimensions = array<i32: 0>} : vector<16xi32>
      %add3A_1419 = arith.constant 48 : i32
      %add3A_1420 = vector.broadcast %add3A_1419 : i32 to vector<16xi32>
      %add3A_1421 = arith.addi %iota3A_1418, %add3A_1420 : vector<16xi32>
      %gather3A_1422 = arith.constant 6 : i32
      %gather3A_1423 = arith.constant 0 : i32
      %gather3A_1424 = arith.constant 0 : i32
      %gather3A_1425 = tpu.memref_slice %arg6[%gather3A_1422, %gather3A_1423, %gather3A_1424] : memref<8x64x128xf32, #tpu.memory_space<vmem>> -> memref<1x64x128xf32, #tpu.memory_space<vmem>>
      %gather3A_1426 = tpu.memref_squeeze %gather3A_1425 : memref<1x64x128xf32, #tpu.memory_space<vmem>> -> memref<64x128xf32, #tpu.memory_space<vmem>>
      %gather3A_1427 = tpu.vector_load_idx %gather3A_1426[%add3A_1421, %broadcast_in_dim3A_1378] : memref<64x128xf32, #tpu.memory_space<vmem>>[vector<16xi32>, vector<16xi32>], vector<16xf32>,
      %swap3A_1428 = arith.index_cast %and3A_1375 : i32 to index
      %swap3A_1429 = arith.constant 48 : index
      %swap3A_1430 = tpu.vector_load %arg7[%swap3A_1428, %swap3A_1429] {strides = array<i32>} : memref<128x64xf32, #tpu.memory_space<vmem>>, vector<16xf32>,
      tpu.vector_store %arg7[%swap3A_1428, %swap3A_1429], %gather3A_1427 {strides = array<i32>} : memref<128x64xf32, #tpu.memory_space<vmem>>, vector<16xf32>,
      %slice3A_1431 = vector.extract_strided_slice %get3A_173 {offsets = [6], sizes = [1], strides = [1]} : vector<16xi32> to vector<1xi32>
      %squeeze3A_1432 = vector.extract %slice3A_1431[0] : i32 from vector<1xi32>
      %add3A_1433 = arith.constant 8 : i32
      %add3A_1434 = arith.addi %add3A_1356, %add3A_1433 : i32
      %lt3A_1435 = arith.constant 256 : i32
      %lt3A_1436 = arith.cmpi slt, %add3A_1434, %lt3A_1435 : i32
      %convert_element_type3A_1437 = arith.extui %lt3A_1436 : i1 to i32
      %cond3A_1438 = arith.constant 0 : i32
      %cond3A_1439 = arith.cmpi ne, %convert_element_type3A_1437, %cond3A_1438 : i32
      scf.if %cond3A_1439 {
        %shift_right_arithmetic3A_1534 = arith.constant 7 : i32
        %shift_right_arithmetic3A_1535 = arith.shrsi %squeeze3A_1432, %shift_right_arithmetic3A_1534 : i32
        %mul3A_1536 = arith.constant 128 : i32
        %mul3A_1537 = arith.muli %shift_right_arithmetic3A_1535, %mul3A_1536 : i32
        %multiple_of3A_1538 = tpu.assume_multiple %mul3A_1537, 128 : i32
        %dma_start3A_1539 = arith.constant 6 : i32
        %dma_start3A_1540 = arith.constant 0 : i32
        %dma_start3A_1541 = arith.constant 0 : i32
        %dma_start3A_1542 = tpu.memref_slice %arg6[%dma_start3A_1539, %dma_start3A_1540, %dma_start3A_1541] : memref<8x64x128xf32, #tpu.memory_space<vmem>> -> memref<1x64x128xf32, #tpu.memory_space<vmem>>
        %dma_start3A_1543 = tpu.memref_squeeze %dma_start3A_1542 : memref<1x64x128xf32, #tpu.memory_space<vmem>> -> memref<64x128xf32, #tpu.memory_space<vmem>>
        %dma_start3A_1544 = arith.constant 0 : i32
        %dma_start3A_1545 = tpu.memref_slice %arg3[%dma_start3A_1544, %multiple_of3A_1538] : memref<64x1000000xf32, #tpu.memory_space<hbm>> -> memref<64x128xf32, #tpu.memory_space<hbm>>
        %dma_start3A_1546 = arith.constant 0 : i32
        %dma_start3A_1547 = arith.constant 0 : i32
        %dma_start3A_1548 = tpu.memref_slice %arg6[%dma_start3A_1539, %dma_start3A_1546, %dma_start3A_1547] : memref<8x64x128xf32, #tpu.memory_space<vmem>> -> memref<1x64x128xf32, #tpu.memory_space<vmem>>
        %dma_start3A_1549 = tpu.memref_squeeze %dma_start3A_1548 : memref<1x64x128xf32, #tpu.memory_space<vmem>> -> memref<64x128xf32, #tpu.memory_space<vmem>>
        %dma_start3A_1550 = arith.constant 0 : i32
        %dma_start3A_1551 = tpu.memref_slice %arg3[%dma_start3A_1550, %multiple_of3A_1538] : memref<64x1000000xf32, #tpu.memory_space<hbm>> -> memref<64x128xf32, #tpu.memory_space<hbm>>
        tpu.enqueue_dma source(%dma_start3A_1551 : memref<64x128xf32, #tpu.memory_space<hbm>>) target(%dma_start3A_1549 : memref<64x128xf32, #tpu.memory_space<vmem>>) target_semaphore(%arg14 : memref<!tpu.dma_semaphore, #tpu.memory_space<semaphore_mem>>)
      } else {
      }
      %add3A_1440 = arith.constant 15 : i32
      %add3A_1441 = arith.addi %mul3A_166, %add3A_1440 : i32
      %dma_wait3A_1442 = arith.constant 7 : i32
      %dma_wait3A_1443 = arith.constant 0 : i32
      %dma_wait3A_1444 = arith.constant 0 : i32
      %dma_wait3A_1445 = tpu.memref_slice %arg6[%dma_wait3A_1442, %dma_wait3A_1443, %dma_wait3A_1444] : memref<8x64x128xf32, #tpu.memory_space<vmem>> -> memref<1x64x128xf32, #tpu.memory_space<vmem>>
      %dma_wait3A_1446 = tpu.memref_squeeze %dma_wait3A_1445 : memref<1x64x128xf32, #tpu.memory_space<vmem>> -> memref<64x128xf32, #tpu.memory_space<vmem>>
      %dma_wait3A_1447 = arith.constant 0 : i32
      %dma_wait3A_1448 = arith.constant 0 : i32
      %dma_wait3A_1449 = tpu.memref_slice %arg3[%dma_wait3A_1447, %dma_wait3A_1448] : memref<64x1000000xf32, #tpu.memory_space<hbm>> -> memref<64x128xf32, #tpu.memory_space<hbm>>
      %dma_wait3A_1450 = arith.constant 0 : i32
      %dma_wait3A_1451 = arith.constant 0 : i32
      %dma_wait3A_1452 = tpu.memref_slice %arg6[%dma_wait3A_1442, %dma_wait3A_1450, %dma_wait3A_1451] : memref<8x64x128xf32, #tpu.memory_space<vmem>> -> memref<1x64x128xf32, #tpu.memory_space<vmem>>
      %dma_wait3A_1453 = tpu.memref_squeeze %dma_wait3A_1452 : memref<1x64x128xf32, #tpu.memory_space<vmem>> -> memref<64x128xf32, #tpu.memory_space<vmem>>
      %dma_wait3A_1454 = arith.constant 0 : i32
      %dma_wait3A_1455 = arith.constant 0 : i32
      %dma_wait3A_1456 = tpu.memref_slice %arg3[%dma_wait3A_1454, %dma_wait3A_1455] : memref<64x1000000xf32, #tpu.memory_space<hbm>> -> memref<64x128xf32, #tpu.memory_space<hbm>>
      tpu.wait_dma2 semaphore(%arg15 : memref<!tpu.dma_semaphore, #tpu.memory_space<semaphore_mem>>) src(%dma_wait3A_1456 : memref<64x128xf32, #tpu.memory_space<hbm>>) dst(%dma_wait3A_1453 : memref<64x128xf32, #tpu.memory_space<vmem>>)
      %slice3A_1457 = vector.extract_strided_slice %get3A_168 {offsets = [15], sizes = [1], strides = [1]} : vector<16xi32> to vector<1xi32>
      %squeeze3A_1458 = vector.extract %slice3A_1457[0] : i32 from vector<1xi32>
      %and3A_1459 = arith.constant 127 : i32
      %and3A_1460 = arith.andi %add3A_1441, %and3A_1459 : i32
      %and3A_1461 = arith.constant 127 : i32
      %and3A_1462 = arith.andi %squeeze3A_1458, %and3A_1461 : i32
      %broadcast_in_dim3A_1463 = vector.broadcast %and3A_1462 : i32 to vector<16xi32>
      %iota3A_1464 = tpu.iota {dimensions = array<i32: 0>} : vector<16xi32>
      %add3A_1465 = arith.constant 0 : i32
      %add3A_1466 = vector.broadcast %add3A_1465 : i32 to vector<16xi32>
      %add3A_1467 = arith.addi %iota3A_1464, %add3A_1466 : vector<16xi32>
      %gather3A_1468 = arith.constant 7 : i32
      %gather3A_1469 = arith.constant 0 : i32
      %gather3A_1470 = arith.constant 0 : i32
      %gather3A_1471 = tpu.memref_slice %arg6[%gather3A_1468, %gather3A_1469, %gather3A_1470] : memref<8x64x128xf32, #tpu.memory_space<vmem>> -> memref<1x64x128xf32, #tpu.memory_space<vmem>>
      %gather3A_1472 = tpu.memref_squeeze %gather3A_1471 : memref<1x64x128xf32, #tpu.memory_space<vmem>> -> memref<64x128xf32, #tpu.memory_space<vmem>>
      %gather3A_1473 = tpu.vector_load_idx %gather3A_1472[%add3A_1467, %broadcast_in_dim3A_1463] : memref<64x128xf32, #tpu.memory_space<vmem>>[vector<16xi32>, vector<16xi32>], vector<16xf32>,
      %swap3A_1474 = arith.index_cast %and3A_1460 : i32 to index
      %swap3A_1475 = arith.constant 0 : index
      %swap3A_1476 = tpu.vector_load %arg7[%swap3A_1474, %swap3A_1475] {strides = array<i32>} : memref<128x64xf32, #tpu.memory_space<vmem>>, vector<16xf32>,
      tpu.vector_store %arg7[%swap3A_1474, %swap3A_1475], %gather3A_1473 {strides = array<i32>} : memref<128x64xf32, #tpu.memory_space<vmem>>, vector<16xf32>,
      %iota3A_1477 = tpu.iota {dimensions = array<i32: 0>} : vector<16xi32>
      %add3A_1478 = arith.constant 16 : i32
      %add3A_1479 = vector.broadcast %add3A_1478 : i32 to vector<16xi32>
      %add3A_1480 = arith.addi %iota3A_1477, %add3A_1479 : vector<16xi32>
      %gather3A_1481 = arith.constant 7 : i32
      %gather3A_1482 = arith.constant 0 : i32
      %gather3A_1483 = arith.constant 0 : i32
      %gather3A_1484 = tpu.memref_slice %arg6[%gather3A_1481, %gather3A_1482, %gather3A_1483] : memref<8x64x128xf32, #tpu.memory_space<vmem>> -> memref<1x64x128xf32, #tpu.memory_space<vmem>>
      %gather3A_1485 = tpu.memref_squeeze %gather3A_1484 : memref<1x64x128xf32, #tpu.memory_space<vmem>> -> memref<64x128xf32, #tpu.memory_space<vmem>>
      %gather3A_1486 = tpu.vector_load_idx %gather3A_1485[%add3A_1480, %broadcast_in_dim3A_1463] : memref<64x128xf32, #tpu.memory_space<vmem>>[vector<16xi32>, vector<16xi32>], vector<16xf32>,
      %swap3A_1487 = arith.index_cast %and3A_1460 : i32 to index
      %swap3A_1488 = arith.constant 16 : index
      %swap3A_1489 = tpu.vector_load %arg7[%swap3A_1487, %swap3A_1488] {strides = array<i32>} : memref<128x64xf32, #tpu.memory_space<vmem>>, vector<16xf32>,
      tpu.vector_store %arg7[%swap3A_1487, %swap3A_1488], %gather3A_1486 {strides = array<i32>} : memref<128x64xf32, #tpu.memory_space<vmem>>, vector<16xf32>,
      %iota3A_1490 = tpu.iota {dimensions = array<i32: 0>} : vector<16xi32>
      %add3A_1491 = arith.constant 32 : i32
      %add3A_1492 = vector.broadcast %add3A_1491 : i32 to vector<16xi32>
      %add3A_1493 = arith.addi %iota3A_1490, %add3A_1492 : vector<16xi32>
      %gather3A_1494 = arith.constant 7 : i32
      %gather3A_1495 = arith.constant 0 : i32
      %gather3A_1496 = arith.constant 0 : i32
      %gather3A_1497 = tpu.memref_slice %arg6[%gather3A_1494, %gather3A_1495, %gather3A_1496] : memref<8x64x128xf32, #tpu.memory_space<vmem>> -> memref<1x64x128xf32, #tpu.memory_space<vmem>>
      %gather3A_1498 = tpu.memref_squeeze %gather3A_1497 : memref<1x64x128xf32, #tpu.memory_space<vmem>> -> memref<64x128xf32, #tpu.memory_space<vmem>>
      %gather3A_1499 = tpu.vector_load_idx %gather3A_1498[%add3A_1493, %broadcast_in_dim3A_1463] : memref<64x128xf32, #tpu.memory_space<vmem>>[vector<16xi32>, vector<16xi32>], vector<16xf32>,
      %swap3A_1500 = arith.index_cast %and3A_1460 : i32 to index
      %swap3A_1501 = arith.constant 32 : index
      %swap3A_1502 = tpu.vector_load %arg7[%swap3A_1500, %swap3A_1501] {strides = array<i32>} : memref<128x64xf32, #tpu.memory_space<vmem>>, vector<16xf32>,
      tpu.vector_store %arg7[%swap3A_1500, %swap3A_1501], %gather3A_1499 {strides = array<i32>} : memref<128x64xf32, #tpu.memory_space<vmem>>, vector<16xf32>,
      %iota3A_1503 = tpu.iota {dimensions = array<i32: 0>} : vector<16xi32>
      %add3A_1504 = arith.constant 48 : i32
      %add3A_1505 = vector.broadcast %add3A_1504 : i32 to vector<16xi32>
      %add3A_1506 = arith.addi %iota3A_1503, %add3A_1505 : vector<16xi32>
      %gather3A_1507 = arith.constant 7 : i32
      %gather3A_1508 = arith.constant 0 : i32
      %gather3A_1509 = arith.constant 0 : i32
      %gather3A_1510 = tpu.memref_slice %arg6[%gather3A_1507, %gather3A_1508, %gather3A_1509] : memref<8x64x128xf32, #tpu.memory_space<vmem>> -> memref<1x64x128xf32, #tpu.memory_space<vmem>>
      %gather3A_1511 = tpu.memref_squeeze %gather3A_1510 : memref<1x64x128xf32, #tpu.memory_space<vmem>> -> memref<64x128xf32, #tpu.memory_space<vmem>>
      %gather3A_1512 = tpu.vector_load_idx %gather3A_1511[%add3A_1506, %broadcast_in_dim3A_1463] : memref<64x128xf32, #tpu.memory_space<vmem>>[vector<16xi32>, vector<16xi32>], vector<16xf32>,
      %swap3A_1513 = arith.index_cast %and3A_1460 : i32 to index
      %swap3A_1514 = arith.constant 48 : index
      %swap3A_1515 = tpu.vector_load %arg7[%swap3A_1513, %swap3A_1514] {strides = array<i32>} : memref<128x64xf32, #tpu.memory_space<vmem>>, vector<16xf32>,
      tpu.vector_store %arg7[%swap3A_1513, %swap3A_1514], %gather3A_1512 {strides = array<i32>} : memref<128x64xf32, #tpu.memory_space<vmem>>, vector<16xf32>,
      %slice3A_1516 = vector.extract_strided_slice %get3A_173 {offsets = [7], sizes = [1], strides = [1]} : vector<16xi32> to vector<1xi32>
      %squeeze3A_1517 = vector.extract %slice3A_1516[0] : i32 from vector<1xi32>
      %add3A_1518 = arith.constant 8 : i32
      %add3A_1519 = arith.addi %add3A_1441, %add3A_1518 : i32
      %lt3A_1520 = arith.constant 256 : i32
      %lt3A_1521 = arith.cmpi slt, %add3A_1519, %lt3A_1520 : i32
      %convert_element_type3A_1522 = arith.extui %lt3A_1521 : i1 to i32
      %cond3A_1523 = arith.constant 0 : i32
      %cond3A_1524 = arith.cmpi ne, %convert_element_type3A_1522, %cond3A_1523 : i32
      scf.if %cond3A_1524 {
        %shift_right_arithmetic3A_1534 = arith.constant 7 : i32
        %shift_right_arithmetic3A_1535 = arith.shrsi %squeeze3A_1517, %shift_right_arithmetic3A_1534 : i32
        %mul3A_1536 = arith.constant 128 : i32
        %mul3A_1537 = arith.muli %shift_right_arithmetic3A_1535, %mul3A_1536 : i32
        %multiple_of3A_1538 = tpu.assume_multiple %mul3A_1537, 128 : i32
        %dma_start3A_1539 = arith.constant 7 : i32
        %dma_start3A_1540 = arith.constant 0 : i32
        %dma_start3A_1541 = arith.constant 0 : i32
        %dma_start3A_1542 = tpu.memref_slice %arg6[%dma_start3A_1539, %dma_start3A_1540, %dma_start3A_1541] : memref<8x64x128xf32, #tpu.memory_space<vmem>> -> memref<1x64x128xf32, #tpu.memory_space<vmem>>
        %dma_start3A_1543 = tpu.memref_squeeze %dma_start3A_1542 : memref<1x64x128xf32, #tpu.memory_space<vmem>> -> memref<64x128xf32, #tpu.memory_space<vmem>>
        %dma_start3A_1544 = arith.constant 0 : i32
        %dma_start3A_1545 = tpu.memref_slice %arg3[%dma_start3A_1544, %multiple_of3A_1538] : memref<64x1000000xf32, #tpu.memory_space<hbm>> -> memref<64x128xf32, #tpu.memory_space<hbm>>
        %dma_start3A_1546 = arith.constant 0 : i32
        %dma_start3A_1547 = arith.constant 0 : i32
        %dma_start3A_1548 = tpu.memref_slice %arg6[%dma_start3A_1539, %dma_start3A_1546, %dma_start3A_1547] : memref<8x64x128xf32, #tpu.memory_space<vmem>> -> memref<1x64x128xf32, #tpu.memory_space<vmem>>
        %dma_start3A_1549 = tpu.memref_squeeze %dma_start3A_1548 : memref<1x64x128xf32, #tpu.memory_space<vmem>> -> memref<64x128xf32, #tpu.memory_space<vmem>>
        %dma_start3A_1550 = arith.constant 0 : i32
        %dma_start3A_1551 = tpu.memref_slice %arg3[%dma_start3A_1550, %multiple_of3A_1538] : memref<64x1000000xf32, #tpu.memory_space<hbm>> -> memref<64x128xf32, #tpu.memory_space<hbm>>
        tpu.enqueue_dma source(%dma_start3A_1551 : memref<64x128xf32, #tpu.memory_space<hbm>>) target(%dma_start3A_1549 : memref<64x128xf32, #tpu.memory_space<vmem>>) target_semaphore(%arg15 : memref<!tpu.dma_semaphore, #tpu.memory_space<semaphore_mem>>)
      } else {
      }
      %eq3A = arith.constant 7 : i32
      %eq3A_1525 = arith.cmpi eq, %scan3A_164, %eq3A : i32
      %convert_element_type3A_1526 = arith.extui %eq3A_1525 : i1 to i32
      %cond3A_1527 = arith.constant 0 : i32
      %cond3A_1528 = arith.cmpi ne, %convert_element_type3A_1526, %cond3A_1527 : i32
      scf.if %cond3A_1528 {
        "tpu.region"() ({
          %run_scoped3A = tpu.sem_alloc : memref<!tpu.dma_semaphore, #tpu.memory_space<semaphore_mem>>
          %dma_start3A_1534 = arith.constant 0 : i32
          %dma_start3A_1535 = tpu.memref_slice %arg4[%mul3A_2, %dma_start3A_1534] : memref<8192x64xf32, #tpu.memory_space<hbm>> -> memref<128x64xf32, #tpu.memory_space<hbm>>
          %dma_start3A_1536 = arith.constant 0 : i32
          %dma_start3A_1537 = tpu.memref_slice %arg4[%mul3A_2, %dma_start3A_1536] : memref<8192x64xf32, #tpu.memory_space<hbm>> -> memref<128x64xf32, #tpu.memory_space<hbm>>
          tpu.enqueue_dma source(%arg7 : memref<128x64xf32, #tpu.memory_space<vmem>>) target(%dma_start3A_1537 : memref<128x64xf32, #tpu.memory_space<hbm>>) target_semaphore(%run_scoped3A : memref<!tpu.dma_semaphore, #tpu.memory_space<semaphore_mem>>)
          %dma_wait3A_1538 = arith.constant 0 : i32
          %dma_wait3A_1539 = tpu.memref_slice %arg4[%mul3A_2, %dma_wait3A_1538] : memref<8192x64xf32, #tpu.memory_space<hbm>> -> memref<128x64xf32, #tpu.memory_space<hbm>>
          %dma_wait3A_1540 = arith.constant 0 : i32
          %dma_wait3A_1541 = tpu.memref_slice %arg4[%mul3A_2, %dma_wait3A_1540] : memref<8192x64xf32, #tpu.memory_space<hbm>> -> memref<128x64xf32, #tpu.memory_space<hbm>>
          tpu.wait_dma2 semaphore(%run_scoped3A : memref<!tpu.dma_semaphore, #tpu.memory_space<semaphore_mem>>) src(%arg7 : memref<128x64xf32, #tpu.memory_space<vmem>>) dst(%dma_wait3A_1541 : memref<128x64xf32, #tpu.memory_space<hbm>>)
          tpu.yield
        }) : () -> ()
      } else {
      }
      %eq3A_1529 = arith.constant 15 : i32
      %eq3A_1530 = arith.cmpi eq, %scan3A_164, %eq3A_1529 : i32
      %convert_element_type3A_1531 = arith.extui %eq3A_1530 : i1 to i32
      %cond3A_1532 = arith.constant 0 : i32
      %cond3A_1533 = arith.cmpi ne, %convert_element_type3A_1531, %cond3A_1532 : i32
      scf.if %cond3A_1533 {
        %add3A_1534 = arith.constant 128 : i32
        %add3A_1535 = arith.addi %mul3A_2, %add3A_1534 : i32
        "tpu.region"() ({
          %run_scoped3A = tpu.sem_alloc : memref<!tpu.dma_semaphore, #tpu.memory_space<semaphore_mem>>
          %dma_start3A_1536 = arith.constant 0 : i32
          %dma_start3A_1537 = tpu.memref_slice %arg4[%add3A_1535, %dma_start3A_1536] : memref<8192x64xf32, #tpu.memory_space<hbm>> -> memref<128x64xf32, #tpu.memory_space<hbm>>
          %dma_start3A_1538 = arith.constant 0 : i32
          %dma_start3A_1539 = tpu.memref_slice %arg4[%add3A_1535, %dma_start3A_1538] : memref<8192x64xf32, #tpu.memory_space<hbm>> -> memref<128x64xf32, #tpu.memory_space<hbm>>
          tpu.enqueue_dma source(%arg7 : memref<128x64xf32, #tpu.memory_space<vmem>>) target(%dma_start3A_1539 : memref<128x64xf32, #tpu.memory_space<hbm>>) target_semaphore(%run_scoped3A : memref<!tpu.dma_semaphore, #tpu.memory_space<semaphore_mem>>)
          %dma_wait3A_1540 = arith.constant 0 : i32
          %dma_wait3A_1541 = tpu.memref_slice %arg4[%add3A_1535, %dma_wait3A_1540] : memref<8192x64xf32, #tpu.memory_space<hbm>> -> memref<128x64xf32, #tpu.memory_space<hbm>>
          %dma_wait3A_1542 = arith.constant 0 : i32
          %dma_wait3A_1543 = tpu.memref_slice %arg4[%add3A_1535, %dma_wait3A_1542] : memref<8192x64xf32, #tpu.memory_space<hbm>> -> memref<128x64xf32, #tpu.memory_space<hbm>>
          tpu.wait_dma2 semaphore(%run_scoped3A : memref<!tpu.dma_semaphore, #tpu.memory_space<semaphore_mem>>) src(%arg7 : memref<128x64xf32, #tpu.memory_space<vmem>>) dst(%dma_wait3A_1543 : memref<128x64xf32, #tpu.memory_space<hbm>>)
          tpu.yield
        }) : () -> ()
      } else {
      }
    }
    %scan3A_163 = arith.constant 16 : i32
    return
  }
}

module attributes {stable_mosaic.version = 14 : i64} {
  func.func @_mlp_body(%arg0: i32, %arg1: memref<4096x64xf32, #tpu.memory_space<vmem>>, %arg2: memref<64x4096xf32, #tpu.memory_space<vmem>>, %arg3: memref<1024x128xf32, #tpu.memory_space<vmem>>, %arg4: memref<1x1024xf32, #tpu.memory_space<vmem>>, %arg5: memref<512x1024xf32, #tpu.memory_space<vmem>>, %arg6: memref<1x512xf32, #tpu.memory_space<vmem>>, %arg7: memref<64x512xf32, #tpu.memory_space<vmem>>, %arg8: memref<1x64xf32, #tpu.memory_space<vmem>>, %arg9: memref<128x64xf32, #tpu.memory_space<vmem>>, %arg10: memref<1x128xf32, #tpu.memory_space<vmem>>, %arg11: memref<4096x128xf32, #tpu.memory_space<vmem>>) attributes {dimension_semantics = [#tpu.dimension_semantics<arbitrary>], iteration_bounds = array<i64: 2>, scalar_prefetch = 0 : i64, scratch_operands = 0 : i64, tpu.core_type = #tpu.core_type<tc>, window_params = [{transform_indices = @transform_0, window_bounds = array<i64: 4096, 64>}, {transform_indices = @transform_1, window_bounds = array<i64: 64, 4096>}, {pipeline_mode = #tpu.pipeline_mode<synchronous>, transform_indices = @transform_2, window_bounds = array<i64: 1024, 128>}, {pipeline_mode = #tpu.pipeline_mode<synchronous>, transform_indices = @transform_3, window_bounds = array<i64: 1, 1024>}, {pipeline_mode = #tpu.pipeline_mode<synchronous>, transform_indices = @transform_4, window_bounds = array<i64: 512, 1024>}, {pipeline_mode = #tpu.pipeline_mode<synchronous>, transform_indices = @transform_5, window_bounds = array<i64: 1, 512>}, {pipeline_mode = #tpu.pipeline_mode<synchronous>, transform_indices = @transform_6, window_bounds = array<i64: 64, 512>}, {pipeline_mode = #tpu.pipeline_mode<synchronous>, transform_indices = @transform_7, window_bounds = array<i64: 1, 64>}, {pipeline_mode = #tpu.pipeline_mode<synchronous>, transform_indices = @transform_8, window_bounds = array<i64: 128, 64>}, {pipeline_mode = #tpu.pipeline_mode<synchronous>, transform_indices = @transform_9, window_bounds = array<i64: 1, 128>}, {transform_indices = @transform_10, window_bounds = array<i64: 4096, 128>}]} {
    %get3A = arith.constant 0 : index
    %get3A_0 = arith.constant 0 : index
    %get3A_1 = vector.load %arg1[%get3A, %get3A_0] : memref<4096x64xf32, #tpu.memory_space<vmem>>, vector<4096x64xf32>
    %get3A_2 = arith.constant 0 : index
    %get3A_3 = arith.constant 0 : index
    %get3A_4 = vector.load %arg3[%get3A_2, %get3A_3] : memref<1024x128xf32, #tpu.memory_space<vmem>>, vector<1024x64xf32>
    %dot_general3A = arith.constant dense<0.000000e+00> : vector<4096x1024xf32>
    %dot_general3A_5 = tpu.matmul %get3A_1, %get3A_4, %dot_general3A {dimension_numbers = #tpu.dot_dimension_numbers<[1], [1], [0], [0], [0, 0, 1, 0], [], []>, transpose_lhs_hint = false} : vector<4096x64xf32>, vector<1024x64xf32>, vector<4096x1024xf32> -> vector<4096x1024xf32>
    %get3A_6 = arith.constant 0 : index
    %get3A_7 = arith.constant 0 : index
    %get3A_8 = vector.load %arg2[%get3A_6, %get3A_7] : memref<64x4096xf32, #tpu.memory_space<vmem>>, vector<64x4096xf32>
    %get3A_9 = arith.constant 0 : index
    %get3A_10 = arith.constant 64 : index
    %get3A_11 = vector.load %arg3[%get3A_9, %get3A_10] : memref<1024x128xf32, #tpu.memory_space<vmem>>, vector<1024x64xf32>
    %dot_general3A_12 = arith.constant dense<0.000000e+00> : vector<4096x1024xf32>
    %dot_general3A_13 = tpu.matmul %get3A_8, %get3A_11, %dot_general3A_12 {dimension_numbers = #tpu.dot_dimension_numbers<[0], [1], [1], [0], [0, 1, 1, 0], [], []>, transpose_lhs_hint = false} : vector<64x4096xf32>, vector<1024x64xf32>, vector<4096x1024xf32> -> vector<4096x1024xf32>
    %add3A = arith.addf %dot_general3A_5, %dot_general3A_13 : vector<4096x1024xf32>
    %get3A_14 = arith.constant 0 : index
    %get3A_15 = arith.constant 0 : index
    %get3A_16 = vector.load %arg4[%get3A_14, %get3A_15] : memref<1x1024xf32, #tpu.memory_space<vmem>>, vector<1x1024xf32>
    %add3A_17 = vector.broadcast %get3A_16 : vector<1x1024xf32> to vector<4096x1024xf32>
    %add3A_18 = arith.addf %add3A, %add3A_17 : vector<4096x1024xf32>
    %ge3A = arith.constant 0.000000e+00 : f32
    %ge3A_19 = vector.broadcast %ge3A : f32 to vector<4096x1024xf32>
    %ge3A_20 = arith.cmpf oge, %add3A_18, %ge3A_19 : vector<4096x1024xf32>
    %mul3A = arith.constant 0.00999999977 : f32
    %mul3A_21 = vector.broadcast %mul3A : f32 to vector<4096x1024xf32>
    %mul3A_22 = arith.mulf %mul3A_21, %add3A_18 : vector<4096x1024xf32>
    %select_n3A = arith.select %ge3A_20, %add3A_18, %mul3A_22 : vector<4096x1024xi1>, vector<4096x1024xf32>
    %get3A_23 = arith.constant 0 : index
    %get3A_24 = arith.constant 0 : index
    %get3A_25 = vector.load %arg5[%get3A_23, %get3A_24] : memref<512x1024xf32, #tpu.memory_space<vmem>>, vector<512x1024xf32>
    %dot_general3A_26 = arith.constant dense<0.000000e+00> : vector<4096x512xf32>
    %dot_general3A_27 = tpu.matmul %select_n3A, %get3A_25, %dot_general3A_26 {dimension_numbers = #tpu.dot_dimension_numbers<[1], [1], [0], [0], [0, 0, 1, 0], [], []>, transpose_lhs_hint = false} : vector<4096x1024xf32>, vector<512x1024xf32>, vector<4096x512xf32> -> vector<4096x512xf32>
    %get3A_28 = arith.constant 0 : index
    %get3A_29 = arith.constant 0 : index
    %get3A_30 = vector.load %arg6[%get3A_28, %get3A_29] : memref<1x512xf32, #tpu.memory_space<vmem>>, vector<1x512xf32>
    %add3A_31 = vector.broadcast %get3A_30 : vector<1x512xf32> to vector<4096x512xf32>
    %add3A_32 = arith.addf %dot_general3A_27, %add3A_31 : vector<4096x512xf32>
    %ge3A_33 = arith.constant 0.000000e+00 : f32
    %ge3A_34 = vector.broadcast %ge3A_33 : f32 to vector<4096x512xf32>
    %ge3A_35 = arith.cmpf oge, %add3A_32, %ge3A_34 : vector<4096x512xf32>
    %mul3A_36 = arith.constant 0.00999999977 : f32
    %mul3A_37 = vector.broadcast %mul3A_36 : f32 to vector<4096x512xf32>
    %mul3A_38 = arith.mulf %mul3A_37, %add3A_32 : vector<4096x512xf32>
    %select_n3A_39 = arith.select %ge3A_35, %add3A_32, %mul3A_38 : vector<4096x512xi1>, vector<4096x512xf32>
    %get3A_40 = arith.constant 0 : index
    %get3A_41 = arith.constant 0 : index
    %get3A_42 = vector.load %arg7[%get3A_40, %get3A_41] : memref<64x512xf32, #tpu.memory_space<vmem>>, vector<64x512xf32>
    %dot_general3A_43 = arith.constant dense<0.000000e+00> : vector<4096x64xf32>
    %dot_general3A_44 = tpu.matmul %select_n3A_39, %get3A_42, %dot_general3A_43 {dimension_numbers = #tpu.dot_dimension_numbers<[1], [1], [0], [0], [0, 0, 1, 0], [], []>, transpose_lhs_hint = false} : vector<4096x512xf32>, vector<64x512xf32>, vector<4096x64xf32> -> vector<4096x64xf32>
    %get3A_45 = arith.constant 0 : index
    %get3A_46 = arith.constant 0 : index
    %get3A_47 = vector.load %arg8[%get3A_45, %get3A_46] : memref<1x64xf32, #tpu.memory_space<vmem>>, vector<1x64xf32>
    %add3A_48 = vector.broadcast %get3A_47 : vector<1x64xf32> to vector<4096x64xf32>
    %add3A_49 = arith.addf %dot_general3A_44, %add3A_48 : vector<4096x64xf32>
    %ge3A_50 = arith.constant 0.000000e+00 : f32
    %ge3A_51 = vector.broadcast %ge3A_50 : f32 to vector<4096x64xf32>
    %ge3A_52 = arith.cmpf oge, %add3A_49, %ge3A_51 : vector<4096x64xf32>
    %mul3A_53 = arith.constant 0.00999999977 : f32
    %mul3A_54 = vector.broadcast %mul3A_53 : f32 to vector<4096x64xf32>
    %mul3A_55 = arith.mulf %mul3A_54, %add3A_49 : vector<4096x64xf32>
    %select_n3A_56 = arith.select %ge3A_52, %add3A_49, %mul3A_55 : vector<4096x64xi1>, vector<4096x64xf32>
    %get3A_57 = arith.constant 0 : index
    %get3A_58 = arith.constant 0 : index
    %get3A_59 = vector.load %arg9[%get3A_57, %get3A_58] : memref<128x64xf32, #tpu.memory_space<vmem>>, vector<128x64xf32>
    %dot_general3A_60 = arith.constant dense<0.000000e+00> : vector<4096x128xf32>
    %dot_general3A_61 = tpu.matmul %select_n3A_56, %get3A_59, %dot_general3A_60 {dimension_numbers = #tpu.dot_dimension_numbers<[1], [1], [0], [0], [0, 0, 1, 0], [], []>, transpose_lhs_hint = false} : vector<4096x64xf32>, vector<128x64xf32>, vector<4096x128xf32> -> vector<4096x128xf32>
    %get3A_62 = arith.constant 0 : index
    %get3A_63 = arith.constant 0 : index
    %get3A_64 = vector.load %arg10[%get3A_62, %get3A_63] : memref<1x128xf32, #tpu.memory_space<vmem>>, vector<1x128xf32>
    %add3A_65 = vector.broadcast %get3A_64 : vector<1x128xf32> to vector<4096x128xf32>
    %add3A_66 = arith.addf %dot_general3A_61, %add3A_65 : vector<4096x128xf32>
    %swap3A = arith.constant 0 : index
    %swap3A_67 = arith.constant 0 : index
    %swap3A_68 = vector.load %arg11[%swap3A, %swap3A_67] : memref<4096x128xf32, #tpu.memory_space<vmem>>, vector<4096x128xf32>
    tpu.vector_store %arg11[%swap3A, %swap3A_67], %add3A_66 {strides = array<i32>} : memref<4096x128xf32, #tpu.memory_space<vmem>>, vector<4096x128xf32>,
    return
  }
  func.func @transform_0(%arg0: i32) -> (i32, i32) {
    %c0_i32 = arith.constant 0 : i32
    %c0_i32_0 = arith.constant 0 : i32
    return %arg0, %c0_i32 : i32, i32
  }
  func.func @transform_1(%arg0: i32) -> (i32, i32) {
    %add3A = arith.constant 2 : i32
    %add3A_0 = arith.addi %arg0, %add3A : i32
    %c0_i32 = arith.constant 0 : i32
    %c0_i32_1 = arith.constant 0 : i32
    return %c0_i32, %add3A_0 : i32, i32
  }
  func.func @transform_2(%arg0: i32) -> (i32, i32) {
    %c0_i32 = arith.constant 0 : i32
    %c0_i32_0 = arith.constant 0 : i32
    %c0_i32_1 = arith.constant 0 : i32
    return %c0_i32, %c0_i32_0 : i32, i32
  }
  func.func @transform_3(%arg0: i32) -> (i32, i32) {
    %c0_i32 = arith.constant 0 : i32
    %c0_i32_0 = arith.constant 0 : i32
    %c0_i32_1 = arith.constant 0 : i32
    return %c0_i32, %c0_i32_0 : i32, i32
  }
  func.func @transform_4(%arg0: i32) -> (i32, i32) {
    %c0_i32 = arith.constant 0 : i32
    %c0_i32_0 = arith.constant 0 : i32
    %c0_i32_1 = arith.constant 0 : i32
    return %c0_i32, %c0_i32_0 : i32, i32
  }
  func.func @transform_5(%arg0: i32) -> (i32, i32) {
    %c0_i32 = arith.constant 0 : i32
    %c0_i32_0 = arith.constant 0 : i32
    %c0_i32_1 = arith.constant 0 : i32
    return %c0_i32, %c0_i32_0 : i32, i32
  }
  func.func @transform_6(%arg0: i32) -> (i32, i32) {
    %c0_i32 = arith.constant 0 : i32
    %c0_i32_0 = arith.constant 0 : i32
    %c0_i32_1 = arith.constant 0 : i32
    return %c0_i32, %c0_i32_0 : i32, i32
  }
  func.func @transform_7(%arg0: i32) -> (i32, i32) {
    %c0_i32 = arith.constant 0 : i32
    %c0_i32_0 = arith.constant 0 : i32
    %c0_i32_1 = arith.constant 0 : i32
    return %c0_i32, %c0_i32_0 : i32, i32
  }
  func.func @transform_8(%arg0: i32) -> (i32, i32) {
    %c0_i32 = arith.constant 0 : i32
    %c0_i32_0 = arith.constant 0 : i32
    %c0_i32_1 = arith.constant 0 : i32
    return %c0_i32, %c0_i32_0 : i32, i32
  }
  func.func @transform_9(%arg0: i32) -> (i32, i32) {
    %c0_i32 = arith.constant 0 : i32
    %c0_i32_0 = arith.constant 0 : i32
    %c0_i32_1 = arith.constant 0 : i32
    return %c0_i32, %c0_i32_0 : i32, i32
  }
  func.func @transform_10(%arg0: i32) -> (i32, i32) {
    %c0_i32 = arith.constant 0 : i32
    %c0_i32_0 = arith.constant 0 : i32
    return %arg0, %c0_i32 : i32, i32
  }
}

module attributes {stable_mosaic.version = 14 : i64} {
  func.func @_mlp_body(%arg0: i32, %arg1: memref<4096x64xf32, #tpu.memory_space<vmem>>, %arg2: memref<64x4096xf32, #tpu.memory_space<vmem>>, %arg3: memref<1024x128xf32, #tpu.memory_space<vmem>>, %arg4: memref<1x1024xf32, #tpu.memory_space<vmem>>, %arg5: memref<512x1024xf32, #tpu.memory_space<vmem>>, %arg6: memref<1x512xf32, #tpu.memory_space<vmem>>, %arg7: memref<64x512xf32, #tpu.memory_space<vmem>>, %arg8: memref<1x64xf32, #tpu.memory_space<vmem>>, %arg9: memref<128x64xf32, #tpu.memory_space<vmem>>, %arg10: memref<1x128xf32, #tpu.memory_space<vmem>>, %arg11: memref<4096x128xf32, #tpu.memory_space<vmem>>) attributes {dimension_semantics = [#tpu.dimension_semantics<arbitrary>], iteration_bounds = array<i64: 2>, scalar_prefetch = 0 : i64, scratch_operands = 0 : i64, tpu.core_type = #tpu.core_type<tc>, window_params = [{transform_indices = @transform_0, window_bounds = array<i64: 4096, 64>}, {transform_indices = @transform_1, window_bounds = array<i64: 64, 4096>}, {pipeline_mode = #tpu.pipeline_mode<synchronous>, transform_indices = @transform_2, window_bounds = array<i64: 1024, 128>}, {pipeline_mode = #tpu.pipeline_mode<synchronous>, transform_indices = @transform_3, window_bounds = array<i64: 1, 1024>}, {pipeline_mode = #tpu.pipeline_mode<synchronous>, transform_indices = @transform_4, window_bounds = array<i64: 512, 1024>}, {pipeline_mode = #tpu.pipeline_mode<synchronous>, transform_indices = @transform_5, window_bounds = array<i64: 1, 512>}, {pipeline_mode = #tpu.pipeline_mode<synchronous>, transform_indices = @transform_6, window_bounds = array<i64: 64, 512>}, {pipeline_mode = #tpu.pipeline_mode<synchronous>, transform_indices = @transform_7, window_bounds = array<i64: 1, 64>}, {pipeline_mode = #tpu.pipeline_mode<synchronous>, transform_indices = @transform_8, window_bounds = array<i64: 128, 64>}, {pipeline_mode = #tpu.pipeline_mode<synchronous>, transform_indices = @transform_9, window_bounds = array<i64: 1, 128>}, {transform_indices = @transform_10, window_bounds = array<i64: 4096, 128>}]} {
    %get3A = arith.constant 0 : index
    %get3A_0 = arith.constant 0 : index
    %get3A_1 = vector.load %arg1[%get3A, %get3A_0] : memref<4096x64xf32, #tpu.memory_space<vmem>>, vector<4096x64xf32>
    %get3A_2 = arith.constant 0 : index
    %get3A_3 = arith.constant 0 : index
    %get3A_4 = vector.load %arg3[%get3A_2, %get3A_3] : memref<1024x128xf32, #tpu.memory_space<vmem>>, vector<1024x64xf32>
    %dot_general3A = arith.constant dense<0.000000e+00> : vector<4096x1024xf32>
    %dot_general3A_5 = tpu.matmul %get3A_1, %get3A_4, %dot_general3A {dimension_numbers = #tpu.dot_dimension_numbers<[1], [1], [0], [0], [0, 0, 1, 0], [], []>, transpose_lhs_hint = false} : vector<4096x64xf32>, vector<1024x64xf32>, vector<4096x1024xf32> -> vector<4096x1024xf32>
    %get3A_6 = arith.constant 0 : index
    %get3A_7 = arith.constant 0 : index
    %get3A_8 = vector.load %arg2[%get3A_6, %get3A_7] : memref<64x4096xf32, #tpu.memory_space<vmem>>, vector<64x4096xf32>
    %get3A_9 = arith.constant 0 : index
    %get3A_10 = arith.constant 64 : index
    %get3A_11 = vector.load %arg3[%get3A_9, %get3A_10] : memref<1024x128xf32, #tpu.memory_space<vmem>>, vector<1024x64xf32>
    %dot_general3A_12 = arith.constant dense<0.000000e+00> : vector<4096x1024xf32>
    %dot_general3A_13 = tpu.matmul %get3A_8, %get3A_11, %dot_general3A_12 {dimension_numbers = #tpu.dot_dimension_numbers<[0], [1], [1], [0], [0, 1, 1, 0], [], []>, transpose_lhs_hint = false} : vector<64x4096xf32>, vector<1024x64xf32>, vector<4096x1024xf32> -> vector<4096x1024xf32>
    %add3A = arith.addf %dot_general3A_5, %dot_general3A_13 : vector<4096x1024xf32>
    %get3A_14 = arith.constant 0 : index
    %get3A_15 = arith.constant 0 : index
    %get3A_16 = vector.load %arg4[%get3A_14, %get3A_15] : memref<1x1024xf32, #tpu.memory_space<vmem>>, vector<1x1024xf32>
    %add3A_17 = vector.broadcast %get3A_16 : vector<1x1024xf32> to vector<4096x1024xf32>
    %add3A_18 = arith.addf %add3A, %add3A_17 : vector<4096x1024xf32>
    %ge3A = arith.constant 0.000000e+00 : f32
    %ge3A_19 = vector.broadcast %ge3A : f32 to vector<4096x1024xf32>
    %ge3A_20 = arith.cmpf oge, %add3A_18, %ge3A_19 : vector<4096x1024xf32>
    %mul3A = arith.constant 0.00999999977 : f32
    %mul3A_21 = vector.broadcast %mul3A : f32 to vector<4096x1024xf32>
    %mul3A_22 = arith.mulf %mul3A_21, %add3A_18 : vector<4096x1024xf32>
    %select_n3A = arith.select %ge3A_20, %add3A_18, %mul3A_22 : vector<4096x1024xi1>, vector<4096x1024xf32>
    %get3A_23 = arith.constant 0 : index
    %get3A_24 = arith.constant 0 : index
    %get3A_25 = vector.load %arg5[%get3A_23, %get3A_24] : memref<512x1024xf32, #tpu.memory_space<vmem>>, vector<512x1024xf32>
    %dot_general3A_26 = arith.constant dense<0.000000e+00> : vector<4096x512xf32>
    %dot_general3A_27 = tpu.matmul %select_n3A, %get3A_25, %dot_general3A_26 {dimension_numbers = #tpu.dot_dimension_numbers<[1], [1], [0], [0], [0, 0, 1, 0], [], []>, transpose_lhs_hint = false} : vector<4096x1024xf32>, vector<512x1024xf32>, vector<4096x512xf32> -> vector<4096x512xf32>
    %get3A_28 = arith.constant 0 : index
    %get3A_29 = arith.constant 0 : index
    %get3A_30 = vector.load %arg6[%get3A_28, %get3A_29] : memref<1x512xf32, #tpu.memory_space<vmem>>, vector<1x512xf32>
    %add3A_31 = vector.broadcast %get3A_30 : vector<1x512xf32> to vector<4096x512xf32>
    %add3A_32 = arith.addf %dot_general3A_27, %add3A_31 : vector<4096x512xf32>
    %ge3A_33 = arith.constant 0.000000e+00 : f32
    %ge3A_34 = vector.broadcast %ge3A_33 : f32 to vector<4096x512xf32>
    %ge3A_35 = arith.cmpf oge, %add3A_32, %ge3A_34 : vector<4096x512xf32>
    %mul3A_36 = arith.constant 0.00999999977 : f32
    %mul3A_37 = vector.broadcast %mul3A_36 : f32 to vector<4096x512xf32>
    %mul3A_38 = arith.mulf %mul3A_37, %add3A_32 : vector<4096x512xf32>
    %select_n3A_39 = arith.select %ge3A_35, %add3A_32, %mul3A_38 : vector<4096x512xi1>, vector<4096x512xf32>
    %get3A_40 = arith.constant 0 : index
    %get3A_41 = arith.constant 0 : index
    %get3A_42 = vector.load %arg7[%get3A_40, %get3A_41] : memref<64x512xf32, #tpu.memory_space<vmem>>, vector<64x512xf32>
    %dot_general3A_43 = arith.constant dense<0.000000e+00> : vector<4096x64xf32>
    %dot_general3A_44 = tpu.matmul %select_n3A_39, %get3A_42, %dot_general3A_43 {dimension_numbers = #tpu.dot_dimension_numbers<[1], [1], [0], [0], [0, 0, 1, 0], [], []>, transpose_lhs_hint = false} : vector<4096x512xf32>, vector<64x512xf32>, vector<4096x64xf32> -> vector<4096x64xf32>
    %get3A_45 = arith.constant 0 : index
    %get3A_46 = arith.constant 0 : index
    %get3A_47 = vector.load %arg8[%get3A_45, %get3A_46] : memref<1x64xf32, #tpu.memory_space<vmem>>, vector<1x64xf32>
    %add3A_48 = vector.broadcast %get3A_47 : vector<1x64xf32> to vector<4096x64xf32>
    %add3A_49 = arith.addf %dot_general3A_44, %add3A_48 : vector<4096x64xf32>
    %ge3A_50 = arith.constant 0.000000e+00 : f32
    %ge3A_51 = vector.broadcast %ge3A_50 : f32 to vector<4096x64xf32>
    %ge3A_52 = arith.cmpf oge, %add3A_49, %ge3A_51 : vector<4096x64xf32>
    %mul3A_53 = arith.constant 0.00999999977 : f32
    %mul3A_54 = vector.broadcast %mul3A_53 : f32 to vector<4096x64xf32>
    %mul3A_55 = arith.mulf %mul3A_54, %add3A_49 : vector<4096x64xf32>
    %select_n3A_56 = arith.select %ge3A_52, %add3A_49, %mul3A_55 : vector<4096x64xi1>, vector<4096x64xf32>
    %get3A_57 = arith.constant 0 : index
    %get3A_58 = arith.constant 0 : index
    %get3A_59 = vector.load %arg9[%get3A_57, %get3A_58] : memref<128x64xf32, #tpu.memory_space<vmem>>, vector<128x64xf32>
    %dot_general3A_60 = arith.constant dense<0.000000e+00> : vector<4096x128xf32>
    %dot_general3A_61 = tpu.matmul %select_n3A_56, %get3A_59, %dot_general3A_60 {dimension_numbers = #tpu.dot_dimension_numbers<[1], [1], [0], [0], [0, 0, 1, 0], [], []>, transpose_lhs_hint = false} : vector<4096x64xf32>, vector<128x64xf32>, vector<4096x128xf32> -> vector<4096x128xf32>
    %get3A_62 = arith.constant 0 : index
    %get3A_63 = arith.constant 0 : index
    %get3A_64 = vector.load %arg10[%get3A_62, %get3A_63] : memref<1x128xf32, #tpu.memory_space<vmem>>, vector<1x128xf32>
    %add3A_65 = vector.broadcast %get3A_64 : vector<1x128xf32> to vector<4096x128xf32>
    %add3A_66 = arith.addf %dot_general3A_61, %add3A_65 : vector<4096x128xf32>
    %swap3A = arith.constant 0 : index
    %swap3A_67 = arith.constant 0 : index
    %swap3A_68 = vector.load %arg11[%swap3A, %swap3A_67] : memref<4096x128xf32, #tpu.memory_space<vmem>>, vector<4096x128xf32>
    tpu.vector_store %arg11[%swap3A, %swap3A_67], %add3A_66 {strides = array<i32>} : memref<4096x128xf32, #tpu.memory_space<vmem>>, vector<4096x128xf32>,
    return
  }
  func.func @transform_0(%arg0: i32) -> (i32, i32) {
    %c0_i32 = arith.constant 0 : i32
    %c0_i32_0 = arith.constant 0 : i32
    return %arg0, %c0_i32 : i32, i32
  }
  func.func @transform_1(%arg0: i32) -> (i32, i32) {
    %add3A = arith.constant 0 : i32
    %add3A_0 = arith.addi %arg0, %add3A : i32
    %c0_i32 = arith.constant 0 : i32
    %c0_i32_1 = arith.constant 0 : i32
    return %c0_i32, %add3A_0 : i32, i32
  }
  func.func @transform_2(%arg0: i32) -> (i32, i32) {
    %c0_i32 = arith.constant 0 : i32
    %c0_i32_0 = arith.constant 0 : i32
    %c0_i32_1 = arith.constant 0 : i32
    return %c0_i32, %c0_i32_0 : i32, i32
  }
  func.func @transform_3(%arg0: i32) -> (i32, i32) {
    %c0_i32 = arith.constant 0 : i32
    %c0_i32_0 = arith.constant 0 : i32
    %c0_i32_1 = arith.constant 0 : i32
    return %c0_i32, %c0_i32_0 : i32, i32
  }
  func.func @transform_4(%arg0: i32) -> (i32, i32) {
    %c0_i32 = arith.constant 0 : i32
    %c0_i32_0 = arith.constant 0 : i32
    %c0_i32_1 = arith.constant 0 : i32
    return %c0_i32, %c0_i32_0 : i32, i32
  }
  func.func @transform_5(%arg0: i32) -> (i32, i32) {
    %c0_i32 = arith.constant 0 : i32
    %c0_i32_0 = arith.constant 0 : i32
    %c0_i32_1 = arith.constant 0 : i32
    return %c0_i32, %c0_i32_0 : i32, i32
  }
  func.func @transform_6(%arg0: i32) -> (i32, i32) {
    %c0_i32 = arith.constant 0 : i32
    %c0_i32_0 = arith.constant 0 : i32
    %c0_i32_1 = arith.constant 0 : i32
    return %c0_i32, %c0_i32_0 : i32, i32
  }
  func.func @transform_7(%arg0: i32) -> (i32, i32) {
    %c0_i32 = arith.constant 0 : i32
    %c0_i32_0 = arith.constant 0 : i32
    %c0_i32_1 = arith.constant 0 : i32
    return %c0_i32, %c0_i32_0 : i32, i32
  }
  func.func @transform_8(%arg0: i32) -> (i32, i32) {
    %c0_i32 = arith.constant 0 : i32
    %c0_i32_0 = arith.constant 0 : i32
    %c0_i32_1 = arith.constant 0 : i32
    return %c0_i32, %c0_i32_0 : i32, i32
  }
  func.func @transform_9(%arg0: i32) -> (i32, i32) {
    %c0_i32 = arith.constant 0 : i32
    %c0_i32_0 = arith.constant 0 : i32
    %c0_i32_1 = arith.constant 0 : i32
    return %c0_i32, %c0_i32_0 : i32, i32
  }
  func.func @transform_10(%arg0: i32) -> (i32, i32) {
    %c0_i32 = arith.constant 0 : i32
    %c0_i32_0 = arith.constant 0 : i32
    return %arg0, %c0_i32 : i32, i32
  }
}

</mosaic_0001>

<sc_bundles>
// kernel: kernel.6.cloned.1.call-start
scs
__scs_entry_jumppad:
0x0: {  	(pc) =	sbr.rel $0x88, $3  }
0x1: {  	(tag) =	ssettag $0x0;
	lr =	simm.s32 $0x1  }
0x2: {  	[smem:$0x3F96] =	sst lr;
	_ =	strace $0xD0000000  }
0x3: {  	_ = 	snop  }
0x4: {  	_ = 	snop  }
0x5: {  	_ = 	snop  }
0x6: {  	_ = 	snop  }
0x7: {  	_ = 	snop  }
__scs_overlays_trampoline_lowered:
0x8: {  	[smem:$0x3FA5] =	sst s0  }
0x9: {  	[smem:$0x3FA6] =	sst s1  }
0xa: {  	[smem:$0x3FA7] =	sst s2  }
0xb: {  	[smem:$0x3FA8] =	sst s3  }
0xc: {  	[smem:$0x3FA9] =	sst s4  }
0xd: {  	[smem:$0x3FAA] =	sst s5  }
0xe: {  	[smem:$0x3FAB] =	sst s6  }
0xf: {  	[smem:$0x3FAC] =	sst s7  }
0x10: {  	[smem:$0x3FAD] =	sst s8  }
0x11: {  	[smem:$0x3FAE] =	sst s9;
	s0 =	simm.s32 @!p0 $0x0  }
0x12: {  	s1 =	sld [smem:$0x3F94];
	s0 =	simm.s32 @p0 $0x1  }
0x13: {  	[smem:$0x3FAF] =	sst s0;
	s0 =	simm.s32 @!p1 $0x0  }
0x14: {  	s2 =	sld [smem:$0x3F93];
	s0 =	simm.s32 @p1 $0x1  }
0x15: {  	[smem:$0x3FB0] =	sst s0;
	s0 =	simm.s32 @!p2 $0x0  }
0x16: {  	s3 =	sld [smem:$0x3FDB];
	s0 =	simm.s32 @p2 $0x1  }
0x17: {  	s4 =	simm.s32 $0x1BF5;
	[smem:$0x3FB2] =	sst s0  }
0x18: {  	s0 =	sld [smem:$0x3F95];
	_ =	swait.ge [sflag:s4], $0x0  }
0x19: {  	s7 =	sld [smem:$0x3F96]  }
0x1a: {  	s8 =	sadd.s32 $0xFFFFE003, lr  }
0x1b: {  	s9 =	sadd.s32 $0xFFFFFEF7, lr;
	s5 =	simm.s32 $0xFFFFFFFF;
	p2 =	slt.u32 s8, $0xFFFFF086  }
0x1c: {  	p1 =	slt.u32 s9, $0xF7A;
	s5 =	simm.s32 @!p2 $0x0  }
0x1d: {  	s5 =	simm.s32 @p1 $0x1;
	p0 =	seq.s32 s7, s2  }
0x1e: {  	s7 =	smul.u32 @!p0 $0xF7A, s2;
	p2 =	seq.s32 @!p0 s5, $0x0  }
0x1f: {  	s9 =	smul.u32 $0xF7A, s1;
	s8 =	simm.s32 @!p0 $0x1BF5;
	p2 =	por !p2, p0  }
0x20: {  	[sflag:s8] =	ssyncset.s32 @!p0 $0xFFFFF086;
	s6 =	sadd.s32 @!p0 s3, s7;
	s7 =	simm.s32 @!p0 $0x108  }
0x21: {  	s3 =	sadd.s32 s3, s9;
	s6 =	sadd.s32 @!p0 $0x88, s6;
	s7 =	simm.s32 @p2 $0x1082  }
0x22: {  	[simem:s7], [sflag:s8] =	dma.local @!p0 [hbm:s6], $0xF7A  }
0x23: {  	s9 =	sor.u32 $0xD0000000, s2;
	s6 =	simm.s32 $0x108;
	_ =	swait.ge @!p0 [sflag:s8], $0x0  }
0x24: {  	s3 =	sadd.s32 $0x88, s3;
	s6 =	simm.s32 @!p1 $0x1082;
	[sflag:s4] =	ssyncset.s32 $0xFFFFF086  }
0x25: {  	[simem:s6], [sflag:s4] =	dma.local [hbm:s3], $0xF7A  }
0x26: {  	[smem:$0x3F96] =	sst s1;
	(tag) =	ssettag s2;
	_ =	strace s9  }
0x27: {  	s1 =	sld [smem:$0x3FA6]  }
0x28: {  	s2 =	sld [smem:$0x3FA7]  }
0x29: {  	s4 =	sld [smem:$0x3FA9]  }
0x2a: {  	p0 =	seq.s32 s5, $0x0;
	s5 =	sld [smem:$0x3FAA]  }
0x2b: {  	s6 =	sld [smem:$0x3FAB]  }
0x2c: {  	s7 =	sld [smem:$0x3FAC]  }
0x2d: {  	s3 =	simm.s32 $0x108;
	s8 =	sld [smem:$0x3FAD]  }
0x2e: {  	s3 =	simm.s32 @!p0 $0x1082;
	s9 =	sld [smem:$0x3FAE]  }
0x2f: {  	lr =	sadd.s32 s0, s3;
	s0 =	sld [smem:$0x3FA5]  }
0x30: {  	s3 =	sld [smem:$0x3FA8]  }
0x31: {  	[smem:$0x3FB1] =	sst s10  }
0x32: {  	s10 =	sld [smem:$0x3FAF];
	_ =	sdelay $0x3  }
0x33: {  	p0 =	seq.s32 s10, $0x1;
	s10 =	sld [smem:$0x3FB1];
	_ =	sdelay $0x3  }
0x34: {  	[smem:$0x3FB1] =	sst s10  }
0x35: {  	s10 =	sld [smem:$0x3FB0];
	_ =	sdelay $0x3  }
0x36: {  	p1 =	seq.s32 s10, $0x1;
	s10 =	sld [smem:$0x3FB1];
	_ =	sdelay $0x3  }
0x37: {  	[smem:$0x3FB1] =	sst s10  }
0x38: {  	s10 =	sld [smem:$0x3FB2]  }
0x39: {  	_ = 	snop;
	(pc) =	sbr.ind lr, $3  }
0x3a: {  	_ = 	snop  }
0x3b: {  	_ = 	snop  }
0x3c: {  	p2 =	seq.s32 s10, $0x1;
	s10 =	sld [smem:$0x3FB1]  }
0x3d: {  	_ =	shalt  }
0x3e: {  	_ =	shalt  }
0x3f: {  	_ =	shalt  }
0x40: {  	_ =	shalt  }
0x41: {  	_ =	shalt  }
0x42: {  	_ =	shalt  }
0x43: {  	_ =	shalt  }
0x44: {  	_ =	shalt  }
0x45: {  	_ =	shalt  }
0x46: {  	_ =	shalt  }
0x47: {  	_ =	shalt  }
0x48: {  	_ =	shalt  }
0x49: {  	_ =	shalt  }
0x4a: {  	_ =	shalt  }
0x4b: {  	_ =	shalt  }
0x4c: {  	_ =	shalt  }
0x4d: {  	_ =	shalt  }
0x4e: {  	_ =	shalt  }
0x4f: {  	_ =	shalt  }
0x50: {  	_ =	shalt  }
0x51: {  	_ =	shalt  }
0x52: {  	_ =	shalt  }
0x53: {  	_ =	shalt  }
0x54: {  	_ =	shalt  }
0x55: {  	_ =	shalt  }
0x56: {  	_ =	shalt  }
0x57: {  	_ =	shalt  }
0x58: {  	_ =	shalt  }
0x59: {  	_ =	shalt  }
0x5a: {  	_ =	shalt  }
0x5b: {  	_ =	shalt  }
0x5c: {  	_ =	shalt  }
0x5d: {  	_ =	shalt  }
0x5e: {  	_ =	shalt  }
0x5f: {  	_ =	shalt  }
0x60: {  	_ =	shalt  }
0x61: {  	_ =	shalt  }
0x62: {  	_ =	shalt  }
0x63: {  	_ =	shalt  }
0x64: {  	_ =	shalt  }
0x65: {  	_ =	shalt  }
0x66: {  	_ =	shalt  }
0x67: {  	_ =	shalt  }
0x68: {  	_ =	shalt  }
0x69: {  	_ =	shalt  }
0x6a: {  	_ =	shalt  }
0x6b: {  	_ =	shalt  }
0x6c: {  	_ =	shalt  }
0x6d: {  	_ =	shalt  }
0x6e: {  	_ =	shalt  }
0x6f: {  	_ =	shalt  }
0x70: {  	_ =	shalt  }
0x71: {  	_ =	shalt  }
0x72: {  	_ =	shalt  }
0x73: {  	_ =	shalt  }
0x74: {  	_ =	shalt  }
0x75: {  	_ =	shalt  }
0x76: {  	_ =	shalt  }
0x77: {  	_ =	shalt  }
0x78: {  	_ =	shalt  }
0x79: {  	_ =	shalt  }
0x7a: {  	_ =	shalt  }
0x7b: {  	_ =	shalt  }
0x7c: {  	_ =	shalt  }
0x7d: {  	_ =	shalt  }
0x7e: {  	_ =	shalt  }
0x7f: {  	_ =	shalt  }
0x80: {  	_ =	shalt  }
0x81: {  	_ =	shalt  }
0x82: {  	_ =	shalt  }
0x83: {  	_ =	shalt  }
0x84: {  	_ =	shalt  }
0x85: {  	_ =	shalt  }
0x86: {  	_ =	shalt  }
0x87: {  	_ =	shalt  }
.Lfunc_end0:
.L_simem_size_0:
called_computation_lowered:
.L_overlay_start_0:
0x88: {  	s2 =	sld [smem:$0x3FD9]  }
0x89: {  	s3 =	sld [smem:$0x3FFE];
	_ =	sdelay $0x1  }
0x8a: {  	s1 =	srdreg.scid  }
0x8b: {  	s0 =	sand.u32 $0x1, s1  }
0x8c: {  	s17 =	sshll.u32 s0, $0xA;
	s2 =	sadd.s32 s3, s2  }
0x8d: {  	s2 =	sadd.s32 s2, s17  }
0x8e: {  	[smem:$0x3FBD] =	sst s2  }
0x8f: {  	_ = 	snop  }
0x90: {  	s18 =	sld [smem:$0x3FC7];
	(tm) =	ssettm $0x1  }
0x91: {  	s19 =	sld [smem:$0x3FFB];
	_ =	sdelay $0x3  }
0x92: {  	_ =	strace s19  }
0x93: {  	s2 =	sld [smem:$0x3FFC];
	_ =	sdelay $0x3  }
0x94: {  	_ =	strace s2  }
0x95: {  	s2 =	sld [smem:$0x3FFD];
	_ =	sdelay $0x3  }
0x96: {  	_ =	strace s2  }
0x97: {  	_ =	strace $0x8FFFFFFF  }
0x98: {  	s20 =	sld [smem:$0x3FDB];
	_ =	sdelay $0x1  }
0x99: {  	s4 =	simm.s32 $_scs_section_size  }
0x9a: {  	s5 =	simm.s32 $_size__tile_overlayer_lowered;
	s6 =	simm.s32 $_tile_overlayer_lowered  }
0x9b: {  	s7 =	simm.s32 $0x1BFF;
	s21 =	sshll.u32 s6, $0x1;
	s4 =	sadd.s32 s4, s20  }
0x9c: {  	s22 =	simm.s32 $0x0;
	s5 =	sshll.u32 s5, $0x1;
	s6 =	sadd.s32 s21, s4  }
0x9d: {  	[timem:s22], [sflag:s7] =	dma.local [hbm:s6], s5  }
0x9e: {  	_ =	swait.ge [sflag:s7], s5  }
0x9f: {  	s5 =	ssub.s32 $0x0, s5;
	[sflag:s7] =	ssyncset.done $0x0  }
0xa0: {  	[sflag:s7] =	ssyncadd.s32 s5;
	_ =	sdelay $0x1  }
0xa1: {  	s23 =	simm.s32 $0x1B8B  }
0xa2: {  	_ =	swait.ge [sflag:s23], $0x1  }
0xa3: {  	[sflag:s23] =	ssyncset.done $0x0  }
0xa4: {  	[sflag:s23] =	ssyncadd.s32 $0xFFFFFFFF  }
0xa5: {  	s5 =	sld [smem:$0x0]  }
0xa6: {  	s6 =	sand.u32 $0xFFFFFFFE, s1  }
0xa7: {  	p0 =	sne.s32 s1, s6  }
0xa8: {  	s6 =	sshll.u32 @p0 s6, $0xE  }
0xa9: {  	s6 =	sadd.s32 @p0 $0x11B8D, s6;
	s7 =	sshll.u32 @p0 s5, $0x11  }
0xaa: {  	s6 =	sor.u32 @p0 s7, s6  }
0xab: {  	[sflag:s6] =	ssyncadd.remote.s32 @p0 $0x1;
	_ =	sdelay $0x1  }
0xac: {  	s6 =	simm.s32 @p0 $0x1B8D  }
0xad: {  	_ =	swait.eq @p0 [sflag:s6], $0x1  }
0xae: {  	[sflag:s6] =	ssyncadd.s32 @p0 $0xFFFFFFFF  }
0xaf: {  	s7 =	sshll.u32 @!p0 s1, $0xE  }
0xb0: {  	s7 =	sor.u32 @!p0 $0x4000, s7;
	s6 =	simm.s32 @!p0 $0x1B8D  }
0xb1: {  	s5 =	sshll.u32 @!p0 s5, $0x11;
	s7 =	sadd.s32 @!p0 $0x11B8D, s7;
	_ =	swait.eq @!p0 [sflag:s6], $0x1  }
0xb2: {  	s5 =	sor.u32 @!p0 s5, s7;
	[sflag:s6] =	ssyncadd.s32 @!p0 $0xFFFFFFFF  }
0xb3: {  	s25 =	simm.s32 $0x1B8E;
	s24 =	sld [smem:$0x3FFE];
	[sflag:s5] =	ssyncadd.remote.s32 @!p0 $0x1  }
0xb4: {  	s26 =	simm.s32 $execute0_lowered;
	[smem:$0x3FD2] =	sst s25  }
0xb5: {  	s6 =	sshll.u32 s26, $0x1;
	_ =	strace $0x80000049;
	[dreg:$0x1] =	wrdreg $0xFFFFFFFF  }
0xb6: {  	s28 =	simm.s32 $_size_execute0_lowered;
	s4 =	sadd.s32 s4, s6;
	[dreg:$0x0] =	wrdreg $0x0  }
0xb7: {  	s6 =	sshll.u32 s28, $0x1;
	[dreg:$0x2] =	wrdreg s4  }
0xb8: {  	[dreg:$0x3] =	wrdreg s6  }
0xb9: {  	[dreg:$0x4] =	wrdreg $0xC0  }
0xba: {  	_ =	task [dreg:s22], $0x5FFFF  }
0xbb: {  	[dreg:$0x1] =	wrdreg $0xFFFFFFFF  }
0xbc: {  	[dreg:$0x0] =	wrdreg $0x60  }
0xbd: {  	[dreg:$0x2] =	wrdreg s24  }
0xbe: {  	[dreg:$0x3] =	wrdreg s18  }
0xbf: {  	[dreg:$0x4] =	wrdreg $0x9  }
0xc0: {  	_ =	task.clear_ibuf [dreg:s22], $0x5FFFF;
	_ =	strace $0x90000049  }
0xc1: {  	s29 =	simm.s32 $0x9;
	_ =	strace $0x8000004B  }
0xc2: {  	_ =	swait.ge [sflag:s29], $0x1  }
0xc3: {  	[sflag:s29] =	ssyncadd.s32 $0xFFFFFFFF  }
0xc4: {  	_ =	strace $0x9000004B  }
0xc5: {  	_ =	sfence  }
0xc6: {  	s30 =	sld [smem:$0x0];
	_ =	sdelay $0x2  }
0xc7: {  	s31 =	sshll.u32 s1, $0xD;
	s1 =	sshrl.u32 s1, $0x2  }
0xc8: {  	s4 =	sand.u32 $0x4000, s31;
	s1 =	sadd.s32 s1, s30  }
0xc9: {  	s0 =	sor.u32 s4, s0;
	s1 =	sshll.u32 s1, $0x11  }
0xca: {  	s0 =	sor.u32 s1, s0  }
0xcb: {  	s0 =	sadd.s32 $0x8F2B, s0  }
0xcc: {  	[sflag:s0] =	ssyncadd.remote.s32 $0x1  }
0xcd: {  	_ =	sfence.sel $0xFFFF  }
0xce: {  	[dreg:$0x0] =	wrdreg $0xFFFFFFFF;
	(pc) =	sbr.abs _section_cstart, $3  }
0xcf: {  	[dreg:$0x1] =	wrdreg $0xFFFFFFFF  }
0xd0: {  	_ =	task.clear_ibuf [dreg:s22], $0x2FFFF;
	_ =	strace $0x9FFFFFFF  }
0xd1: {  	(tm) =	ssettm $0x7FFFFFFF  }
tec
execute0_lowered:
.L_overlay_start_1:
0x0: {  	(tag) =	ssettag $0x1  }
0x1: {  	s0 =	rddreg [dreg:$0x0]  }
0x2: {  	s2 =	rddreg [dreg:$0x1];
	s6 =	simm.s32 $0x0  }
0x3: {  	s4 =	stileid.u32;
	s1 =	srdreg.scid;
	s11 =	simm.s32 $0x7A1400  }
0x4: {  	s13 =	simm.s32 $0x100;
	s22 =	simm.s32 $0x2100;
	s14 =	simm.s32 $0x4100  }
0x5: {  	s15 =	simm.s32 $0x6100;
	s16 =	simm.s32 $0x8100;
	s10 =	simm.s32 $0xA100  }
0x6: {  	s7 =	simm.s32 $0xC100;
	s19 =	simm.s32 $0xE100;
	s23 =	simm.s32 $0x2  }
0x7: {  	s24 =	simm.s32 $0x3;
	s25 =	simm.s32 $0x4;
	s17 =	simm.s32 $0x8100  }
0x8: {  	s28 =	simm.s32 $0x6;
	s18 =	simm.s32 $0xA100;
	s31 =	simm.s32 $0x7  }
0x9: {  	s9 =	simm.s32 $0xC100;
	s12 =	simm.s32 $0x8;
	s3 =	sshll.u32 s4, $0x6  }
0xa: {  	s1 =	sand.u32 $0x1, s1;
	s4 =	sshll.u32 s4, $0x1;
	[smem:$0x7FF] =	sst s6  }
0xb: {  	s3 =	sand.u32 $0x300, s3;
	s4 =	sor.u32 s1, s4;
	_ =	strace $0x8000004A  }
0xc: {  	s1 =	ssub.s32 $0x2, s1;
	s5 =	sshll.u32 s4, $0x4;
	s4 =	sshll.u32 s4, $0xC  }
0xd: {  	s3 =	sadd.s32 s3, s0;
	s26 =	sshrl.u32 s1, $0x1;
	s0 =	sadd.s32 s4, s0  }
.Ltmp0:
0xe: {  	s5 =	sand.u32 $0x70, s5;
	s29 =	sadd.s32 $0x22600, s0;
	(pc) =	sbr.rel .LBB2_1-.Ltmp0, $4  }
0xf: {  	v0 =	vlaneseq.u32;
	s1 =	ssub.s32 s1, s26;
	s0 =	sadd.s32 $0x22E00, s0;
	[dreg:$0x4] =	wrdreg s29  }
0x10: {  	v0 =	vmul.u32 $0x80, v0;
	s3 =	sadd.s32 s5, s3;
	s30 =	smax.u32 s1, $0x1;
	[dreg:$0x5] =	wrdreg s0  }
0x11: {  	s26 =	simm.s32 $0x5;
	s3 =	sadd.s32 $0x22200, s3;
	[dreg:$0x6] =	wrdreg s30  }
0x12: {  	v1 =	vor.u32 $0x800, v0;
	v2 =	vor.u32 $0x1000, v0;
	v3 =	vor.u32 $0x1800, v0;
	s1 =	simm.s32 $0x0;
	[dreg:$0x3] =	wrdreg s3;
	s3 =	simm.s32 $0x9  }
.LBB2_4:
0x13: {  	s6 =	simm.s32 $0x0  }
0x14: {  	s0 =	rddreg [dreg:$0x5];
	s1 =	simm.s32 $0x10100;
	s3 =	simm.s32 $0x9  }
0x15: {  	[hbm4b:s0+s6] =	stream.linear.scatter [tilespmem:s1], [sflag:$0x9], $0x4000, $0x38;
	[tilespmem:$0x14100] =	vst v63  }
0x16: {  	_ =	swait.ge [sflag:s3], $0x4000  }
0x17: {  	s29 =	rddreg [dreg:$0x7]  }
0x18: {  	s30 =	rddreg [dreg:$0x6];
	s1 =	sadd.s32 $0x1, s29  }
0x19: {  	p0 =	sne.s32 s1, s30  }
.Ltmp1:
0x1a: {  	_ = 	snop;
	(pc) =	sbr.rel @!p0 .LBB2_5-.Ltmp1, $3  }
0x1b: {  	_ =	sdelay $0x1  }
0x1c: {  	[sflag:s3] =	ssyncset.done $0x0  }
0x1d: {  	s11 =	simm.s32 $0x7A1400;
	[sflag:s3] =	ssyncadd.s32 $0xFFFFC000  }
.LBB2_1:
0x1e: {  	[dreg:$0x7] =	wrdreg s1  }
0x1f: {  	s0 =	rddreg [dreg:$0x3];
	s30 =	simm.s32 $0x80;
	s4 =	simm.s32 $0x400  }
0x20: {  	[tilespmem:s6], [sflag:$0x9] =	stream.strided.gather [hbm4b:s0+s30], $0x100, s4, s30, $0x38;
	[tilespmem:$0x14100] =	vst v63  }
0x21: {  	_ =	swait.ge [sflag:s3], $0x100  }
0x22: {  	[sflag:s3] =	ssyncset.done $0x0  }
0x23: {  	[sflag:s3] =	ssyncadd.s32 $0xFFFFFF00  }
0x24: {  	v4 =	vld [tilespmem:$0x0];
	_ =	sdelay $0x4  }
0x25: {  	(v2sf) =	vpush v4, $0x0  }
0x26: {  	(v2sf) =	vpush v4, $0x1;
	_ =	sdelay $0x2  }
0x27: {  	(v2sf) =	vpush v4, $0x2;
	_ =	sdelay $0x3  }
0x28: {  	(v2sf) =	vpush v4, $0x3  }
0x29: {  	(v2sf) =	vpush v4, $0x4;
	_ =	sdelay $0x5  }
0x2a: {  	s1 =	spop (v2sf);
	(v2sf) =	vpush v4, $0x5  }
0x2b: {  	s0 =	sand.u32 $0xFFFFF80, s1;
	s3 =	spop (v2sf);
	(v2sf) =	vpush v4, $0x6  }
0x2c: {  	s0 =	sadd.s32 s2, s0  }
0x2d: {  	[tilespmem:s13], [sflag:$0x1] =	stream.strided.gather [hbm4b:s0+s4], $0x2000, s11, s4, $0x38;
	[tilespmem:$0x14100] =	vst v63  }
0x2e: {  	s4 =	spop (v2sf);
	(v2sf) =	vpush v4, $0x7  }
0x2f: {  	s0 =	sand.u32 $0xFFFFF80, s3  }
0x30: {  	s13 =	simm.s32 $0x400;
	s0 =	sadd.s32 s2, s0  }
0x31: {  	[tilespmem:s22], [sflag:$0x2] =	stream.strided.gather [hbm4b:s0+s13], $0x2000, s11, s13, $0x38;
	[tilespmem:$0x14100] =	vst v63  }
0x32: {  	s5 =	spop (v2sf);
	s0 =	sand.u32 $0xFFFFF80, s4  }
0x33: {  	s6 =	sand.u32 $0xFFFFF80, s5;
	s8 =	spop (v2sf);
	s0 =	sadd.s32 s2, s0  }
0x34: {  	[tilespmem:s14], [sflag:$0x3] =	stream.strided.gather [hbm4b:s0+s13], $0x2000, s11, s13, $0x38;
	[tilespmem:$0x14100] =	vst v63  }
0x35: {  	s0 =	sadd.s32 s2, s6;
	s14 =	sand.u32 $0xFFFFF80, s8  }
0x36: {  	[tilespmem:s15], [sflag:$0x4] =	stream.strided.gather [hbm4b:s0+s13], $0x2000, s11, s13, $0x38;
	[tilespmem:$0x14100] =	vst v63  }
0x37: {  	s0 =	sadd.s32 s2, s14  }
0x38: {  	[tilespmem:s16], [sflag:$0x5] =	stream.strided.gather [hbm4b:s0+s13], $0x2000, s11, s13, $0x38;
	[tilespmem:$0x14100] =	vst v63  }
0x39: {  	s15 =	spop (v2sf)  }
0x3a: {  	s20 =	sand.u32 $0xFFFFF80, s15;
	s21 =	spop (v2sf)  }
0x3b: {  	s0 =	sadd.s32 s2, s20;
	s22 =	sand.u32 $0xFFFFF80, s21  }
0x3c: {  	[tilespmem:s10], [sflag:$0x6] =	stream.strided.gather [hbm4b:s0+s13], $0x2000, s11, s13, $0x38;
	[tilespmem:$0x14100] =	vst v63  }
0x3d: {  	s30 =	simm.s32 $0x0;
	s0 =	sadd.s32 s2, s22;
	s29 =	spop (v2sf)  }
0x3e: {  	[tilespmem:s7], [sflag:$0x7] =	stream.strided.gather [hbm4b:s0+s13], $0x2000, s11, s13, $0x38;
	[tilespmem:$0x14100] =	vst v63  }
0x3f: {  	[dreg:$0x8] =	wrdreg s30;
	s0 =	sand.u32 $0xFFFFF80, s29  }
0x40: {  	s1 =	simm.s32 $0x0;
	s6 =	simm.s32 $0x0;
	s0 =	sadd.s32 s2, s0  }
0x41: {  	[tilespmem:s19], [sflag:$0x8] =	stream.strided.gather [hbm4b:s0+s13], $0x2000, s11, s13, $0x38;
	[tilespmem:$0x14100] =	vst v63  }
.LBB2_2:
0x42: {  	v5 =	vld [tilespmem:s1+$0x0]  }
0x43: {  	[dreg:$0x9] =	wrdreg s1  }
0x44: {  	s1 =	rddreg [dreg:$0x8]  }
0x45: {  	s21 =	simm.s32 $0x1;
	s3 =	smin.u32 s1, $0xE0  }
0x46: {  	v4 =	vld [tilespmem:s3+$0x10];
	_ =	swait.ge [sflag:s21], $0x2000  }
0x47: {  	(v2sf) =	vpush v5, $0x0;
	_ =	sdelay $0xe  }
0x48: {  	s22 =	spop (v2sf)  }
0x49: {  	s3 =	sand.u32 $0x7F, s22  }
0x4a: {  	v6 =	vor.u32 s3, v0;
	_ =	sdelay $0x2  }
0x4b: {  	[sflag:s21] =	ssyncset.done $0x0  }
0x4c: {  	[sflag:s21] =	ssyncadd.s32 $0xFFFFE000;
	s22 =	simm.s32 $0x100  }
0x4d: {  	v6 =	vld.idx.msk [tilespmem:v6+s22+$0x0], $0xffff  }
0x4e: {  	v7 =	vor.u32 s3, v1;
	_ =	sdelay $0x2  }
0x4f: {  	s8 =	sand.u32 $0x3800, s6  }
0x50: {  	[tilespmem:s8+$0x10100] =	vst v6  }
0x51: {  	(v2sf) =	vpush v5, $0x8;
	v6 =	vld.idx.msk [tilespmem:v7+s22+$0x0], $0xffff  }
0x52: {  	v7 =	vor.u32 s3, v2;
	_ =	sdelay $0x3  }
0x53: {  	[tilespmem:s8+$0x10110] =	vst v6  }
0x54: {  	v6 =	vld.idx.msk [tilespmem:v7+s22+$0x0], $0xffff  }
0x55: {  	v7 =	vor.u32 s3, v3;
	_ =	sdelay $0x3  }
0x56: {  	[tilespmem:s8+$0x10120] =	vst v6  }
0x57: {  	v6 =	vld.idx.msk [tilespmem:v7+s22+$0x0], $0xffff;
	_ =	sdelay $0x2  }
0x58: {  	s4 =	spop (v2sf)  }
0x59: {  	s29 =	sand.u32 $0xFFFFF80, s4  }
0x5a: {  	s3 =	sadd.s32 s2, s29;
	[tilespmem:s8+$0x10130] =	vst v6  }
0x5b: {  	[tilespmem:s22], [sflag:$0x1] =	stream.strided.gather [hbm4b:s3+s13], $0x2000, s11, s13, $0x38;
	[tilespmem:$0x14100] =	vst v63  }
0x5c: {  	_ =	swait.ge [sflag:s23], $0x2000  }
0x5d: {  	(v2sf) =	vpush v5, $0x1;
	_ =	sdelay $0xe  }
0x5e: {  	s30 =	spop (v2sf)  }
0x5f: {  	s3 =	sand.u32 $0x7F, s30  }
0x60: {  	v6 =	vor.u32 s3, v0;
	_ =	sdelay $0x2  }
0x61: {  	[sflag:s23] =	ssyncset.done $0x0  }
0x62: {  	s14 =	simm.s32 $0x2100;
	[sflag:s23] =	ssyncadd.s32 $0xFFFFE000  }
0x63: {  	v6 =	vld.idx.msk [tilespmem:v6+s14+$0x0], $0xffff  }
0x64: {  	v7 =	vor.u32 s3, v1;
	_ =	sdelay $0x3  }
0x65: {  	[tilespmem:s8+$0x10180] =	vst v6  }
0x66: {  	(v2sf) =	vpush v5, $0x9;
	v6 =	vld.idx.msk [tilespmem:v7+s14+$0x0], $0xffff  }
0x67: {  	v7 =	vor.u32 s3, v2;
	_ =	sdelay $0x3  }
0x68: {  	[tilespmem:s8+$0x10190] =	vst v6  }
0x69: {  	v6 =	vld.idx.msk [tilespmem:v7+s14+$0x0], $0xffff  }
0x6a: {  	v7 =	vor.u32 s3, v3;
	_ =	sdelay $0x3  }
0x6b: {  	[tilespmem:s8+$0x101A0] =	vst v6  }
0x6c: {  	v6 =	vld.idx.msk [tilespmem:v7+s14+$0x0], $0xffff;
	_ =	sdelay $0x2  }
0x6d: {  	s29 =	spop (v2sf)  }
0x6e: {  	s5 =	sand.u32 $0xFFFFF80, s29  }
0x6f: {  	s3 =	sadd.s32 s2, s5;
	[tilespmem:s8+$0x101B0] =	vst v6  }
0x70: {  	[tilespmem:s14], [sflag:$0x2] =	stream.strided.gather [hbm4b:s3+s13], $0x2000, s11, s13, $0x38;
	[tilespmem:$0x14100] =	vst v63  }
0x71: {  	_ =	swait.ge [sflag:s24], $0x2000  }
0x72: {  	(v2sf) =	vpush v5, $0x2;
	_ =	sdelay $0xe  }
0x73: {  	s0 =	smov.u32 s6;
	s6 =	spop (v2sf)  }
0x74: {  	s3 =	sand.u32 $0x7F, s6  }
0x75: {  	v6 =	vor.u32 s3, v0;
	_ =	sdelay $0x2  }
0x76: {  	[sflag:s24] =	ssyncset.done $0x0  }
0x77: {  	s15 =	simm.s32 $0x4100;
	[sflag:s24] =	ssyncadd.s32 $0xFFFFE000  }
0x78: {  	v6 =	vld.idx.msk [tilespmem:v6+s15+$0x0], $0xffff  }
0x79: {  	v7 =	vor.u32 s3, v1;
	_ =	sdelay $0x3  }
0x7a: {  	[tilespmem:s8+$0x10200] =	vst v6  }
0x7b: {  	(v2sf) =	vpush v5, $0xA;
	v6 =	vld.idx.msk [tilespmem:v7+s15+$0x0], $0xffff  }
0x7c: {  	v7 =	vor.u32 s3, v2;
	_ =	sdelay $0x3  }
0x7d: {  	[tilespmem:s8+$0x10210] =	vst v6  }
0x7e: {  	v6 =	vld.idx.msk [tilespmem:v7+s15+$0x0], $0xffff  }
0x7f: {  	v7 =	vor.u32 s3, v3;
	_ =	sdelay $0x3  }
0x80: {  	[tilespmem:s8+$0x10220] =	vst v6  }
0x81: {  	v6 =	vld.idx.msk [tilespmem:v7+s15+$0x0], $0xffff;
	_ =	sdelay $0x2  }
0x82: {  	s3 =	spop (v2sf)  }
0x83: {  	s5 =	sand.u32 $0xFFFFF80, s3  }
0x84: {  	s5 =	sadd.s32 s2, s5;
	[tilespmem:s8+$0x10230] =	vst v6  }
0x85: {  	[tilespmem:s15], [sflag:$0x3] =	stream.strided.gather [hbm4b:s5+s13], $0x2000, s11, s13, $0x38;
	[tilespmem:$0x14100] =	vst v63  }
0x86: {  	_ =	swait.ge [sflag:s25], $0x2000  }
0x87: {  	(v2sf) =	vpush v5, $0x3;
	_ =	sdelay $0xe  }
0x88: {  	s7 =	spop (v2sf)  }
0x89: {  	s5 =	sand.u32 $0x7F, s7  }
0x8a: {  	v6 =	vor.u32 s5, v0;
	_ =	sdelay $0x2  }
0x8b: {  	[sflag:s25] =	ssyncset.done $0x0  }
0x8c: {  	s16 =	simm.s32 $0x6100;
	[sflag:s25] =	ssyncadd.s32 $0xFFFFE000  }
0x8d: {  	v6 =	vld.idx.msk [tilespmem:v6+s16+$0x0], $0xffff  }
0x8e: {  	v7 =	vor.u32 s5, v1;
	_ =	sdelay $0x3  }
0x8f: {  	[tilespmem:s8+$0x10280] =	vst v6  }
0x90: {  	(v2sf) =	vpush v5, $0xB;
	v6 =	vld.idx.msk [tilespmem:v7+s16+$0x0], $0xffff  }
0x91: {  	v7 =	vor.u32 s5, v2;
	_ =	sdelay $0x3  }
0x92: {  	[tilespmem:s8+$0x10290] =	vst v6  }
0x93: {  	v6 =	vld.idx.msk [tilespmem:v7+s16+$0x0], $0xffff  }
0x94: {  	v7 =	vor.u32 s5, v3;
	_ =	sdelay $0x3  }
0x95: {  	[tilespmem:s8+$0x102A0] =	vst v6  }
0x96: {  	v6 =	vld.idx.msk [tilespmem:v7+s16+$0x0], $0xffff;
	_ =	sdelay $0x2  }
0x97: {  	s6 =	spop (v2sf)  }
0x98: {  	s10 =	sand.u32 $0xFFFFF80, s6  }
0x99: {  	s5 =	sadd.s32 s2, s10;
	[tilespmem:s8+$0x102B0] =	vst v6  }
0x9a: {  	[tilespmem:s16], [sflag:$0x4] =	stream.strided.gather [hbm4b:s5+s13], $0x2000, s11, s13, $0x38;
	[tilespmem:$0x14100] =	vst v63  }
0x9b: {  	_ =	swait.ge [sflag:s26], $0x2000  }
0x9c: {  	(v2sf) =	vpush v5, $0x4;
	_ =	sdelay $0xe  }
0x9d: {  	s20 =	spop (v2sf)  }
0x9e: {  	s5 =	sand.u32 $0x7F, s20  }
0x9f: {  	v6 =	vor.u32 s5, v0;
	_ =	sdelay $0x2  }
0xa0: {  	[sflag:s26] =	ssyncset.done $0x0  }
0xa1: {  	[sflag:s26] =	ssyncadd.s32 $0xFFFFE000  }
0xa2: {  	v6 =	vld.idx.msk [tilespmem:v6+s17+$0x0], $0xffff  }
0xa3: {  	v7 =	vor.u32 s5, v1;
	_ =	sdelay $0x3  }
0xa4: {  	[tilespmem:s8+$0x10300] =	vst v6  }
0xa5: {  	(v2sf) =	vpush v5, $0xC;
	v6 =	vld.idx.msk [tilespmem:v7+s17+$0x0], $0xffff  }
0xa6: {  	v7 =	vor.u32 s5, v2;
	_ =	sdelay $0x3  }
0xa7: {  	[tilespmem:s8+$0x10310] =	vst v6  }
0xa8: {  	v6 =	vld.idx.msk [tilespmem:v7+s17+$0x0], $0xffff  }
0xa9: {  	v7 =	vor.u32 s5, v3;
	_ =	sdelay $0x3  }
0xaa: {  	[tilespmem:s8+$0x10320] =	vst v6  }
0xab: {  	v6 =	vld.idx.msk [tilespmem:v7+s17+$0x0], $0xffff;
	_ =	sdelay $0x2  }
0xac: {  	s7 =	spop (v2sf)  }
0xad: {  	s30 =	sand.u32 $0xFFFFF80, s7  }
0xae: {  	s5 =	sadd.s32 s2, s30;
	[tilespmem:s8+$0x10330] =	vst v6  }
0xaf: {  	[tilespmem:s17], [sflag:$0x5] =	stream.strided.gather [hbm4b:s5+s13], $0x2000, s11, s13, $0x38;
	[tilespmem:$0x14100] =	vst v63  }
0xb0: {  	_ =	swait.ge [sflag:s28], $0x2000  }
0xb1: {  	(v2sf) =	vpush v5, $0x5;
	_ =	sdelay $0xe  }
0xb2: {  	s10 =	spop (v2sf)  }
0xb3: {  	s5 =	sand.u32 $0x7F, s10  }
0xb4: {  	v6 =	vor.u32 s5, v0;
	_ =	sdelay $0x2  }
0xb5: {  	[sflag:s28] =	ssyncset.done $0x0  }
0xb6: {  	[sflag:s28] =	ssyncadd.s32 $0xFFFFE000  }
0xb7: {  	v6 =	vld.idx.msk [tilespmem:v6+s18+$0x0], $0xffff  }
0xb8: {  	v7 =	vor.u32 s5, v1;
	_ =	sdelay $0x3  }
0xb9: {  	[tilespmem:s8+$0x10380] =	vst v6  }
0xba: {  	(v2sf) =	vpush v5, $0xD;
	v6 =	vld.idx.msk [tilespmem:v7+s18+$0x0], $0xffff  }
0xbb: {  	v7 =	vor.u32 s5, v2;
	_ =	sdelay $0x3  }
0xbc: {  	[tilespmem:s8+$0x10390] =	vst v6  }
0xbd: {  	v6 =	vld.idx.msk [tilespmem:v7+s18+$0x0], $0xffff  }
0xbe: {  	v7 =	vor.u32 s5, v3;
	_ =	sdelay $0x3  }
0xbf: {  	[tilespmem:s8+$0x103A0] =	vst v6  }
0xc0: {  	v6 =	vld.idx.msk [tilespmem:v7+s18+$0x0], $0xffff;
	_ =	sdelay $0x2  }
0xc1: {  	s10 =	spop (v2sf)  }
0xc2: {  	s20 =	sand.u32 $0xFFFFF80, s10  }
0xc3: {  	s5 =	sadd.s32 s2, s20;
	[tilespmem:s8+$0x103B0] =	vst v6  }
0xc4: {  	[tilespmem:s18], [sflag:$0x6] =	stream.strided.gather [hbm4b:s5+s13], $0x2000, s11, s13, $0x38;
	[tilespmem:$0x14100] =	vst v63  }
0xc5: {  	_ =	swait.ge [sflag:s31], $0x2000  }
0xc6: {  	(v2sf) =	vpush v5, $0x6;
	_ =	sdelay $0xe  }
0xc7: {  	s30 =	spop (v2sf)  }
0xc8: {  	s5 =	sand.u32 $0x7F, s30  }
0xc9: {  	v6 =	vor.u32 s5, v0;
	_ =	sdelay $0x2  }
0xca: {  	[sflag:s31] =	ssyncset.done $0x0  }
0xcb: {  	[sflag:s31] =	ssyncadd.s32 $0xFFFFE000  }
0xcc: {  	v6 =	vld.idx.msk [tilespmem:v6+s9+$0x0], $0xffff  }
0xcd: {  	v7 =	vor.u32 s5, v1;
	_ =	sdelay $0x3  }
0xce: {  	[tilespmem:s8+$0x10400] =	vst v6  }
0xcf: {  	(v2sf) =	vpush v5, $0xE;
	v6 =	vld.idx.msk [tilespmem:v7+s9+$0x0], $0xffff  }
0xd0: {  	v7 =	vor.u32 s5, v2;
	_ =	sdelay $0x3  }
0xd1: {  	[tilespmem:s8+$0x10410] =	vst v6  }
0xd2: {  	v6 =	vld.idx.msk [tilespmem:v7+s9+$0x0], $0xffff  }
0xd3: {  	v7 =	vor.u32 s5, v3;
	_ =	sdelay $0x3  }
0xd4: {  	[tilespmem:s8+$0x10420] =	vst v6  }
0xd5: {  	v6 =	vld.idx.msk [tilespmem:v7+s9+$0x0], $0xffff;
	_ =	sdelay $0x2  }
0xd6: {  	s30 =	spop (v2sf)  }
0xd7: {  	s20 =	sand.u32 $0xFFFFF80, s30  }
0xd8: {  	s5 =	sadd.s32 s2, s20;
	[tilespmem:s8+$0x10430] =	vst v6  }
0xd9: {  	[tilespmem:s9], [sflag:$0x7] =	stream.strided.gather [hbm4b:s5+s13], $0x2000, s11, s13, $0x38;
	[tilespmem:$0x14100] =	vst v63  }
0xda: {  	_ =	swait.ge [sflag:s12], $0x2000  }
0xdb: {  	(v2sf) =	vpush v5, $0x7;
	_ =	sdelay $0xe  }
0xdc: {  	s20 =	spop (v2sf)  }
0xdd: {  	s5 =	sand.u32 $0x7F, s20  }
0xde: {  	v6 =	vor.u32 s5, v0;
	_ =	sdelay $0x2  }
0xdf: {  	[sflag:s12] =	ssyncset.done $0x0  }
0xe0: {  	[sflag:s12] =	ssyncadd.s32 $0xFFFFE000  }
0xe1: {  	v6 =	vld.idx.msk [tilespmem:v6+s19+$0x0], $0xffff  }
0xe2: {  	v7 =	vor.u32 s5, v1;
	_ =	sdelay $0x3  }
0xe3: {  	[tilespmem:s8+$0x10480] =	vst v6  }
0xe4: {  	(v2sf) =	vpush v5, $0xF;
	v6 =	vld.idx.msk [tilespmem:v7+s19+$0x0], $0xffff  }
0xe5: {  	v5 =	vor.u32 s5, v2;
	_ =	sdelay $0x3  }
0xe6: {  	[tilespmem:s8+$0x10490] =	vst v6  }
0xe7: {  	v5 =	vld.idx.msk [tilespmem:v5+s19+$0x0], $0xffff  }
0xe8: {  	v6 =	vor.u32 s5, v3;
	_ =	sdelay $0x3  }
0xe9: {  	[tilespmem:s8+$0x104A0] =	vst v5  }
0xea: {  	v5 =	vld.idx.msk [tilespmem:v6+s19+$0x0], $0xffff;
	_ =	sdelay $0x2  }
0xeb: {  	s5 =	spop (v2sf)  }
0xec: {  	s4 =	sand.u32 $0x7F, s4;
	s20 =	sand.u32 $0xFFFFF80, s5  }
0xed: {  	s20 =	sadd.s32 s2, s20;
	[tilespmem:s8+$0x104B0] =	vst v5;
	v5 =	vor.u32 s4, v0  }
0xee: {  	[tilespmem:s19], [sflag:$0x8] =	stream.strided.gather [hbm4b:s20+s13], $0x2000, s11, s13, $0x38;
	[tilespmem:$0x14100] =	vst v63  }
0xef: {  	_ =	swait.ge [sflag:s21], $0x2000  }
0xf0: {  	[sflag:s21] =	ssyncset.done $0x0  }
0xf1: {  	[sflag:s21] =	ssyncadd.s32 $0xFFFFE000  }
0xf2: {  	v5 =	vld.idx.msk [tilespmem:v5+s22+$0x0], $0xffff  }
0xf3: {  	v6 =	vor.u32 s4, v1;
	_ =	sdelay $0x3  }
0xf4: {  	p0 =	seq.s32 s1, $0xF0;
	[tilespmem:s8+$0x10500] =	vst v5  }
0xf5: {  	(v2sf) =	vpush @!p0 v4, $0x0;
	v5 =	vld.idx.msk [tilespmem:v6+s22+$0x0], $0xffff  }
0xf6: {  	v6 =	vor.u32 s4, v2;
	_ =	sdelay $0x3  }
0xf7: {  	[tilespmem:s8+$0x10510] =	vst v5  }
0xf8: {  	v5 =	vld.idx.msk [tilespmem:v6+s22+$0x0], $0xffff  }
0xf9: {  	v6 =	vor.u32 s4, v3;
	_ =	sdelay $0x3  }
0xfa: {  	[tilespmem:s8+$0x10520] =	vst v5  }
0xfb: {  	v5 =	vld.idx.msk [tilespmem:v6+s22+$0x0], $0xffff;
	_ =	sdelay $0x2  }
0xfc: {  	s21 =	sand.u32 $0x7F, s29;
	s4 =	spop @!p0 (v2sf)  }
0xfd: {  	s29 =	simm.s32 @!p0 $0x7A1400;
	s4 =	sand.u32 @!p0 $0xFFFFF80, s4  }
0xfe: {  	s20 =	sadd.s32 @!p0 s2, s4;
	s4 =	simm.s32 @!p0 $0x400;
	s22 =	simm.s32 @!p0 $0x100;
	[tilespmem:s8+$0x10530] =	vst v5;
	v5 =	vor.u32 s21, v0  }
0xff: {  	[tilespmem:s22], [sflag:$0x1] =	stream.strided.gather @!p0 [hbm4b:s20+s4], $0x2000, s29, s4, $0x38;
	[tilespmem:$0x14100] =	vst v63  }
0x100: {  	_ =	swait.ge [sflag:s23], $0x2000  }
0x101: {  	[sflag:s23] =	ssyncset.done $0x0  }
0x102: {  	[sflag:s23] =	ssyncadd.s32 $0xFFFFE000  }
0x103: {  	v5 =	vld.idx.msk [tilespmem:v5+s14+$0x0], $0xffff  }
0x104: {  	v6 =	vor.u32 s21, v1;
	_ =	sdelay $0x3  }
0x105: {  	[tilespmem:s8+$0x10580] =	vst v5  }
0x106: {  	(v2sf) =	vpush @!p0 v4, $0x1;
	v5 =	vld.idx.msk [tilespmem:v6+s14+$0x0], $0xffff  }
0x107: {  	v6 =	vor.u32 s21, v2;
	_ =	sdelay $0x3  }
0x108: {  	[tilespmem:s8+$0x10590] =	vst v5  }
0x109: {  	v5 =	vld.idx.msk [tilespmem:v6+s14+$0x0], $0xffff  }
0x10a: {  	v6 =	vor.u32 s21, v3;
	_ =	sdelay $0x3  }
0x10b: {  	[tilespmem:s8+$0x105A0] =	vst v5  }
0x10c: {  	v5 =	vld.idx.msk [tilespmem:v6+s14+$0x0], $0xffff;
	_ =	sdelay $0x2  }
0x10d: {  	s20 =	spop @!p0 (v2sf)  }
0x10e: {  	s3 =	sand.u32 $0x7F, s3;
	s20 =	sand.u32 @!p0 $0xFFFFF80, s20  }
0x10f: {  	s21 =	simm.s32 @!p0 $0x2100;
	s20 =	sadd.s32 @!p0 s2, s20;
	[tilespmem:s8+$0x105B0] =	vst v5;
	v5 =	vor.u32 s3, v0  }
0x110: {  	[tilespmem:s21], [sflag:$0x2] =	stream.strided.gather @!p0 [hbm4b:s20+s4], $0x2000, s29, s4, $0x38;
	[tilespmem:$0x14100] =	vst v63  }
0x111: {  	_ =	swait.ge [sflag:s24], $0x2000  }
0x112: {  	[sflag:s24] =	ssyncset.done $0x0  }
0x113: {  	[sflag:s24] =	ssyncadd.s32 $0xFFFFE000  }
0x114: {  	v5 =	vld.idx.msk [tilespmem:v5+s15+$0x0], $0xffff  }
0x115: {  	v6 =	vor.u32 s3, v1;
	_ =	sdelay $0x3  }
0x116: {  	[tilespmem:s8+$0x10600] =	vst v5  }
0x117: {  	(v2sf) =	vpush @!p0 v4, $0x2;
	v5 =	vld.idx.msk [tilespmem:v6+s15+$0x0], $0xffff  }
0x118: {  	v6 =	vor.u32 s3, v2;
	_ =	sdelay $0x3  }
0x119: {  	[tilespmem:s8+$0x10610] =	vst v5  }
0x11a: {  	v5 =	vld.idx.msk [tilespmem:v6+s15+$0x0], $0xffff  }
0x11b: {  	v6 =	vor.u32 s3, v3;
	_ =	sdelay $0x3  }
0x11c: {  	[tilespmem:s8+$0x10620] =	vst v5  }
0x11d: {  	v5 =	vld.idx.msk [tilespmem:v6+s15+$0x0], $0xffff;
	_ =	sdelay $0x2  }
0x11e: {  	s3 =	spop @!p0 (v2sf)  }
0x11f: {  	s6 =	sand.u32 $0x7F, s6;
	s3 =	sand.u32 @!p0 $0xFFFFF80, s3  }
0x120: {  	s20 =	simm.s32 @!p0 $0x4100;
	s3 =	sadd.s32 @!p0 s2, s3;
	[tilespmem:s8+$0x10630] =	vst v5;
	v5 =	vor.u32 s6, v0  }
0x121: {  	[tilespmem:s20], [sflag:$0x3] =	stream.strided.gather @!p0 [hbm4b:s3+s4], $0x2000, s29, s4, $0x38;
	[tilespmem:$0x14100] =	vst v63  }
0x122: {  	_ =	swait.ge [sflag:s25], $0x2000  }
0x123: {  	[sflag:s25] =	ssyncset.done $0x0  }
0x124: {  	[sflag:s25] =	ssyncadd.s32 $0xFFFFE000  }
0x125: {  	v5 =	vld.idx.msk [tilespmem:v5+s16+$0x0], $0xffff  }
0x126: {  	v6 =	vor.u32 s6, v1;
	_ =	sdelay $0x3  }
0x127: {  	[tilespmem:s8+$0x10680] =	vst v5  }
0x128: {  	(v2sf) =	vpush @!p0 v4, $0x3;
	v5 =	vld.idx.msk [tilespmem:v6+s16+$0x0], $0xffff  }
0x129: {  	v6 =	vor.u32 s6, v2;
	_ =	sdelay $0x3  }
0x12a: {  	[tilespmem:s8+$0x10690] =	vst v5  }
0x12b: {  	v5 =	vld.idx.msk [tilespmem:v6+s16+$0x0], $0xffff  }
0x12c: {  	v6 =	vor.u32 s6, v3;
	_ =	sdelay $0x3  }
0x12d: {  	[tilespmem:s8+$0x106A0] =	vst v5  }
0x12e: {  	v5 =	vld.idx.msk [tilespmem:v6+s16+$0x0], $0xffff;
	_ =	sdelay $0x2  }
0x12f: {  	s3 =	spop @!p0 (v2sf)  }
0x130: {  	s20 =	sand.u32 $0x7F, s7;
	s3 =	sand.u32 @!p0 $0xFFFFF80, s3  }
0x131: {  	s7 =	simm.s32 @!p0 $0x6100;
	s3 =	sadd.s32 @!p0 s2, s3;
	[tilespmem:s8+$0x106B0] =	vst v5;
	v5 =	vor.u32 s20, v0  }
0x132: {  	[tilespmem:s7], [sflag:$0x4] =	stream.strided.gather @!p0 [hbm4b:s3+s4], $0x2000, s29, s4, $0x38;
	[tilespmem:$0x14100] =	vst v63  }
0x133: {  	_ =	swait.ge [sflag:s26], $0x2000  }
0x134: {  	[sflag:s26] =	ssyncset.done $0x0  }
0x135: {  	[sflag:s26] =	ssyncadd.s32 $0xFFFFE000  }
0x136: {  	v5 =	vld.idx.msk [tilespmem:v5+s17+$0x0], $0xffff  }
0x137: {  	v6 =	vor.u32 s20, v1;
	_ =	sdelay $0x3  }
0x138: {  	[tilespmem:s8+$0x10700] =	vst v5  }
0x139: {  	(v2sf) =	vpush @!p0 v4, $0x4;
	v5 =	vld.idx.msk [tilespmem:v6+s17+$0x0], $0xffff  }
0x13a: {  	v6 =	vor.u32 s20, v2;
	_ =	sdelay $0x3  }
0x13b: {  	[tilespmem:s8+$0x10710] =	vst v5  }
0x13c: {  	v5 =	vld.idx.msk [tilespmem:v6+s17+$0x0], $0xffff  }
0x13d: {  	v6 =	vor.u32 s20, v3;
	_ =	sdelay $0x3  }
0x13e: {  	[tilespmem:s8+$0x10720] =	vst v5  }
0x13f: {  	v5 =	vld.idx.msk [tilespmem:v6+s17+$0x0], $0xffff;
	_ =	sdelay $0x2  }
0x140: {  	s3 =	spop @!p0 (v2sf)  }
0x141: {  	s21 =	sand.u32 $0x7F, s10;
	s3 =	sand.u32 @!p0 $0xFFFFF80, s3  }
0x142: {  	s7 =	simm.s32 @!p0 $0x8100;
	s3 =	sadd.s32 @!p0 s2, s3;
	[tilespmem:s8+$0x10730] =	vst v5;
	v5 =	vor.u32 s21, v0  }
0x143: {  	[tilespmem:s7], [sflag:$0x5] =	stream.strided.gather @!p0 [hbm4b:s3+s4], $0x2000, s29, s4, $0x38;
	[tilespmem:$0x14100] =	vst v63  }
0x144: {  	_ =	swait.ge [sflag:s28], $0x2000  }
0x145: {  	[sflag:s28] =	ssyncset.done $0x0  }
0x146: {  	[sflag:s28] =	ssyncadd.s32 $0xFFFFE000  }
0x147: {  	v5 =	vld.idx.msk [tilespmem:v5+s18+$0x0], $0xffff  }
0x148: {  	v6 =	vor.u32 s21, v1;
	_ =	sdelay $0x3  }
0x149: {  	[tilespmem:s8+$0x10780] =	vst v5  }
0x14a: {  	(v2sf) =	vpush @!p0 v4, $0x5;
	v5 =	vld.idx.msk [tilespmem:v6+s18+$0x0], $0xffff  }
0x14b: {  	v6 =	vor.u32 s21, v2;
	_ =	sdelay $0x3  }
0x14c: {  	[tilespmem:s8+$0x10790] =	vst v5  }
0x14d: {  	v5 =	vld.idx.msk [tilespmem:v6+s18+$0x0], $0xffff  }
0x14e: {  	v6 =	vor.u32 s21, v3;
	_ =	sdelay $0x3  }
0x14f: {  	[tilespmem:s8+$0x107A0] =	vst v5  }
0x150: {  	v5 =	vld.idx.msk [tilespmem:v6+s18+$0x0], $0xffff;
	_ =	sdelay $0x2  }
0x151: {  	s3 =	spop @!p0 (v2sf)  }
0x152: {  	s30 =	sand.u32 $0x7F, s30;
	s3 =	sand.u32 @!p0 $0xFFFFF80, s3  }
0x153: {  	s7 =	simm.s32 @!p0 $0xA100;
	s3 =	sadd.s32 @!p0 s2, s3;
	[tilespmem:s8+$0x107B0] =	vst v5;
	v5 =	vor.u32 s30, v0  }
0x154: {  	[tilespmem:s7], [sflag:$0x6] =	stream.strided.gather @!p0 [hbm4b:s3+s4], $0x2000, s29, s4, $0x38;
	[tilespmem:$0x14100] =	vst v63  }
0x155: {  	_ =	swait.ge [sflag:s31], $0x2000  }
0x156: {  	[sflag:s31] =	ssyncset.done $0x0  }
0x157: {  	[sflag:s31] =	ssyncadd.s32 $0xFFFFE000  }
0x158: {  	v5 =	vld.idx.msk [tilespmem:v5+s9+$0x0], $0xffff  }
0x159: {  	v6 =	vor.u32 s30, v1;
	_ =	sdelay $0x3  }
0x15a: {  	[tilespmem:s8+$0x10800] =	vst v5  }
0x15b: {  	(v2sf) =	vpush @!p0 v4, $0x6;
	v5 =	vld.idx.msk [tilespmem:v6+s9+$0x0], $0xffff  }
0x15c: {  	v6 =	vor.u32 s30, v2;
	_ =	sdelay $0x3  }
0x15d: {  	[tilespmem:s8+$0x10810] =	vst v5  }
0x15e: {  	v5 =	vld.idx.msk [tilespmem:v6+s9+$0x0], $0xffff  }
0x15f: {  	v6 =	vor.u32 s30, v3;
	_ =	sdelay $0x3  }
0x160: {  	[tilespmem:s8+$0x10820] =	vst v5  }
0x161: {  	v5 =	vld.idx.msk [tilespmem:v6+s9+$0x0], $0xffff;
	_ =	sdelay $0x2  }
0x162: {  	s3 =	spop @!p0 (v2sf)  }
0x163: {  	s5 =	sand.u32 $0x7F, s5;
	s3 =	sand.u32 @!p0 $0xFFFFF80, s3  }
0x164: {  	s6 =	simm.s32 @!p0 $0xC100;
	s3 =	sadd.s32 @!p0 s2, s3;
	[tilespmem:s8+$0x10830] =	vst v5;
	v5 =	vor.u32 s5, v0  }
0x165: {  	[tilespmem:s6], [sflag:$0x7] =	stream.strided.gather @!p0 [hbm4b:s3+s4], $0x2000, s29, s4, $0x38;
	[tilespmem:$0x14100] =	vst v63  }
0x166: {  	_ =	swait.ge [sflag:s12], $0x2000  }
0x167: {  	[sflag:s12] =	ssyncset.done $0x0  }
0x168: {  	[sflag:s12] =	ssyncadd.s32 $0xFFFFE000  }
0x169: {  	v5 =	vld.idx.msk [tilespmem:v5+s19+$0x0], $0xffff  }
0x16a: {  	v6 =	vor.u32 s5, v1;
	_ =	sdelay $0x3  }
0x16b: {  	[tilespmem:s8+$0x10880] =	vst v5  }
0x16c: {  	v5 =	vld.idx.msk [tilespmem:v6+s19+$0x0], $0xffff  }
0x16d: {  	v6 =	vor.u32 s5, v2;
	_ =	sdelay $0x3  }
0x16e: {  	[tilespmem:s8+$0x10890] =	vst v5  }
0x16f: {  	v5 =	vld.idx.msk [tilespmem:v6+s19+$0x0], $0xffff  }
0x170: {  	v6 =	vor.u32 s5, v3;
	_ =	sdelay $0x3  }
0x171: {  	[tilespmem:s8+$0x108A0] =	vst v5  }
0x172: {  	v5 =	vld.idx.msk [tilespmem:v6+s19+$0x0], $0xffff  }
.Ltmp2:
0x173: {  	_ = 	snop;
	(pc) =	sbr.rel @p0 .LBB2_4-.Ltmp2, $4  }
0x174: {  	_ = 	snop  }
0x175: {  	s1 =	simm.s32 $0x7A1400;
	s11 =	simm.s32 $0x400;
	s13 =	simm.s32 $0x100  }
0x176: {  	s22 =	simm.s32 $0x2100;
	s14 =	simm.s32 $0x4100;
	s10 =	simm.s32 $0xA100  }
0x177: {  	s15 =	simm.s32 $0x6100;
	s16 =	simm.s32 $0x8100;
	s7 =	simm.s32 $0xC100;
	[tilespmem:s8+$0x108B0] =	vst v5  }
0x178: {  	(v2sf) =	vpush v4, $0x7;
	_ =	sdelay $0xe  }
0x179: {  	s3 =	spop (v2sf)  }
0x17a: {  	s3 =	sand.u32 $0xFFFFF80, s3  }
0x17b: {  	p0 =	sne.s32 s0, $0x3800;
	s3 =	sadd.s32 s2, s3  }
0x17c: {  	[tilespmem:s19], [sflag:$0x8] =	stream.strided.gather [hbm4b:s3+s11], $0x2000, s1, s11, $0x38;
	[tilespmem:$0x14100] =	vst v63  }
0x17d: {  	s5 =	rddreg [dreg:$0x4];
	s4 =	simm.s32 @!p0 $0x10100;
	s3 =	simm.s32 @!p0 $0x0  }
0x17e: {  	[hbm4b:s5+s3] =	stream.linear.scatter @!p0 [tilespmem:s4], [sflag:$0xA], $0x4000, $0x38;
	[tilespmem:$0x14100] =	vst v63  }
.Ltmp3:
0x17f: {  	s3 =	simm.s32 @!p0 $0xA;
	(pc) =	sbr.rel .LBB2_2-.Ltmp3, $4  }
0x180: {  	s6 =	sadd.s32 $0x800, s0;
	_ =	swait.ge @!p0 [sflag:s3], $0x4000  }
0x181: {  	s13 =	simm.s32 $0x400;
	s11 =	simm.s32 $0x7A1400;
	s29 =	rddreg [dreg:$0x8]  }
0x182: {  	[sflag:s3] =	ssyncset.done @!p0 $0x0;
	s30 =	rddreg [dreg:$0x9];
	s1 =	sadd.s32 $0x10, s29  }
0x183: {  	[sflag:s3] =	ssyncadd.s32 @!p0 $0xFFFFC000;
	[dreg:$0x8] =	wrdreg s1;
	s1 =	sadd.s32 $0x10, s30  }
.LBB2_5:
0x184: {  	_ =	sfence.sel $0x180000  }
0x185: {  	[bflag:$0x0] =	sbarrier.arrive $0xFFFF  }
0x186: {  	_ =	strace $0x9000004A  }
0x187: {  	s0 =	stileid.u32;
	[bflag:$0x2] =	sbarrier.arrive $0xFFFF  }
0x188: {  	p0 =	sne.s32 s0, $0x0;
	s0 =	rddreg [dreg:$0x2]  }
0x189: {  	s0 =	sadd.s32 @!p0 $0x100000, s0  }
0x18a: {  	[sflag:s0] =	ssyncadd.tile.s32 @!p0 $0x1;
	_ =	shalt  }
.Lfunc_end2:
_tile_overlayer_lowered:
.L_overlay_start_2:
0x18b: {  	(tag) =	ssettag $0x2  }
0x18c: {  	s0 =	rddreg [dreg:$0x0];
	s2 =	stileid.u32  }
0x18d: {  	s1 =	rddreg [dreg:$0x1];
	p0 =	sne.s32 s2, $0x0  }
0x18e: {  	s3 =	rddreg [dreg:$0x2];
	[bflag:$0x3] =	sbarrier.arrive $0xFFFF;
	s2 =	simm.s32 @!p0 $0x1C09  }
0x18f: {  	[timem:s3], [sflag:s2] =	dma.local @!p0 [hbm:s0], s1  }
0x190: {  	s0 =	simm.s32 @!p0 $0x9  }
0x191: {  	_ =	swait.ge @!p0 [sflag:s0], s1  }
0x192: {  	s1 =	ssub.s32 @!p0 $0x0, s1;
	[sflag:s0] =	ssyncset.done @!p0 $0x0  }
0x193: {  	[sflag:s0] =	ssyncadd.s32 @!p0 s1  }
0x194: {  	[bflag:$0x3] =	sbarrier.arrive $0xFFFF  }
0x195: {  	_ =	shalt  }

// kernel: kernel.9.cloned.1.call-start
scs
__scs_entry_jumppad:
0x0: {  	(pc) =	sbr.rel $0x88, $3  }
0x1: {  	(tag) =	ssettag $0x0;
	lr =	simm.s32 $0x1  }
0x2: {  	[smem:$0x3F96] =	sst lr;
	_ =	strace $0xD0000000  }
0x3: {  	_ = 	snop  }
0x4: {  	_ = 	snop  }
0x5: {  	_ = 	snop  }
0x6: {  	_ = 	snop  }
0x7: {  	_ = 	snop  }
__scs_overlays_trampoline_lowered:
0x8: {  	[smem:$0x3FA5] =	sst s0  }
0x9: {  	[smem:$0x3FA6] =	sst s1  }
0xa: {  	[smem:$0x3FA7] =	sst s2  }
0xb: {  	[smem:$0x3FA8] =	sst s3  }
0xc: {  	[smem:$0x3FA9] =	sst s4  }
0xd: {  	[smem:$0x3FAA] =	sst s5  }
0xe: {  	[smem:$0x3FAB] =	sst s6  }
0xf: {  	[smem:$0x3FAC] =	sst s7  }
0x10: {  	[smem:$0x3FAD] =	sst s8  }
0x11: {  	[smem:$0x3FAE] =	sst s9;
	s0 =	simm.s32 @!p0 $0x0  }
0x12: {  	s1 =	sld [smem:$0x3F94];
	s0 =	simm.s32 @p0 $0x1  }
0x13: {  	[smem:$0x3FAF] =	sst s0;
	s0 =	simm.s32 @!p1 $0x0  }
0x14: {  	s2 =	sld [smem:$0x3F93];
	s0 =	simm.s32 @p1 $0x1  }
0x15: {  	[smem:$0x3FB0] =	sst s0;
	s0 =	simm.s32 @!p2 $0x0  }
0x16: {  	s3 =	sld [smem:$0x3FDB];
	s0 =	simm.s32 @p2 $0x1  }
0x17: {  	s4 =	simm.s32 $0x1BF5;
	[smem:$0x3FB2] =	sst s0  }
0x18: {  	s0 =	sld [smem:$0x3F95];
	_ =	swait.ge [sflag:s4], $0x0  }
0x19: {  	s7 =	sld [smem:$0x3F96]  }
0x1a: {  	s8 =	sadd.s32 $0xFFFFE003, lr  }
0x1b: {  	s9 =	sadd.s32 $0xFFFFFEF7, lr;
	s5 =	simm.s32 $0xFFFFFFFF;
	p2 =	slt.u32 s8, $0xFFFFF086  }
0x1c: {  	p1 =	slt.u32 s9, $0xF7A;
	s5 =	simm.s32 @!p2 $0x0  }
0x1d: {  	s5 =	simm.s32 @p1 $0x1;
	p0 =	seq.s32 s7, s2  }
0x1e: {  	s7 =	smul.u32 @!p0 $0xF7A, s2;
	p2 =	seq.s32 @!p0 s5, $0x0  }
0x1f: {  	s9 =	smul.u32 $0xF7A, s1;
	s8 =	simm.s32 @!p0 $0x1BF5;
	p2 =	por !p2, p0  }
0x20: {  	[sflag:s8] =	ssyncset.s32 @!p0 $0xFFFFF086;
	s6 =	sadd.s32 @!p0 s3, s7;
	s7 =	simm.s32 @!p0 $0x108  }
0x21: {  	s3 =	sadd.s32 s3, s9;
	s6 =	sadd.s32 @!p0 $0x88, s6;
	s7 =	simm.s32 @p2 $0x1082  }
0x22: {  	[simem:s7], [sflag:s8] =	dma.local @!p0 [hbm:s6], $0xF7A  }
0x23: {  	s9 =	sor.u32 $0xD0000000, s2;
	s6 =	simm.s32 $0x108;
	_ =	swait.ge @!p0 [sflag:s8], $0x0  }
0x24: {  	s3 =	sadd.s32 $0x88, s3;
	s6 =	simm.s32 @!p1 $0x1082;
	[sflag:s4] =	ssyncset.s32 $0xFFFFF086  }
0x25: {  	[simem:s6], [sflag:s4] =	dma.local [hbm:s3], $0xF7A  }
0x26: {  	[smem:$0x3F96] =	sst s1;
	(tag) =	ssettag s2;
	_ =	strace s9  }
0x27: {  	s1 =	sld [smem:$0x3FA6]  }
0x28: {  	s2 =	sld [smem:$0x3FA7]  }
0x29: {  	s4 =	sld [smem:$0x3FA9]  }
0x2a: {  	p0 =	seq.s32 s5, $0x0;
	s5 =	sld [smem:$0x3FAA]  }
0x2b: {  	s6 =	sld [smem:$0x3FAB]  }
0x2c: {  	s7 =	sld [smem:$0x3FAC]  }
0x2d: {  	s3 =	simm.s32 $0x108;
	s8 =	sld [smem:$0x3FAD]  }
0x2e: {  	s3 =	simm.s32 @!p0 $0x1082;
	s9 =	sld [smem:$0x3FAE]  }
0x2f: {  	lr =	sadd.s32 s0, s3;
	s0 =	sld [smem:$0x3FA5]  }
0x30: {  	s3 =	sld [smem:$0x3FA8]  }
0x31: {  	[smem:$0x3FB1] =	sst s10  }
0x32: {  	s10 =	sld [smem:$0x3FAF];
	_ =	sdelay $0x3  }
0x33: {  	p0 =	seq.s32 s10, $0x1;
	s10 =	sld [smem:$0x3FB1];
	_ =	sdelay $0x3  }
0x34: {  	[smem:$0x3FB1] =	sst s10  }
0x35: {  	s10 =	sld [smem:$0x3FB0];
	_ =	sdelay $0x3  }
0x36: {  	p1 =	seq.s32 s10, $0x1;
	s10 =	sld [smem:$0x3FB1];
	_ =	sdelay $0x3  }
0x37: {  	[smem:$0x3FB1] =	sst s10  }
0x38: {  	s10 =	sld [smem:$0x3FB2]  }
0x39: {  	_ = 	snop;
	(pc) =	sbr.ind lr, $3  }
0x3a: {  	_ = 	snop  }
0x3b: {  	_ = 	snop  }
0x3c: {  	p2 =	seq.s32 s10, $0x1;
	s10 =	sld [smem:$0x3FB1]  }
0x3d: {  	_ =	shalt  }
0x3e: {  	_ =	shalt  }
0x3f: {  	_ =	shalt  }
0x40: {  	_ =	shalt  }
0x41: {  	_ =	shalt  }
0x42: {  	_ =	shalt  }
0x43: {  	_ =	shalt  }
0x44: {  	_ =	shalt  }
0x45: {  	_ =	shalt  }
0x46: {  	_ =	shalt  }
0x47: {  	_ =	shalt  }
0x48: {  	_ =	shalt  }
0x49: {  	_ =	shalt  }
0x4a: {  	_ =	shalt  }
0x4b: {  	_ =	shalt  }
0x4c: {  	_ =	shalt  }
0x4d: {  	_ =	shalt  }
0x4e: {  	_ =	shalt  }
0x4f: {  	_ =	shalt  }
0x50: {  	_ =	shalt  }
0x51: {  	_ =	shalt  }
0x52: {  	_ =	shalt  }
0x53: {  	_ =	shalt  }
0x54: {  	_ =	shalt  }
0x55: {  	_ =	shalt  }
0x56: {  	_ =	shalt  }
0x57: {  	_ =	shalt  }
0x58: {  	_ =	shalt  }
0x59: {  	_ =	shalt  }
0x5a: {  	_ =	shalt  }
0x5b: {  	_ =	shalt  }
0x5c: {  	_ =	shalt  }
0x5d: {  	_ =	shalt  }
0x5e: {  	_ =	shalt  }
0x5f: {  	_ =	shalt  }
0x60: {  	_ =	shalt  }
0x61: {  	_ =	shalt  }
0x62: {  	_ =	shalt  }
0x63: {  	_ =	shalt  }
0x64: {  	_ =	shalt  }
0x65: {  	_ =	shalt  }
0x66: {  	_ =	shalt  }
0x67: {  	_ =	shalt  }
0x68: {  	_ =	shalt  }
0x69: {  	_ =	shalt  }
0x6a: {  	_ =	shalt  }
0x6b: {  	_ =	shalt  }
0x6c: {  	_ =	shalt  }
0x6d: {  	_ =	shalt  }
0x6e: {  	_ =	shalt  }
0x6f: {  	_ =	shalt  }
0x70: {  	_ =	shalt  }
0x71: {  	_ =	shalt  }
0x72: {  	_ =	shalt  }
0x73: {  	_ =	shalt  }
0x74: {  	_ =	shalt  }
0x75: {  	_ =	shalt  }
0x76: {  	_ =	shalt  }
0x77: {  	_ =	shalt  }
0x78: {  	_ =	shalt  }
0x79: {  	_ =	shalt  }
0x7a: {  	_ =	shalt  }
0x7b: {  	_ =	shalt  }
0x7c: {  	_ =	shalt  }
0x7d: {  	_ =	shalt  }
0x7e: {  	_ =	shalt  }
0x7f: {  	_ =	shalt  }
0x80: {  	_ =	shalt  }
0x81: {  	_ =	shalt  }
0x82: {  	_ =	shalt  }
0x83: {  	_ =	shalt  }
0x84: {  	_ =	shalt  }
0x85: {  	_ =	shalt  }
0x86: {  	_ =	shalt  }
0x87: {  	_ =	shalt  }
.Lfunc_end0:
.L_simem_size_0:
called_computation.1_lowered:
.L_overlay_start_0:
0x88: {  	s2 =	sld [smem:$0x3FD9]  }
0x89: {  	s3 =	sld [smem:$0x3FFE];
	_ =	sdelay $0x1  }
0x8a: {  	s1 =	srdreg.scid  }
0x8b: {  	s0 =	sand.u32 $0x1, s1  }
0x8c: {  	s17 =	sshll.u32 s0, $0xA;
	s2 =	sadd.s32 s3, s2  }
0x8d: {  	s2 =	sadd.s32 s2, s17  }
0x8e: {  	[smem:$0x3FBD] =	sst s2  }
0x8f: {  	_ = 	snop  }
0x90: {  	s2 =	sld [smem:$0x3FC7]  }
0x91: {  	s18 =	sld [smem:$0x3FD0];
	(tm) =	ssettm $0x1  }
0x92: {  	s4 =	sld [smem:$0x3FFB];
	_ =	sdelay $0x3  }
0x93: {  	_ =	strace s4  }
0x94: {  	s4 =	sld [smem:$0x3FFC];
	_ =	sdelay $0x3  }
0x95: {  	_ =	strace s4  }
0x96: {  	s4 =	sld [smem:$0x3FFD];
	_ =	sdelay $0x3  }
0x97: {  	_ =	strace s4  }
0x98: {  	_ =	strace $0x8FFFFFFF  }
0x99: {  	s19 =	sld [smem:$0x3FDB];
	_ =	sdelay $0x1  }
0x9a: {  	s5 =	simm.s32 $_scs_section_size  }
0x9b: {  	s6 =	simm.s32 $_size__tile_overlayer_lowered;
	s7 =	simm.s32 $_tile_overlayer_lowered  }
0x9c: {  	s22 =	simm.s32 $0x1BFF;
	s21 =	sshll.u32 s7, $0x1;
	s4 =	sadd.s32 s5, s19  }
0x9d: {  	s8 =	simm.s32 $0x0;
	s20 =	sshll.u32 s6, $0x1;
	s6 =	sadd.s32 s21, s4  }
0x9e: {  	[timem:s8], [sflag:s22] =	dma.local [hbm:s6], s20  }
0x9f: {  	_ =	swait.ge [sflag:s22], s20  }
0xa0: {  	s5 =	ssub.s32 $0x0, s20;
	[sflag:s22] =	ssyncset.done $0x0  }
0xa1: {  	[sflag:s22] =	ssyncadd.s32 s5;
	_ =	sdelay $0x1  }
0xa2: {  	s23 =	simm.s32 $0x1B8B  }
0xa3: {  	_ =	swait.ge [sflag:s23], $0x1  }
0xa4: {  	[sflag:s23] =	ssyncset.done $0x0  }
0xa5: {  	s25 =	simm.s32 $0x1B8E;
	s24 =	sld [smem:$0x3FFE];
	[sflag:s23] =	ssyncadd.s32 $0xFFFFFFFF  }
0xa6: {  	s26 =	simm.s32 $execute0_lowered;
	[smem:$0x3FD2] =	sst s25  }
0xa7: {  	s6 =	sshll.u32 s26, $0x1;
	_ =	strace $0x80000046;
	[dreg:$0x1] =	wrdreg $0xFFFFFFFF  }
0xa8: {  	s28 =	simm.s32 $_size_execute0_lowered;
	s4 =	sadd.s32 s4, s6;
	[dreg:$0x0] =	wrdreg $0x0  }
0xa9: {  	s6 =	sshll.u32 s28, $0x1;
	[dreg:$0x2] =	wrdreg s4  }
0xaa: {  	[dreg:$0x3] =	wrdreg s6  }
0xab: {  	[dreg:$0x4] =	wrdreg $0xC0  }
0xac: {  	_ =	task [dreg:s8], $0x5FFFF  }
0xad: {  	[dreg:$0x1] =	wrdreg $0xFFFFFFFF  }
0xae: {  	[dreg:$0x0] =	wrdreg $0x60  }
0xaf: {  	[dreg:$0x2] =	wrdreg s18  }
0xb0: {  	[dreg:$0x3] =	wrdreg s2  }
0xb1: {  	[dreg:$0x4] =	wrdreg s24  }
0xb2: {  	[dreg:$0x5] =	wrdreg $0xA  }
0xb3: {  	_ =	task.clear_ibuf [dreg:s8], $0x6FFFF;
	_ =	strace $0x90000046  }
0xb4: {  	s29 =	simm.s32 $0xA;
	_ =	strace $0x80000048  }
0xb5: {  	_ =	swait.ge [sflag:s29], $0x1  }
0xb6: {  	[sflag:s29] =	ssyncadd.s32 $0xFFFFFFFF  }
0xb7: {  	_ =	strace $0x90000048  }
0xb8: {  	_ =	sfence  }
0xb9: {  	s30 =	sld [smem:$0x0];
	_ =	sdelay $0x2  }
0xba: {  	s31 =	sshll.u32 s1, $0xD;
	s1 =	sshrl.u32 s1, $0x2  }
0xbb: {  	s3 =	sand.u32 $0x4000, s31;
	s1 =	sadd.s32 s1, s30  }
0xbc: {  	s0 =	sor.u32 s3, s0;
	s1 =	sshll.u32 s1, $0x11  }
0xbd: {  	s0 =	sor.u32 s1, s0  }
0xbe: {  	s0 =	sadd.s32 $0x8F2B, s0  }
0xbf: {  	[sflag:s0] =	ssyncadd.remote.s32 $0x1  }
0xc0: {  	_ =	sfence.sel $0xFFFF  }
0xc1: {  	[dreg:$0x0] =	wrdreg $0xFFFFFFFF;
	(pc) =	sbr.abs _section_cstart, $3  }
0xc2: {  	[dreg:$0x1] =	wrdreg $0xFFFFFFFF  }
0xc3: {  	_ =	task.clear_ibuf [dreg:s8], $0x2FFFF;
	_ =	strace $0x9FFFFFFF  }
0xc4: {  	(tm) =	ssettm $0x7FFFFFFF  }
0xc5: {  	_ =	shalt  }
tec
execute0_lowered:
.L_overlay_start_1:
0x0: {  	(tag) =	ssettag $0x1  }
0x1: {  	s0 =	rddreg [dreg:$0x0]  }
0x2: {  	s2 =	rddreg [dreg:$0x1];
	s1 =	srdreg.scid  }
0x3: {  	s6 =	stileid.u32;
	s3 =	rddreg [dreg:$0x2]  }
0x4: {  	s7 =	simm.s32 $0x0;
	s11 =	simm.s32 $0x7A1400;
	s13 =	simm.s32 $0x100  }
0x5: {  	s22 =	simm.s32 $0x2100;
	s14 =	simm.s32 $0x4100;
	s15 =	simm.s32 $0x6100  }
0x6: {  	s16 =	simm.s32 $0x8100;
	s10 =	simm.s32 $0xA100;
	s17 =	simm.s32 $0xC100  }
0x7: {  	s19 =	simm.s32 $0xE100;
	s23 =	simm.s32 $0x2;
	s28 =	simm.s32 $0x6  }
0x8: {  	s18 =	simm.s32 $0xA100;
	s31 =	simm.s32 $0x7;
	s9 =	simm.s32 $0xC100  }
0x9: {  	s12 =	simm.s32 $0x8;
	s1 =	sand.u32 $0x1, s1;
	s4 =	sshll.u32 s6, $0x1  }
0xa: {  	[smem:$0x7FF] =	sst s7;
	s24 =	sshll.u32 s6, $0x6;
	s4 =	sor.u32 s1, s4  }
0xb: {  	_ =	strace $0x80000047;
	s1 =	ssub.s32 $0x2, s1;
	s5 =	sshll.u32 s4, $0xC  }
0xc: {  	s4 =	sshll.u32 s4, $0x4;
	s25 =	sshrl.u32 s1, $0x1;
	s3 =	sadd.s32 s5, s3  }
0xd: {  	s5 =	sand.u32 $0x300, s24;
	s4 =	sand.u32 $0x70, s4;
	s1 =	ssub.s32 s1, s25  }
.Ltmp0:
0xe: {  	s24 =	simm.s32 $0x3;
	s26 =	sadd.s32 $0x2200, s3;
	(pc) =	sbr.rel .LBB2_1-.Ltmp0, $4  }
0xf: {  	v0 =	vlaneseq.u32;
	s25 =	simm.s32 $0x4;
	s29 =	sadd.s32 $0x2A00, s3;
	[dreg:$0x5] =	wrdreg s26  }
0x10: {  	v0 =	vmul.u32 $0x80, v0;
	s0 =	sadd.s32 s0, s5;
	s30 =	smax.u32 s1, $0x1;
	[dreg:$0x6] =	wrdreg s29  }
0x11: {  	s3 =	simm.s32 $0x9;
	s0 =	sadd.s32 s4, s0;
	[dreg:$0x7] =	wrdreg s30  }
0x12: {  	v1 =	vor.u32 $0x800, v0;
	v2 =	vor.u32 $0x1000, v0;
	v3 =	vor.u32 $0x1800, v0;
	s1 =	simm.s32 $0x0;
	s26 =	simm.s32 $0x5;
	[dreg:$0x4] =	wrdreg s0  }
.LBB2_4:
0x13: {  	s7 =	simm.s32 $0x0  }
0x14: {  	s0 =	rddreg [dreg:$0x6];
	s1 =	simm.s32 $0x10100;
	s3 =	simm.s32 $0x9  }
0x15: {  	[hbm4b:s0+s7] =	stream.linear.scatter [tilespmem:s1], [sflag:$0x9], $0x4000, $0x38;
	[tilespmem:$0x14100] =	vst v63  }
0x16: {  	_ =	swait.ge [sflag:s3], $0x4000  }
0x17: {  	s29 =	rddreg [dreg:$0x8]  }
0x18: {  	s30 =	rddreg [dreg:$0x7];
	s1 =	sadd.s32 $0x1, s29  }
0x19: {  	p0 =	sne.s32 s1, s30  }
.Ltmp1:
0x1a: {  	_ = 	snop;
	(pc) =	sbr.rel @!p0 .LBB2_5-.Ltmp1, $3  }
0x1b: {  	_ =	sdelay $0x1  }
0x1c: {  	[sflag:s3] =	ssyncset.done $0x0  }
0x1d: {  	s11 =	simm.s32 $0x7A1400;
	[sflag:s3] =	ssyncadd.s32 $0xFFFFC000  }
.LBB2_1:
0x1e: {  	[dreg:$0x8] =	wrdreg s1  }
0x1f: {  	s0 =	rddreg [dreg:$0x4];
	s30 =	simm.s32 $0x80;
	s4 =	simm.s32 $0x400  }
0x20: {  	[tilespmem:s7], [sflag:$0x9] =	stream.strided.gather [hbm4b:s0+s30], $0x100, s4, s30, $0x38;
	[tilespmem:$0x14100] =	vst v63  }
0x21: {  	_ =	swait.ge [sflag:s3], $0x100  }
0x22: {  	[sflag:s3] =	ssyncset.done $0x0  }
0x23: {  	[sflag:s3] =	ssyncadd.s32 $0xFFFFFF00  }
0x24: {  	v4 =	vld [tilespmem:$0x0];
	_ =	sdelay $0x4  }
0x25: {  	(v2sf) =	vpush v4, $0x0;
	_ =	sdelay $0x3  }
0x26: {  	(v2sf) =	vpush v4, $0x1;
	_ =	sdelay $0x2  }
0x27: {  	(v2sf) =	vpush v4, $0x2;
	_ =	sdelay $0x2  }
0x28: {  	(v2sf) =	vpush v4, $0x3  }
0x29: {  	(v2sf) =	vpush v4, $0x4;
	_ =	sdelay $0x3  }
0x2a: {  	s3 =	spop (v2sf)  }
0x2b: {  	s0 =	sand.u32 $0xFFFFF80, s3  }
0x2c: {  	(v2sf) =	vpush v4, $0x5;
	s0 =	sadd.s32 s2, s0  }
0x2d: {  	[tilespmem:s13], [sflag:$0x1] =	stream.strided.gather [hbm4b:s0+s4], $0x2000, s11, s4, $0x38;
	[tilespmem:$0x14100] =	vst v63  }
0x2e: {  	s4 =	spop (v2sf);
	(v2sf) =	vpush v4, $0x6;
	_ =	sdelay $0x2  }
0x2f: {  	s0 =	sand.u32 $0xFFFFF80, s4;
	s5 =	spop (v2sf);
	(v2sf) =	vpush v4, $0x7  }
0x30: {  	s13 =	simm.s32 $0x400;
	s0 =	sadd.s32 s2, s0  }
0x31: {  	[tilespmem:s22], [sflag:$0x2] =	stream.strided.gather [hbm4b:s0+s13], $0x2000, s11, s13, $0x38;
	[tilespmem:$0x14100] =	vst v63  }
0x32: {  	s6 =	spop (v2sf);
	s0 =	sand.u32 $0xFFFFF80, s5  }
0x33: {  	s7 =	sand.u32 $0xFFFFF80, s6;
	s8 =	spop (v2sf);
	s0 =	sadd.s32 s2, s0  }
0x34: {  	[tilespmem:s14], [sflag:$0x3] =	stream.strided.gather [hbm4b:s0+s13], $0x2000, s11, s13, $0x38;
	[tilespmem:$0x14100] =	vst v63  }
0x35: {  	s0 =	sadd.s32 s2, s7;
	s14 =	sand.u32 $0xFFFFF80, s8  }
0x36: {  	[tilespmem:s15], [sflag:$0x4] =	stream.strided.gather [hbm4b:s0+s13], $0x2000, s11, s13, $0x38;
	[tilespmem:$0x14100] =	vst v63  }
0x37: {  	s0 =	sadd.s32 s2, s14  }
0x38: {  	[tilespmem:s16], [sflag:$0x5] =	stream.strided.gather [hbm4b:s0+s13], $0x2000, s11, s13, $0x38;
	[tilespmem:$0x14100] =	vst v63  }
0x39: {  	s15 =	spop (v2sf)  }
0x3a: {  	s20 =	sand.u32 $0xFFFFF80, s15  }
0x3b: {  	s0 =	sadd.s32 s2, s20;
	s21 =	spop (v2sf)  }
0x3c: {  	[tilespmem:s10], [sflag:$0x6] =	stream.strided.gather [hbm4b:s0+s13], $0x2000, s11, s13, $0x38;
	[tilespmem:$0x14100] =	vst v63  }
0x3d: {  	s22 =	sand.u32 $0xFFFFF80, s21  }
0x3e: {  	s29 =	spop (v2sf);
	s0 =	sadd.s32 s2, s22  }
0x3f: {  	[tilespmem:s17], [sflag:$0x7] =	stream.strided.gather [hbm4b:s0+s13], $0x2000, s11, s13, $0x38;
	[tilespmem:$0x14100] =	vst v63  }
0x40: {  	s0 =	sand.u32 $0xFFFFF80, s29  }
0x41: {  	s30 =	simm.s32 $0x0;
	s0 =	sadd.s32 s2, s0  }
0x42: {  	[tilespmem:s19], [sflag:$0x8] =	stream.strided.gather [hbm4b:s0+s13], $0x2000, s11, s13, $0x38;
	[tilespmem:$0x14100] =	vst v63  }
0x43: {  	[dreg:$0x9] =	wrdreg s30;
	s6 =	simm.s32 $0x0;
	s0 =	simm.s32 $0x0  }
.LBB2_2:
0x44: {  	v5 =	vld [tilespmem:s0+$0x0]  }
0x45: {  	[dreg:$0xa] =	wrdreg s0  }
0x46: {  	s0 =	rddreg [dreg:$0x9]  }
0x47: {  	s21 =	simm.s32 $0x1;
	s3 =	smin.u32 s0, $0xE0  }
0x48: {  	v4 =	vld [tilespmem:s3+$0x10];
	_ =	swait.ge [sflag:s21], $0x2000  }
0x49: {  	(v2sf) =	vpush v5, $0x0;
	_ =	sdelay $0xe  }
0x4a: {  	s5 =	spop (v2sf)  }
0x4b: {  	s3 =	sand.u32 $0x7F, s5  }
0x4c: {  	v6 =	vor.u32 s3, v0;
	_ =	sdelay $0x2  }
0x4d: {  	[sflag:s21] =	ssyncset.done $0x0  }
0x4e: {  	s22 =	simm.s32 $0x100;
	[sflag:s21] =	ssyncadd.s32 $0xFFFFE000  }
0x4f: {  	v6 =	vld.idx.msk [tilespmem:v6+s22+$0x0], $0xffff  }
0x50: {  	v7 =	vor.u32 s3, v1;
	_ =	sdelay $0x2  }
0x51: {  	s8 =	sand.u32 $0x3800, s6  }
0x52: {  	[tilespmem:s8+$0x10100] =	vst v6  }
0x53: {  	(v2sf) =	vpush v5, $0x8;
	v6 =	vld.idx.msk [tilespmem:v7+s22+$0x0], $0xffff  }
0x54: {  	v7 =	vor.u32 s3, v2;
	_ =	sdelay $0x3  }
0x55: {  	[tilespmem:s8+$0x10110] =	vst v6  }
0x56: {  	v6 =	vld.idx.msk [tilespmem:v7+s22+$0x0], $0xffff  }
0x57: {  	v7 =	vor.u32 s3, v3;
	_ =	sdelay $0x3  }
0x58: {  	[tilespmem:s8+$0x10120] =	vst v6  }
0x59: {  	v6 =	vld.idx.msk [tilespmem:v7+s22+$0x0], $0xffff;
	_ =	sdelay $0x2  }
0x5a: {  	s4 =	spop (v2sf)  }
0x5b: {  	s1 =	smov.u32 s6;
	s6 =	sand.u32 $0xFFFFF80, s4  }
0x5c: {  	s3 =	sadd.s32 s2, s6;
	[tilespmem:s8+$0x10130] =	vst v6  }
0x5d: {  	[tilespmem:s22], [sflag:$0x1] =	stream.strided.gather [hbm4b:s3+s13], $0x2000, s11, s13, $0x38;
	[tilespmem:$0x14100] =	vst v63  }
0x5e: {  	_ =	swait.ge [sflag:s23], $0x2000  }
0x5f: {  	(v2sf) =	vpush v5, $0x1;
	_ =	sdelay $0xe  }
0x60: {  	s7 =	spop (v2sf)  }
0x61: {  	s3 =	sand.u32 $0x7F, s7  }
0x62: {  	v6 =	vor.u32 s3, v0;
	_ =	sdelay $0x2  }
0x63: {  	[sflag:s23] =	ssyncset.done $0x0  }
0x64: {  	s14 =	simm.s32 $0x2100;
	[sflag:s23] =	ssyncadd.s32 $0xFFFFE000  }
0x65: {  	v6 =	vld.idx.msk [tilespmem:v6+s14+$0x0], $0xffff  }
0x66: {  	v7 =	vor.u32 s3, v1;
	_ =	sdelay $0x3  }
0x67: {  	[tilespmem:s8+$0x10180] =	vst v6  }
0x68: {  	(v2sf) =	vpush v5, $0x9;
	v6 =	vld.idx.msk [tilespmem:v7+s14+$0x0], $0xffff  }
0x69: {  	v7 =	vor.u32 s3, v2;
	_ =	sdelay $0x3  }
0x6a: {  	[tilespmem:s8+$0x10190] =	vst v6  }
0x6b: {  	v6 =	vld.idx.msk [tilespmem:v7+s14+$0x0], $0xffff  }
0x6c: {  	v7 =	vor.u32 s3, v3;
	_ =	sdelay $0x3  }
0x6d: {  	[tilespmem:s8+$0x101A0] =	vst v6  }
0x6e: {  	v6 =	vld.idx.msk [tilespmem:v7+s14+$0x0], $0xffff;
	_ =	sdelay $0x2  }
0x6f: {  	s29 =	spop (v2sf)  }
0x70: {  	s10 =	sand.u32 $0xFFFFF80, s29  }
0x71: {  	s3 =	sadd.s32 s2, s10;
	[tilespmem:s8+$0x101B0] =	vst v6  }
0x72: {  	[tilespmem:s14], [sflag:$0x2] =	stream.strided.gather [hbm4b:s3+s13], $0x2000, s11, s13, $0x38;
	[tilespmem:$0x14100] =	vst v63  }
0x73: {  	_ =	swait.ge [sflag:s24], $0x2000  }
0x74: {  	(v2sf) =	vpush v5, $0x2;
	_ =	sdelay $0xe  }
0x75: {  	s15 =	spop (v2sf)  }
0x76: {  	s3 =	sand.u32 $0x7F, s15  }
0x77: {  	v6 =	vor.u32 s3, v0;
	_ =	sdelay $0x2  }
0x78: {  	[sflag:s24] =	ssyncset.done $0x0  }
0x79: {  	[sflag:s24] =	ssyncadd.s32 $0xFFFFE000;
	s15 =	simm.s32 $0x4100  }
0x7a: {  	v6 =	vld.idx.msk [tilespmem:v6+s15+$0x0], $0xffff  }
0x7b: {  	v7 =	vor.u32 s3, v1;
	_ =	sdelay $0x3  }
0x7c: {  	[tilespmem:s8+$0x10200] =	vst v6  }
0x7d: {  	(v2sf) =	vpush v5, $0xA;
	v6 =	vld.idx.msk [tilespmem:v7+s15+$0x0], $0xffff  }
0x7e: {  	v7 =	vor.u32 s3, v2;
	_ =	sdelay $0x3  }
0x7f: {  	[tilespmem:s8+$0x10210] =	vst v6  }
0x80: {  	v6 =	vld.idx.msk [tilespmem:v7+s15+$0x0], $0xffff  }
0x81: {  	v7 =	vor.u32 s3, v3;
	_ =	sdelay $0x3  }
0x82: {  	[tilespmem:s8+$0x10220] =	vst v6  }
0x83: {  	v6 =	vld.idx.msk [tilespmem:v7+s15+$0x0], $0xffff;
	_ =	sdelay $0x2  }
0x84: {  	s3 =	spop (v2sf)  }
0x85: {  	s5 =	sand.u32 $0xFFFFF80, s3  }
0x86: {  	s5 =	sadd.s32 s2, s5;
	[tilespmem:s8+$0x10230] =	vst v6  }
0x87: {  	[tilespmem:s15], [sflag:$0x3] =	stream.strided.gather [hbm4b:s5+s13], $0x2000, s11, s13, $0x38;
	[tilespmem:$0x14100] =	vst v63  }
0x88: {  	_ =	swait.ge [sflag:s25], $0x2000  }
0x89: {  	(v2sf) =	vpush v5, $0x3;
	_ =	sdelay $0xe  }
0x8a: {  	s16 =	spop (v2sf)  }
0x8b: {  	s5 =	sand.u32 $0x7F, s16  }
0x8c: {  	v6 =	vor.u32 s5, v0;
	_ =	sdelay $0x2  }
0x8d: {  	[sflag:s25] =	ssyncset.done $0x0  }
0x8e: {  	[sflag:s25] =	ssyncadd.s32 $0xFFFFE000;
	s16 =	simm.s32 $0x6100  }
0x8f: {  	v6 =	vld.idx.msk [tilespmem:v6+s16+$0x0], $0xffff  }
0x90: {  	v7 =	vor.u32 s5, v1;
	_ =	sdelay $0x3  }
0x91: {  	[tilespmem:s8+$0x10280] =	vst v6  }
0x92: {  	(v2sf) =	vpush v5, $0xB;
	v6 =	vld.idx.msk [tilespmem:v7+s16+$0x0], $0xffff  }
0x93: {  	v7 =	vor.u32 s5, v2;
	_ =	sdelay $0x3  }
0x94: {  	[tilespmem:s8+$0x10290] =	vst v6  }
0x95: {  	v6 =	vld.idx.msk [tilespmem:v7+s16+$0x0], $0xffff  }
0x96: {  	v7 =	vor.u32 s5, v3;
	_ =	sdelay $0x3  }
0x97: {  	[tilespmem:s8+$0x102A0] =	vst v6  }
0x98: {  	v6 =	vld.idx.msk [tilespmem:v7+s16+$0x0], $0xffff;
	_ =	sdelay $0x2  }
0x99: {  	s6 =	spop (v2sf)  }
0x9a: {  	s17 =	sand.u32 $0xFFFFF80, s6  }
0x9b: {  	s5 =	sadd.s32 s2, s17;
	[tilespmem:s8+$0x102B0] =	vst v6  }
0x9c: {  	[tilespmem:s16], [sflag:$0x4] =	stream.strided.gather [hbm4b:s5+s13], $0x2000, s11, s13, $0x38;
	[tilespmem:$0x14100] =	vst v63  }
0x9d: {  	_ =	swait.ge [sflag:s26], $0x2000  }
0x9e: {  	(v2sf) =	vpush v5, $0x4;
	_ =	sdelay $0xe  }
0x9f: {  	s20 =	spop (v2sf)  }
0xa0: {  	s5 =	sand.u32 $0x7F, s20  }
0xa1: {  	v6 =	vor.u32 s5, v0;
	_ =	sdelay $0x2  }
0xa2: {  	[sflag:s26] =	ssyncset.done $0x0  }
0xa3: {  	s17 =	simm.s32 $0x8100;
	[sflag:s26] =	ssyncadd.s32 $0xFFFFE000  }
0xa4: {  	v6 =	vld.idx.msk [tilespmem:v6+s17+$0x0], $0xffff  }
0xa5: {  	v7 =	vor.u32 s5, v1;
	_ =	sdelay $0x3  }
0xa6: {  	[tilespmem:s8+$0x10300] =	vst v6  }
0xa7: {  	(v2sf) =	vpush v5, $0xC;
	v6 =	vld.idx.msk [tilespmem:v7+s17+$0x0], $0xffff  }
0xa8: {  	v7 =	vor.u32 s5, v2;
	_ =	sdelay $0x3  }
0xa9: {  	[tilespmem:s8+$0x10310] =	vst v6  }
0xaa: {  	v6 =	vld.idx.msk [tilespmem:v7+s17+$0x0], $0xffff  }
0xab: {  	v7 =	vor.u32 s5, v3;
	_ =	sdelay $0x3  }
0xac: {  	[tilespmem:s8+$0x10320] =	vst v6  }
0xad: {  	v6 =	vld.idx.msk [tilespmem:v7+s17+$0x0], $0xffff;
	_ =	sdelay $0x2  }
0xae: {  	s7 =	spop (v2sf)  }
0xaf: {  	s30 =	sand.u32 $0xFFFFF80, s7  }
0xb0: {  	s5 =	sadd.s32 s2, s30;
	[tilespmem:s8+$0x10330] =	vst v6  }
0xb1: {  	[tilespmem:s17], [sflag:$0x5] =	stream.strided.gather [hbm4b:s5+s13], $0x2000, s11, s13, $0x38;
	[tilespmem:$0x14100] =	vst v63  }
0xb2: {  	_ =	swait.ge [sflag:s28], $0x2000  }
0xb3: {  	(v2sf) =	vpush v5, $0x5;
	_ =	sdelay $0xe  }
0xb4: {  	s10 =	spop (v2sf)  }
0xb5: {  	s5 =	sand.u32 $0x7F, s10  }
0xb6: {  	v6 =	vor.u32 s5, v0;
	_ =	sdelay $0x2  }
0xb7: {  	[sflag:s28] =	ssyncset.done $0x0  }
0xb8: {  	[sflag:s28] =	ssyncadd.s32 $0xFFFFE000  }
0xb9: {  	v6 =	vld.idx.msk [tilespmem:v6+s18+$0x0], $0xffff  }
0xba: {  	v7 =	vor.u32 s5, v1;
	_ =	sdelay $0x3  }
0xbb: {  	[tilespmem:s8+$0x10380] =	vst v6  }
0xbc: {  	(v2sf) =	vpush v5, $0xD;
	v6 =	vld.idx.msk [tilespmem:v7+s18+$0x0], $0xffff  }
0xbd: {  	v7 =	vor.u32 s5, v2;
	_ =	sdelay $0x3  }
0xbe: {  	[tilespmem:s8+$0x10390] =	vst v6  }
0xbf: {  	v6 =	vld.idx.msk [tilespmem:v7+s18+$0x0], $0xffff  }
0xc0: {  	v7 =	vor.u32 s5, v3;
	_ =	sdelay $0x3  }
0xc1: {  	[tilespmem:s8+$0x103A0] =	vst v6  }
0xc2: {  	v6 =	vld.idx.msk [tilespmem:v7+s18+$0x0], $0xffff;
	_ =	sdelay $0x2  }
0xc3: {  	s10 =	spop (v2sf)  }
0xc4: {  	s20 =	sand.u32 $0xFFFFF80, s10  }
0xc5: {  	s5 =	sadd.s32 s2, s20;
	[tilespmem:s8+$0x103B0] =	vst v6  }
0xc6: {  	[tilespmem:s18], [sflag:$0x6] =	stream.strided.gather [hbm4b:s5+s13], $0x2000, s11, s13, $0x38;
	[tilespmem:$0x14100] =	vst v63  }
0xc7: {  	_ =	swait.ge [sflag:s31], $0x2000  }
0xc8: {  	(v2sf) =	vpush v5, $0x6;
	_ =	sdelay $0xe  }
0xc9: {  	s30 =	spop (v2sf)  }
0xca: {  	s5 =	sand.u32 $0x7F, s30  }
0xcb: {  	v6 =	vor.u32 s5, v0;
	_ =	sdelay $0x2  }
0xcc: {  	[sflag:s31] =	ssyncset.done $0x0  }
0xcd: {  	[sflag:s31] =	ssyncadd.s32 $0xFFFFE000  }
0xce: {  	v6 =	vld.idx.msk [tilespmem:v6+s9+$0x0], $0xffff  }
0xcf: {  	v7 =	vor.u32 s5, v1;
	_ =	sdelay $0x3  }
0xd0: {  	[tilespmem:s8+$0x10400] =	vst v6  }
0xd1: {  	(v2sf) =	vpush v5, $0xE;
	v6 =	vld.idx.msk [tilespmem:v7+s9+$0x0], $0xffff  }
0xd2: {  	v7 =	vor.u32 s5, v2;
	_ =	sdelay $0x3  }
0xd3: {  	[tilespmem:s8+$0x10410] =	vst v6  }
0xd4: {  	v6 =	vld.idx.msk [tilespmem:v7+s9+$0x0], $0xffff  }
0xd5: {  	v7 =	vor.u32 s5, v3;
	_ =	sdelay $0x3  }
0xd6: {  	[tilespmem:s8+$0x10420] =	vst v6  }
0xd7: {  	v6 =	vld.idx.msk [tilespmem:v7+s9+$0x0], $0xffff;
	_ =	sdelay $0x2  }
0xd8: {  	s30 =	spop (v2sf)  }
0xd9: {  	s20 =	sand.u32 $0xFFFFF80, s30  }
0xda: {  	s5 =	sadd.s32 s2, s20;
	[tilespmem:s8+$0x10430] =	vst v6  }
0xdb: {  	[tilespmem:s9], [sflag:$0x7] =	stream.strided.gather [hbm4b:s5+s13], $0x2000, s11, s13, $0x38;
	[tilespmem:$0x14100] =	vst v63  }
0xdc: {  	_ =	swait.ge [sflag:s12], $0x2000  }
0xdd: {  	(v2sf) =	vpush v5, $0x7;
	_ =	sdelay $0xe  }
0xde: {  	s20 =	spop (v2sf)  }
0xdf: {  	s5 =	sand.u32 $0x7F, s20  }
0xe0: {  	v6 =	vor.u32 s5, v0;
	_ =	sdelay $0x2  }
0xe1: {  	[sflag:s12] =	ssyncset.done $0x0  }
0xe2: {  	[sflag:s12] =	ssyncadd.s32 $0xFFFFE000  }
0xe3: {  	v6 =	vld.idx.msk [tilespmem:v6+s19+$0x0], $0xffff  }
0xe4: {  	v7 =	vor.u32 s5, v1;
	_ =	sdelay $0x3  }
0xe5: {  	[tilespmem:s8+$0x10480] =	vst v6  }
0xe6: {  	(v2sf) =	vpush v5, $0xF;
	v6 =	vld.idx.msk [tilespmem:v7+s19+$0x0], $0xffff  }
0xe7: {  	v5 =	vor.u32 s5, v2;
	_ =	sdelay $0x3  }
0xe8: {  	[tilespmem:s8+$0x10490] =	vst v6  }
0xe9: {  	v5 =	vld.idx.msk [tilespmem:v5+s19+$0x0], $0xffff  }
0xea: {  	v6 =	vor.u32 s5, v3;
	_ =	sdelay $0x3  }
0xeb: {  	[tilespmem:s8+$0x104A0] =	vst v5  }
0xec: {  	v5 =	vld.idx.msk [tilespmem:v6+s19+$0x0], $0xffff;
	_ =	sdelay $0x2  }
0xed: {  	s5 =	spop (v2sf)  }
0xee: {  	s4 =	sand.u32 $0x7F, s4;
	s20 =	sand.u32 $0xFFFFF80, s5  }
0xef: {  	s20 =	sadd.s32 s2, s20;
	[tilespmem:s8+$0x104B0] =	vst v5;
	v5 =	vor.u32 s4, v0  }
0xf0: {  	[tilespmem:s19], [sflag:$0x8] =	stream.strided.gather [hbm4b:s20+s13], $0x2000, s11, s13, $0x38;
	[tilespmem:$0x14100] =	vst v63  }
0xf1: {  	_ =	swait.ge [sflag:s21], $0x2000  }
0xf2: {  	[sflag:s21] =	ssyncset.done $0x0  }
0xf3: {  	[sflag:s21] =	ssyncadd.s32 $0xFFFFE000  }
0xf4: {  	v5 =	vld.idx.msk [tilespmem:v5+s22+$0x0], $0xffff  }
0xf5: {  	v6 =	vor.u32 s4, v1;
	_ =	sdelay $0x3  }
0xf6: {  	p0 =	seq.s32 s0, $0xF0;
	[tilespmem:s8+$0x10500] =	vst v5  }
0xf7: {  	(v2sf) =	vpush @!p0 v4, $0x0;
	v5 =	vld.idx.msk [tilespmem:v6+s22+$0x0], $0xffff  }
0xf8: {  	v6 =	vor.u32 s4, v2;
	_ =	sdelay $0x3  }
0xf9: {  	[tilespmem:s8+$0x10510] =	vst v5  }
0xfa: {  	v5 =	vld.idx.msk [tilespmem:v6+s22+$0x0], $0xffff  }
0xfb: {  	v6 =	vor.u32 s4, v3;
	_ =	sdelay $0x3  }
0xfc: {  	[tilespmem:s8+$0x10520] =	vst v5  }
0xfd: {  	v5 =	vld.idx.msk [tilespmem:v6+s22+$0x0], $0xffff;
	_ =	sdelay $0x2  }
0xfe: {  	s21 =	sand.u32 $0x7F, s29;
	s4 =	spop @!p0 (v2sf)  }
0xff: {  	s29 =	simm.s32 @!p0 $0x7A1400;
	s4 =	sand.u32 @!p0 $0xFFFFF80, s4  }
0x100: {  	s20 =	sadd.s32 @!p0 s2, s4;
	s4 =	simm.s32 @!p0 $0x400;
	s22 =	simm.s32 @!p0 $0x100;
	[tilespmem:s8+$0x10530] =	vst v5;
	v5 =	vor.u32 s21, v0  }
0x101: {  	[tilespmem:s22], [sflag:$0x1] =	stream.strided.gather @!p0 [hbm4b:s20+s4], $0x2000, s29, s4, $0x38;
	[tilespmem:$0x14100] =	vst v63  }
0x102: {  	_ =	swait.ge [sflag:s23], $0x2000  }
0x103: {  	[sflag:s23] =	ssyncset.done $0x0  }
0x104: {  	[sflag:s23] =	ssyncadd.s32 $0xFFFFE000  }
0x105: {  	v5 =	vld.idx.msk [tilespmem:v5+s14+$0x0], $0xffff  }
0x106: {  	v6 =	vor.u32 s21, v1;
	_ =	sdelay $0x3  }
0x107: {  	[tilespmem:s8+$0x10580] =	vst v5  }
0x108: {  	(v2sf) =	vpush @!p0 v4, $0x1;
	v5 =	vld.idx.msk [tilespmem:v6+s14+$0x0], $0xffff  }
0x109: {  	v6 =	vor.u32 s21, v2;
	_ =	sdelay $0x3  }
0x10a: {  	[tilespmem:s8+$0x10590] =	vst v5  }
0x10b: {  	v5 =	vld.idx.msk [tilespmem:v6+s14+$0x0], $0xffff  }
0x10c: {  	v6 =	vor.u32 s21, v3;
	_ =	sdelay $0x3  }
0x10d: {  	[tilespmem:s8+$0x105A0] =	vst v5  }
0x10e: {  	v5 =	vld.idx.msk [tilespmem:v6+s14+$0x0], $0xffff;
	_ =	sdelay $0x2  }
0x10f: {  	s20 =	spop @!p0 (v2sf)  }
0x110: {  	s3 =	sand.u32 $0x7F, s3;
	s20 =	sand.u32 @!p0 $0xFFFFF80, s20  }
0x111: {  	s21 =	simm.s32 @!p0 $0x2100;
	s20 =	sadd.s32 @!p0 s2, s20;
	[tilespmem:s8+$0x105B0] =	vst v5;
	v5 =	vor.u32 s3, v0  }
0x112: {  	[tilespmem:s21], [sflag:$0x2] =	stream.strided.gather @!p0 [hbm4b:s20+s4], $0x2000, s29, s4, $0x38;
	[tilespmem:$0x14100] =	vst v63  }
0x113: {  	_ =	swait.ge [sflag:s24], $0x2000  }
0x114: {  	[sflag:s24] =	ssyncset.done $0x0  }
0x115: {  	[sflag:s24] =	ssyncadd.s32 $0xFFFFE000  }
0x116: {  	v5 =	vld.idx.msk [tilespmem:v5+s15+$0x0], $0xffff  }
0x117: {  	v6 =	vor.u32 s3, v1;
	_ =	sdelay $0x3  }
0x118: {  	[tilespmem:s8+$0x10600] =	vst v5  }
0x119: {  	(v2sf) =	vpush @!p0 v4, $0x2;
	v5 =	vld.idx.msk [tilespmem:v6+s15+$0x0], $0xffff  }
0x11a: {  	v6 =	vor.u32 s3, v2;
	_ =	sdelay $0x3  }
0x11b: {  	[tilespmem:s8+$0x10610] =	vst v5  }
0x11c: {  	v5 =	vld.idx.msk [tilespmem:v6+s15+$0x0], $0xffff  }
0x11d: {  	v6 =	vor.u32 s3, v3;
	_ =	sdelay $0x3  }
0x11e: {  	[tilespmem:s8+$0x10620] =	vst v5  }
0x11f: {  	v5 =	vld.idx.msk [tilespmem:v6+s15+$0x0], $0xffff;
	_ =	sdelay $0x2  }
0x120: {  	s3 =	spop @!p0 (v2sf)  }
0x121: {  	s6 =	sand.u32 $0x7F, s6;
	s3 =	sand.u32 @!p0 $0xFFFFF80, s3  }
0x122: {  	s20 =	simm.s32 @!p0 $0x4100;
	s3 =	sadd.s32 @!p0 s2, s3;
	[tilespmem:s8+$0x10630] =	vst v5;
	v5 =	vor.u32 s6, v0  }
0x123: {  	[tilespmem:s20], [sflag:$0x3] =	stream.strided.gather @!p0 [hbm4b:s3+s4], $0x2000, s29, s4, $0x38;
	[tilespmem:$0x14100] =	vst v63  }
0x124: {  	_ =	swait.ge [sflag:s25], $0x2000  }
0x125: {  	[sflag:s25] =	ssyncset.done $0x0  }
0x126: {  	[sflag:s25] =	ssyncadd.s32 $0xFFFFE000  }
0x127: {  	v5 =	vld.idx.msk [tilespmem:v5+s16+$0x0], $0xffff  }
0x128: {  	v6 =	vor.u32 s6, v1;
	_ =	sdelay $0x3  }
0x129: {  	[tilespmem:s8+$0x10680] =	vst v5  }
0x12a: {  	(v2sf) =	vpush @!p0 v4, $0x3;
	v5 =	vld.idx.msk [tilespmem:v6+s16+$0x0], $0xffff  }
0x12b: {  	v6 =	vor.u32 s6, v2;
	_ =	sdelay $0x3  }
0x12c: {  	[tilespmem:s8+$0x10690] =	vst v5  }
0x12d: {  	v5 =	vld.idx.msk [tilespmem:v6+s16+$0x0], $0xffff  }
0x12e: {  	v6 =	vor.u32 s6, v3;
	_ =	sdelay $0x3  }
0x12f: {  	[tilespmem:s8+$0x106A0] =	vst v5  }
0x130: {  	v5 =	vld.idx.msk [tilespmem:v6+s16+$0x0], $0xffff;
	_ =	sdelay $0x2  }
0x131: {  	s3 =	spop @!p0 (v2sf)  }
0x132: {  	s20 =	sand.u32 $0x7F, s7;
	s3 =	sand.u32 @!p0 $0xFFFFF80, s3  }
0x133: {  	s7 =	simm.s32 @!p0 $0x6100;
	s3 =	sadd.s32 @!p0 s2, s3;
	[tilespmem:s8+$0x106B0] =	vst v5;
	v5 =	vor.u32 s20, v0  }
0x134: {  	[tilespmem:s7], [sflag:$0x4] =	stream.strided.gather @!p0 [hbm4b:s3+s4], $0x2000, s29, s4, $0x38;
	[tilespmem:$0x14100] =	vst v63  }
0x135: {  	_ =	swait.ge [sflag:s26], $0x2000  }
0x136: {  	[sflag:s26] =	ssyncset.done $0x0  }
0x137: {  	[sflag:s26] =	ssyncadd.s32 $0xFFFFE000  }
0x138: {  	v5 =	vld.idx.msk [tilespmem:v5+s17+$0x0], $0xffff  }
0x139: {  	v6 =	vor.u32 s20, v1;
	_ =	sdelay $0x3  }
0x13a: {  	[tilespmem:s8+$0x10700] =	vst v5  }
0x13b: {  	(v2sf) =	vpush @!p0 v4, $0x4;
	v5 =	vld.idx.msk [tilespmem:v6+s17+$0x0], $0xffff  }
0x13c: {  	v6 =	vor.u32 s20, v2;
	_ =	sdelay $0x3  }
0x13d: {  	[tilespmem:s8+$0x10710] =	vst v5  }
0x13e: {  	v5 =	vld.idx.msk [tilespmem:v6+s17+$0x0], $0xffff  }
0x13f: {  	v6 =	vor.u32 s20, v3;
	_ =	sdelay $0x3  }
0x140: {  	[tilespmem:s8+$0x10720] =	vst v5  }
0x141: {  	v5 =	vld.idx.msk [tilespmem:v6+s17+$0x0], $0xffff;
	_ =	sdelay $0x2  }
0x142: {  	s3 =	spop @!p0 (v2sf)  }
0x143: {  	s21 =	sand.u32 $0x7F, s10;
	s3 =	sand.u32 @!p0 $0xFFFFF80, s3  }
0x144: {  	s7 =	simm.s32 @!p0 $0x8100;
	s3 =	sadd.s32 @!p0 s2, s3;
	[tilespmem:s8+$0x10730] =	vst v5;
	v5 =	vor.u32 s21, v0  }
0x145: {  	[tilespmem:s7], [sflag:$0x5] =	stream.strided.gather @!p0 [hbm4b:s3+s4], $0x2000, s29, s4, $0x38;
	[tilespmem:$0x14100] =	vst v63  }
0x146: {  	_ =	swait.ge [sflag:s28], $0x2000  }
0x147: {  	[sflag:s28] =	ssyncset.done $0x0  }
0x148: {  	[sflag:s28] =	ssyncadd.s32 $0xFFFFE000  }
0x149: {  	v5 =	vld.idx.msk [tilespmem:v5+s18+$0x0], $0xffff  }
0x14a: {  	v6 =	vor.u32 s21, v1;
	_ =	sdelay $0x3  }
0x14b: {  	[tilespmem:s8+$0x10780] =	vst v5  }
0x14c: {  	(v2sf) =	vpush @!p0 v4, $0x5;
	v5 =	vld.idx.msk [tilespmem:v6+s18+$0x0], $0xffff  }
0x14d: {  	v6 =	vor.u32 s21, v2;
	_ =	sdelay $0x3  }
0x14e: {  	[tilespmem:s8+$0x10790] =	vst v5  }
0x14f: {  	v5 =	vld.idx.msk [tilespmem:v6+s18+$0x0], $0xffff  }
0x150: {  	v6 =	vor.u32 s21, v3;
	_ =	sdelay $0x3  }
0x151: {  	[tilespmem:s8+$0x107A0] =	vst v5  }
0x152: {  	v5 =	vld.idx.msk [tilespmem:v6+s18+$0x0], $0xffff;
	_ =	sdelay $0x2  }
0x153: {  	s3 =	spop @!p0 (v2sf)  }
0x154: {  	s30 =	sand.u32 $0x7F, s30;
	s3 =	sand.u32 @!p0 $0xFFFFF80, s3  }
0x155: {  	s7 =	simm.s32 @!p0 $0xA100;
	s3 =	sadd.s32 @!p0 s2, s3;
	[tilespmem:s8+$0x107B0] =	vst v5;
	v5 =	vor.u32 s30, v0  }
0x156: {  	[tilespmem:s7], [sflag:$0x6] =	stream.strided.gather @!p0 [hbm4b:s3+s4], $0x2000, s29, s4, $0x38;
	[tilespmem:$0x14100] =	vst v63  }
0x157: {  	_ =	swait.ge [sflag:s31], $0x2000  }
0x158: {  	[sflag:s31] =	ssyncset.done $0x0  }
0x159: {  	[sflag:s31] =	ssyncadd.s32 $0xFFFFE000  }
0x15a: {  	v5 =	vld.idx.msk [tilespmem:v5+s9+$0x0], $0xffff  }
0x15b: {  	v6 =	vor.u32 s30, v1;
	_ =	sdelay $0x3  }
0x15c: {  	[tilespmem:s8+$0x10800] =	vst v5  }
0x15d: {  	(v2sf) =	vpush @!p0 v4, $0x6;
	v5 =	vld.idx.msk [tilespmem:v6+s9+$0x0], $0xffff  }
0x15e: {  	v6 =	vor.u32 s30, v2;
	_ =	sdelay $0x3  }
0x15f: {  	[tilespmem:s8+$0x10810] =	vst v5  }
0x160: {  	v5 =	vld.idx.msk [tilespmem:v6+s9+$0x0], $0xffff  }
0x161: {  	v6 =	vor.u32 s30, v3;
	_ =	sdelay $0x3  }
0x162: {  	[tilespmem:s8+$0x10820] =	vst v5  }
0x163: {  	v5 =	vld.idx.msk [tilespmem:v6+s9+$0x0], $0xffff;
	_ =	sdelay $0x2  }
0x164: {  	s3 =	spop @!p0 (v2sf)  }
0x165: {  	s5 =	sand.u32 $0x7F, s5;
	s3 =	sand.u32 @!p0 $0xFFFFF80, s3  }
0x166: {  	s6 =	simm.s32 @!p0 $0xC100;
	s3 =	sadd.s32 @!p0 s2, s3;
	[tilespmem:s8+$0x10830] =	vst v5;
	v5 =	vor.u32 s5, v0  }
0x167: {  	[tilespmem:s6], [sflag:$0x7] =	stream.strided.gather @!p0 [hbm4b:s3+s4], $0x2000, s29, s4, $0x38;
	[tilespmem:$0x14100] =	vst v63  }
0x168: {  	_ =	swait.ge [sflag:s12], $0x2000  }
0x169: {  	[sflag:s12] =	ssyncset.done $0x0  }
0x16a: {  	[sflag:s12] =	ssyncadd.s32 $0xFFFFE000  }
0x16b: {  	v5 =	vld.idx.msk [tilespmem:v5+s19+$0x0], $0xffff  }
0x16c: {  	v6 =	vor.u32 s5, v1;
	_ =	sdelay $0x3  }
0x16d: {  	[tilespmem:s8+$0x10880] =	vst v5  }
0x16e: {  	v5 =	vld.idx.msk [tilespmem:v6+s19+$0x0], $0xffff  }
0x16f: {  	v6 =	vor.u32 s5, v2;
	_ =	sdelay $0x3  }
0x170: {  	[tilespmem:s8+$0x10890] =	vst v5  }
0x171: {  	v5 =	vld.idx.msk [tilespmem:v6+s19+$0x0], $0xffff  }
0x172: {  	v6 =	vor.u32 s5, v3;
	_ =	sdelay $0x3  }
0x173: {  	[tilespmem:s8+$0x108A0] =	vst v5  }
0x174: {  	v5 =	vld.idx.msk [tilespmem:v6+s19+$0x0], $0xffff  }
.Ltmp2:
0x175: {  	_ = 	snop;
	(pc) =	sbr.rel @p0 .LBB2_4-.Ltmp2, $4  }
0x176: {  	_ = 	snop  }
0x177: {  	s0 =	simm.s32 $0x7A1400;
	s11 =	simm.s32 $0x400;
	s13 =	simm.s32 $0x100  }
0x178: {  	s22 =	simm.s32 $0x2100;
	s14 =	simm.s32 $0x4100;
	s10 =	simm.s32 $0xA100  }
0x179: {  	s15 =	simm.s32 $0x6100;
	s16 =	simm.s32 $0x8100;
	s17 =	simm.s32 $0xC100;
	[tilespmem:s8+$0x108B0] =	vst v5  }
0x17a: {  	(v2sf) =	vpush v4, $0x7;
	_ =	sdelay $0xe  }
0x17b: {  	s3 =	spop (v2sf)  }
0x17c: {  	s3 =	sand.u32 $0xFFFFF80, s3  }
0x17d: {  	p0 =	sne.s32 s1, $0x3800;
	s3 =	sadd.s32 s2, s3  }
0x17e: {  	[tilespmem:s19], [sflag:$0x8] =	stream.strided.gather [hbm4b:s3+s11], $0x2000, s0, s11, $0x38;
	[tilespmem:$0x14100] =	vst v63  }
0x17f: {  	s5 =	rddreg [dreg:$0x5];
	s4 =	simm.s32 @!p0 $0x10100;
	s3 =	simm.s32 @!p0 $0x0  }
0x180: {  	[hbm4b:s5+s3] =	stream.linear.scatter @!p0 [tilespmem:s4], [sflag:$0xA], $0x4000, $0x38;
	[tilespmem:$0x14100] =	vst v63  }
.Ltmp3:
0x181: {  	s3 =	simm.s32 @!p0 $0xA;
	(pc) =	sbr.rel .LBB2_2-.Ltmp3, $4  }
0x182: {  	s6 =	sadd.s32 $0x800, s1;
	_ =	swait.ge @!p0 [sflag:s3], $0x4000  }
0x183: {  	s13 =	simm.s32 $0x400;
	s11 =	simm.s32 $0x7A1400;
	s29 =	rddreg [dreg:$0x9]  }
0x184: {  	[sflag:s3] =	ssyncset.done @!p0 $0x0;
	s30 =	rddreg [dreg:$0xa];
	s0 =	sadd.s32 $0x10, s29  }
0x185: {  	[sflag:s3] =	ssyncadd.s32 @!p0 $0xFFFFC000;
	[dreg:$0x9] =	wrdreg s0;
	s0 =	sadd.s32 $0x10, s30  }
.LBB2_5:
0x186: {  	_ =	sfence.sel $0x180000  }
0x187: {  	[bflag:$0x0] =	sbarrier.arrive $0xFFFF  }
0x188: {  	_ =	strace $0x90000047  }
0x189: {  	s0 =	stileid.u32;
	[bflag:$0x2] =	sbarrier.arrive $0xFFFF  }
0x18a: {  	p0 =	sne.s32 s0, $0x0;
	s0 =	rddreg [dreg:$0x3]  }
0x18b: {  	s0 =	sadd.s32 @!p0 $0x100000, s0  }
0x18c: {  	[sflag:s0] =	ssyncadd.tile.s32 @!p0 $0x1;
	_ =	shalt  }
.Lfunc_end2:
_tile_overlayer_lowered:
.L_overlay_start_2:
0x18d: {  	(tag) =	ssettag $0x2  }
0x18e: {  	s0 =	rddreg [dreg:$0x0];
	s2 =	stileid.u32  }
0x18f: {  	s1 =	rddreg [dreg:$0x1];
	p0 =	sne.s32 s2, $0x0  }
0x190: {  	s3 =	rddreg [dreg:$0x2];
	[bflag:$0x3] =	sbarrier.arrive $0xFFFF;
	s2 =	simm.s32 @!p0 $0x1C09  }
0x191: {  	[timem:s3], [sflag:s2] =	dma.local @!p0 [hbm:s0], s1  }
0x192: {  	s0 =	simm.s32 @!p0 $0x9  }
0x193: {  	_ =	swait.ge @!p0 [sflag:s0], s1  }
0x194: {  	s1 =	ssub.s32 @!p0 $0x0, s1;
	[sflag:s0] =	ssyncset.done @!p0 $0x0  }
0x195: {  	[sflag:s0] =	ssyncadd.s32 @!p0 s1  }
0x196: {  	[bflag:$0x3] =	sbarrier.arrive $0xFFFF  }
0x197: {  	_ =	shalt  }

</sc_bundles>
